<compile_context>
chip_gen: v7x
topology: tpu7x:2x2x1
jax: 0.10.2.dev20260603
libtpu: 0.0.44.dev20260713+nightly
codegen_flags: <defaults>
</compile_context>

<pallas_src>
import functools

import jax
import jax.numpy as jnp
from jax import lax
from jax.experimental import pallas as pl
from jax.experimental.pallas import tpu as pltpu
from jax.experimental.pallas import tpu_sc as plsc

N = 10000
D_IN = 128
D_HID = 128
N_CLASSES = 7

_NC = 2
_NS = 16
_NW = _NC * _NS
_K = 128

NPAD = 10112
SEG = NPAD // _NS
_ZR = SEG // 4
D2 = 16

_BM = 1264
_G = 10
_SPLIT0 = 0.69


def _fill_rows(ref, nrows, ncols, value):
    v = jnp.full((16,), value, jnp.float32)

    def body(i, _):
        for jj in range(ncols // 16):
            ref[i, pl.ds(jj * 16, 16)] = v
        return 0

    lax.fori_loop(0, nrows, body, 0)


def _make_deg_kernel(nchunk):
    mesh = plsc.VectorSubcoreMesh(core_axis_name="c", subcore_axis_name="s")

    @functools.partial(
        pl.kernel,
        mesh=mesh,
        out_type=jax.ShapeDtypeStruct((_NC, NPAD, 128), jnp.float32),
        scratch_types=[
            pltpu.VMEM((nchunk, 2, _K), jnp.int32),
            pltpu.VMEM((_K, 128), jnp.float32),
            pltpu.VMEM_SHARED((NPAD, 128), jnp.float32),
        ],
    )
    def deg_kernel(ed_hbm, out_hbm, idx_v, ones_v, shared_deg):
        c = lax.axis_index("c")
        s = lax.axis_index("s")
        _fill_rows(ones_v, _K, 128, 0.0)
        for t in range(4):
            pltpu.sync_copy(ones_v, shared_deg.at[pl.ds(s * SEG + t * _K, _K)])
        rem = SEG - 4 * _K
        pltpu.sync_copy(ones_v.at[pl.ds(0, rem)],
                        shared_deg.at[pl.ds(s * SEG + 4 * _K, rem)])
        _fill_rows(ones_v, _K, 128, 1.0)
        plsc.subcore_barrier()
        pltpu.sync_copy(ed_hbm.at[s, pl.ds(c * nchunk, nchunk)], idx_v)

        def body(j, _):
            pltpu.sync_copy(ones_v, shared_deg.at[idx_v.at[j, 0]], add=True)
            return 0

        lax.fori_loop(0, nchunk, body, 0)
        plsc.subcore_barrier()
        pltpu.sync_copy(
            shared_deg.at[pl.ds(s * SEG, SEG)],
            out_hbm.at[c, pl.ds(s * SEG, SEG)],
        )

    return deg_kernel


def _make_agg_kernel(n0, n1, d, group):
    mesh = plsc.VectorSubcoreMesh(core_axis_name="c", subcore_axis_name="s")

    @functools.partial(
        pl.kernel,
        mesh=mesh,
        out_type=jax.ShapeDtypeStruct((_NC, NPAD, d), jnp.float32),
        scratch_types=[
            pltpu.VMEM((group, 2, _K), jnp.int32),
            pltpu.VMEM((_K, d), jnp.float32),
            pltpu.VMEM((_K, d), jnp.float32),
            pltpu.SemaphoreType.DMA,
            pltpu.SemaphoreType.DMA,
            pltpu.VMEM_SHARED((NPAD, d), jnp.float32),
        ],
    )
    def agg_kernel(hp_hbm, ed_hbm, out_hbm,
                   ib, g_a, g_b, sem_a, sem_b, shared_acc):
        c = lax.axis_index("c")
        s = lax.axis_index("s")
        start = c * n0
        ngroups = lax.select(c == 0, n0 // group, n1 // group)
        _fill_rows(g_a, _K, d, 0.0)
        for t in range(SEG // _K):
            pltpu.sync_copy(g_a, shared_acc.at[pl.ds(s * SEG + t * _K, _K)])
        rem = SEG - (SEG // _K) * _K
        if rem:
            pltpu.sync_copy(g_a.at[pl.ds(0, rem)],
                            shared_acc.at[pl.ds(s * SEG + (SEG // _K) * _K, rem)])
        plsc.subcore_barrier()

        bufs = (g_a, g_b)
        sems = (sem_a, sem_b)

        def body(jj, _):
            base = start + jj * group
            pltpu.sync_copy(ed_hbm.at[s, pl.ds(base, group)], ib)
            pend = pltpu.async_copy(hp_hbm.at[ib.at[0, 0]], bufs[0], sems[0])
            for t in range(group):
                p = t % 2
                nxt = None
                if t + 1 < group:
                    nxt = pltpu.async_copy(
                        hp_hbm.at[ib.at[t + 1, 0]], bufs[1 - p], sems[1 - p])
                pend.wait()
                pltpu.sync_copy(bufs[p], shared_acc.at[ib.at[t, 1]], add=True)
                pend = nxt
            return 0

        lax.fori_loop(0, ngroups, body, 0)
        plsc.subcore_barrier()
        pltpu.sync_copy(
            shared_acc.at[pl.ds(s * SEG, SEG)],
            out_hbm.at[c, pl.ds(s * SEG, SEG)],
        )

    return agg_kernel



def _tc1_body(x_ref, w_ref, b_ref, o_ref):
    o_ref[...] = lax.dot_general(
        x_ref[...], w_ref[...], (((1,), (1,)), ((), ())),
        preferred_element_type=jnp.float32) + b_ref[...]


def _tc2_body(lin_ref, deg_ref, o_ref):
    i = pl.program_id(0)
    dd = deg_ref[...]
    dtot = dd[0, :, 0:1] + dd[1, :, 0:1] + 1.0
    dis = lax.rsqrt(dtot)
    rows = lax.broadcasted_iota(jnp.int32, (_BM, 1), 0) + i * _BM
    o_ref[...] = jnp.where(rows < N, dis * lin_ref[...], 0.0)


def _tc3_body(agg_ref, hp1_ref, deg_ref, w2_ref, b2_ref, o_ref):
    i = pl.program_id(0)
    dd = deg_ref[...]
    dtot = dd[0, :, 0:1] + dd[1, :, 0:1] + 1.0
    dis = lax.rsqrt(dtot)
    aa = agg_ref[...]
    h = jnp.maximum(dis * (aa[0] + aa[1] + hp1_ref[...]), 0.0)
    lin2 = lax.dot_general(
        h, w2_ref[...], (((1,), (1,)), ((), ())),
        preferred_element_type=jnp.float32) + b2_ref[...]
    rows = lax.broadcasted_iota(jnp.int32, (_BM, 1), 0) + i * _BM
    hp2 = jnp.where(rows < N, dis * lin2, 0.0)
    o_ref[...] = jnp.concatenate(
        [hp2, jnp.zeros((_BM, D_HID - D2), jnp.float32)], axis=1)


def _tc4_body(agg_ref, hp2_ref, deg_ref, o_ref):
    dd = deg_ref[...]
    dtot = dd[0, :, 0:1] + dd[1, :, 0:1] + 1.0
    dis = lax.rsqrt(dtot)
    aa = agg_ref[...]
    o = dis * (aa[0, :, :D2] + aa[1, :, :D2] + hp2_ref[:, :D2])
    colm = lax.broadcasted_iota(jnp.int32, (_BM, D2), 1) < N_CLASSES
    m = jnp.max(jnp.where(colm, o, jnp.float32(-1e30)), axis=1, keepdims=True)
    e = jnp.where(colm, jnp.exp(o - m), 0.0)
    ssum = jnp.sum(e, axis=1, keepdims=True)
    o_ref[...] = (o - m) - jnp.log(ssum)


def _row_block(d):
    return pl.BlockSpec((_BM, d), lambda i: (i, 0))


def _pair_block(d):
    return pl.BlockSpec((2, _BM, d), lambda i: (0, i, 0))


def _full_block(shape):
    return pl.BlockSpec(shape, lambda i: tuple(0 for _ in shape))


@jax.jit
def kernel(x, edge_index, W1, b1, W2, b2):
    e = edge_index.shape[1]
    epw = -(-e // _NW)
    nchunk = -(-epw // _K)
    nchunk = -(-nchunk // _G) * _G
    ct = 2 * nchunk
    n0 = (int(ct * _SPLIT0) // _G) * _G
    n1 = ct - n0
    epad = ct * _K * _NS

    row = jnp.full((epad,), N, jnp.int32).at[:e].set(edge_index[0])
    col = jnp.full((epad,), N, jnp.int32).at[:e].set(edge_index[1])
    ed = jnp.stack([row.reshape(_NS, ct, _K),
                    col.reshape(_NS, ct, _K)], axis=2)
    xp = jnp.zeros((NPAD, D_IN), jnp.float32).at[:N].set(x)
    b1r = b1.reshape(1, D_HID)
    w2p = jnp.zeros((D2, D_HID), jnp.float32).at[:N_CLASSES].set(W2)
    b2p = jnp.zeros((1, D2), jnp.float32).at[0, :N_CLASSES].set(b2)

    grid = (NPAD // _BM,)

    deg = _make_deg_kernel(nchunk)(ed)

    lin1 = pl.pallas_call(
        _tc1_body,
        grid=grid,
        in_specs=[_row_block(D_IN), _full_block((D_HID, D_IN)),
                  _full_block((1, D_HID))],
        out_specs=_row_block(D_HID),
        out_shape=jax.ShapeDtypeStruct((NPAD, D_HID), jnp.float32),
    )(xp, W1, b1r)

    hp1 = pl.pallas_call(
        _tc2_body,
        grid=grid,
        in_specs=[_row_block(D_HID), _pair_block(128)],
        out_specs=_row_block(D_HID),
        out_shape=jax.ShapeDtypeStruct((NPAD, D_HID), jnp.float32),
    )(lin1, deg)

    agg1 = _make_agg_kernel(n0, n1, D_HID, _G)(hp1, ed)

    hp2 = pl.pallas_call(
        _tc3_body,
        grid=grid,
        in_specs=[_pair_block(D_HID), _row_block(D_HID), _pair_block(128),
                  _full_block((D2, D_HID)), _full_block((1, D2))],
        out_specs=_row_block(D_HID),
        out_shape=jax.ShapeDtypeStruct((NPAD, D_HID), jnp.float32),
    )(agg1, hp1, deg, w2p, b2p)

    agg2 = _make_agg_kernel(n0, n1, D_HID, _G)(hp2, ed)

    out = pl.pallas_call(
        _tc4_body,
        grid=grid,
        in_specs=[_pair_block(D_HID), _row_block(D_HID), _pair_block(128)],
        out_specs=_row_block(D2),
        out_shape=jax.ShapeDtypeStruct((NPAD, D2), jnp.float32),
    )(agg2, hp2, deg)

    return out[:N, :N_CLASSES]

# --- scband reference (transcript-rebuilt; emitter-appended) ---
"""Pipeline reference for scband-net-60129542144704 (READ-ONLY COPY).

The authoritative reference and input builder live on the scoring server;
editing this copy changes nothing except your own understanding.
"""

import jax, jax.numpy as jnp
import numpy as np

N = 10000
E = 320000
D_IN = 128
D_HID = 128
N_CLASSES = 7


def gcn_conv(x, ei, W, b):
    # add self loops
    n = x.shape[0]
    loops = jnp.arange(n, dtype=ei.dtype)
    ei2 = jnp.concatenate([ei, jnp.stack([loops, loops])], axis=1)
    # linear transform (torch Linear: x @ W.T + b)
    h = x @ W.T + b
    row, col = ei2[0], ei2[1]
    # degree of source nodes over edge set incl. self loops (as in message())
    deg = jnp.zeros((n,), dtype=h.dtype).at[row].add(1.0)
    deg_inv_sqrt = deg ** -0.5
    norm = deg_inv_sqrt[row] * deg_inv_sqrt[col]
    # message: norm * x_j where x_j = h[row]; aggr='add' scatters to col (target)
    msg = norm[:, None] * h[row]
    out = jnp.zeros_like(h).at[col].add(msg)
    return out


def setup_inputs(seed: int = 0):
    key = jax.random.key(seed)
    ks = jax.random.split(key, 6)
    x = jax.random.normal(ks[0], (N, D_IN), dtype=jnp.float32)
    edge_index = jax.random.randint(ks[1], (2, E), 0, N, dtype=jnp.int32)
    W1 = jax.random.normal(ks[2], (D_HID, D_IN), dtype=jnp.float32) * (1.0 / np.sqrt(D_IN))
    b1 = jnp.zeros((D_HID,), dtype=jnp.float32)
    W2 = jax.random.normal(ks[3], (N_CLASSES, D_HID), dtype=jnp.float32) * (1.0 / np.sqrt(D_HID))
    b2 = jnp.zeros((N_CLASSES,), dtype=jnp.float32)
    return {"x": x, "edge_index": edge_index, "W1": W1, "b1": b1, "W2": W2, "b2": b2}


def reference(x, edge_index, W1, b1, W2, b2):
    h = jax.nn.relu(gcn_conv(x, edge_index, W1, b1))
    # F.dropout with training=self.training is identity in eval mode
    out = gcn_conv(h, edge_index, W2, b2)
    return jax.nn.log_softmax(out, axis=1)

if __name__ == "__main__":
    import jax
    _d = setup_inputs()
    print(jax.jit(kernel)(*tuple(_d.values())))

</pallas_src>

<mosaic_0001>
#map = affine_map<(d0, d1) -> (0, 0)>
#map1 = affine_map<(d0, d1) -> (0, 0, 0, 0)>
#map2 = affine_map<(d0, d1) -> (0, 0, 0)>
module attributes {stable_mosaic.version = 14 : i64} {
  func.func @agg_kernel(%arg0: i32, %arg1: i32, %arg2: memref<10112x128xf32, #tpu.memory_space<hbm>>, %arg3: memref<16x160x2x128xi32, #tpu.memory_space<hbm>>, %arg4: memref<2x10112x128xf32, #tpu.memory_space<hbm>>, %arg5: memref<10x2x128xi32, #tpu.memory_space<vmem>>, %arg6: memref<128x128xf32, #tpu.memory_space<vmem>>, %arg7: memref<128x128xf32, #tpu.memory_space<vmem>>, %arg8: memref<!tpu.dma_semaphore, #tpu.memory_space<semaphore_mem>>, %arg9: memref<!tpu.dma_semaphore, #tpu.memory_space<semaphore_mem>>, %arg10: memref<10112x128xf32, #tpu.memory_space<vmem_shared>>) attributes {dimension_semantics = [#tpu.dimension_semantics<core_parallel>, #tpu.dimension_semantics<subcore_parallel>], iteration_bounds = array<i64: 2, 16>, scalar_prefetch = 0 : i64, scratch_operands = 6 : i64, tpu.core_type = #tpu.core_type<sc_vector_subcore>, window_params = [{transform_indices = #map}, {transform_indices = #map1}, {transform_indices = #map2}]} {
    %mul3A = arith.constant 110 : i32
    %mul3A_0 = arith.muli %arg0, %mul3A : i32
    %eq3A = arith.constant 0 : i32
    %eq3A_1 = arith.cmpi eq, %arg0, %eq3A : i32
    %select_n3A = arith.constant 5 : i32
    %select_n3A_2 = arith.constant 11 : i32
    %select_n3A_3 = arith.select %eq3A_1, %select_n3A_2, %select_n3A : i32
    %broadcast_in_dim3A = arith.constant 0.000000e+00 : f32
    %broadcast_in_dim3A_4 = vector.broadcast %broadcast_in_dim3A : f32 to vector<16xf32>
    %scan3A = arith.constant 0 : i32
    %scan3A_5 = arith.constant 0 : i32
    %scan3A_6 = arith.constant 128 : i32
    %scan3A_7 = arith.addi %scan3A_5, %scan3A_6 : i32
    %scan3A_8 = arith.constant 1 : i32
    %scan3A_9 = scf.for %scan3A_46 = %scan3A_5 to %scan3A_7 step %scan3A_8 iter_args(%scan3A_47 = %scan3A) -> (i32)  : i32 {
      %swap3A = arith.index_cast %scan3A_46 : i32 to index
      %swap3A_48 = arith.constant 0 : index
      %swap3A_49 = tpu.vector_load %arg6[%swap3A, %swap3A_48] {strides = array<i32>} : memref<128x128xf32, #tpu.memory_space<vmem>>, vector<1x16xf32>,
      %swap3A_50 = vector.shape_cast %swap3A_49 : vector<1x16xf32> to vector<16xf32>
      %swap3A_51 = vector.shape_cast %broadcast_in_dim3A_4 : vector<16xf32> to vector<1x16xf32>
      tpu.vector_store %arg6[%swap3A, %swap3A_48], %swap3A_51 {strides = array<i32>} : memref<128x128xf32, #tpu.memory_space<vmem>>, vector<1x16xf32>,
      %swap3A_52 = arith.index_cast %scan3A_46 : i32 to index
      %swap3A_53 = arith.constant 16 : index
      %swap3A_54 = tpu.vector_load %arg6[%swap3A_52, %swap3A_53] {strides = array<i32>} : memref<128x128xf32, #tpu.memory_space<vmem>>, vector<1x16xf32>,
      %swap3A_55 = vector.shape_cast %swap3A_54 : vector<1x16xf32> to vector<16xf32>
      %swap3A_56 = vector.shape_cast %broadcast_in_dim3A_4 : vector<16xf32> to vector<1x16xf32>
      tpu.vector_store %arg6[%swap3A_52, %swap3A_53], %swap3A_56 {strides = array<i32>} : memref<128x128xf32, #tpu.memory_space<vmem>>, vector<1x16xf32>,
      %swap3A_57 = arith.index_cast %scan3A_46 : i32 to index
      %swap3A_58 = arith.constant 32 : index
      %swap3A_59 = tpu.vector_load %arg6[%swap3A_57, %swap3A_58] {strides = array<i32>} : memref<128x128xf32, #tpu.memory_space<vmem>>, vector<1x16xf32>,
      %swap3A_60 = vector.shape_cast %swap3A_59 : vector<1x16xf32> to vector<16xf32>
      %swap3A_61 = vector.shape_cast %broadcast_in_dim3A_4 : vector<16xf32> to vector<1x16xf32>
      tpu.vector_store %arg6[%swap3A_57, %swap3A_58], %swap3A_61 {strides = array<i32>} : memref<128x128xf32, #tpu.memory_space<vmem>>, vector<1x16xf32>,
      %swap3A_62 = arith.index_cast %scan3A_46 : i32 to index
      %swap3A_63 = arith.constant 48 : index
      %swap3A_64 = tpu.vector_load %arg6[%swap3A_62, %swap3A_63] {strides = array<i32>} : memref<128x128xf32, #tpu.memory_space<vmem>>, vector<1x16xf32>,
      %swap3A_65 = vector.shape_cast %swap3A_64 : vector<1x16xf32> to vector<16xf32>
      %swap3A_66 = vector.shape_cast %broadcast_in_dim3A_4 : vector<16xf32> to vector<1x16xf32>
      tpu.vector_store %arg6[%swap3A_62, %swap3A_63], %swap3A_66 {strides = array<i32>} : memref<128x128xf32, #tpu.memory_space<vmem>>, vector<1x16xf32>,
      %swap3A_67 = arith.index_cast %scan3A_46 : i32 to index
      %swap3A_68 = arith.constant 64 : index
      %swap3A_69 = tpu.vector_load %arg6[%swap3A_67, %swap3A_68] {strides = array<i32>} : memref<128x128xf32, #tpu.memory_space<vmem>>, vector<1x16xf32>,
      %swap3A_70 = vector.shape_cast %swap3A_69 : vector<1x16xf32> to vector<16xf32>
      %swap3A_71 = vector.shape_cast %broadcast_in_dim3A_4 : vector<16xf32> to vector<1x16xf32>
      tpu.vector_store %arg6[%swap3A_67, %swap3A_68], %swap3A_71 {strides = array<i32>} : memref<128x128xf32, #tpu.memory_space<vmem>>, vector<1x16xf32>,
      %swap3A_72 = arith.index_cast %scan3A_46 : i32 to index
      %swap3A_73 = arith.constant 80 : index
      %swap3A_74 = tpu.vector_load %arg6[%swap3A_72, %swap3A_73] {strides = array<i32>} : memref<128x128xf32, #tpu.memory_space<vmem>>, vector<1x16xf32>,
      %swap3A_75 = vector.shape_cast %swap3A_74 : vector<1x16xf32> to vector<16xf32>
      %swap3A_76 = vector.shape_cast %broadcast_in_dim3A_4 : vector<16xf32> to vector<1x16xf32>
      tpu.vector_store %arg6[%swap3A_72, %swap3A_73], %swap3A_76 {strides = array<i32>} : memref<128x128xf32, #tpu.memory_space<vmem>>, vector<1x16xf32>,
      %swap3A_77 = arith.index_cast %scan3A_46 : i32 to index
      %swap3A_78 = arith.constant 96 : index
      %swap3A_79 = tpu.vector_load %arg6[%swap3A_77, %swap3A_78] {strides = array<i32>} : memref<128x128xf32, #tpu.memory_space<vmem>>, vector<1x16xf32>,
      %swap3A_80 = vector.shape_cast %swap3A_79 : vector<1x16xf32> to vector<16xf32>
      %swap3A_81 = vector.shape_cast %broadcast_in_dim3A_4 : vector<16xf32> to vector<1x16xf32>
      tpu.vector_store %arg6[%swap3A_77, %swap3A_78], %swap3A_81 {strides = array<i32>} : memref<128x128xf32, #tpu.memory_space<vmem>>, vector<1x16xf32>,
      %swap3A_82 = arith.index_cast %scan3A_46 : i32 to index
      %swap3A_83 = arith.constant 112 : index
      %swap3A_84 = tpu.vector_load %arg6[%swap3A_82, %swap3A_83] {strides = array<i32>} : memref<128x128xf32, #tpu.memory_space<vmem>>, vector<1x16xf32>,
      %swap3A_85 = vector.shape_cast %swap3A_84 : vector<1x16xf32> to vector<16xf32>
      %swap3A_86 = vector.shape_cast %broadcast_in_dim3A_4 : vector<16xf32> to vector<1x16xf32>
      tpu.vector_store %arg6[%swap3A_82, %swap3A_83], %swap3A_86 {strides = array<i32>} : memref<128x128xf32, #tpu.memory_space<vmem>>, vector<1x16xf32>,
      %scan3A_87 = arith.constant 0 : i32
      scf.yield %scan3A_87 : i32
    }
    %scan3A_10 = arith.constant 128 : i32
    %mul3A_11 = arith.constant 632 : i32
    %mul3A_12 = arith.muli %arg1, %mul3A_11 : i32
    %add3A = arith.constant 0 : i32
    %add3A_13 = arith.addi %mul3A_12, %add3A : i32
    "tpu.region"() ({
      %run_scoped3A = tpu.sem_alloc : memref<!tpu.dma_semaphore, #tpu.memory_space<semaphore_mem>>
      %dma_start3A = arith.constant 0 : i32
      %dma_start3A_46 = tpu.memref_slice %arg10[%add3A_13, %dma_start3A] : memref<10112x128xf32, #tpu.memory_space<vmem_shared>> -> memref<128x128xf32, #tpu.memory_space<vmem_shared>>
      %dma_start3A_47 = arith.constant 0 : i32
      %dma_start3A_48 = tpu.memref_slice %arg10[%add3A_13, %dma_start3A_47] : memref<10112x128xf32, #tpu.memory_space<vmem_shared>> -> memref<128x128xf32, #tpu.memory_space<vmem_shared>>
      tpu.enqueue_dma source(%arg6 : memref<128x128xf32, #tpu.memory_space<vmem>>) target(%dma_start3A_48 : memref<128x128xf32, #tpu.memory_space<vmem_shared>>) target_semaphore(%run_scoped3A : memref<!tpu.dma_semaphore, #tpu.memory_space<semaphore_mem>>)
      %dma_wait3A = arith.constant 0 : i32
      %dma_wait3A_49 = tpu.memref_slice %arg10[%add3A_13, %dma_wait3A] : memref<10112x128xf32, #tpu.memory_space<vmem_shared>> -> memref<128x128xf32, #tpu.memory_space<vmem_shared>>
      %dma_wait3A_50 = arith.constant 0 : i32
      %dma_wait3A_51 = tpu.memref_slice %arg10[%add3A_13, %dma_wait3A_50] : memref<10112x128xf32, #tpu.memory_space<vmem_shared>> -> memref<128x128xf32, #tpu.memory_space<vmem_shared>>
      tpu.wait_dma2 semaphore(%run_scoped3A : memref<!tpu.dma_semaphore, #tpu.memory_space<semaphore_mem>>) src(%arg6 : memref<128x128xf32, #tpu.memory_space<vmem>>) dst(%dma_wait3A_51 : memref<128x128xf32, #tpu.memory_space<vmem_shared>>)
      tpu.yield
    }) : () -> ()
    %mul3A_14 = arith.constant 632 : i32
    %mul3A_15 = arith.muli %arg1, %mul3A_14 : i32
    %add3A_16 = arith.constant 128 : i32
    %add3A_17 = arith.addi %mul3A_15, %add3A_16 : i32
    "tpu.region"() ({
      %run_scoped3A = tpu.sem_alloc : memref<!tpu.dma_semaphore, #tpu.memory_space<semaphore_mem>>
      %dma_start3A = arith.constant 0 : i32
      %dma_start3A_46 = tpu.memref_slice %arg10[%add3A_17, %dma_start3A] : memref<10112x128xf32, #tpu.memory_space<vmem_shared>> -> memref<128x128xf32, #tpu.memory_space<vmem_shared>>
      %dma_start3A_47 = arith.constant 0 : i32
      %dma_start3A_48 = tpu.memref_slice %arg10[%add3A_17, %dma_start3A_47] : memref<10112x128xf32, #tpu.memory_space<vmem_shared>> -> memref<128x128xf32, #tpu.memory_space<vmem_shared>>
      tpu.enqueue_dma source(%arg6 : memref<128x128xf32, #tpu.memory_space<vmem>>) target(%dma_start3A_48 : memref<128x128xf32, #tpu.memory_space<vmem_shared>>) target_semaphore(%run_scoped3A : memref<!tpu.dma_semaphore, #tpu.memory_space<semaphore_mem>>)
      %dma_wait3A = arith.constant 0 : i32
      %dma_wait3A_49 = tpu.memref_slice %arg10[%add3A_17, %dma_wait3A] : memref<10112x128xf32, #tpu.memory_space<vmem_shared>> -> memref<128x128xf32, #tpu.memory_space<vmem_shared>>
      %dma_wait3A_50 = arith.constant 0 : i32
      %dma_wait3A_51 = tpu.memref_slice %arg10[%add3A_17, %dma_wait3A_50] : memref<10112x128xf32, #tpu.memory_space<vmem_shared>> -> memref<128x128xf32, #tpu.memory_space<vmem_shared>>
      tpu.wait_dma2 semaphore(%run_scoped3A : memref<!tpu.dma_semaphore, #tpu.memory_space<semaphore_mem>>) src(%arg6 : memref<128x128xf32, #tpu.memory_space<vmem>>) dst(%dma_wait3A_51 : memref<128x128xf32, #tpu.memory_space<vmem_shared>>)
      tpu.yield
    }) : () -> ()
    %mul3A_18 = arith.constant 632 : i32
    %mul3A_19 = arith.muli %arg1, %mul3A_18 : i32
    %add3A_20 = arith.constant 256 : i32
    %add3A_21 = arith.addi %mul3A_19, %add3A_20 : i32
    "tpu.region"() ({
      %run_scoped3A = tpu.sem_alloc : memref<!tpu.dma_semaphore, #tpu.memory_space<semaphore_mem>>
      %dma_start3A = arith.constant 0 : i32
      %dma_start3A_46 = tpu.memref_slice %arg10[%add3A_21, %dma_start3A] : memref<10112x128xf32, #tpu.memory_space<vmem_shared>> -> memref<128x128xf32, #tpu.memory_space<vmem_shared>>
      %dma_start3A_47 = arith.constant 0 : i32
      %dma_start3A_48 = tpu.memref_slice %arg10[%add3A_21, %dma_start3A_47] : memref<10112x128xf32, #tpu.memory_space<vmem_shared>> -> memref<128x128xf32, #tpu.memory_space<vmem_shared>>
      tpu.enqueue_dma source(%arg6 : memref<128x128xf32, #tpu.memory_space<vmem>>) target(%dma_start3A_48 : memref<128x128xf32, #tpu.memory_space<vmem_shared>>) target_semaphore(%run_scoped3A : memref<!tpu.dma_semaphore, #tpu.memory_space<semaphore_mem>>)
      %dma_wait3A = arith.constant 0 : i32
      %dma_wait3A_49 = tpu.memref_slice %arg10[%add3A_21, %dma_wait3A] : memref<10112x128xf32, #tpu.memory_space<vmem_shared>> -> memref<128x128xf32, #tpu.memory_space<vmem_shared>>
      %dma_wait3A_50 = arith.constant 0 : i32
      %dma_wait3A_51 = tpu.memref_slice %arg10[%add3A_21, %dma_wait3A_50] : memref<10112x128xf32, #tpu.memory_space<vmem_shared>> -> memref<128x128xf32, #tpu.memory_space<vmem_shared>>
      tpu.wait_dma2 semaphore(%run_scoped3A : memref<!tpu.dma_semaphore, #tpu.memory_space<semaphore_mem>>) src(%arg6 : memref<128x128xf32, #tpu.memory_space<vmem>>) dst(%dma_wait3A_51 : memref<128x128xf32, #tpu.memory_space<vmem_shared>>)
      tpu.yield
    }) : () -> ()
    %mul3A_22 = arith.constant 632 : i32
    %mul3A_23 = arith.muli %arg1, %mul3A_22 : i32
    %add3A_24 = arith.constant 384 : i32
    %add3A_25 = arith.addi %mul3A_23, %add3A_24 : i32
    "tpu.region"() ({
      %run_scoped3A = tpu.sem_alloc : memref<!tpu.dma_semaphore, #tpu.memory_space<semaphore_mem>>
      %dma_start3A = arith.constant 0 : i32
      %dma_start3A_46 = tpu.memref_slice %arg10[%add3A_25, %dma_start3A] : memref<10112x128xf32, #tpu.memory_space<vmem_shared>> -> memref<128x128xf32, #tpu.memory_space<vmem_shared>>
      %dma_start3A_47 = arith.constant 0 : i32
      %dma_start3A_48 = tpu.memref_slice %arg10[%add3A_25, %dma_start3A_47] : memref<10112x128xf32, #tpu.memory_space<vmem_shared>> -> memref<128x128xf32, #tpu.memory_space<vmem_shared>>
      tpu.enqueue_dma source(%arg6 : memref<128x128xf32, #tpu.memory_space<vmem>>) target(%dma_start3A_48 : memref<128x128xf32, #tpu.memory_space<vmem_shared>>) target_semaphore(%run_scoped3A : memref<!tpu.dma_semaphore, #tpu.memory_space<semaphore_mem>>)
      %dma_wait3A = arith.constant 0 : i32
      %dma_wait3A_49 = tpu.memref_slice %arg10[%add3A_25, %dma_wait3A] : memref<10112x128xf32, #tpu.memory_space<vmem_shared>> -> memref<128x128xf32, #tpu.memory_space<vmem_shared>>
      %dma_wait3A_50 = arith.constant 0 : i32
      %dma_wait3A_51 = tpu.memref_slice %arg10[%add3A_25, %dma_wait3A_50] : memref<10112x128xf32, #tpu.memory_space<vmem_shared>> -> memref<128x128xf32, #tpu.memory_space<vmem_shared>>
      tpu.wait_dma2 semaphore(%run_scoped3A : memref<!tpu.dma_semaphore, #tpu.memory_space<semaphore_mem>>) src(%arg6 : memref<128x128xf32, #tpu.memory_space<vmem>>) dst(%dma_wait3A_51 : memref<128x128xf32, #tpu.memory_space<vmem_shared>>)
      tpu.yield
    }) : () -> ()
    %mul3A_26 = arith.constant 632 : i32
    %mul3A_27 = arith.muli %arg1, %mul3A_26 : i32
    %add3A_28 = arith.constant 512 : i32
    %add3A_29 = arith.addi %mul3A_27, %add3A_28 : i32
    "tpu.region"() ({
      %run_scoped3A = tpu.sem_alloc : memref<!tpu.dma_semaphore, #tpu.memory_space<semaphore_mem>>
      %dma_start3A = arith.constant 0 : i32
      %dma_start3A_46 = arith.constant 0 : i32
      %dma_start3A_47 = tpu.memref_slice %arg6[%dma_start3A, %dma_start3A_46] : memref<128x128xf32, #tpu.memory_space<vmem>> -> memref<120x128xf32, #tpu.memory_space<vmem>>
      %dma_start3A_48 = arith.constant 0 : i32
      %dma_start3A_49 = tpu.memref_slice %arg10[%add3A_29, %dma_start3A_48] : memref<10112x128xf32, #tpu.memory_space<vmem_shared>> -> memref<120x128xf32, #tpu.memory_space<vmem_shared>>
      %dma_start3A_50 = arith.constant 0 : i32
      %dma_start3A_51 = tpu.memref_slice %arg10[%add3A_29, %dma_start3A_50] : memref<10112x128xf32, #tpu.memory_space<vmem_shared>> -> memref<120x128xf32, #tpu.memory_space<vmem_shared>>
      %dma_start3A_52 = arith.constant 0 : i32
      %dma_start3A_53 = arith.constant 0 : i32
      %dma_start3A_54 = tpu.memref_slice %arg6[%dma_start3A_52, %dma_start3A_53] : memref<128x128xf32, #tpu.memory_space<vmem>> -> memref<120x128xf32, #tpu.memory_space<vmem>>
      tpu.enqueue_dma source(%dma_start3A_54 : memref<120x128xf32, #tpu.memory_space<vmem>>) target(%dma_start3A_51 : memref<120x128xf32, #tpu.memory_space<vmem_shared>>) target_semaphore(%run_scoped3A : memref<!tpu.dma_semaphore, #tpu.memory_space<semaphore_mem>>)
      %dma_wait3A = arith.constant 0 : i32
      %dma_wait3A_55 = arith.constant 0 : i32
      %dma_wait3A_56 = tpu.memref_slice %arg6[%dma_wait3A, %dma_wait3A_55] : memref<128x128xf32, #tpu.memory_space<vmem>> -> memref<120x128xf32, #tpu.memory_space<vmem>>
      %dma_wait3A_57 = arith.constant 0 : i32
      %dma_wait3A_58 = tpu.memref_slice %arg10[%add3A_29, %dma_wait3A_57] : memref<10112x128xf32, #tpu.memory_space<vmem_shared>> -> memref<120x128xf32, #tpu.memory_space<vmem_shared>>
      %dma_wait3A_59 = arith.constant 0 : i32
      %dma_wait3A_60 = tpu.memref_slice %arg10[%add3A_29, %dma_wait3A_59] : memref<10112x128xf32, #tpu.memory_space<vmem_shared>> -> memref<120x128xf32, #tpu.memory_space<vmem_shared>>
      %dma_wait3A_61 = arith.constant 0 : i32
      %dma_wait3A_62 = arith.constant 0 : i32
      %dma_wait3A_63 = tpu.memref_slice %arg6[%dma_wait3A_61, %dma_wait3A_62] : memref<128x128xf32, #tpu.memory_space<vmem>> -> memref<120x128xf32, #tpu.memory_space<vmem>>
      tpu.wait_dma2 semaphore(%run_scoped3A : memref<!tpu.dma_semaphore, #tpu.memory_space<semaphore_mem>>) src(%dma_wait3A_63 : memref<120x128xf32, #tpu.memory_space<vmem>>) dst(%dma_wait3A_60 : memref<120x128xf32, #tpu.memory_space<vmem_shared>>)
      tpu.yield
    }) : () -> ()
    %barrier3A = arith.constant 0 : index
    tpu.barrier barrier_id(%barrier3A)
    %while3A = arith.constant 0 : i32
    %while3A_30 = arith.constant 0 : i32
    %while3A_31 = arith.subi %select_n3A_3, %while3A : i32
    %while3A_32 = arith.addi %while3A, %while3A_31 : i32
    %while3A_33 = arith.constant 1 : i32
    %while3A_34 = arith.divsi %while3A_31, %while3A_33 : i32
    %while3A_35 = arith.muli %while3A_34, %while3A_33 : i32
    %while3A_36 = arith.addi %while3A, %while3A_35 : i32
    %while3A_37 = arith.constant 1 : i32
    %while3A_38 = scf.for %while3A_46 = %while3A to %while3A_36 step %while3A_37 iter_args(%while3A_47 = %while3A_30) -> (i32)  : i32 {
      %mul3A_48 = arith.constant 10 : i32
      %mul3A_49 = arith.muli %while3A_46, %mul3A_48 : i32
      %add3A_50 = arith.addi %mul3A_0, %mul3A_49 : i32
      "tpu.region"() ({
        %run_scoped3A_229 = tpu.sem_alloc : memref<!tpu.dma_semaphore, #tpu.memory_space<semaphore_mem>>
        %dma_start3A_230 = arith.constant 0 : i32
        %dma_start3A_231 = arith.constant 0 : i32
        %dma_start3A_232 = tpu.memref_slice %arg3[%arg1, %add3A_50, %dma_start3A_230, %dma_start3A_231] : memref<16x160x2x128xi32, #tpu.memory_space<hbm>> -> memref<1x10x2x128xi32, #tpu.memory_space<hbm>>
        %dma_start3A_233 = tpu.memref_squeeze %dma_start3A_232 : memref<1x10x2x128xi32, #tpu.memory_space<hbm>> -> memref<10x2x128xi32, #tpu.memory_space<hbm>>
        %dma_start3A_234 = arith.constant 0 : i32
        %dma_start3A_235 = arith.constant 0 : i32
        %dma_start3A_236 = tpu.memref_slice %arg3[%arg1, %add3A_50, %dma_start3A_234, %dma_start3A_235] : memref<16x160x2x128xi32, #tpu.memory_space<hbm>> -> memref<1x10x2x128xi32, #tpu.memory_space<hbm>>
        %dma_start3A_237 = tpu.memref_squeeze %dma_start3A_236 : memref<1x10x2x128xi32, #tpu.memory_space<hbm>> -> memref<10x2x128xi32, #tpu.memory_space<hbm>>
        tpu.enqueue_dma source(%dma_start3A_237 : memref<10x2x128xi32, #tpu.memory_space<hbm>>) target(%arg5 : memref<10x2x128xi32, #tpu.memory_space<vmem>>) target_semaphore(%run_scoped3A_229 : memref<!tpu.dma_semaphore, #tpu.memory_space<semaphore_mem>>)
        %dma_wait3A_238 = arith.constant 0 : i32
        %dma_wait3A_239 = arith.constant 0 : i32
        %dma_wait3A_240 = tpu.memref_slice %arg3[%arg1, %add3A_50, %dma_wait3A_238, %dma_wait3A_239] : memref<16x160x2x128xi32, #tpu.memory_space<hbm>> -> memref<1x10x2x128xi32, #tpu.memory_space<hbm>>
        %dma_wait3A_241 = tpu.memref_squeeze %dma_wait3A_240 : memref<1x10x2x128xi32, #tpu.memory_space<hbm>> -> memref<10x2x128xi32, #tpu.memory_space<hbm>>
        %dma_wait3A_242 = arith.constant 0 : i32
        %dma_wait3A_243 = arith.constant 0 : i32
        %dma_wait3A_244 = tpu.memref_slice %arg3[%arg1, %add3A_50, %dma_wait3A_242, %dma_wait3A_243] : memref<16x160x2x128xi32, #tpu.memory_space<hbm>> -> memref<1x10x2x128xi32, #tpu.memory_space<hbm>>
        %dma_wait3A_245 = tpu.memref_squeeze %dma_wait3A_244 : memref<1x10x2x128xi32, #tpu.memory_space<hbm>> -> memref<10x2x128xi32, #tpu.memory_space<hbm>>
        tpu.wait_dma2 semaphore(%run_scoped3A_229 : memref<!tpu.dma_semaphore, #tpu.memory_space<semaphore_mem>>) src(%dma_wait3A_245 : memref<10x2x128xi32, #tpu.memory_space<hbm>>) dst(%arg5 : memref<10x2x128xi32, #tpu.memory_space<vmem>>)
        tpu.yield
      }) : () -> ()
      %dma_start3A = arith.constant 0 : i32
      %dma_start3A_51 = arith.constant 0 : i32
      %dma_start3A_52 = arith.constant 0 : i32
      %dma_start3A_53 = tpu.memref_slice %arg5[%dma_start3A, %dma_start3A_51, %dma_start3A_52] : memref<10x2x128xi32, #tpu.memory_space<vmem>> -> memref<1x1x128xi32, #tpu.memory_space<vmem>>
      %dma_start3A_54 = tpu.memref_squeeze %dma_start3A_53 : memref<1x1x128xi32, #tpu.memory_space<vmem>> -> memref<128xi32, #tpu.memory_space<vmem>>
      %dma_start3A_55 = arith.constant 0 : i32
      %dma_start3A_56 = arith.constant 0 : i32
      %dma_start3A_57 = tpu.memref_slice %arg2[%dma_start3A_55, %dma_start3A_56] : memref<10112x128xf32, #tpu.memory_space<hbm>> -> memref<10112x128xf32, #tpu.memory_space<hbm>>
      tpu.enqueue_indirect_dma source(%dma_start3A_57 : memref<10112x128xf32, #tpu.memory_space<hbm>>) target(%arg6 : memref<128x128xf32, #tpu.memory_space<vmem>>) offsets(%dma_start3A_54 : memref<128xi32, #tpu.memory_space<vmem>>) semaphore(%arg8 : memref<!tpu.dma_semaphore, #tpu.memory_space<semaphore_mem>>)
      %dma_start3A_58 = arith.constant 1 : i32
      %dma_start3A_59 = arith.constant 0 : i32
      %dma_start3A_60 = arith.constant 0 : i32
      %dma_start3A_61 = tpu.memref_slice %arg5[%dma_start3A_58, %dma_start3A_59, %dma_start3A_60] : memref<10x2x128xi32, #tpu.memory_space<vmem>> -> memref<1x1x128xi32, #tpu.memory_space<vmem>>
      %dma_start3A_62 = tpu.memref_squeeze %dma_start3A_61 : memref<1x1x128xi32, #tpu.memory_space<vmem>> -> memref<128xi32, #tpu.memory_space<vmem>>
      %dma_start3A_63 = arith.constant 0 : i32
      %dma_start3A_64 = arith.constant 0 : i32
      %dma_start3A_65 = tpu.memref_slice %arg2[%dma_start3A_63, %dma_start3A_64] : memref<10112x128xf32, #tpu.memory_space<hbm>> -> memref<10112x128xf32, #tpu.memory_space<hbm>>
      tpu.enqueue_indirect_dma source(%dma_start3A_65 : memref<10112x128xf32, #tpu.memory_space<hbm>>) target(%arg7 : memref<128x128xf32, #tpu.memory_space<vmem>>) offsets(%dma_start3A_62 : memref<128xi32, #tpu.memory_space<vmem>>) semaphore(%arg9 : memref<!tpu.dma_semaphore, #tpu.memory_space<semaphore_mem>>)
      %dma_wait3A = arith.constant 0 : i32
      %dma_wait3A_66 = arith.constant 0 : i32
      %dma_wait3A_67 = arith.constant 0 : i32
      %dma_wait3A_68 = tpu.memref_slice %arg5[%dma_wait3A, %dma_wait3A_66, %dma_wait3A_67] : memref<10x2x128xi32, #tpu.memory_space<vmem>> -> memref<1x1x128xi32, #tpu.memory_space<vmem>>
      %dma_wait3A_69 = tpu.memref_squeeze %dma_wait3A_68 : memref<1x1x128xi32, #tpu.memory_space<vmem>> -> memref<128xi32, #tpu.memory_space<vmem>>
      %dma_wait3A_70 = arith.constant 0 : i32
      %dma_wait3A_71 = arith.constant 0 : i32
      %dma_wait3A_72 = tpu.memref_slice %arg2[%dma_wait3A_70, %dma_wait3A_71] : memref<10112x128xf32, #tpu.memory_space<hbm>> -> memref<10112x128xf32, #tpu.memory_space<hbm>>
      tpu.wait_indirect_dma semaphore(%arg8 : memref<!tpu.dma_semaphore, #tpu.memory_space<semaphore_mem>>) src(%dma_wait3A_72 : memref<10112x128xf32, #tpu.memory_space<hbm>>) dst(%arg6 : memref<128x128xf32, #tpu.memory_space<vmem>>)
      %run_scoped3A = arith.constant 0 : i32
      %run_scoped3A_73 = arith.constant 1 : i32
      "tpu.region"() ({
        %run_scoped3A_229 = tpu.sem_alloc : memref<!tpu.dma_semaphore, #tpu.memory_space<semaphore_mem>>
        %dma_start3A_230 = arith.constant 0 : i32
        %dma_start3A_231 = tpu.memref_slice %arg5[%run_scoped3A, %run_scoped3A_73, %dma_start3A_230] : memref<10x2x128xi32, #tpu.memory_space<vmem>> -> memref<1x1x128xi32, #tpu.memory_space<vmem>>
        %dma_start3A_232 = tpu.memref_squeeze %dma_start3A_231 : memref<1x1x128xi32, #tpu.memory_space<vmem>> -> memref<128xi32, #tpu.memory_space<vmem>>
        %dma_start3A_233 = arith.constant 0 : i32
        %dma_start3A_234 = arith.constant 0 : i32
        %dma_start3A_235 = tpu.memref_slice %arg10[%dma_start3A_233, %dma_start3A_234] : memref<10112x128xf32, #tpu.memory_space<vmem_shared>> -> memref<10112x128xf32, #tpu.memory_space<vmem_shared>>
        tpu.enqueue_indirect_dma source(%arg6 : memref<128x128xf32, #tpu.memory_space<vmem>>) target(%dma_start3A_235 : memref<10112x128xf32, #tpu.memory_space<vmem_shared>>) offsets(%dma_start3A_232 : memref<128xi32, #tpu.memory_space<vmem>>) semaphore(%run_scoped3A_229 : memref<!tpu.dma_semaphore, #tpu.memory_space<semaphore_mem>>) {add = true}
        %dma_wait3A_236 = arith.constant 0 : i32
        %dma_wait3A_237 = tpu.memref_slice %arg5[%run_scoped3A, %run_scoped3A_73, %dma_wait3A_236] : memref<10x2x128xi32, #tpu.memory_space<vmem>> -> memref<1x1x128xi32, #tpu.memory_space<vmem>>
        %dma_wait3A_238 = tpu.memref_squeeze %dma_wait3A_237 : memref<1x1x128xi32, #tpu.memory_space<vmem>> -> memref<128xi32, #tpu.memory_space<vmem>>
        %dma_wait3A_239 = arith.constant 0 : i32
        %dma_wait3A_240 = arith.constant 0 : i32
        %dma_wait3A_241 = tpu.memref_slice %arg10[%dma_wait3A_239, %dma_wait3A_240] : memref<10112x128xf32, #tpu.memory_space<vmem_shared>> -> memref<10112x128xf32, #tpu.memory_space<vmem_shared>>
        tpu.wait_indirect_dma semaphore(%run_scoped3A_229 : memref<!tpu.dma_semaphore, #tpu.memory_space<semaphore_mem>>) src(%arg6 : memref<128x128xf32, #tpu.memory_space<vmem>>) dst(%dma_wait3A_241 : memref<10112x128xf32, #tpu.memory_space<vmem_shared>>)
        tpu.yield
      }) : () -> ()
      %dma_start3A_74 = arith.constant 2 : i32
      %dma_start3A_75 = arith.constant 0 : i32
      %dma_start3A_76 = arith.constant 0 : i32
      %dma_start3A_77 = tpu.memref_slice %arg5[%dma_start3A_74, %dma_start3A_75, %dma_start3A_76] : memref<10x2x128xi32, #tpu.memory_space<vmem>> -> memref<1x1x128xi32, #tpu.memory_space<vmem>>
      %dma_start3A_78 = tpu.memref_squeeze %dma_start3A_77 : memref<1x1x128xi32, #tpu.memory_space<vmem>> -> memref<128xi32, #tpu.memory_space<vmem>>
      %dma_start3A_79 = arith.constant 0 : i32
      %dma_start3A_80 = arith.constant 0 : i32
      %dma_start3A_81 = tpu.memref_slice %arg2[%dma_start3A_79, %dma_start3A_80] : memref<10112x128xf32, #tpu.memory_space<hbm>> -> memref<10112x128xf32, #tpu.memory_space<hbm>>
      tpu.enqueue_indirect_dma source(%dma_start3A_81 : memref<10112x128xf32, #tpu.memory_space<hbm>>) target(%arg6 : memref<128x128xf32, #tpu.memory_space<vmem>>) offsets(%dma_start3A_78 : memref<128xi32, #tpu.memory_space<vmem>>) semaphore(%arg8 : memref<!tpu.dma_semaphore, #tpu.memory_space<semaphore_mem>>)
      %dma_wait3A_82 = arith.constant 1 : i32
      %dma_wait3A_83 = arith.constant 0 : i32
      %dma_wait3A_84 = arith.constant 0 : i32
      %dma_wait3A_85 = tpu.memref_slice %arg5[%dma_wait3A_82, %dma_wait3A_83, %dma_wait3A_84] : memref<10x2x128xi32, #tpu.memory_space<vmem>> -> memref<1x1x128xi32, #tpu.memory_space<vmem>>
      %dma_wait3A_86 = tpu.memref_squeeze %dma_wait3A_85 : memref<1x1x128xi32, #tpu.memory_space<vmem>> -> memref<128xi32, #tpu.memory_space<vmem>>
      %dma_wait3A_87 = arith.constant 0 : i32
      %dma_wait3A_88 = arith.constant 0 : i32
      %dma_wait3A_89 = tpu.memref_slice %arg2[%dma_wait3A_87, %dma_wait3A_88] : memref<10112x128xf32, #tpu.memory_space<hbm>> -> memref<10112x128xf32, #tpu.memory_space<hbm>>
      tpu.wait_indirect_dma semaphore(%arg9 : memref<!tpu.dma_semaphore, #tpu.memory_space<semaphore_mem>>) src(%dma_wait3A_89 : memref<10112x128xf32, #tpu.memory_space<hbm>>) dst(%arg7 : memref<128x128xf32, #tpu.memory_space<vmem>>)
      %run_scoped3A_90 = arith.constant 1 : i32
      %run_scoped3A_91 = arith.constant 1 : i32
      "tpu.region"() ({
        %run_scoped3A_229 = tpu.sem_alloc : memref<!tpu.dma_semaphore, #tpu.memory_space<semaphore_mem>>
        %dma_start3A_230 = arith.constant 0 : i32
        %dma_start3A_231 = tpu.memref_slice %arg5[%run_scoped3A_90, %run_scoped3A_91, %dma_start3A_230] : memref<10x2x128xi32, #tpu.memory_space<vmem>> -> memref<1x1x128xi32, #tpu.memory_space<vmem>>
        %dma_start3A_232 = tpu.memref_squeeze %dma_start3A_231 : memref<1x1x128xi32, #tpu.memory_space<vmem>> -> memref<128xi32, #tpu.memory_space<vmem>>
        %dma_start3A_233 = arith.constant 0 : i32
        %dma_start3A_234 = arith.constant 0 : i32
        %dma_start3A_235 = tpu.memref_slice %arg10[%dma_start3A_233, %dma_start3A_234] : memref<10112x128xf32, #tpu.memory_space<vmem_shared>> -> memref<10112x128xf32, #tpu.memory_space<vmem_shared>>
        tpu.enqueue_indirect_dma source(%arg7 : memref<128x128xf32, #tpu.memory_space<vmem>>) target(%dma_start3A_235 : memref<10112x128xf32, #tpu.memory_space<vmem_shared>>) offsets(%dma_start3A_232 : memref<128xi32, #tpu.memory_space<vmem>>) semaphore(%run_scoped3A_229 : memref<!tpu.dma_semaphore, #tpu.memory_space<semaphore_mem>>) {add = true}
        %dma_wait3A_236 = arith.constant 0 : i32
        %dma_wait3A_237 = tpu.memref_slice %arg5[%run_scoped3A_90, %run_scoped3A_91, %dma_wait3A_236] : memref<10x2x128xi32, #tpu.memory_space<vmem>> -> memref<1x1x128xi32, #tpu.memory_space<vmem>>
        %dma_wait3A_238 = tpu.memref_squeeze %dma_wait3A_237 : memref<1x1x128xi32, #tpu.memory_space<vmem>> -> memref<128xi32, #tpu.memory_space<vmem>>
        %dma_wait3A_239 = arith.constant 0 : i32
        %dma_wait3A_240 = arith.constant 0 : i32
        %dma_wait3A_241 = tpu.memref_slice %arg10[%dma_wait3A_239, %dma_wait3A_240] : memref<10112x128xf32, #tpu.memory_space<vmem_shared>> -> memref<10112x128xf32, #tpu.memory_space<vmem_shared>>
        tpu.wait_indirect_dma semaphore(%run_scoped3A_229 : memref<!tpu.dma_semaphore, #tpu.memory_space<semaphore_mem>>) src(%arg7 : memref<128x128xf32, #tpu.memory_space<vmem>>) dst(%dma_wait3A_241 : memref<10112x128xf32, #tpu.memory_space<vmem_shared>>)
        tpu.yield
      }) : () -> ()
      %dma_start3A_92 = arith.constant 3 : i32
      %dma_start3A_93 = arith.constant 0 : i32
      %dma_start3A_94 = arith.constant 0 : i32
      %dma_start3A_95 = tpu.memref_slice %arg5[%dma_start3A_92, %dma_start3A_93, %dma_start3A_94] : memref<10x2x128xi32, #tpu.memory_space<vmem>> -> memref<1x1x128xi32, #tpu.memory_space<vmem>>
      %dma_start3A_96 = tpu.memref_squeeze %dma_start3A_95 : memref<1x1x128xi32, #tpu.memory_space<vmem>> -> memref<128xi32, #tpu.memory_space<vmem>>
      %dma_start3A_97 = arith.constant 0 : i32
      %dma_start3A_98 = arith.constant 0 : i32
      %dma_start3A_99 = tpu.memref_slice %arg2[%dma_start3A_97, %dma_start3A_98] : memref<10112x128xf32, #tpu.memory_space<hbm>> -> memref<10112x128xf32, #tpu.memory_space<hbm>>
      tpu.enqueue_indirect_dma source(%dma_start3A_99 : memref<10112x128xf32, #tpu.memory_space<hbm>>) target(%arg7 : memref<128x128xf32, #tpu.memory_space<vmem>>) offsets(%dma_start3A_96 : memref<128xi32, #tpu.memory_space<vmem>>) semaphore(%arg9 : memref<!tpu.dma_semaphore, #tpu.memory_space<semaphore_mem>>)
      %dma_wait3A_100 = arith.constant 2 : i32
      %dma_wait3A_101 = arith.constant 0 : i32
      %dma_wait3A_102 = arith.constant 0 : i32
      %dma_wait3A_103 = tpu.memref_slice %arg5[%dma_wait3A_100, %dma_wait3A_101, %dma_wait3A_102] : memref<10x2x128xi32, #tpu.memory_space<vmem>> -> memref<1x1x128xi32, #tpu.memory_space<vmem>>
      %dma_wait3A_104 = tpu.memref_squeeze %dma_wait3A_103 : memref<1x1x128xi32, #tpu.memory_space<vmem>> -> memref<128xi32, #tpu.memory_space<vmem>>
      %dma_wait3A_105 = arith.constant 0 : i32
      %dma_wait3A_106 = arith.constant 0 : i32
      %dma_wait3A_107 = tpu.memref_slice %arg2[%dma_wait3A_105, %dma_wait3A_106] : memref<10112x128xf32, #tpu.memory_space<hbm>> -> memref<10112x128xf32, #tpu.memory_space<hbm>>
      tpu.wait_indirect_dma semaphore(%arg8 : memref<!tpu.dma_semaphore, #tpu.memory_space<semaphore_mem>>) src(%dma_wait3A_107 : memref<10112x128xf32, #tpu.memory_space<hbm>>) dst(%arg6 : memref<128x128xf32, #tpu.memory_space<vmem>>)
      %run_scoped3A_108 = arith.constant 2 : i32
      %run_scoped3A_109 = arith.constant 1 : i32
      "tpu.region"() ({
        %run_scoped3A_229 = tpu.sem_alloc : memref<!tpu.dma_semaphore, #tpu.memory_space<semaphore_mem>>
        %dma_start3A_230 = arith.constant 0 : i32
        %dma_start3A_231 = tpu.memref_slice %arg5[%run_scoped3A_108, %run_scoped3A_109, %dma_start3A_230] : memref<10x2x128xi32, #tpu.memory_space<vmem>> -> memref<1x1x128xi32, #tpu.memory_space<vmem>>
        %dma_start3A_232 = tpu.memref_squeeze %dma_start3A_231 : memref<1x1x128xi32, #tpu.memory_space<vmem>> -> memref<128xi32, #tpu.memory_space<vmem>>
        %dma_start3A_233 = arith.constant 0 : i32
        %dma_start3A_234 = arith.constant 0 : i32
        %dma_start3A_235 = tpu.memref_slice %arg10[%dma_start3A_233, %dma_start3A_234] : memref<10112x128xf32, #tpu.memory_space<vmem_shared>> -> memref<10112x128xf32, #tpu.memory_space<vmem_shared>>
        tpu.enqueue_indirect_dma source(%arg6 : memref<128x128xf32, #tpu.memory_space<vmem>>) target(%dma_start3A_235 : memref<10112x128xf32, #tpu.memory_space<vmem_shared>>) offsets(%dma_start3A_232 : memref<128xi32, #tpu.memory_space<vmem>>) semaphore(%run_scoped3A_229 : memref<!tpu.dma_semaphore, #tpu.memory_space<semaphore_mem>>) {add = true}
        %dma_wait3A_236 = arith.constant 0 : i32
        %dma_wait3A_237 = tpu.memref_slice %arg5[%run_scoped3A_108, %run_scoped3A_109, %dma_wait3A_236] : memref<10x2x128xi32, #tpu.memory_space<vmem>> -> memref<1x1x128xi32, #tpu.memory_space<vmem>>
        %dma_wait3A_238 = tpu.memref_squeeze %dma_wait3A_237 : memref<1x1x128xi32, #tpu.memory_space<vmem>> -> memref<128xi32, #tpu.memory_space<vmem>>
        %dma_wait3A_239 = arith.constant 0 : i32
        %dma_wait3A_240 = arith.constant 0 : i32
        %dma_wait3A_241 = tpu.memref_slice %arg10[%dma_wait3A_239, %dma_wait3A_240] : memref<10112x128xf32, #tpu.memory_space<vmem_shared>> -> memref<10112x128xf32, #tpu.memory_space<vmem_shared>>
        tpu.wait_indirect_dma semaphore(%run_scoped3A_229 : memref<!tpu.dma_semaphore, #tpu.memory_space<semaphore_mem>>) src(%arg6 : memref<128x128xf32, #tpu.memory_space<vmem>>) dst(%dma_wait3A_241 : memref<10112x128xf32, #tpu.memory_space<vmem_shared>>)
        tpu.yield
      }) : () -> ()
      %dma_start3A_110 = arith.constant 4 : i32
      %dma_start3A_111 = arith.constant 0 : i32
      %dma_start3A_112 = arith.constant 0 : i32
      %dma_start3A_113 = tpu.memref_slice %arg5[%dma_start3A_110, %dma_start3A_111, %dma_start3A_112] : memref<10x2x128xi32, #tpu.memory_space<vmem>> -> memref<1x1x128xi32, #tpu.memory_space<vmem>>
      %dma_start3A_114 = tpu.memref_squeeze %dma_start3A_113 : memref<1x1x128xi32, #tpu.memory_space<vmem>> -> memref<128xi32, #tpu.memory_space<vmem>>
      %dma_start3A_115 = arith.constant 0 : i32
      %dma_start3A_116 = arith.constant 0 : i32
      %dma_start3A_117 = tpu.memref_slice %arg2[%dma_start3A_115, %dma_start3A_116] : memref<10112x128xf32, #tpu.memory_space<hbm>> -> memref<10112x128xf32, #tpu.memory_space<hbm>>
      tpu.enqueue_indirect_dma source(%dma_start3A_117 : memref<10112x128xf32, #tpu.memory_space<hbm>>) target(%arg6 : memref<128x128xf32, #tpu.memory_space<vmem>>) offsets(%dma_start3A_114 : memref<128xi32, #tpu.memory_space<vmem>>) semaphore(%arg8 : memref<!tpu.dma_semaphore, #tpu.memory_space<semaphore_mem>>)
      %dma_wait3A_118 = arith.constant 3 : i32
      %dma_wait3A_119 = arith.constant 0 : i32
      %dma_wait3A_120 = arith.constant 0 : i32
      %dma_wait3A_121 = tpu.memref_slice %arg5[%dma_wait3A_118, %dma_wait3A_119, %dma_wait3A_120] : memref<10x2x128xi32, #tpu.memory_space<vmem>> -> memref<1x1x128xi32, #tpu.memory_space<vmem>>
      %dma_wait3A_122 = tpu.memref_squeeze %dma_wait3A_121 : memref<1x1x128xi32, #tpu.memory_space<vmem>> -> memref<128xi32, #tpu.memory_space<vmem>>
      %dma_wait3A_123 = arith.constant 0 : i32
      %dma_wait3A_124 = arith.constant 0 : i32
      %dma_wait3A_125 = tpu.memref_slice %arg2[%dma_wait3A_123, %dma_wait3A_124] : memref<10112x128xf32, #tpu.memory_space<hbm>> -> memref<10112x128xf32, #tpu.memory_space<hbm>>
      tpu.wait_indirect_dma semaphore(%arg9 : memref<!tpu.dma_semaphore, #tpu.memory_space<semaphore_mem>>) src(%dma_wait3A_125 : memref<10112x128xf32, #tpu.memory_space<hbm>>) dst(%arg7 : memref<128x128xf32, #tpu.memory_space<vmem>>)
      %run_scoped3A_126 = arith.constant 3 : i32
      %run_scoped3A_127 = arith.constant 1 : i32
      "tpu.region"() ({
        %run_scoped3A_229 = tpu.sem_alloc : memref<!tpu.dma_semaphore, #tpu.memory_space<semaphore_mem>>
        %dma_start3A_230 = arith.constant 0 : i32
        %dma_start3A_231 = tpu.memref_slice %arg5[%run_scoped3A_126, %run_scoped3A_127, %dma_start3A_230] : memref<10x2x128xi32, #tpu.memory_space<vmem>> -> memref<1x1x128xi32, #tpu.memory_space<vmem>>
        %dma_start3A_232 = tpu.memref_squeeze %dma_start3A_231 : memref<1x1x128xi32, #tpu.memory_space<vmem>> -> memref<128xi32, #tpu.memory_space<vmem>>
        %dma_start3A_233 = arith.constant 0 : i32
        %dma_start3A_234 = arith.constant 0 : i32
        %dma_start3A_235 = tpu.memref_slice %arg10[%dma_start3A_233, %dma_start3A_234] : memref<10112x128xf32, #tpu.memory_space<vmem_shared>> -> memref<10112x128xf32, #tpu.memory_space<vmem_shared>>
        tpu.enqueue_indirect_dma source(%arg7 : memref<128x128xf32, #tpu.memory_space<vmem>>) target(%dma_start3A_235 : memref<10112x128xf32, #tpu.memory_space<vmem_shared>>) offsets(%dma_start3A_232 : memref<128xi32, #tpu.memory_space<vmem>>) semaphore(%run_scoped3A_229 : memref<!tpu.dma_semaphore, #tpu.memory_space<semaphore_mem>>) {add = true}
        %dma_wait3A_236 = arith.constant 0 : i32
        %dma_wait3A_237 = tpu.memref_slice %arg5[%run_scoped3A_126, %run_scoped3A_127, %dma_wait3A_236] : memref<10x2x128xi32, #tpu.memory_space<vmem>> -> memref<1x1x128xi32, #tpu.memory_space<vmem>>
        %dma_wait3A_238 = tpu.memref_squeeze %dma_wait3A_237 : memref<1x1x128xi32, #tpu.memory_space<vmem>> -> memref<128xi32, #tpu.memory_space<vmem>>
        %dma_wait3A_239 = arith.constant 0 : i32
        %dma_wait3A_240 = arith.constant 0 : i32
        %dma_wait3A_241 = tpu.memref_slice %arg10[%dma_wait3A_239, %dma_wait3A_240] : memref<10112x128xf32, #tpu.memory_space<vmem_shared>> -> memref<10112x128xf32, #tpu.memory_space<vmem_shared>>
        tpu.wait_indirect_dma semaphore(%run_scoped3A_229 : memref<!tpu.dma_semaphore, #tpu.memory_space<semaphore_mem>>) src(%arg7 : memref<128x128xf32, #tpu.memory_space<vmem>>) dst(%dma_wait3A_241 : memref<10112x128xf32, #tpu.memory_space<vmem_shared>>)
        tpu.yield
      }) : () -> ()
      %dma_start3A_128 = arith.constant 5 : i32
      %dma_start3A_129 = arith.constant 0 : i32
      %dma_start3A_130 = arith.constant 0 : i32
      %dma_start3A_131 = tpu.memref_slice %arg5[%dma_start3A_128, %dma_start3A_129, %dma_start3A_130] : memref<10x2x128xi32, #tpu.memory_space<vmem>> -> memref<1x1x128xi32, #tpu.memory_space<vmem>>
      %dma_start3A_132 = tpu.memref_squeeze %dma_start3A_131 : memref<1x1x128xi32, #tpu.memory_space<vmem>> -> memref<128xi32, #tpu.memory_space<vmem>>
      %dma_start3A_133 = arith.constant 0 : i32
      %dma_start3A_134 = arith.constant 0 : i32
      %dma_start3A_135 = tpu.memref_slice %arg2[%dma_start3A_133, %dma_start3A_134] : memref<10112x128xf32, #tpu.memory_space<hbm>> -> memref<10112x128xf32, #tpu.memory_space<hbm>>
      tpu.enqueue_indirect_dma source(%dma_start3A_135 : memref<10112x128xf32, #tpu.memory_space<hbm>>) target(%arg7 : memref<128x128xf32, #tpu.memory_space<vmem>>) offsets(%dma_start3A_132 : memref<128xi32, #tpu.memory_space<vmem>>) semaphore(%arg9 : memref<!tpu.dma_semaphore, #tpu.memory_space<semaphore_mem>>)
      %dma_wait3A_136 = arith.constant 4 : i32
      %dma_wait3A_137 = arith.constant 0 : i32
      %dma_wait3A_138 = arith.constant 0 : i32
      %dma_wait3A_139 = tpu.memref_slice %arg5[%dma_wait3A_136, %dma_wait3A_137, %dma_wait3A_138] : memref<10x2x128xi32, #tpu.memory_space<vmem>> -> memref<1x1x128xi32, #tpu.memory_space<vmem>>
      %dma_wait3A_140 = tpu.memref_squeeze %dma_wait3A_139 : memref<1x1x128xi32, #tpu.memory_space<vmem>> -> memref<128xi32, #tpu.memory_space<vmem>>
      %dma_wait3A_141 = arith.constant 0 : i32
      %dma_wait3A_142 = arith.constant 0 : i32
      %dma_wait3A_143 = tpu.memref_slice %arg2[%dma_wait3A_141, %dma_wait3A_142] : memref<10112x128xf32, #tpu.memory_space<hbm>> -> memref<10112x128xf32, #tpu.memory_space<hbm>>
      tpu.wait_indirect_dma semaphore(%arg8 : memref<!tpu.dma_semaphore, #tpu.memory_space<semaphore_mem>>) src(%dma_wait3A_143 : memref<10112x128xf32, #tpu.memory_space<hbm>>) dst(%arg6 : memref<128x128xf32, #tpu.memory_space<vmem>>)
      %run_scoped3A_144 = arith.constant 4 : i32
      %run_scoped3A_145 = arith.constant 1 : i32
      "tpu.region"() ({
        %run_scoped3A_229 = tpu.sem_alloc : memref<!tpu.dma_semaphore, #tpu.memory_space<semaphore_mem>>
        %dma_start3A_230 = arith.constant 0 : i32
        %dma_start3A_231 = tpu.memref_slice %arg5[%run_scoped3A_144, %run_scoped3A_145, %dma_start3A_230] : memref<10x2x128xi32, #tpu.memory_space<vmem>> -> memref<1x1x128xi32, #tpu.memory_space<vmem>>
        %dma_start3A_232 = tpu.memref_squeeze %dma_start3A_231 : memref<1x1x128xi32, #tpu.memory_space<vmem>> -> memref<128xi32, #tpu.memory_space<vmem>>
        %dma_start3A_233 = arith.constant 0 : i32
        %dma_start3A_234 = arith.constant 0 : i32
        %dma_start3A_235 = tpu.memref_slice %arg10[%dma_start3A_233, %dma_start3A_234] : memref<10112x128xf32, #tpu.memory_space<vmem_shared>> -> memref<10112x128xf32, #tpu.memory_space<vmem_shared>>
        tpu.enqueue_indirect_dma source(%arg6 : memref<128x128xf32, #tpu.memory_space<vmem>>) target(%dma_start3A_235 : memref<10112x128xf32, #tpu.memory_space<vmem_shared>>) offsets(%dma_start3A_232 : memref<128xi32, #tpu.memory_space<vmem>>) semaphore(%run_scoped3A_229 : memref<!tpu.dma_semaphore, #tpu.memory_space<semaphore_mem>>) {add = true}
        %dma_wait3A_236 = arith.constant 0 : i32
        %dma_wait3A_237 = tpu.memref_slice %arg5[%run_scoped3A_144, %run_scoped3A_145, %dma_wait3A_236] : memref<10x2x128xi32, #tpu.memory_space<vmem>> -> memref<1x1x128xi32, #tpu.memory_space<vmem>>
        %dma_wait3A_238 = tpu.memref_squeeze %dma_wait3A_237 : memref<1x1x128xi32, #tpu.memory_space<vmem>> -> memref<128xi32, #tpu.memory_space<vmem>>
        %dma_wait3A_239 = arith.constant 0 : i32
        %dma_wait3A_240 = arith.constant 0 : i32
        %dma_wait3A_241 = tpu.memref_slice %arg10[%dma_wait3A_239, %dma_wait3A_240] : memref<10112x128xf32, #tpu.memory_space<vmem_shared>> -> memref<10112x128xf32, #tpu.memory_space<vmem_shared>>
        tpu.wait_indirect_dma semaphore(%run_scoped3A_229 : memref<!tpu.dma_semaphore, #tpu.memory_space<semaphore_mem>>) src(%arg6 : memref<128x128xf32, #tpu.memory_space<vmem>>) dst(%dma_wait3A_241 : memref<10112x128xf32, #tpu.memory_space<vmem_shared>>)
        tpu.yield
      }) : () -> ()
      %dma_start3A_146 = arith.constant 6 : i32
      %dma_start3A_147 = arith.constant 0 : i32
      %dma_start3A_148 = arith.constant 0 : i32
      %dma_start3A_149 = tpu.memref_slice %arg5[%dma_start3A_146, %dma_start3A_147, %dma_start3A_148] : memref<10x2x128xi32, #tpu.memory_space<vmem>> -> memref<1x1x128xi32, #tpu.memory_space<vmem>>
      %dma_start3A_150 = tpu.memref_squeeze %dma_start3A_149 : memref<1x1x128xi32, #tpu.memory_space<vmem>> -> memref<128xi32, #tpu.memory_space<vmem>>
      %dma_start3A_151 = arith.constant 0 : i32
      %dma_start3A_152 = arith.constant 0 : i32
      %dma_start3A_153 = tpu.memref_slice %arg2[%dma_start3A_151, %dma_start3A_152] : memref<10112x128xf32, #tpu.memory_space<hbm>> -> memref<10112x128xf32, #tpu.memory_space<hbm>>
      tpu.enqueue_indirect_dma source(%dma_start3A_153 : memref<10112x128xf32, #tpu.memory_space<hbm>>) target(%arg6 : memref<128x128xf32, #tpu.memory_space<vmem>>) offsets(%dma_start3A_150 : memref<128xi32, #tpu.memory_space<vmem>>) semaphore(%arg8 : memref<!tpu.dma_semaphore, #tpu.memory_space<semaphore_mem>>)
      %dma_wait3A_154 = arith.constant 5 : i32
      %dma_wait3A_155 = arith.constant 0 : i32
      %dma_wait3A_156 = arith.constant 0 : i32
      %dma_wait3A_157 = tpu.memref_slice %arg5[%dma_wait3A_154, %dma_wait3A_155, %dma_wait3A_156] : memref<10x2x128xi32, #tpu.memory_space<vmem>> -> memref<1x1x128xi32, #tpu.memory_space<vmem>>
      %dma_wait3A_158 = tpu.memref_squeeze %dma_wait3A_157 : memref<1x1x128xi32, #tpu.memory_space<vmem>> -> memref<128xi32, #tpu.memory_space<vmem>>
      %dma_wait3A_159 = arith.constant 0 : i32
      %dma_wait3A_160 = arith.constant 0 : i32
      %dma_wait3A_161 = tpu.memref_slice %arg2[%dma_wait3A_159, %dma_wait3A_160] : memref<10112x128xf32, #tpu.memory_space<hbm>> -> memref<10112x128xf32, #tpu.memory_space<hbm>>
      tpu.wait_indirect_dma semaphore(%arg9 : memref<!tpu.dma_semaphore, #tpu.memory_space<semaphore_mem>>) src(%dma_wait3A_161 : memref<10112x128xf32, #tpu.memory_space<hbm>>) dst(%arg7 : memref<128x128xf32, #tpu.memory_space<vmem>>)
      %run_scoped3A_162 = arith.constant 5 : i32
      %run_scoped3A_163 = arith.constant 1 : i32
      "tpu.region"() ({
        %run_scoped3A_229 = tpu.sem_alloc : memref<!tpu.dma_semaphore, #tpu.memory_space<semaphore_mem>>
        %dma_start3A_230 = arith.constant 0 : i32
        %dma_start3A_231 = tpu.memref_slice %arg5[%run_scoped3A_162, %run_scoped3A_163, %dma_start3A_230] : memref<10x2x128xi32, #tpu.memory_space<vmem>> -> memref<1x1x128xi32, #tpu.memory_space<vmem>>
        %dma_start3A_232 = tpu.memref_squeeze %dma_start3A_231 : memref<1x1x128xi32, #tpu.memory_space<vmem>> -> memref<128xi32, #tpu.memory_space<vmem>>
        %dma_start3A_233 = arith.constant 0 : i32
        %dma_start3A_234 = arith.constant 0 : i32
        %dma_start3A_235 = tpu.memref_slice %arg10[%dma_start3A_233, %dma_start3A_234] : memref<10112x128xf32, #tpu.memory_space<vmem_shared>> -> memref<10112x128xf32, #tpu.memory_space<vmem_shared>>
        tpu.enqueue_indirect_dma source(%arg7 : memref<128x128xf32, #tpu.memory_space<vmem>>) target(%dma_start3A_235 : memref<10112x128xf32, #tpu.memory_space<vmem_shared>>) offsets(%dma_start3A_232 : memref<128xi32, #tpu.memory_space<vmem>>) semaphore(%run_scoped3A_229 : memref<!tpu.dma_semaphore, #tpu.memory_space<semaphore_mem>>) {add = true}
        %dma_wait3A_236 = arith.constant 0 : i32
        %dma_wait3A_237 = tpu.memref_slice %arg5[%run_scoped3A_162, %run_scoped3A_163, %dma_wait3A_236] : memref<10x2x128xi32, #tpu.memory_space<vmem>> -> memref<1x1x128xi32, #tpu.memory_space<vmem>>
        %dma_wait3A_238 = tpu.memref_squeeze %dma_wait3A_237 : memref<1x1x128xi32, #tpu.memory_space<vmem>> -> memref<128xi32, #tpu.memory_space<vmem>>
        %dma_wait3A_239 = arith.constant 0 : i32
        %dma_wait3A_240 = arith.constant 0 : i32
        %dma_wait3A_241 = tpu.memref_slice %arg10[%dma_wait3A_239, %dma_wait3A_240] : memref<10112x128xf32, #tpu.memory_space<vmem_shared>> -> memref<10112x128xf32, #tpu.memory_space<vmem_shared>>
        tpu.wait_indirect_dma semaphore(%run_scoped3A_229 : memref<!tpu.dma_semaphore, #tpu.memory_space<semaphore_mem>>) src(%arg7 : memref<128x128xf32, #tpu.memory_space<vmem>>) dst(%dma_wait3A_241 : memref<10112x128xf32, #tpu.memory_space<vmem_shared>>)
        tpu.yield
      }) : () -> ()
      %dma_start3A_164 = arith.constant 7 : i32
      %dma_start3A_165 = arith.constant 0 : i32
      %dma_start3A_166 = arith.constant 0 : i32
      %dma_start3A_167 = tpu.memref_slice %arg5[%dma_start3A_164, %dma_start3A_165, %dma_start3A_166] : memref<10x2x128xi32, #tpu.memory_space<vmem>> -> memref<1x1x128xi32, #tpu.memory_space<vmem>>
      %dma_start3A_168 = tpu.memref_squeeze %dma_start3A_167 : memref<1x1x128xi32, #tpu.memory_space<vmem>> -> memref<128xi32, #tpu.memory_space<vmem>>
      %dma_start3A_169 = arith.constant 0 : i32
      %dma_start3A_170 = arith.constant 0 : i32
      %dma_start3A_171 = tpu.memref_slice %arg2[%dma_start3A_169, %dma_start3A_170] : memref<10112x128xf32, #tpu.memory_space<hbm>> -> memref<10112x128xf32, #tpu.memory_space<hbm>>
      tpu.enqueue_indirect_dma source(%dma_start3A_171 : memref<10112x128xf32, #tpu.memory_space<hbm>>) target(%arg7 : memref<128x128xf32, #tpu.memory_space<vmem>>) offsets(%dma_start3A_168 : memref<128xi32, #tpu.memory_space<vmem>>) semaphore(%arg9 : memref<!tpu.dma_semaphore, #tpu.memory_space<semaphore_mem>>)
      %dma_wait3A_172 = arith.constant 6 : i32
      %dma_wait3A_173 = arith.constant 0 : i32
      %dma_wait3A_174 = arith.constant 0 : i32
      %dma_wait3A_175 = tpu.memref_slice %arg5[%dma_wait3A_172, %dma_wait3A_173, %dma_wait3A_174] : memref<10x2x128xi32, #tpu.memory_space<vmem>> -> memref<1x1x128xi32, #tpu.memory_space<vmem>>
      %dma_wait3A_176 = tpu.memref_squeeze %dma_wait3A_175 : memref<1x1x128xi32, #tpu.memory_space<vmem>> -> memref<128xi32, #tpu.memory_space<vmem>>
      %dma_wait3A_177 = arith.constant 0 : i32
      %dma_wait3A_178 = arith.constant 0 : i32
      %dma_wait3A_179 = tpu.memref_slice %arg2[%dma_wait3A_177, %dma_wait3A_178] : memref<10112x128xf32, #tpu.memory_space<hbm>> -> memref<10112x128xf32, #tpu.memory_space<hbm>>
      tpu.wait_indirect_dma semaphore(%arg8 : memref<!tpu.dma_semaphore, #tpu.memory_space<semaphore_mem>>) src(%dma_wait3A_179 : memref<10112x128xf32, #tpu.memory_space<hbm>>) dst(%arg6 : memref<128x128xf32, #tpu.memory_space<vmem>>)
      %run_scoped3A_180 = arith.constant 6 : i32
      %run_scoped3A_181 = arith.constant 1 : i32
      "tpu.region"() ({
        %run_scoped3A_229 = tpu.sem_alloc : memref<!tpu.dma_semaphore, #tpu.memory_space<semaphore_mem>>
        %dma_start3A_230 = arith.constant 0 : i32
        %dma_start3A_231 = tpu.memref_slice %arg5[%run_scoped3A_180, %run_scoped3A_181, %dma_start3A_230] : memref<10x2x128xi32, #tpu.memory_space<vmem>> -> memref<1x1x128xi32, #tpu.memory_space<vmem>>
        %dma_start3A_232 = tpu.memref_squeeze %dma_start3A_231 : memref<1x1x128xi32, #tpu.memory_space<vmem>> -> memref<128xi32, #tpu.memory_space<vmem>>
        %dma_start3A_233 = arith.constant 0 : i32
        %dma_start3A_234 = arith.constant 0 : i32
        %dma_start3A_235 = tpu.memref_slice %arg10[%dma_start3A_233, %dma_start3A_234] : memref<10112x128xf32, #tpu.memory_space<vmem_shared>> -> memref<10112x128xf32, #tpu.memory_space<vmem_shared>>
        tpu.enqueue_indirect_dma source(%arg6 : memref<128x128xf32, #tpu.memory_space<vmem>>) target(%dma_start3A_235 : memref<10112x128xf32, #tpu.memory_space<vmem_shared>>) offsets(%dma_start3A_232 : memref<128xi32, #tpu.memory_space<vmem>>) semaphore(%run_scoped3A_229 : memref<!tpu.dma_semaphore, #tpu.memory_space<semaphore_mem>>) {add = true}
        %dma_wait3A_236 = arith.constant 0 : i32
        %dma_wait3A_237 = tpu.memref_slice %arg5[%run_scoped3A_180, %run_scoped3A_181, %dma_wait3A_236] : memref<10x2x128xi32, #tpu.memory_space<vmem>> -> memref<1x1x128xi32, #tpu.memory_space<vmem>>
        %dma_wait3A_238 = tpu.memref_squeeze %dma_wait3A_237 : memref<1x1x128xi32, #tpu.memory_space<vmem>> -> memref<128xi32, #tpu.memory_space<vmem>>
        %dma_wait3A_239 = arith.constant 0 : i32
        %dma_wait3A_240 = arith.constant 0 : i32
        %dma_wait3A_241 = tpu.memref_slice %arg10[%dma_wait3A_239, %dma_wait3A_240] : memref<10112x128xf32, #tpu.memory_space<vmem_shared>> -> memref<10112x128xf32, #tpu.memory_space<vmem_shared>>
        tpu.wait_indirect_dma semaphore(%run_scoped3A_229 : memref<!tpu.dma_semaphore, #tpu.memory_space<semaphore_mem>>) src(%arg6 : memref<128x128xf32, #tpu.memory_space<vmem>>) dst(%dma_wait3A_241 : memref<10112x128xf32, #tpu.memory_space<vmem_shared>>)
        tpu.yield
      }) : () -> ()
      %dma_start3A_182 = arith.constant 8 : i32
      %dma_start3A_183 = arith.constant 0 : i32
      %dma_start3A_184 = arith.constant 0 : i32
      %dma_start3A_185 = tpu.memref_slice %arg5[%dma_start3A_182, %dma_start3A_183, %dma_start3A_184] : memref<10x2x128xi32, #tpu.memory_space<vmem>> -> memref<1x1x128xi32, #tpu.memory_space<vmem>>
      %dma_start3A_186 = tpu.memref_squeeze %dma_start3A_185 : memref<1x1x128xi32, #tpu.memory_space<vmem>> -> memref<128xi32, #tpu.memory_space<vmem>>
      %dma_start3A_187 = arith.constant 0 : i32
      %dma_start3A_188 = arith.constant 0 : i32
      %dma_start3A_189 = tpu.memref_slice %arg2[%dma_start3A_187, %dma_start3A_188] : memref<10112x128xf32, #tpu.memory_space<hbm>> -> memref<10112x128xf32, #tpu.memory_space<hbm>>
      tpu.enqueue_indirect_dma source(%dma_start3A_189 : memref<10112x128xf32, #tpu.memory_space<hbm>>) target(%arg6 : memref<128x128xf32, #tpu.memory_space<vmem>>) offsets(%dma_start3A_186 : memref<128xi32, #tpu.memory_space<vmem>>) semaphore(%arg8 : memref<!tpu.dma_semaphore, #tpu.memory_space<semaphore_mem>>)
      %dma_wait3A_190 = arith.constant 7 : i32
      %dma_wait3A_191 = arith.constant 0 : i32
      %dma_wait3A_192 = arith.constant 0 : i32
      %dma_wait3A_193 = tpu.memref_slice %arg5[%dma_wait3A_190, %dma_wait3A_191, %dma_wait3A_192] : memref<10x2x128xi32, #tpu.memory_space<vmem>> -> memref<1x1x128xi32, #tpu.memory_space<vmem>>
      %dma_wait3A_194 = tpu.memref_squeeze %dma_wait3A_193 : memref<1x1x128xi32, #tpu.memory_space<vmem>> -> memref<128xi32, #tpu.memory_space<vmem>>
      %dma_wait3A_195 = arith.constant 0 : i32
      %dma_wait3A_196 = arith.constant 0 : i32
      %dma_wait3A_197 = tpu.memref_slice %arg2[%dma_wait3A_195, %dma_wait3A_196] : memref<10112x128xf32, #tpu.memory_space<hbm>> -> memref<10112x128xf32, #tpu.memory_space<hbm>>
      tpu.wait_indirect_dma semaphore(%arg9 : memref<!tpu.dma_semaphore, #tpu.memory_space<semaphore_mem>>) src(%dma_wait3A_197 : memref<10112x128xf32, #tpu.memory_space<hbm>>) dst(%arg7 : memref<128x128xf32, #tpu.memory_space<vmem>>)
      %run_scoped3A_198 = arith.constant 7 : i32
      %run_scoped3A_199 = arith.constant 1 : i32
      "tpu.region"() ({
        %run_scoped3A_229 = tpu.sem_alloc : memref<!tpu.dma_semaphore, #tpu.memory_space<semaphore_mem>>
        %dma_start3A_230 = arith.constant 0 : i32
        %dma_start3A_231 = tpu.memref_slice %arg5[%run_scoped3A_198, %run_scoped3A_199, %dma_start3A_230] : memref<10x2x128xi32, #tpu.memory_space<vmem>> -> memref<1x1x128xi32, #tpu.memory_space<vmem>>
        %dma_start3A_232 = tpu.memref_squeeze %dma_start3A_231 : memref<1x1x128xi32, #tpu.memory_space<vmem>> -> memref<128xi32, #tpu.memory_space<vmem>>
        %dma_start3A_233 = arith.constant 0 : i32
        %dma_start3A_234 = arith.constant 0 : i32
        %dma_start3A_235 = tpu.memref_slice %arg10[%dma_start3A_233, %dma_start3A_234] : memref<10112x128xf32, #tpu.memory_space<vmem_shared>> -> memref<10112x128xf32, #tpu.memory_space<vmem_shared>>
        tpu.enqueue_indirect_dma source(%arg7 : memref<128x128xf32, #tpu.memory_space<vmem>>) target(%dma_start3A_235 : memref<10112x128xf32, #tpu.memory_space<vmem_shared>>) offsets(%dma_start3A_232 : memref<128xi32, #tpu.memory_space<vmem>>) semaphore(%run_scoped3A_229 : memref<!tpu.dma_semaphore, #tpu.memory_space<semaphore_mem>>) {add = true}
        %dma_wait3A_236 = arith.constant 0 : i32
        %dma_wait3A_237 = tpu.memref_slice %arg5[%run_scoped3A_198, %run_scoped3A_199, %dma_wait3A_236] : memref<10x2x128xi32, #tpu.memory_space<vmem>> -> memref<1x1x128xi32, #tpu.memory_space<vmem>>
        %dma_wait3A_238 = tpu.memref_squeeze %dma_wait3A_237 : memref<1x1x128xi32, #tpu.memory_space<vmem>> -> memref<128xi32, #tpu.memory_space<vmem>>
        %dma_wait3A_239 = arith.constant 0 : i32
        %dma_wait3A_240 = arith.constant 0 : i32
        %dma_wait3A_241 = tpu.memref_slice %arg10[%dma_wait3A_239, %dma_wait3A_240] : memref<10112x128xf32, #tpu.memory_space<vmem_shared>> -> memref<10112x128xf32, #tpu.memory_space<vmem_shared>>
        tpu.wait_indirect_dma semaphore(%run_scoped3A_229 : memref<!tpu.dma_semaphore, #tpu.memory_space<semaphore_mem>>) src(%arg7 : memref<128x128xf32, #tpu.memory_space<vmem>>) dst(%dma_wait3A_241 : memref<10112x128xf32, #tpu.memory_space<vmem_shared>>)
        tpu.yield
      }) : () -> ()
      %dma_start3A_200 = arith.constant 9 : i32
      %dma_start3A_201 = arith.constant 0 : i32
      %dma_start3A_202 = arith.constant 0 : i32
      %dma_start3A_203 = tpu.memref_slice %arg5[%dma_start3A_200, %dma_start3A_201, %dma_start3A_202] : memref<10x2x128xi32, #tpu.memory_space<vmem>> -> memref<1x1x128xi32, #tpu.memory_space<vmem>>
      %dma_start3A_204 = tpu.memref_squeeze %dma_start3A_203 : memref<1x1x128xi32, #tpu.memory_space<vmem>> -> memref<128xi32, #tpu.memory_space<vmem>>
      %dma_start3A_205 = arith.constant 0 : i32
      %dma_start3A_206 = arith.constant 0 : i32
      %dma_start3A_207 = tpu.memref_slice %arg2[%dma_start3A_205, %dma_start3A_206] : memref<10112x128xf32, #tpu.memory_space<hbm>> -> memref<10112x128xf32, #tpu.memory_space<hbm>>
      tpu.enqueue_indirect_dma source(%dma_start3A_207 : memref<10112x128xf32, #tpu.memory_space<hbm>>) target(%arg7 : memref<128x128xf32, #tpu.memory_space<vmem>>) offsets(%dma_start3A_204 : memref<128xi32, #tpu.memory_space<vmem>>) semaphore(%arg9 : memref<!tpu.dma_semaphore, #tpu.memory_space<semaphore_mem>>)
      %dma_wait3A_208 = arith.constant 8 : i32
      %dma_wait3A_209 = arith.constant 0 : i32
      %dma_wait3A_210 = arith.constant 0 : i32
      %dma_wait3A_211 = tpu.memref_slice %arg5[%dma_wait3A_208, %dma_wait3A_209, %dma_wait3A_210] : memref<10x2x128xi32, #tpu.memory_space<vmem>> -> memref<1x1x128xi32, #tpu.memory_space<vmem>>
      %dma_wait3A_212 = tpu.memref_squeeze %dma_wait3A_211 : memref<1x1x128xi32, #tpu.memory_space<vmem>> -> memref<128xi32, #tpu.memory_space<vmem>>
      %dma_wait3A_213 = arith.constant 0 : i32
      %dma_wait3A_214 = arith.constant 0 : i32
      %dma_wait3A_215 = tpu.memref_slice %arg2[%dma_wait3A_213, %dma_wait3A_214] : memref<10112x128xf32, #tpu.memory_space<hbm>> -> memref<10112x128xf32, #tpu.memory_space<hbm>>
      tpu.wait_indirect_dma semaphore(%arg8 : memref<!tpu.dma_semaphore, #tpu.memory_space<semaphore_mem>>) src(%dma_wait3A_215 : memref<10112x128xf32, #tpu.memory_space<hbm>>) dst(%arg6 : memref<128x128xf32, #tpu.memory_space<vmem>>)
      %run_scoped3A_216 = arith.constant 8 : i32
      %run_scoped3A_217 = arith.constant 1 : i32
      "tpu.region"() ({
        %run_scoped3A_229 = tpu.sem_alloc : memref<!tpu.dma_semaphore, #tpu.memory_space<semaphore_mem>>
        %dma_start3A_230 = arith.constant 0 : i32
        %dma_start3A_231 = tpu.memref_slice %arg5[%run_scoped3A_216, %run_scoped3A_217, %dma_start3A_230] : memref<10x2x128xi32, #tpu.memory_space<vmem>> -> memref<1x1x128xi32, #tpu.memory_space<vmem>>
        %dma_start3A_232 = tpu.memref_squeeze %dma_start3A_231 : memref<1x1x128xi32, #tpu.memory_space<vmem>> -> memref<128xi32, #tpu.memory_space<vmem>>
        %dma_start3A_233 = arith.constant 0 : i32
        %dma_start3A_234 = arith.constant 0 : i32
        %dma_start3A_235 = tpu.memref_slice %arg10[%dma_start3A_233, %dma_start3A_234] : memref<10112x128xf32, #tpu.memory_space<vmem_shared>> -> memref<10112x128xf32, #tpu.memory_space<vmem_shared>>
        tpu.enqueue_indirect_dma source(%arg6 : memref<128x128xf32, #tpu.memory_space<vmem>>) target(%dma_start3A_235 : memref<10112x128xf32, #tpu.memory_space<vmem_shared>>) offsets(%dma_start3A_232 : memref<128xi32, #tpu.memory_space<vmem>>) semaphore(%run_scoped3A_229 : memref<!tpu.dma_semaphore, #tpu.memory_space<semaphore_mem>>) {add = true}
        %dma_wait3A_236 = arith.constant 0 : i32
        %dma_wait3A_237 = tpu.memref_slice %arg5[%run_scoped3A_216, %run_scoped3A_217, %dma_wait3A_236] : memref<10x2x128xi32, #tpu.memory_space<vmem>> -> memref<1x1x128xi32, #tpu.memory_space<vmem>>
        %dma_wait3A_238 = tpu.memref_squeeze %dma_wait3A_237 : memref<1x1x128xi32, #tpu.memory_space<vmem>> -> memref<128xi32, #tpu.memory_space<vmem>>
        %dma_wait3A_239 = arith.constant 0 : i32
        %dma_wait3A_240 = arith.constant 0 : i32
        %dma_wait3A_241 = tpu.memref_slice %arg10[%dma_wait3A_239, %dma_wait3A_240] : memref<10112x128xf32, #tpu.memory_space<vmem_shared>> -> memref<10112x128xf32, #tpu.memory_space<vmem_shared>>
        tpu.wait_indirect_dma semaphore(%run_scoped3A_229 : memref<!tpu.dma_semaphore, #tpu.memory_space<semaphore_mem>>) src(%arg6 : memref<128x128xf32, #tpu.memory_space<vmem>>) dst(%dma_wait3A_241 : memref<10112x128xf32, #tpu.memory_space<vmem_shared>>)
        tpu.yield
      }) : () -> ()
      %dma_wait3A_218 = arith.constant 9 : i32
      %dma_wait3A_219 = arith.constant 0 : i32
      %dma_wait3A_220 = arith.constant 0 : i32
      %dma_wait3A_221 = tpu.memref_slice %arg5[%dma_wait3A_218, %dma_wait3A_219, %dma_wait3A_220] : memref<10x2x128xi32, #tpu.memory_space<vmem>> -> memref<1x1x128xi32, #tpu.memory_space<vmem>>
      %dma_wait3A_222 = tpu.memref_squeeze %dma_wait3A_221 : memref<1x1x128xi32, #tpu.memory_space<vmem>> -> memref<128xi32, #tpu.memory_space<vmem>>
      %dma_wait3A_223 = arith.constant 0 : i32
      %dma_wait3A_224 = arith.constant 0 : i32
      %dma_wait3A_225 = tpu.memref_slice %arg2[%dma_wait3A_223, %dma_wait3A_224] : memref<10112x128xf32, #tpu.memory_space<hbm>> -> memref<10112x128xf32, #tpu.memory_space<hbm>>
      tpu.wait_indirect_dma semaphore(%arg9 : memref<!tpu.dma_semaphore, #tpu.memory_space<semaphore_mem>>) src(%dma_wait3A_225 : memref<10112x128xf32, #tpu.memory_space<hbm>>) dst(%arg7 : memref<128x128xf32, #tpu.memory_space<vmem>>)
      %run_scoped3A_226 = arith.constant 9 : i32
      %run_scoped3A_227 = arith.constant 1 : i32
      "tpu.region"() ({
        %run_scoped3A_229 = tpu.sem_alloc : memref<!tpu.dma_semaphore, #tpu.memory_space<semaphore_mem>>
        %dma_start3A_230 = arith.constant 0 : i32
        %dma_start3A_231 = tpu.memref_slice %arg5[%run_scoped3A_226, %run_scoped3A_227, %dma_start3A_230] : memref<10x2x128xi32, #tpu.memory_space<vmem>> -> memref<1x1x128xi32, #tpu.memory_space<vmem>>
        %dma_start3A_232 = tpu.memref_squeeze %dma_start3A_231 : memref<1x1x128xi32, #tpu.memory_space<vmem>> -> memref<128xi32, #tpu.memory_space<vmem>>
        %dma_start3A_233 = arith.constant 0 : i32
        %dma_start3A_234 = arith.constant 0 : i32
        %dma_start3A_235 = tpu.memref_slice %arg10[%dma_start3A_233, %dma_start3A_234] : memref<10112x128xf32, #tpu.memory_space<vmem_shared>> -> memref<10112x128xf32, #tpu.memory_space<vmem_shared>>
        tpu.enqueue_indirect_dma source(%arg7 : memref<128x128xf32, #tpu.memory_space<vmem>>) target(%dma_start3A_235 : memref<10112x128xf32, #tpu.memory_space<vmem_shared>>) offsets(%dma_start3A_232 : memref<128xi32, #tpu.memory_space<vmem>>) semaphore(%run_scoped3A_229 : memref<!tpu.dma_semaphore, #tpu.memory_space<semaphore_mem>>) {add = true}
        %dma_wait3A_236 = arith.constant 0 : i32
        %dma_wait3A_237 = tpu.memref_slice %arg5[%run_scoped3A_226, %run_scoped3A_227, %dma_wait3A_236] : memref<10x2x128xi32, #tpu.memory_space<vmem>> -> memref<1x1x128xi32, #tpu.memory_space<vmem>>
        %dma_wait3A_238 = tpu.memref_squeeze %dma_wait3A_237 : memref<1x1x128xi32, #tpu.memory_space<vmem>> -> memref<128xi32, #tpu.memory_space<vmem>>
        %dma_wait3A_239 = arith.constant 0 : i32
        %dma_wait3A_240 = arith.constant 0 : i32
        %dma_wait3A_241 = tpu.memref_slice %arg10[%dma_wait3A_239, %dma_wait3A_240] : memref<10112x128xf32, #tpu.memory_space<vmem_shared>> -> memref<10112x128xf32, #tpu.memory_space<vmem_shared>>
        tpu.wait_indirect_dma semaphore(%run_scoped3A_229 : memref<!tpu.dma_semaphore, #tpu.memory_space<semaphore_mem>>) src(%arg7 : memref<128x128xf32, #tpu.memory_space<vmem>>) dst(%dma_wait3A_241 : memref<10112x128xf32, #tpu.memory_space<vmem_shared>>)
        tpu.yield
      }) : () -> ()
      %while3A_228 = arith.constant 0 : i32
      scf.yield %while3A_228 : i32
    }
    %while3A_39 = arith.constant 1 : i32
    %while3A_40 = scf.for %while3A_46 = %while3A_36 to %while3A_32 step %while3A_39 iter_args(%while3A_47 = %while3A_38) -> (i32)  : i32 {
      %mul3A_48 = arith.constant 10 : i32
      %mul3A_49 = arith.muli %while3A_46, %mul3A_48 : i32
      %add3A_50 = arith.addi %mul3A_0, %mul3A_49 : i32
      "tpu.region"() ({
        %run_scoped3A_229 = tpu.sem_alloc : memref<!tpu.dma_semaphore, #tpu.memory_space<semaphore_mem>>
        %dma_start3A_230 = arith.constant 0 : i32
        %dma_start3A_231 = arith.constant 0 : i32
        %dma_start3A_232 = tpu.memref_slice %arg3[%arg1, %add3A_50, %dma_start3A_230, %dma_start3A_231] : memref<16x160x2x128xi32, #tpu.memory_space<hbm>> -> memref<1x10x2x128xi32, #tpu.memory_space<hbm>>
        %dma_start3A_233 = tpu.memref_squeeze %dma_start3A_232 : memref<1x10x2x128xi32, #tpu.memory_space<hbm>> -> memref<10x2x128xi32, #tpu.memory_space<hbm>>
        %dma_start3A_234 = arith.constant 0 : i32
        %dma_start3A_235 = arith.constant 0 : i32
        %dma_start3A_236 = tpu.memref_slice %arg3[%arg1, %add3A_50, %dma_start3A_234, %dma_start3A_235] : memref<16x160x2x128xi32, #tpu.memory_space<hbm>> -> memref<1x10x2x128xi32, #tpu.memory_space<hbm>>
        %dma_start3A_237 = tpu.memref_squeeze %dma_start3A_236 : memref<1x10x2x128xi32, #tpu.memory_space<hbm>> -> memref<10x2x128xi32, #tpu.memory_space<hbm>>
        tpu.enqueue_dma source(%dma_start3A_237 : memref<10x2x128xi32, #tpu.memory_space<hbm>>) target(%arg5 : memref<10x2x128xi32, #tpu.memory_space<vmem>>) target_semaphore(%run_scoped3A_229 : memref<!tpu.dma_semaphore, #tpu.memory_space<semaphore_mem>>)
        %dma_wait3A_238 = arith.constant 0 : i32
        %dma_wait3A_239 = arith.constant 0 : i32
        %dma_wait3A_240 = tpu.memref_slice %arg3[%arg1, %add3A_50, %dma_wait3A_238, %dma_wait3A_239] : memref<16x160x2x128xi32, #tpu.memory_space<hbm>> -> memref<1x10x2x128xi32, #tpu.memory_space<hbm>>
        %dma_wait3A_241 = tpu.memref_squeeze %dma_wait3A_240 : memref<1x10x2x128xi32, #tpu.memory_space<hbm>> -> memref<10x2x128xi32, #tpu.memory_space<hbm>>
        %dma_wait3A_242 = arith.constant 0 : i32
        %dma_wait3A_243 = arith.constant 0 : i32
        %dma_wait3A_244 = tpu.memref_slice %arg3[%arg1, %add3A_50, %dma_wait3A_242, %dma_wait3A_243] : memref<16x160x2x128xi32, #tpu.memory_space<hbm>> -> memref<1x10x2x128xi32, #tpu.memory_space<hbm>>
        %dma_wait3A_245 = tpu.memref_squeeze %dma_wait3A_244 : memref<1x10x2x128xi32, #tpu.memory_space<hbm>> -> memref<10x2x128xi32, #tpu.memory_space<hbm>>
        tpu.wait_dma2 semaphore(%run_scoped3A_229 : memref<!tpu.dma_semaphore, #tpu.memory_space<semaphore_mem>>) src(%dma_wait3A_245 : memref<10x2x128xi32, #tpu.memory_space<hbm>>) dst(%arg5 : memref<10x2x128xi32, #tpu.memory_space<vmem>>)
        tpu.yield
      }) : () -> ()
      %dma_start3A = arith.constant 0 : i32
      %dma_start3A_51 = arith.constant 0 : i32
      %dma_start3A_52 = arith.constant 0 : i32
      %dma_start3A_53 = tpu.memref_slice %arg5[%dma_start3A, %dma_start3A_51, %dma_start3A_52] : memref<10x2x128xi32, #tpu.memory_space<vmem>> -> memref<1x1x128xi32, #tpu.memory_space<vmem>>
      %dma_start3A_54 = tpu.memref_squeeze %dma_start3A_53 : memref<1x1x128xi32, #tpu.memory_space<vmem>> -> memref<128xi32, #tpu.memory_space<vmem>>
      %dma_start3A_55 = arith.constant 0 : i32
      %dma_start3A_56 = arith.constant 0 : i32
      %dma_start3A_57 = tpu.memref_slice %arg2[%dma_start3A_55, %dma_start3A_56] : memref<10112x128xf32, #tpu.memory_space<hbm>> -> memref<10112x128xf32, #tpu.memory_space<hbm>>
      tpu.enqueue_indirect_dma source(%dma_start3A_57 : memref<10112x128xf32, #tpu.memory_space<hbm>>) target(%arg6 : memref<128x128xf32, #tpu.memory_space<vmem>>) offsets(%dma_start3A_54 : memref<128xi32, #tpu.memory_space<vmem>>) semaphore(%arg8 : memref<!tpu.dma_semaphore, #tpu.memory_space<semaphore_mem>>)
      %dma_start3A_58 = arith.constant 1 : i32
      %dma_start3A_59 = arith.constant 0 : i32
      %dma_start3A_60 = arith.constant 0 : i32
      %dma_start3A_61 = tpu.memref_slice %arg5[%dma_start3A_58, %dma_start3A_59, %dma_start3A_60] : memref<10x2x128xi32, #tpu.memory_space<vmem>> -> memref<1x1x128xi32, #tpu.memory_space<vmem>>
      %dma_start3A_62 = tpu.memref_squeeze %dma_start3A_61 : memref<1x1x128xi32, #tpu.memory_space<vmem>> -> memref<128xi32, #tpu.memory_space<vmem>>
      %dma_start3A_63 = arith.constant 0 : i32
      %dma_start3A_64 = arith.constant 0 : i32
      %dma_start3A_65 = tpu.memref_slice %arg2[%dma_start3A_63, %dma_start3A_64] : memref<10112x128xf32, #tpu.memory_space<hbm>> -> memref<10112x128xf32, #tpu.memory_space<hbm>>
      tpu.enqueue_indirect_dma source(%dma_start3A_65 : memref<10112x128xf32, #tpu.memory_space<hbm>>) target(%arg7 : memref<128x128xf32, #tpu.memory_space<vmem>>) offsets(%dma_start3A_62 : memref<128xi32, #tpu.memory_space<vmem>>) semaphore(%arg9 : memref<!tpu.dma_semaphore, #tpu.memory_space<semaphore_mem>>)
      %dma_wait3A = arith.constant 0 : i32
      %dma_wait3A_66 = arith.constant 0 : i32
      %dma_wait3A_67 = arith.constant 0 : i32
      %dma_wait3A_68 = tpu.memref_slice %arg5[%dma_wait3A, %dma_wait3A_66, %dma_wait3A_67] : memref<10x2x128xi32, #tpu.memory_space<vmem>> -> memref<1x1x128xi32, #tpu.memory_space<vmem>>
      %dma_wait3A_69 = tpu.memref_squeeze %dma_wait3A_68 : memref<1x1x128xi32, #tpu.memory_space<vmem>> -> memref<128xi32, #tpu.memory_space<vmem>>
      %dma_wait3A_70 = arith.constant 0 : i32
      %dma_wait3A_71 = arith.constant 0 : i32
      %dma_wait3A_72 = tpu.memref_slice %arg2[%dma_wait3A_70, %dma_wait3A_71] : memref<10112x128xf32, #tpu.memory_space<hbm>> -> memref<10112x128xf32, #tpu.memory_space<hbm>>
      tpu.wait_indirect_dma semaphore(%arg8 : memref<!tpu.dma_semaphore, #tpu.memory_space<semaphore_mem>>) src(%dma_wait3A_72 : memref<10112x128xf32, #tpu.memory_space<hbm>>) dst(%arg6 : memref<128x128xf32, #tpu.memory_space<vmem>>)
      %run_scoped3A = arith.constant 0 : i32
      %run_scoped3A_73 = arith.constant 1 : i32
      "tpu.region"() ({
        %run_scoped3A_229 = tpu.sem_alloc : memref<!tpu.dma_semaphore, #tpu.memory_space<semaphore_mem>>
        %dma_start3A_230 = arith.constant 0 : i32
        %dma_start3A_231 = tpu.memref_slice %arg5[%run_scoped3A, %run_scoped3A_73, %dma_start3A_230] : memref<10x2x128xi32, #tpu.memory_space<vmem>> -> memref<1x1x128xi32, #tpu.memory_space<vmem>>
        %dma_start3A_232 = tpu.memref_squeeze %dma_start3A_231 : memref<1x1x128xi32, #tpu.memory_space<vmem>> -> memref<128xi32, #tpu.memory_space<vmem>>
        %dma_start3A_233 = arith.constant 0 : i32
        %dma_start3A_234 = arith.constant 0 : i32
        %dma_start3A_235 = tpu.memref_slice %arg10[%dma_start3A_233, %dma_start3A_234] : memref<10112x128xf32, #tpu.memory_space<vmem_shared>> -> memref<10112x128xf32, #tpu.memory_space<vmem_shared>>
        tpu.enqueue_indirect_dma source(%arg6 : memref<128x128xf32, #tpu.memory_space<vmem>>) target(%dma_start3A_235 : memref<10112x128xf32, #tpu.memory_space<vmem_shared>>) offsets(%dma_start3A_232 : memref<128xi32, #tpu.memory_space<vmem>>) semaphore(%run_scoped3A_229 : memref<!tpu.dma_semaphore, #tpu.memory_space<semaphore_mem>>) {add = true}
        %dma_wait3A_236 = arith.constant 0 : i32
        %dma_wait3A_237 = tpu.memref_slice %arg5[%run_scoped3A, %run_scoped3A_73, %dma_wait3A_236] : memref<10x2x128xi32, #tpu.memory_space<vmem>> -> memref<1x1x128xi32, #tpu.memory_space<vmem>>
        %dma_wait3A_238 = tpu.memref_squeeze %dma_wait3A_237 : memref<1x1x128xi32, #tpu.memory_space<vmem>> -> memref<128xi32, #tpu.memory_space<vmem>>
        %dma_wait3A_239 = arith.constant 0 : i32
        %dma_wait3A_240 = arith.constant 0 : i32
        %dma_wait3A_241 = tpu.memref_slice %arg10[%dma_wait3A_239, %dma_wait3A_240] : memref<10112x128xf32, #tpu.memory_space<vmem_shared>> -> memref<10112x128xf32, #tpu.memory_space<vmem_shared>>
        tpu.wait_indirect_dma semaphore(%run_scoped3A_229 : memref<!tpu.dma_semaphore, #tpu.memory_space<semaphore_mem>>) src(%arg6 : memref<128x128xf32, #tpu.memory_space<vmem>>) dst(%dma_wait3A_241 : memref<10112x128xf32, #tpu.memory_space<vmem_shared>>)
        tpu.yield
      }) : () -> ()
      %dma_start3A_74 = arith.constant 2 : i32
      %dma_start3A_75 = arith.constant 0 : i32
      %dma_start3A_76 = arith.constant 0 : i32
      %dma_start3A_77 = tpu.memref_slice %arg5[%dma_start3A_74, %dma_start3A_75, %dma_start3A_76] : memref<10x2x128xi32, #tpu.memory_space<vmem>> -> memref<1x1x128xi32, #tpu.memory_space<vmem>>
      %dma_start3A_78 = tpu.memref_squeeze %dma_start3A_77 : memref<1x1x128xi32, #tpu.memory_space<vmem>> -> memref<128xi32, #tpu.memory_space<vmem>>
      %dma_start3A_79 = arith.constant 0 : i32
      %dma_start3A_80 = arith.constant 0 : i32
      %dma_start3A_81 = tpu.memref_slice %arg2[%dma_start3A_79, %dma_start3A_80] : memref<10112x128xf32, #tpu.memory_space<hbm>> -> memref<10112x128xf32, #tpu.memory_space<hbm>>
      tpu.enqueue_indirect_dma source(%dma_start3A_81 : memref<10112x128xf32, #tpu.memory_space<hbm>>) target(%arg6 : memref<128x128xf32, #tpu.memory_space<vmem>>) offsets(%dma_start3A_78 : memref<128xi32, #tpu.memory_space<vmem>>) semaphore(%arg8 : memref<!tpu.dma_semaphore, #tpu.memory_space<semaphore_mem>>)
      %dma_wait3A_82 = arith.constant 1 : i32
      %dma_wait3A_83 = arith.constant 0 : i32
      %dma_wait3A_84 = arith.constant 0 : i32
      %dma_wait3A_85 = tpu.memref_slice %arg5[%dma_wait3A_82, %dma_wait3A_83, %dma_wait3A_84] : memref<10x2x128xi32, #tpu.memory_space<vmem>> -> memref<1x1x128xi32, #tpu.memory_space<vmem>>
      %dma_wait3A_86 = tpu.memref_squeeze %dma_wait3A_85 : memref<1x1x128xi32, #tpu.memory_space<vmem>> -> memref<128xi32, #tpu.memory_space<vmem>>
      %dma_wait3A_87 = arith.constant 0 : i32
      %dma_wait3A_88 = arith.constant 0 : i32
      %dma_wait3A_89 = tpu.memref_slice %arg2[%dma_wait3A_87, %dma_wait3A_88] : memref<10112x128xf32, #tpu.memory_space<hbm>> -> memref<10112x128xf32, #tpu.memory_space<hbm>>
      tpu.wait_indirect_dma semaphore(%arg9 : memref<!tpu.dma_semaphore, #tpu.memory_space<semaphore_mem>>) src(%dma_wait3A_89 : memref<10112x128xf32, #tpu.memory_space<hbm>>) dst(%arg7 : memref<128x128xf32, #tpu.memory_space<vmem>>)
      %run_scoped3A_90 = arith.constant 1 : i32
      %run_scoped3A_91 = arith.constant 1 : i32
      "tpu.region"() ({
        %run_scoped3A_229 = tpu.sem_alloc : memref<!tpu.dma_semaphore, #tpu.memory_space<semaphore_mem>>
        %dma_start3A_230 = arith.constant 0 : i32
        %dma_start3A_231 = tpu.memref_slice %arg5[%run_scoped3A_90, %run_scoped3A_91, %dma_start3A_230] : memref<10x2x128xi32, #tpu.memory_space<vmem>> -> memref<1x1x128xi32, #tpu.memory_space<vmem>>
        %dma_start3A_232 = tpu.memref_squeeze %dma_start3A_231 : memref<1x1x128xi32, #tpu.memory_space<vmem>> -> memref<128xi32, #tpu.memory_space<vmem>>
        %dma_start3A_233 = arith.constant 0 : i32
        %dma_start3A_234 = arith.constant 0 : i32
        %dma_start3A_235 = tpu.memref_slice %arg10[%dma_start3A_233, %dma_start3A_234] : memref<10112x128xf32, #tpu.memory_space<vmem_shared>> -> memref<10112x128xf32, #tpu.memory_space<vmem_shared>>
        tpu.enqueue_indirect_dma source(%arg7 : memref<128x128xf32, #tpu.memory_space<vmem>>) target(%dma_start3A_235 : memref<10112x128xf32, #tpu.memory_space<vmem_shared>>) offsets(%dma_start3A_232 : memref<128xi32, #tpu.memory_space<vmem>>) semaphore(%run_scoped3A_229 : memref<!tpu.dma_semaphore, #tpu.memory_space<semaphore_mem>>) {add = true}
        %dma_wait3A_236 = arith.constant 0 : i32
        %dma_wait3A_237 = tpu.memref_slice %arg5[%run_scoped3A_90, %run_scoped3A_91, %dma_wait3A_236] : memref<10x2x128xi32, #tpu.memory_space<vmem>> -> memref<1x1x128xi32, #tpu.memory_space<vmem>>
        %dma_wait3A_238 = tpu.memref_squeeze %dma_wait3A_237 : memref<1x1x128xi32, #tpu.memory_space<vmem>> -> memref<128xi32, #tpu.memory_space<vmem>>
        %dma_wait3A_239 = arith.constant 0 : i32
        %dma_wait3A_240 = arith.constant 0 : i32
        %dma_wait3A_241 = tpu.memref_slice %arg10[%dma_wait3A_239, %dma_wait3A_240] : memref<10112x128xf32, #tpu.memory_space<vmem_shared>> -> memref<10112x128xf32, #tpu.memory_space<vmem_shared>>
        tpu.wait_indirect_dma semaphore(%run_scoped3A_229 : memref<!tpu.dma_semaphore, #tpu.memory_space<semaphore_mem>>) src(%arg7 : memref<128x128xf32, #tpu.memory_space<vmem>>) dst(%dma_wait3A_241 : memref<10112x128xf32, #tpu.memory_space<vmem_shared>>)
        tpu.yield
      }) : () -> ()
      %dma_start3A_92 = arith.constant 3 : i32
      %dma_start3A_93 = arith.constant 0 : i32
      %dma_start3A_94 = arith.constant 0 : i32
      %dma_start3A_95 = tpu.memref_slice %arg5[%dma_start3A_92, %dma_start3A_93, %dma_start3A_94] : memref<10x2x128xi32, #tpu.memory_space<vmem>> -> memref<1x1x128xi32, #tpu.memory_space<vmem>>
      %dma_start3A_96 = tpu.memref_squeeze %dma_start3A_95 : memref<1x1x128xi32, #tpu.memory_space<vmem>> -> memref<128xi32, #tpu.memory_space<vmem>>
      %dma_start3A_97 = arith.constant 0 : i32
      %dma_start3A_98 = arith.constant 0 : i32
      %dma_start3A_99 = tpu.memref_slice %arg2[%dma_start3A_97, %dma_start3A_98] : memref<10112x128xf32, #tpu.memory_space<hbm>> -> memref<10112x128xf32, #tpu.memory_space<hbm>>
      tpu.enqueue_indirect_dma source(%dma_start3A_99 : memref<10112x128xf32, #tpu.memory_space<hbm>>) target(%arg7 : memref<128x128xf32, #tpu.memory_space<vmem>>) offsets(%dma_start3A_96 : memref<128xi32, #tpu.memory_space<vmem>>) semaphore(%arg9 : memref<!tpu.dma_semaphore, #tpu.memory_space<semaphore_mem>>)
      %dma_wait3A_100 = arith.constant 2 : i32
      %dma_wait3A_101 = arith.constant 0 : i32
      %dma_wait3A_102 = arith.constant 0 : i32
      %dma_wait3A_103 = tpu.memref_slice %arg5[%dma_wait3A_100, %dma_wait3A_101, %dma_wait3A_102] : memref<10x2x128xi32, #tpu.memory_space<vmem>> -> memref<1x1x128xi32, #tpu.memory_space<vmem>>
      %dma_wait3A_104 = tpu.memref_squeeze %dma_wait3A_103 : memref<1x1x128xi32, #tpu.memory_space<vmem>> -> memref<128xi32, #tpu.memory_space<vmem>>
      %dma_wait3A_105 = arith.constant 0 : i32
      %dma_wait3A_106 = arith.constant 0 : i32
      %dma_wait3A_107 = tpu.memref_slice %arg2[%dma_wait3A_105, %dma_wait3A_106] : memref<10112x128xf32, #tpu.memory_space<hbm>> -> memref<10112x128xf32, #tpu.memory_space<hbm>>
      tpu.wait_indirect_dma semaphore(%arg8 : memref<!tpu.dma_semaphore, #tpu.memory_space<semaphore_mem>>) src(%dma_wait3A_107 : memref<10112x128xf32, #tpu.memory_space<hbm>>) dst(%arg6 : memref<128x128xf32, #tpu.memory_space<vmem>>)
      %run_scoped3A_108 = arith.constant 2 : i32
      %run_scoped3A_109 = arith.constant 1 : i32
      "tpu.region"() ({
        %run_scoped3A_229 = tpu.sem_alloc : memref<!tpu.dma_semaphore, #tpu.memory_space<semaphore_mem>>
        %dma_start3A_230 = arith.constant 0 : i32
        %dma_start3A_231 = tpu.memref_slice %arg5[%run_scoped3A_108, %run_scoped3A_109, %dma_start3A_230] : memref<10x2x128xi32, #tpu.memory_space<vmem>> -> memref<1x1x128xi32, #tpu.memory_space<vmem>>
        %dma_start3A_232 = tpu.memref_squeeze %dma_start3A_231 : memref<1x1x128xi32, #tpu.memory_space<vmem>> -> memref<128xi32, #tpu.memory_space<vmem>>
        %dma_start3A_233 = arith.constant 0 : i32
        %dma_start3A_234 = arith.constant 0 : i32
        %dma_start3A_235 = tpu.memref_slice %arg10[%dma_start3A_233, %dma_start3A_234] : memref<10112x128xf32, #tpu.memory_space<vmem_shared>> -> memref<10112x128xf32, #tpu.memory_space<vmem_shared>>
        tpu.enqueue_indirect_dma source(%arg6 : memref<128x128xf32, #tpu.memory_space<vmem>>) target(%dma_start3A_235 : memref<10112x128xf32, #tpu.memory_space<vmem_shared>>) offsets(%dma_start3A_232 : memref<128xi32, #tpu.memory_space<vmem>>) semaphore(%run_scoped3A_229 : memref<!tpu.dma_semaphore, #tpu.memory_space<semaphore_mem>>) {add = true}
        %dma_wait3A_236 = arith.constant 0 : i32
        %dma_wait3A_237 = tpu.memref_slice %arg5[%run_scoped3A_108, %run_scoped3A_109, %dma_wait3A_236] : memref<10x2x128xi32, #tpu.memory_space<vmem>> -> memref<1x1x128xi32, #tpu.memory_space<vmem>>
        %dma_wait3A_238 = tpu.memref_squeeze %dma_wait3A_237 : memref<1x1x128xi32, #tpu.memory_space<vmem>> -> memref<128xi32, #tpu.memory_space<vmem>>
        %dma_wait3A_239 = arith.constant 0 : i32
        %dma_wait3A_240 = arith.constant 0 : i32
        %dma_wait3A_241 = tpu.memref_slice %arg10[%dma_wait3A_239, %dma_wait3A_240] : memref<10112x128xf32, #tpu.memory_space<vmem_shared>> -> memref<10112x128xf32, #tpu.memory_space<vmem_shared>>
        tpu.wait_indirect_dma semaphore(%run_scoped3A_229 : memref<!tpu.dma_semaphore, #tpu.memory_space<semaphore_mem>>) src(%arg6 : memref<128x128xf32, #tpu.memory_space<vmem>>) dst(%dma_wait3A_241 : memref<10112x128xf32, #tpu.memory_space<vmem_shared>>)
        tpu.yield
      }) : () -> ()
      %dma_start3A_110 = arith.constant 4 : i32
      %dma_start3A_111 = arith.constant 0 : i32
      %dma_start3A_112 = arith.constant 0 : i32
      %dma_start3A_113 = tpu.memref_slice %arg5[%dma_start3A_110, %dma_start3A_111, %dma_start3A_112] : memref<10x2x128xi32, #tpu.memory_space<vmem>> -> memref<1x1x128xi32, #tpu.memory_space<vmem>>
      %dma_start3A_114 = tpu.memref_squeeze %dma_start3A_113 : memref<1x1x128xi32, #tpu.memory_space<vmem>> -> memref<128xi32, #tpu.memory_space<vmem>>
      %dma_start3A_115 = arith.constant 0 : i32
      %dma_start3A_116 = arith.constant 0 : i32
      %dma_start3A_117 = tpu.memref_slice %arg2[%dma_start3A_115, %dma_start3A_116] : memref<10112x128xf32, #tpu.memory_space<hbm>> -> memref<10112x128xf32, #tpu.memory_space<hbm>>
      tpu.enqueue_indirect_dma source(%dma_start3A_117 : memref<10112x128xf32, #tpu.memory_space<hbm>>) target(%arg6 : memref<128x128xf32, #tpu.memory_space<vmem>>) offsets(%dma_start3A_114 : memref<128xi32, #tpu.memory_space<vmem>>) semaphore(%arg8 : memref<!tpu.dma_semaphore, #tpu.memory_space<semaphore_mem>>)
      %dma_wait3A_118 = arith.constant 3 : i32
      %dma_wait3A_119 = arith.constant 0 : i32
      %dma_wait3A_120 = arith.constant 0 : i32
      %dma_wait3A_121 = tpu.memref_slice %arg5[%dma_wait3A_118, %dma_wait3A_119, %dma_wait3A_120] : memref<10x2x128xi32, #tpu.memory_space<vmem>> -> memref<1x1x128xi32, #tpu.memory_space<vmem>>
      %dma_wait3A_122 = tpu.memref_squeeze %dma_wait3A_121 : memref<1x1x128xi32, #tpu.memory_space<vmem>> -> memref<128xi32, #tpu.memory_space<vmem>>
      %dma_wait3A_123 = arith.constant 0 : i32
      %dma_wait3A_124 = arith.constant 0 : i32
      %dma_wait3A_125 = tpu.memref_slice %arg2[%dma_wait3A_123, %dma_wait3A_124] : memref<10112x128xf32, #tpu.memory_space<hbm>> -> memref<10112x128xf32, #tpu.memory_space<hbm>>
      tpu.wait_indirect_dma semaphore(%arg9 : memref<!tpu.dma_semaphore, #tpu.memory_space<semaphore_mem>>) src(%dma_wait3A_125 : memref<10112x128xf32, #tpu.memory_space<hbm>>) dst(%arg7 : memref<128x128xf32, #tpu.memory_space<vmem>>)
      %run_scoped3A_126 = arith.constant 3 : i32
      %run_scoped3A_127 = arith.constant 1 : i32
      "tpu.region"() ({
        %run_scoped3A_229 = tpu.sem_alloc : memref<!tpu.dma_semaphore, #tpu.memory_space<semaphore_mem>>
        %dma_start3A_230 = arith.constant 0 : i32
        %dma_start3A_231 = tpu.memref_slice %arg5[%run_scoped3A_126, %run_scoped3A_127, %dma_start3A_230] : memref<10x2x128xi32, #tpu.memory_space<vmem>> -> memref<1x1x128xi32, #tpu.memory_space<vmem>>
        %dma_start3A_232 = tpu.memref_squeeze %dma_start3A_231 : memref<1x1x128xi32, #tpu.memory_space<vmem>> -> memref<128xi32, #tpu.memory_space<vmem>>
        %dma_start3A_233 = arith.constant 0 : i32
        %dma_start3A_234 = arith.constant 0 : i32
        %dma_start3A_235 = tpu.memref_slice %arg10[%dma_start3A_233, %dma_start3A_234] : memref<10112x128xf32, #tpu.memory_space<vmem_shared>> -> memref<10112x128xf32, #tpu.memory_space<vmem_shared>>
        tpu.enqueue_indirect_dma source(%arg7 : memref<128x128xf32, #tpu.memory_space<vmem>>) target(%dma_start3A_235 : memref<10112x128xf32, #tpu.memory_space<vmem_shared>>) offsets(%dma_start3A_232 : memref<128xi32, #tpu.memory_space<vmem>>) semaphore(%run_scoped3A_229 : memref<!tpu.dma_semaphore, #tpu.memory_space<semaphore_mem>>) {add = true}
        %dma_wait3A_236 = arith.constant 0 : i32
        %dma_wait3A_237 = tpu.memref_slice %arg5[%run_scoped3A_126, %run_scoped3A_127, %dma_wait3A_236] : memref<10x2x128xi32, #tpu.memory_space<vmem>> -> memref<1x1x128xi32, #tpu.memory_space<vmem>>
        %dma_wait3A_238 = tpu.memref_squeeze %dma_wait3A_237 : memref<1x1x128xi32, #tpu.memory_space<vmem>> -> memref<128xi32, #tpu.memory_space<vmem>>
        %dma_wait3A_239 = arith.constant 0 : i32
        %dma_wait3A_240 = arith.constant 0 : i32
        %dma_wait3A_241 = tpu.memref_slice %arg10[%dma_wait3A_239, %dma_wait3A_240] : memref<10112x128xf32, #tpu.memory_space<vmem_shared>> -> memref<10112x128xf32, #tpu.memory_space<vmem_shared>>
        tpu.wait_indirect_dma semaphore(%run_scoped3A_229 : memref<!tpu.dma_semaphore, #tpu.memory_space<semaphore_mem>>) src(%arg7 : memref<128x128xf32, #tpu.memory_space<vmem>>) dst(%dma_wait3A_241 : memref<10112x128xf32, #tpu.memory_space<vmem_shared>>)
        tpu.yield
      }) : () -> ()
      %dma_start3A_128 = arith.constant 5 : i32
      %dma_start3A_129 = arith.constant 0 : i32
      %dma_start3A_130 = arith.constant 0 : i32
      %dma_start3A_131 = tpu.memref_slice %arg5[%dma_start3A_128, %dma_start3A_129, %dma_start3A_130] : memref<10x2x128xi32, #tpu.memory_space<vmem>> -> memref<1x1x128xi32, #tpu.memory_space<vmem>>
      %dma_start3A_132 = tpu.memref_squeeze %dma_start3A_131 : memref<1x1x128xi32, #tpu.memory_space<vmem>> -> memref<128xi32, #tpu.memory_space<vmem>>
      %dma_start3A_133 = arith.constant 0 : i32
      %dma_start3A_134 = arith.constant 0 : i32
      %dma_start3A_135 = tpu.memref_slice %arg2[%dma_start3A_133, %dma_start3A_134] : memref<10112x128xf32, #tpu.memory_space<hbm>> -> memref<10112x128xf32, #tpu.memory_space<hbm>>
      tpu.enqueue_indirect_dma source(%dma_start3A_135 : memref<10112x128xf32, #tpu.memory_space<hbm>>) target(%arg7 : memref<128x128xf32, #tpu.memory_space<vmem>>) offsets(%dma_start3A_132 : memref<128xi32, #tpu.memory_space<vmem>>) semaphore(%arg9 : memref<!tpu.dma_semaphore, #tpu.memory_space<semaphore_mem>>)
      %dma_wait3A_136 = arith.constant 4 : i32
      %dma_wait3A_137 = arith.constant 0 : i32
      %dma_wait3A_138 = arith.constant 0 : i32
      %dma_wait3A_139 = tpu.memref_slice %arg5[%dma_wait3A_136, %dma_wait3A_137, %dma_wait3A_138] : memref<10x2x128xi32, #tpu.memory_space<vmem>> -> memref<1x1x128xi32, #tpu.memory_space<vmem>>
      %dma_wait3A_140 = tpu.memref_squeeze %dma_wait3A_139 : memref<1x1x128xi32, #tpu.memory_space<vmem>> -> memref<128xi32, #tpu.memory_space<vmem>>
      %dma_wait3A_141 = arith.constant 0 : i32
      %dma_wait3A_142 = arith.constant 0 : i32
      %dma_wait3A_143 = tpu.memref_slice %arg2[%dma_wait3A_141, %dma_wait3A_142] : memref<10112x128xf32, #tpu.memory_space<hbm>> -> memref<10112x128xf32, #tpu.memory_space<hbm>>
      tpu.wait_indirect_dma semaphore(%arg8 : memref<!tpu.dma_semaphore, #tpu.memory_space<semaphore_mem>>) src(%dma_wait3A_143 : memref<10112x128xf32, #tpu.memory_space<hbm>>) dst(%arg6 : memref<128x128xf32, #tpu.memory_space<vmem>>)
      %run_scoped3A_144 = arith.constant 4 : i32
      %run_scoped3A_145 = arith.constant 1 : i32
      "tpu.region"() ({
        %run_scoped3A_229 = tpu.sem_alloc : memref<!tpu.dma_semaphore, #tpu.memory_space<semaphore_mem>>
        %dma_start3A_230 = arith.constant 0 : i32
        %dma_start3A_231 = tpu.memref_slice %arg5[%run_scoped3A_144, %run_scoped3A_145, %dma_start3A_230] : memref<10x2x128xi32, #tpu.memory_space<vmem>> -> memref<1x1x128xi32, #tpu.memory_space<vmem>>
        %dma_start3A_232 = tpu.memref_squeeze %dma_start3A_231 : memref<1x1x128xi32, #tpu.memory_space<vmem>> -> memref<128xi32, #tpu.memory_space<vmem>>
        %dma_start3A_233 = arith.constant 0 : i32
        %dma_start3A_234 = arith.constant 0 : i32
        %dma_start3A_235 = tpu.memref_slice %arg10[%dma_start3A_233, %dma_start3A_234] : memref<10112x128xf32, #tpu.memory_space<vmem_shared>> -> memref<10112x128xf32, #tpu.memory_space<vmem_shared>>
        tpu.enqueue_indirect_dma source(%arg6 : memref<128x128xf32, #tpu.memory_space<vmem>>) target(%dma_start3A_235 : memref<10112x128xf32, #tpu.memory_space<vmem_shared>>) offsets(%dma_start3A_232 : memref<128xi32, #tpu.memory_space<vmem>>) semaphore(%run_scoped3A_229 : memref<!tpu.dma_semaphore, #tpu.memory_space<semaphore_mem>>) {add = true}
        %dma_wait3A_236 = arith.constant 0 : i32
        %dma_wait3A_237 = tpu.memref_slice %arg5[%run_scoped3A_144, %run_scoped3A_145, %dma_wait3A_236] : memref<10x2x128xi32, #tpu.memory_space<vmem>> -> memref<1x1x128xi32, #tpu.memory_space<vmem>>
        %dma_wait3A_238 = tpu.memref_squeeze %dma_wait3A_237 : memref<1x1x128xi32, #tpu.memory_space<vmem>> -> memref<128xi32, #tpu.memory_space<vmem>>
        %dma_wait3A_239 = arith.constant 0 : i32
        %dma_wait3A_240 = arith.constant 0 : i32
        %dma_wait3A_241 = tpu.memref_slice %arg10[%dma_wait3A_239, %dma_wait3A_240] : memref<10112x128xf32, #tpu.memory_space<vmem_shared>> -> memref<10112x128xf32, #tpu.memory_space<vmem_shared>>
        tpu.wait_indirect_dma semaphore(%run_scoped3A_229 : memref<!tpu.dma_semaphore, #tpu.memory_space<semaphore_mem>>) src(%arg6 : memref<128x128xf32, #tpu.memory_space<vmem>>) dst(%dma_wait3A_241 : memref<10112x128xf32, #tpu.memory_space<vmem_shared>>)
        tpu.yield
      }) : () -> ()
      %dma_start3A_146 = arith.constant 6 : i32
      %dma_start3A_147 = arith.constant 0 : i32
      %dma_start3A_148 = arith.constant 0 : i32
      %dma_start3A_149 = tpu.memref_slice %arg5[%dma_start3A_146, %dma_start3A_147, %dma_start3A_148] : memref<10x2x128xi32, #tpu.memory_space<vmem>> -> memref<1x1x128xi32, #tpu.memory_space<vmem>>
      %dma_start3A_150 = tpu.memref_squeeze %dma_start3A_149 : memref<1x1x128xi32, #tpu.memory_space<vmem>> -> memref<128xi32, #tpu.memory_space<vmem>>
      %dma_start3A_151 = arith.constant 0 : i32
      %dma_start3A_152 = arith.constant 0 : i32
      %dma_start3A_153 = tpu.memref_slice %arg2[%dma_start3A_151, %dma_start3A_152] : memref<10112x128xf32, #tpu.memory_space<hbm>> -> memref<10112x128xf32, #tpu.memory_space<hbm>>
      tpu.enqueue_indirect_dma source(%dma_start3A_153 : memref<10112x128xf32, #tpu.memory_space<hbm>>) target(%arg6 : memref<128x128xf32, #tpu.memory_space<vmem>>) offsets(%dma_start3A_150 : memref<128xi32, #tpu.memory_space<vmem>>) semaphore(%arg8 : memref<!tpu.dma_semaphore, #tpu.memory_space<semaphore_mem>>)
      %dma_wait3A_154 = arith.constant 5 : i32
      %dma_wait3A_155 = arith.constant 0 : i32
      %dma_wait3A_156 = arith.constant 0 : i32
      %dma_wait3A_157 = tpu.memref_slice %arg5[%dma_wait3A_154, %dma_wait3A_155, %dma_wait3A_156] : memref<10x2x128xi32, #tpu.memory_space<vmem>> -> memref<1x1x128xi32, #tpu.memory_space<vmem>>
      %dma_wait3A_158 = tpu.memref_squeeze %dma_wait3A_157 : memref<1x1x128xi32, #tpu.memory_space<vmem>> -> memref<128xi32, #tpu.memory_space<vmem>>
      %dma_wait3A_159 = arith.constant 0 : i32
      %dma_wait3A_160 = arith.constant 0 : i32
      %dma_wait3A_161 = tpu.memref_slice %arg2[%dma_wait3A_159, %dma_wait3A_160] : memref<10112x128xf32, #tpu.memory_space<hbm>> -> memref<10112x128xf32, #tpu.memory_space<hbm>>
      tpu.wait_indirect_dma semaphore(%arg9 : memref<!tpu.dma_semaphore, #tpu.memory_space<semaphore_mem>>) src(%dma_wait3A_161 : memref<10112x128xf32, #tpu.memory_space<hbm>>) dst(%arg7 : memref<128x128xf32, #tpu.memory_space<vmem>>)
      %run_scoped3A_162 = arith.constant 5 : i32
      %run_scoped3A_163 = arith.constant 1 : i32
      "tpu.region"() ({
        %run_scoped3A_229 = tpu.sem_alloc : memref<!tpu.dma_semaphore, #tpu.memory_space<semaphore_mem>>
        %dma_start3A_230 = arith.constant 0 : i32
        %dma_start3A_231 = tpu.memref_slice %arg5[%run_scoped3A_162, %run_scoped3A_163, %dma_start3A_230] : memref<10x2x128xi32, #tpu.memory_space<vmem>> -> memref<1x1x128xi32, #tpu.memory_space<vmem>>
        %dma_start3A_232 = tpu.memref_squeeze %dma_start3A_231 : memref<1x1x128xi32, #tpu.memory_space<vmem>> -> memref<128xi32, #tpu.memory_space<vmem>>
        %dma_start3A_233 = arith.constant 0 : i32
        %dma_start3A_234 = arith.constant 0 : i32
        %dma_start3A_235 = tpu.memref_slice %arg10[%dma_start3A_233, %dma_start3A_234] : memref<10112x128xf32, #tpu.memory_space<vmem_shared>> -> memref<10112x128xf32, #tpu.memory_space<vmem_shared>>
        tpu.enqueue_indirect_dma source(%arg7 : memref<128x128xf32, #tpu.memory_space<vmem>>) target(%dma_start3A_235 : memref<10112x128xf32, #tpu.memory_space<vmem_shared>>) offsets(%dma_start3A_232 : memref<128xi32, #tpu.memory_space<vmem>>) semaphore(%run_scoped3A_229 : memref<!tpu.dma_semaphore, #tpu.memory_space<semaphore_mem>>) {add = true}
        %dma_wait3A_236 = arith.constant 0 : i32
        %dma_wait3A_237 = tpu.memref_slice %arg5[%run_scoped3A_162, %run_scoped3A_163, %dma_wait3A_236] : memref<10x2x128xi32, #tpu.memory_space<vmem>> -> memref<1x1x128xi32, #tpu.memory_space<vmem>>
        %dma_wait3A_238 = tpu.memref_squeeze %dma_wait3A_237 : memref<1x1x128xi32, #tpu.memory_space<vmem>> -> memref<128xi32, #tpu.memory_space<vmem>>
        %dma_wait3A_239 = arith.constant 0 : i32
        %dma_wait3A_240 = arith.constant 0 : i32
        %dma_wait3A_241 = tpu.memref_slice %arg10[%dma_wait3A_239, %dma_wait3A_240] : memref<10112x128xf32, #tpu.memory_space<vmem_shared>> -> memref<10112x128xf32, #tpu.memory_space<vmem_shared>>
        tpu.wait_indirect_dma semaphore(%run_scoped3A_229 : memref<!tpu.dma_semaphore, #tpu.memory_space<semaphore_mem>>) src(%arg7 : memref<128x128xf32, #tpu.memory_space<vmem>>) dst(%dma_wait3A_241 : memref<10112x128xf32, #tpu.memory_space<vmem_shared>>)
        tpu.yield
      }) : () -> ()
      %dma_start3A_164 = arith.constant 7 : i32
      %dma_start3A_165 = arith.constant 0 : i32
      %dma_start3A_166 = arith.constant 0 : i32
      %dma_start3A_167 = tpu.memref_slice %arg5[%dma_start3A_164, %dma_start3A_165, %dma_start3A_166] : memref<10x2x128xi32, #tpu.memory_space<vmem>> -> memref<1x1x128xi32, #tpu.memory_space<vmem>>
      %dma_start3A_168 = tpu.memref_squeeze %dma_start3A_167 : memref<1x1x128xi32, #tpu.memory_space<vmem>> -> memref<128xi32, #tpu.memory_space<vmem>>
      %dma_start3A_169 = arith.constant 0 : i32
      %dma_start3A_170 = arith.constant 0 : i32
      %dma_start3A_171 = tpu.memref_slice %arg2[%dma_start3A_169, %dma_start3A_170] : memref<10112x128xf32, #tpu.memory_space<hbm>> -> memref<10112x128xf32, #tpu.memory_space<hbm>>
      tpu.enqueue_indirect_dma source(%dma_start3A_171 : memref<10112x128xf32, #tpu.memory_space<hbm>>) target(%arg7 : memref<128x128xf32, #tpu.memory_space<vmem>>) offsets(%dma_start3A_168 : memref<128xi32, #tpu.memory_space<vmem>>) semaphore(%arg9 : memref<!tpu.dma_semaphore, #tpu.memory_space<semaphore_mem>>)
      %dma_wait3A_172 = arith.constant 6 : i32
      %dma_wait3A_173 = arith.constant 0 : i32
      %dma_wait3A_174 = arith.constant 0 : i32
      %dma_wait3A_175 = tpu.memref_slice %arg5[%dma_wait3A_172, %dma_wait3A_173, %dma_wait3A_174] : memref<10x2x128xi32, #tpu.memory_space<vmem>> -> memref<1x1x128xi32, #tpu.memory_space<vmem>>
      %dma_wait3A_176 = tpu.memref_squeeze %dma_wait3A_175 : memref<1x1x128xi32, #tpu.memory_space<vmem>> -> memref<128xi32, #tpu.memory_space<vmem>>
      %dma_wait3A_177 = arith.constant 0 : i32
      %dma_wait3A_178 = arith.constant 0 : i32
      %dma_wait3A_179 = tpu.memref_slice %arg2[%dma_wait3A_177, %dma_wait3A_178] : memref<10112x128xf32, #tpu.memory_space<hbm>> -> memref<10112x128xf32, #tpu.memory_space<hbm>>
      tpu.wait_indirect_dma semaphore(%arg8 : memref<!tpu.dma_semaphore, #tpu.memory_space<semaphore_mem>>) src(%dma_wait3A_179 : memref<10112x128xf32, #tpu.memory_space<hbm>>) dst(%arg6 : memref<128x128xf32, #tpu.memory_space<vmem>>)
      %run_scoped3A_180 = arith.constant 6 : i32
      %run_scoped3A_181 = arith.constant 1 : i32
      "tpu.region"() ({
        %run_scoped3A_229 = tpu.sem_alloc : memref<!tpu.dma_semaphore, #tpu.memory_space<semaphore_mem>>
        %dma_start3A_230 = arith.constant 0 : i32
        %dma_start3A_231 = tpu.memref_slice %arg5[%run_scoped3A_180, %run_scoped3A_181, %dma_start3A_230] : memref<10x2x128xi32, #tpu.memory_space<vmem>> -> memref<1x1x128xi32, #tpu.memory_space<vmem>>
        %dma_start3A_232 = tpu.memref_squeeze %dma_start3A_231 : memref<1x1x128xi32, #tpu.memory_space<vmem>> -> memref<128xi32, #tpu.memory_space<vmem>>
        %dma_start3A_233 = arith.constant 0 : i32
        %dma_start3A_234 = arith.constant 0 : i32
        %dma_start3A_235 = tpu.memref_slice %arg10[%dma_start3A_233, %dma_start3A_234] : memref<10112x128xf32, #tpu.memory_space<vmem_shared>> -> memref<10112x128xf32, #tpu.memory_space<vmem_shared>>
        tpu.enqueue_indirect_dma source(%arg6 : memref<128x128xf32, #tpu.memory_space<vmem>>) target(%dma_start3A_235 : memref<10112x128xf32, #tpu.memory_space<vmem_shared>>) offsets(%dma_start3A_232 : memref<128xi32, #tpu.memory_space<vmem>>) semaphore(%run_scoped3A_229 : memref<!tpu.dma_semaphore, #tpu.memory_space<semaphore_mem>>) {add = true}
        %dma_wait3A_236 = arith.constant 0 : i32
        %dma_wait3A_237 = tpu.memref_slice %arg5[%run_scoped3A_180, %run_scoped3A_181, %dma_wait3A_236] : memref<10x2x128xi32, #tpu.memory_space<vmem>> -> memref<1x1x128xi32, #tpu.memory_space<vmem>>
        %dma_wait3A_238 = tpu.memref_squeeze %dma_wait3A_237 : memref<1x1x128xi32, #tpu.memory_space<vmem>> -> memref<128xi32, #tpu.memory_space<vmem>>
        %dma_wait3A_239 = arith.constant 0 : i32
        %dma_wait3A_240 = arith.constant 0 : i32
        %dma_wait3A_241 = tpu.memref_slice %arg10[%dma_wait3A_239, %dma_wait3A_240] : memref<10112x128xf32, #tpu.memory_space<vmem_shared>> -> memref<10112x128xf32, #tpu.memory_space<vmem_shared>>
        tpu.wait_indirect_dma semaphore(%run_scoped3A_229 : memref<!tpu.dma_semaphore, #tpu.memory_space<semaphore_mem>>) src(%arg6 : memref<128x128xf32, #tpu.memory_space<vmem>>) dst(%dma_wait3A_241 : memref<10112x128xf32, #tpu.memory_space<vmem_shared>>)
        tpu.yield
      }) : () -> ()
      %dma_start3A_182 = arith.constant 8 : i32
      %dma_start3A_183 = arith.constant 0 : i32
      %dma_start3A_184 = arith.constant 0 : i32
      %dma_start3A_185 = tpu.memref_slice %arg5[%dma_start3A_182, %dma_start3A_183, %dma_start3A_184] : memref<10x2x128xi32, #tpu.memory_space<vmem>> -> memref<1x1x128xi32, #tpu.memory_space<vmem>>
      %dma_start3A_186 = tpu.memref_squeeze %dma_start3A_185 : memref<1x1x128xi32, #tpu.memory_space<vmem>> -> memref<128xi32, #tpu.memory_space<vmem>>
      %dma_start3A_187 = arith.constant 0 : i32
      %dma_start3A_188 = arith.constant 0 : i32
      %dma_start3A_189 = tpu.memref_slice %arg2[%dma_start3A_187, %dma_start3A_188] : memref<10112x128xf32, #tpu.memory_space<hbm>> -> memref<10112x128xf32, #tpu.memory_space<hbm>>
      tpu.enqueue_indirect_dma source(%dma_start3A_189 : memref<10112x128xf32, #tpu.memory_space<hbm>>) target(%arg6 : memref<128x128xf32, #tpu.memory_space<vmem>>) offsets(%dma_start3A_186 : memref<128xi32, #tpu.memory_space<vmem>>) semaphore(%arg8 : memref<!tpu.dma_semaphore, #tpu.memory_space<semaphore_mem>>)
      %dma_wait3A_190 = arith.constant 7 : i32
      %dma_wait3A_191 = arith.constant 0 : i32
      %dma_wait3A_192 = arith.constant 0 : i32
      %dma_wait3A_193 = tpu.memref_slice %arg5[%dma_wait3A_190, %dma_wait3A_191, %dma_wait3A_192] : memref<10x2x128xi32, #tpu.memory_space<vmem>> -> memref<1x1x128xi32, #tpu.memory_space<vmem>>
      %dma_wait3A_194 = tpu.memref_squeeze %dma_wait3A_193 : memref<1x1x128xi32, #tpu.memory_space<vmem>> -> memref<128xi32, #tpu.memory_space<vmem>>
      %dma_wait3A_195 = arith.constant 0 : i32
      %dma_wait3A_196 = arith.constant 0 : i32
      %dma_wait3A_197 = tpu.memref_slice %arg2[%dma_wait3A_195, %dma_wait3A_196] : memref<10112x128xf32, #tpu.memory_space<hbm>> -> memref<10112x128xf32, #tpu.memory_space<hbm>>
      tpu.wait_indirect_dma semaphore(%arg9 : memref<!tpu.dma_semaphore, #tpu.memory_space<semaphore_mem>>) src(%dma_wait3A_197 : memref<10112x128xf32, #tpu.memory_space<hbm>>) dst(%arg7 : memref<128x128xf32, #tpu.memory_space<vmem>>)
      %run_scoped3A_198 = arith.constant 7 : i32
      %run_scoped3A_199 = arith.constant 1 : i32
      "tpu.region"() ({
        %run_scoped3A_229 = tpu.sem_alloc : memref<!tpu.dma_semaphore, #tpu.memory_space<semaphore_mem>>
        %dma_start3A_230 = arith.constant 0 : i32
        %dma_start3A_231 = tpu.memref_slice %arg5[%run_scoped3A_198, %run_scoped3A_199, %dma_start3A_230] : memref<10x2x128xi32, #tpu.memory_space<vmem>> -> memref<1x1x128xi32, #tpu.memory_space<vmem>>
        %dma_start3A_232 = tpu.memref_squeeze %dma_start3A_231 : memref<1x1x128xi32, #tpu.memory_space<vmem>> -> memref<128xi32, #tpu.memory_space<vmem>>
        %dma_start3A_233 = arith.constant 0 : i32
        %dma_start3A_234 = arith.constant 0 : i32
        %dma_start3A_235 = tpu.memref_slice %arg10[%dma_start3A_233, %dma_start3A_234] : memref<10112x128xf32, #tpu.memory_space<vmem_shared>> -> memref<10112x128xf32, #tpu.memory_space<vmem_shared>>
        tpu.enqueue_indirect_dma source(%arg7 : memref<128x128xf32, #tpu.memory_space<vmem>>) target(%dma_start3A_235 : memref<10112x128xf32, #tpu.memory_space<vmem_shared>>) offsets(%dma_start3A_232 : memref<128xi32, #tpu.memory_space<vmem>>) semaphore(%run_scoped3A_229 : memref<!tpu.dma_semaphore, #tpu.memory_space<semaphore_mem>>) {add = true}
        %dma_wait3A_236 = arith.constant 0 : i32
        %dma_wait3A_237 = tpu.memref_slice %arg5[%run_scoped3A_198, %run_scoped3A_199, %dma_wait3A_236] : memref<10x2x128xi32, #tpu.memory_space<vmem>> -> memref<1x1x128xi32, #tpu.memory_space<vmem>>
        %dma_wait3A_238 = tpu.memref_squeeze %dma_wait3A_237 : memref<1x1x128xi32, #tpu.memory_space<vmem>> -> memref<128xi32, #tpu.memory_space<vmem>>
        %dma_wait3A_239 = arith.constant 0 : i32
        %dma_wait3A_240 = arith.constant 0 : i32
        %dma_wait3A_241 = tpu.memref_slice %arg10[%dma_wait3A_239, %dma_wait3A_240] : memref<10112x128xf32, #tpu.memory_space<vmem_shared>> -> memref<10112x128xf32, #tpu.memory_space<vmem_shared>>
        tpu.wait_indirect_dma semaphore(%run_scoped3A_229 : memref<!tpu.dma_semaphore, #tpu.memory_space<semaphore_mem>>) src(%arg7 : memref<128x128xf32, #tpu.memory_space<vmem>>) dst(%dma_wait3A_241 : memref<10112x128xf32, #tpu.memory_space<vmem_shared>>)
        tpu.yield
      }) : () -> ()
      %dma_start3A_200 = arith.constant 9 : i32
      %dma_start3A_201 = arith.constant 0 : i32
      %dma_start3A_202 = arith.constant 0 : i32
      %dma_start3A_203 = tpu.memref_slice %arg5[%dma_start3A_200, %dma_start3A_201, %dma_start3A_202] : memref<10x2x128xi32, #tpu.memory_space<vmem>> -> memref<1x1x128xi32, #tpu.memory_space<vmem>>
      %dma_start3A_204 = tpu.memref_squeeze %dma_start3A_203 : memref<1x1x128xi32, #tpu.memory_space<vmem>> -> memref<128xi32, #tpu.memory_space<vmem>>
      %dma_start3A_205 = arith.constant 0 : i32
      %dma_start3A_206 = arith.constant 0 : i32
      %dma_start3A_207 = tpu.memref_slice %arg2[%dma_start3A_205, %dma_start3A_206] : memref<10112x128xf32, #tpu.memory_space<hbm>> -> memref<10112x128xf32, #tpu.memory_space<hbm>>
      tpu.enqueue_indirect_dma source(%dma_start3A_207 : memref<10112x128xf32, #tpu.memory_space<hbm>>) target(%arg7 : memref<128x128xf32, #tpu.memory_space<vmem>>) offsets(%dma_start3A_204 : memref<128xi32, #tpu.memory_space<vmem>>) semaphore(%arg9 : memref<!tpu.dma_semaphore, #tpu.memory_space<semaphore_mem>>)
      %dma_wait3A_208 = arith.constant 8 : i32
      %dma_wait3A_209 = arith.constant 0 : i32
      %dma_wait3A_210 = arith.constant 0 : i32
      %dma_wait3A_211 = tpu.memref_slice %arg5[%dma_wait3A_208, %dma_wait3A_209, %dma_wait3A_210] : memref<10x2x128xi32, #tpu.memory_space<vmem>> -> memref<1x1x128xi32, #tpu.memory_space<vmem>>
      %dma_wait3A_212 = tpu.memref_squeeze %dma_wait3A_211 : memref<1x1x128xi32, #tpu.memory_space<vmem>> -> memref<128xi32, #tpu.memory_space<vmem>>
      %dma_wait3A_213 = arith.constant 0 : i32
      %dma_wait3A_214 = arith.constant 0 : i32
      %dma_wait3A_215 = tpu.memref_slice %arg2[%dma_wait3A_213, %dma_wait3A_214] : memref<10112x128xf32, #tpu.memory_space<hbm>> -> memref<10112x128xf32, #tpu.memory_space<hbm>>
      tpu.wait_indirect_dma semaphore(%arg8 : memref<!tpu.dma_semaphore, #tpu.memory_space<semaphore_mem>>) src(%dma_wait3A_215 : memref<10112x128xf32, #tpu.memory_space<hbm>>) dst(%arg6 : memref<128x128xf32, #tpu.memory_space<vmem>>)
      %run_scoped3A_216 = arith.constant 8 : i32
      %run_scoped3A_217 = arith.constant 1 : i32
      "tpu.region"() ({
        %run_scoped3A_229 = tpu.sem_alloc : memref<!tpu.dma_semaphore, #tpu.memory_space<semaphore_mem>>
        %dma_start3A_230 = arith.constant 0 : i32
        %dma_start3A_231 = tpu.memref_slice %arg5[%run_scoped3A_216, %run_scoped3A_217, %dma_start3A_230] : memref<10x2x128xi32, #tpu.memory_space<vmem>> -> memref<1x1x128xi32, #tpu.memory_space<vmem>>
        %dma_start3A_232 = tpu.memref_squeeze %dma_start3A_231 : memref<1x1x128xi32, #tpu.memory_space<vmem>> -> memref<128xi32, #tpu.memory_space<vmem>>
        %dma_start3A_233 = arith.constant 0 : i32
        %dma_start3A_234 = arith.constant 0 : i32
        %dma_start3A_235 = tpu.memref_slice %arg10[%dma_start3A_233, %dma_start3A_234] : memref<10112x128xf32, #tpu.memory_space<vmem_shared>> -> memref<10112x128xf32, #tpu.memory_space<vmem_shared>>
        tpu.enqueue_indirect_dma source(%arg6 : memref<128x128xf32, #tpu.memory_space<vmem>>) target(%dma_start3A_235 : memref<10112x128xf32, #tpu.memory_space<vmem_shared>>) offsets(%dma_start3A_232 : memref<128xi32, #tpu.memory_space<vmem>>) semaphore(%run_scoped3A_229 : memref<!tpu.dma_semaphore, #tpu.memory_space<semaphore_mem>>) {add = true}
        %dma_wait3A_236 = arith.constant 0 : i32
        %dma_wait3A_237 = tpu.memref_slice %arg5[%run_scoped3A_216, %run_scoped3A_217, %dma_wait3A_236] : memref<10x2x128xi32, #tpu.memory_space<vmem>> -> memref<1x1x128xi32, #tpu.memory_space<vmem>>
        %dma_wait3A_238 = tpu.memref_squeeze %dma_wait3A_237 : memref<1x1x128xi32, #tpu.memory_space<vmem>> -> memref<128xi32, #tpu.memory_space<vmem>>
        %dma_wait3A_239 = arith.constant 0 : i32
        %dma_wait3A_240 = arith.constant 0 : i32
        %dma_wait3A_241 = tpu.memref_slice %arg10[%dma_wait3A_239, %dma_wait3A_240] : memref<10112x128xf32, #tpu.memory_space<vmem_shared>> -> memref<10112x128xf32, #tpu.memory_space<vmem_shared>>
        tpu.wait_indirect_dma semaphore(%run_scoped3A_229 : memref<!tpu.dma_semaphore, #tpu.memory_space<semaphore_mem>>) src(%arg6 : memref<128x128xf32, #tpu.memory_space<vmem>>) dst(%dma_wait3A_241 : memref<10112x128xf32, #tpu.memory_space<vmem_shared>>)
        tpu.yield
      }) : () -> ()
      %dma_wait3A_218 = arith.constant 9 : i32
      %dma_wait3A_219 = arith.constant 0 : i32
      %dma_wait3A_220 = arith.constant 0 : i32
      %dma_wait3A_221 = tpu.memref_slice %arg5[%dma_wait3A_218, %dma_wait3A_219, %dma_wait3A_220] : memref<10x2x128xi32, #tpu.memory_space<vmem>> -> memref<1x1x128xi32, #tpu.memory_space<vmem>>
      %dma_wait3A_222 = tpu.memref_squeeze %dma_wait3A_221 : memref<1x1x128xi32, #tpu.memory_space<vmem>> -> memref<128xi32, #tpu.memory_space<vmem>>
      %dma_wait3A_223 = arith.constant 0 : i32
      %dma_wait3A_224 = arith.constant 0 : i32
      %dma_wait3A_225 = tpu.memref_slice %arg2[%dma_wait3A_223, %dma_wait3A_224] : memref<10112x128xf32, #tpu.memory_space<hbm>> -> memref<10112x128xf32, #tpu.memory_space<hbm>>
      tpu.wait_indirect_dma semaphore(%arg9 : memref<!tpu.dma_semaphore, #tpu.memory_space<semaphore_mem>>) src(%dma_wait3A_225 : memref<10112x128xf32, #tpu.memory_space<hbm>>) dst(%arg7 : memref<128x128xf32, #tpu.memory_space<vmem>>)
      %run_scoped3A_226 = arith.constant 9 : i32
      %run_scoped3A_227 = arith.constant 1 : i32
      "tpu.region"() ({
        %run_scoped3A_229 = tpu.sem_alloc : memref<!tpu.dma_semaphore, #tpu.memory_space<semaphore_mem>>
        %dma_start3A_230 = arith.constant 0 : i32
        %dma_start3A_231 = tpu.memref_slice %arg5[%run_scoped3A_226, %run_scoped3A_227, %dma_start3A_230] : memref<10x2x128xi32, #tpu.memory_space<vmem>> -> memref<1x1x128xi32, #tpu.memory_space<vmem>>
        %dma_start3A_232 = tpu.memref_squeeze %dma_start3A_231 : memref<1x1x128xi32, #tpu.memory_space<vmem>> -> memref<128xi32, #tpu.memory_space<vmem>>
        %dma_start3A_233 = arith.constant 0 : i32
        %dma_start3A_234 = arith.constant 0 : i32
        %dma_start3A_235 = tpu.memref_slice %arg10[%dma_start3A_233, %dma_start3A_234] : memref<10112x128xf32, #tpu.memory_space<vmem_shared>> -> memref<10112x128xf32, #tpu.memory_space<vmem_shared>>
        tpu.enqueue_indirect_dma source(%arg7 : memref<128x128xf32, #tpu.memory_space<vmem>>) target(%dma_start3A_235 : memref<10112x128xf32, #tpu.memory_space<vmem_shared>>) offsets(%dma_start3A_232 : memref<128xi32, #tpu.memory_space<vmem>>) semaphore(%run_scoped3A_229 : memref<!tpu.dma_semaphore, #tpu.memory_space<semaphore_mem>>) {add = true}
        %dma_wait3A_236 = arith.constant 0 : i32
        %dma_wait3A_237 = tpu.memref_slice %arg5[%run_scoped3A_226, %run_scoped3A_227, %dma_wait3A_236] : memref<10x2x128xi32, #tpu.memory_space<vmem>> -> memref<1x1x128xi32, #tpu.memory_space<vmem>>
        %dma_wait3A_238 = tpu.memref_squeeze %dma_wait3A_237 : memref<1x1x128xi32, #tpu.memory_space<vmem>> -> memref<128xi32, #tpu.memory_space<vmem>>
        %dma_wait3A_239 = arith.constant 0 : i32
        %dma_wait3A_240 = arith.constant 0 : i32
        %dma_wait3A_241 = tpu.memref_slice %arg10[%dma_wait3A_239, %dma_wait3A_240] : memref<10112x128xf32, #tpu.memory_space<vmem_shared>> -> memref<10112x128xf32, #tpu.memory_space<vmem_shared>>
        tpu.wait_indirect_dma semaphore(%run_scoped3A_229 : memref<!tpu.dma_semaphore, #tpu.memory_space<semaphore_mem>>) src(%arg7 : memref<128x128xf32, #tpu.memory_space<vmem>>) dst(%dma_wait3A_241 : memref<10112x128xf32, #tpu.memory_space<vmem_shared>>)
        tpu.yield
      }) : () -> ()
      %while3A_228 = arith.constant 0 : i32
      scf.yield %while3A_228 : i32
    }
    %barrier3A_41 = arith.constant 0 : index
    tpu.barrier barrier_id(%barrier3A_41)
    %mul3A_42 = arith.constant 632 : i32
    %mul3A_43 = arith.muli %arg1, %mul3A_42 : i32
    %mul3A_44 = arith.constant 632 : i32
    %mul3A_45 = arith.muli %arg1, %mul3A_44 : i32
    "tpu.region"() ({
      %run_scoped3A = tpu.sem_alloc : memref<!tpu.dma_semaphore, #tpu.memory_space<semaphore_mem>>
      %dma_start3A = arith.constant 0 : i32
      %dma_start3A_46 = tpu.memref_slice %arg4[%arg0, %mul3A_45, %dma_start3A] : memref<2x10112x128xf32, #tpu.memory_space<hbm>> -> memref<1x632x128xf32, #tpu.memory_space<hbm>>
      %dma_start3A_47 = tpu.memref_squeeze %dma_start3A_46 : memref<1x632x128xf32, #tpu.memory_space<hbm>> -> memref<632x128xf32, #tpu.memory_space<hbm>>
      %dma_start3A_48 = arith.constant 0 : i32
      %dma_start3A_49 = tpu.memref_slice %arg10[%mul3A_43, %dma_start3A_48] : memref<10112x128xf32, #tpu.memory_space<vmem_shared>> -> memref<632x128xf32, #tpu.memory_space<vmem_shared>>
      tpu.enqueue_dma source(%dma_start3A_49 : memref<632x128xf32, #tpu.memory_space<vmem_shared>>) target(%dma_start3A_47 : memref<632x128xf32, #tpu.memory_space<hbm>>) target_semaphore(%run_scoped3A : memref<!tpu.dma_semaphore, #tpu.memory_space<semaphore_mem>>)
      %dma_wait3A = arith.constant 0 : i32
      %dma_wait3A_50 = tpu.memref_slice %arg4[%arg0, %mul3A_45, %dma_wait3A] : memref<2x10112x128xf32, #tpu.memory_space<hbm>> -> memref<1x632x128xf32, #tpu.memory_space<hbm>>
      %dma_wait3A_51 = tpu.memref_squeeze %dma_wait3A_50 : memref<1x632x128xf32, #tpu.memory_space<hbm>> -> memref<632x128xf32, #tpu.memory_space<hbm>>
      %dma_wait3A_52 = arith.constant 0 : i32
      %dma_wait3A_53 = tpu.memref_slice %arg10[%mul3A_43, %dma_wait3A_52] : memref<10112x128xf32, #tpu.memory_space<vmem_shared>> -> memref<632x128xf32, #tpu.memory_space<vmem_shared>>
      tpu.wait_dma2 semaphore(%run_scoped3A : memref<!tpu.dma_semaphore, #tpu.memory_space<semaphore_mem>>) src(%dma_wait3A_53 : memref<632x128xf32, #tpu.memory_space<vmem_shared>>) dst(%dma_wait3A_51 : memref<632x128xf32, #tpu.memory_space<hbm>>)
      tpu.yield
    }) : () -> ()
    return
  }
}

#map = affine_map<(d0, d1) -> (0, 0, 0, 0)>
#map1 = affine_map<(d0, d1) -> (0, 0, 0)>
module attributes {stable_mosaic.version = 14 : i64} {
  func.func @deg_kernel(%arg0: i32, %arg1: i32, %arg2: memref<16x160x2x128xi32, #tpu.memory_space<hbm>>, %arg3: memref<2x10112x128xf32, #tpu.memory_space<hbm>>, %arg4: memref<80x2x128xi32, #tpu.memory_space<vmem>>, %arg5: memref<128x128xf32, #tpu.memory_space<vmem>>, %arg6: memref<10112x128xf32, #tpu.memory_space<vmem_shared>>) attributes {dimension_semantics = [#tpu.dimension_semantics<core_parallel>, #tpu.dimension_semantics<subcore_parallel>], iteration_bounds = array<i64: 2, 16>, scalar_prefetch = 0 : i64, scratch_operands = 3 : i64, tpu.core_type = #tpu.core_type<sc_vector_subcore>, window_params = [{transform_indices = #map}, {transform_indices = #map1}]} {
    %broadcast_in_dim3A = arith.constant 0.000000e+00 : f32
    %broadcast_in_dim3A_0 = vector.broadcast %broadcast_in_dim3A : f32 to vector<16xf32>
    %scan3A = arith.constant 0 : i32
    %scan3A_1 = arith.constant 0 : i32
    %scan3A_2 = arith.constant 128 : i32
    %scan3A_3 = arith.addi %scan3A_1, %scan3A_2 : i32
    %scan3A_4 = arith.constant 1 : i32
    %scan3A_5 = scf.for %scan3A_48 = %scan3A_1 to %scan3A_3 step %scan3A_4 iter_args(%scan3A_49 = %scan3A) -> (i32)  : i32 {
      %swap3A = arith.index_cast %scan3A_48 : i32 to index
      %swap3A_50 = arith.constant 0 : index
      %swap3A_51 = tpu.vector_load %arg5[%swap3A, %swap3A_50] {strides = array<i32>} : memref<128x128xf32, #tpu.memory_space<vmem>>, vector<1x16xf32>,
      %swap3A_52 = vector.shape_cast %swap3A_51 : vector<1x16xf32> to vector<16xf32>
      %swap3A_53 = vector.shape_cast %broadcast_in_dim3A_0 : vector<16xf32> to vector<1x16xf32>
      tpu.vector_store %arg5[%swap3A, %swap3A_50], %swap3A_53 {strides = array<i32>} : memref<128x128xf32, #tpu.memory_space<vmem>>, vector<1x16xf32>,
      %swap3A_54 = arith.index_cast %scan3A_48 : i32 to index
      %swap3A_55 = arith.constant 16 : index
      %swap3A_56 = tpu.vector_load %arg5[%swap3A_54, %swap3A_55] {strides = array<i32>} : memref<128x128xf32, #tpu.memory_space<vmem>>, vector<1x16xf32>,
      %swap3A_57 = vector.shape_cast %swap3A_56 : vector<1x16xf32> to vector<16xf32>
      %swap3A_58 = vector.shape_cast %broadcast_in_dim3A_0 : vector<16xf32> to vector<1x16xf32>
      tpu.vector_store %arg5[%swap3A_54, %swap3A_55], %swap3A_58 {strides = array<i32>} : memref<128x128xf32, #tpu.memory_space<vmem>>, vector<1x16xf32>,
      %swap3A_59 = arith.index_cast %scan3A_48 : i32 to index
      %swap3A_60 = arith.constant 32 : index
      %swap3A_61 = tpu.vector_load %arg5[%swap3A_59, %swap3A_60] {strides = array<i32>} : memref<128x128xf32, #tpu.memory_space<vmem>>, vector<1x16xf32>,
      %swap3A_62 = vector.shape_cast %swap3A_61 : vector<1x16xf32> to vector<16xf32>
      %swap3A_63 = vector.shape_cast %broadcast_in_dim3A_0 : vector<16xf32> to vector<1x16xf32>
      tpu.vector_store %arg5[%swap3A_59, %swap3A_60], %swap3A_63 {strides = array<i32>} : memref<128x128xf32, #tpu.memory_space<vmem>>, vector<1x16xf32>,
      %swap3A_64 = arith.index_cast %scan3A_48 : i32 to index
      %swap3A_65 = arith.constant 48 : index
      %swap3A_66 = tpu.vector_load %arg5[%swap3A_64, %swap3A_65] {strides = array<i32>} : memref<128x128xf32, #tpu.memory_space<vmem>>, vector<1x16xf32>,
      %swap3A_67 = vector.shape_cast %swap3A_66 : vector<1x16xf32> to vector<16xf32>
      %swap3A_68 = vector.shape_cast %broadcast_in_dim3A_0 : vector<16xf32> to vector<1x16xf32>
      tpu.vector_store %arg5[%swap3A_64, %swap3A_65], %swap3A_68 {strides = array<i32>} : memref<128x128xf32, #tpu.memory_space<vmem>>, vector<1x16xf32>,
      %swap3A_69 = arith.index_cast %scan3A_48 : i32 to index
      %swap3A_70 = arith.constant 64 : index
      %swap3A_71 = tpu.vector_load %arg5[%swap3A_69, %swap3A_70] {strides = array<i32>} : memref<128x128xf32, #tpu.memory_space<vmem>>, vector<1x16xf32>,
      %swap3A_72 = vector.shape_cast %swap3A_71 : vector<1x16xf32> to vector<16xf32>
      %swap3A_73 = vector.shape_cast %broadcast_in_dim3A_0 : vector<16xf32> to vector<1x16xf32>
      tpu.vector_store %arg5[%swap3A_69, %swap3A_70], %swap3A_73 {strides = array<i32>} : memref<128x128xf32, #tpu.memory_space<vmem>>, vector<1x16xf32>,
      %swap3A_74 = arith.index_cast %scan3A_48 : i32 to index
      %swap3A_75 = arith.constant 80 : index
      %swap3A_76 = tpu.vector_load %arg5[%swap3A_74, %swap3A_75] {strides = array<i32>} : memref<128x128xf32, #tpu.memory_space<vmem>>, vector<1x16xf32>,
      %swap3A_77 = vector.shape_cast %swap3A_76 : vector<1x16xf32> to vector<16xf32>
      %swap3A_78 = vector.shape_cast %broadcast_in_dim3A_0 : vector<16xf32> to vector<1x16xf32>
      tpu.vector_store %arg5[%swap3A_74, %swap3A_75], %swap3A_78 {strides = array<i32>} : memref<128x128xf32, #tpu.memory_space<vmem>>, vector<1x16xf32>,
      %swap3A_79 = arith.index_cast %scan3A_48 : i32 to index
      %swap3A_80 = arith.constant 96 : index
      %swap3A_81 = tpu.vector_load %arg5[%swap3A_79, %swap3A_80] {strides = array<i32>} : memref<128x128xf32, #tpu.memory_space<vmem>>, vector<1x16xf32>,
      %swap3A_82 = vector.shape_cast %swap3A_81 : vector<1x16xf32> to vector<16xf32>
      %swap3A_83 = vector.shape_cast %broadcast_in_dim3A_0 : vector<16xf32> to vector<1x16xf32>
      tpu.vector_store %arg5[%swap3A_79, %swap3A_80], %swap3A_83 {strides = array<i32>} : memref<128x128xf32, #tpu.memory_space<vmem>>, vector<1x16xf32>,
      %swap3A_84 = arith.index_cast %scan3A_48 : i32 to index
      %swap3A_85 = arith.constant 112 : index
      %swap3A_86 = tpu.vector_load %arg5[%swap3A_84, %swap3A_85] {strides = array<i32>} : memref<128x128xf32, #tpu.memory_space<vmem>>, vector<1x16xf32>,
      %swap3A_87 = vector.shape_cast %swap3A_86 : vector<1x16xf32> to vector<16xf32>
      %swap3A_88 = vector.shape_cast %broadcast_in_dim3A_0 : vector<16xf32> to vector<1x16xf32>
      tpu.vector_store %arg5[%swap3A_84, %swap3A_85], %swap3A_88 {strides = array<i32>} : memref<128x128xf32, #tpu.memory_space<vmem>>, vector<1x16xf32>,
      %scan3A_89 = arith.constant 0 : i32
      scf.yield %scan3A_89 : i32
    }
    %scan3A_6 = arith.constant 128 : i32
    %mul3A = arith.constant 632 : i32
    %mul3A_7 = arith.muli %arg1, %mul3A : i32
    %add3A = arith.constant 0 : i32
    %add3A_8 = arith.addi %mul3A_7, %add3A : i32
    "tpu.region"() ({
      %run_scoped3A = tpu.sem_alloc : memref<!tpu.dma_semaphore, #tpu.memory_space<semaphore_mem>>
      %dma_start3A = arith.constant 0 : i32
      %dma_start3A_48 = tpu.memref_slice %arg6[%add3A_8, %dma_start3A] : memref<10112x128xf32, #tpu.memory_space<vmem_shared>> -> memref<128x128xf32, #tpu.memory_space<vmem_shared>>
      %dma_start3A_49 = arith.constant 0 : i32
      %dma_start3A_50 = tpu.memref_slice %arg6[%add3A_8, %dma_start3A_49] : memref<10112x128xf32, #tpu.memory_space<vmem_shared>> -> memref<128x128xf32, #tpu.memory_space<vmem_shared>>
      tpu.enqueue_dma source(%arg5 : memref<128x128xf32, #tpu.memory_space<vmem>>) target(%dma_start3A_50 : memref<128x128xf32, #tpu.memory_space<vmem_shared>>) target_semaphore(%run_scoped3A : memref<!tpu.dma_semaphore, #tpu.memory_space<semaphore_mem>>)
      %dma_wait3A = arith.constant 0 : i32
      %dma_wait3A_51 = tpu.memref_slice %arg6[%add3A_8, %dma_wait3A] : memref<10112x128xf32, #tpu.memory_space<vmem_shared>> -> memref<128x128xf32, #tpu.memory_space<vmem_shared>>
      %dma_wait3A_52 = arith.constant 0 : i32
      %dma_wait3A_53 = tpu.memref_slice %arg6[%add3A_8, %dma_wait3A_52] : memref<10112x128xf32, #tpu.memory_space<vmem_shared>> -> memref<128x128xf32, #tpu.memory_space<vmem_shared>>
      tpu.wait_dma2 semaphore(%run_scoped3A : memref<!tpu.dma_semaphore, #tpu.memory_space<semaphore_mem>>) src(%arg5 : memref<128x128xf32, #tpu.memory_space<vmem>>) dst(%dma_wait3A_53 : memref<128x128xf32, #tpu.memory_space<vmem_shared>>)
      tpu.yield
    }) : () -> ()
    %mul3A_9 = arith.constant 632 : i32
    %mul3A_10 = arith.muli %arg1, %mul3A_9 : i32
    %add3A_11 = arith.constant 128 : i32
    %add3A_12 = arith.addi %mul3A_10, %add3A_11 : i32
    "tpu.region"() ({
      %run_scoped3A = tpu.sem_alloc : memref<!tpu.dma_semaphore, #tpu.memory_space<semaphore_mem>>
      %dma_start3A = arith.constant 0 : i32
      %dma_start3A_48 = tpu.memref_slice %arg6[%add3A_12, %dma_start3A] : memref<10112x128xf32, #tpu.memory_space<vmem_shared>> -> memref<128x128xf32, #tpu.memory_space<vmem_shared>>
      %dma_start3A_49 = arith.constant 0 : i32
      %dma_start3A_50 = tpu.memref_slice %arg6[%add3A_12, %dma_start3A_49] : memref<10112x128xf32, #tpu.memory_space<vmem_shared>> -> memref<128x128xf32, #tpu.memory_space<vmem_shared>>
      tpu.enqueue_dma source(%arg5 : memref<128x128xf32, #tpu.memory_space<vmem>>) target(%dma_start3A_50 : memref<128x128xf32, #tpu.memory_space<vmem_shared>>) target_semaphore(%run_scoped3A : memref<!tpu.dma_semaphore, #tpu.memory_space<semaphore_mem>>)
      %dma_wait3A = arith.constant 0 : i32
      %dma_wait3A_51 = tpu.memref_slice %arg6[%add3A_12, %dma_wait3A] : memref<10112x128xf32, #tpu.memory_space<vmem_shared>> -> memref<128x128xf32, #tpu.memory_space<vmem_shared>>
      %dma_wait3A_52 = arith.constant 0 : i32
      %dma_wait3A_53 = tpu.memref_slice %arg6[%add3A_12, %dma_wait3A_52] : memref<10112x128xf32, #tpu.memory_space<vmem_shared>> -> memref<128x128xf32, #tpu.memory_space<vmem_shared>>
      tpu.wait_dma2 semaphore(%run_scoped3A : memref<!tpu.dma_semaphore, #tpu.memory_space<semaphore_mem>>) src(%arg5 : memref<128x128xf32, #tpu.memory_space<vmem>>) dst(%dma_wait3A_53 : memref<128x128xf32, #tpu.memory_space<vmem_shared>>)
      tpu.yield
    }) : () -> ()
    %mul3A_13 = arith.constant 632 : i32
    %mul3A_14 = arith.muli %arg1, %mul3A_13 : i32
    %add3A_15 = arith.constant 256 : i32
    %add3A_16 = arith.addi %mul3A_14, %add3A_15 : i32
    "tpu.region"() ({
      %run_scoped3A = tpu.sem_alloc : memref<!tpu.dma_semaphore, #tpu.memory_space<semaphore_mem>>
      %dma_start3A = arith.constant 0 : i32
      %dma_start3A_48 = tpu.memref_slice %arg6[%add3A_16, %dma_start3A] : memref<10112x128xf32, #tpu.memory_space<vmem_shared>> -> memref<128x128xf32, #tpu.memory_space<vmem_shared>>
      %dma_start3A_49 = arith.constant 0 : i32
      %dma_start3A_50 = tpu.memref_slice %arg6[%add3A_16, %dma_start3A_49] : memref<10112x128xf32, #tpu.memory_space<vmem_shared>> -> memref<128x128xf32, #tpu.memory_space<vmem_shared>>
      tpu.enqueue_dma source(%arg5 : memref<128x128xf32, #tpu.memory_space<vmem>>) target(%dma_start3A_50 : memref<128x128xf32, #tpu.memory_space<vmem_shared>>) target_semaphore(%run_scoped3A : memref<!tpu.dma_semaphore, #tpu.memory_space<semaphore_mem>>)
      %dma_wait3A = arith.constant 0 : i32
      %dma_wait3A_51 = tpu.memref_slice %arg6[%add3A_16, %dma_wait3A] : memref<10112x128xf32, #tpu.memory_space<vmem_shared>> -> memref<128x128xf32, #tpu.memory_space<vmem_shared>>
      %dma_wait3A_52 = arith.constant 0 : i32
      %dma_wait3A_53 = tpu.memref_slice %arg6[%add3A_16, %dma_wait3A_52] : memref<10112x128xf32, #tpu.memory_space<vmem_shared>> -> memref<128x128xf32, #tpu.memory_space<vmem_shared>>
      tpu.wait_dma2 semaphore(%run_scoped3A : memref<!tpu.dma_semaphore, #tpu.memory_space<semaphore_mem>>) src(%arg5 : memref<128x128xf32, #tpu.memory_space<vmem>>) dst(%dma_wait3A_53 : memref<128x128xf32, #tpu.memory_space<vmem_shared>>)
      tpu.yield
    }) : () -> ()
    %mul3A_17 = arith.constant 632 : i32
    %mul3A_18 = arith.muli %arg1, %mul3A_17 : i32
    %add3A_19 = arith.constant 384 : i32
    %add3A_20 = arith.addi %mul3A_18, %add3A_19 : i32
    "tpu.region"() ({
      %run_scoped3A = tpu.sem_alloc : memref<!tpu.dma_semaphore, #tpu.memory_space<semaphore_mem>>
      %dma_start3A = arith.constant 0 : i32
      %dma_start3A_48 = tpu.memref_slice %arg6[%add3A_20, %dma_start3A] : memref<10112x128xf32, #tpu.memory_space<vmem_shared>> -> memref<128x128xf32, #tpu.memory_space<vmem_shared>>
      %dma_start3A_49 = arith.constant 0 : i32
      %dma_start3A_50 = tpu.memref_slice %arg6[%add3A_20, %dma_start3A_49] : memref<10112x128xf32, #tpu.memory_space<vmem_shared>> -> memref<128x128xf32, #tpu.memory_space<vmem_shared>>
      tpu.enqueue_dma source(%arg5 : memref<128x128xf32, #tpu.memory_space<vmem>>) target(%dma_start3A_50 : memref<128x128xf32, #tpu.memory_space<vmem_shared>>) target_semaphore(%run_scoped3A : memref<!tpu.dma_semaphore, #tpu.memory_space<semaphore_mem>>)
      %dma_wait3A = arith.constant 0 : i32
      %dma_wait3A_51 = tpu.memref_slice %arg6[%add3A_20, %dma_wait3A] : memref<10112x128xf32, #tpu.memory_space<vmem_shared>> -> memref<128x128xf32, #tpu.memory_space<vmem_shared>>
      %dma_wait3A_52 = arith.constant 0 : i32
      %dma_wait3A_53 = tpu.memref_slice %arg6[%add3A_20, %dma_wait3A_52] : memref<10112x128xf32, #tpu.memory_space<vmem_shared>> -> memref<128x128xf32, #tpu.memory_space<vmem_shared>>
      tpu.wait_dma2 semaphore(%run_scoped3A : memref<!tpu.dma_semaphore, #tpu.memory_space<semaphore_mem>>) src(%arg5 : memref<128x128xf32, #tpu.memory_space<vmem>>) dst(%dma_wait3A_53 : memref<128x128xf32, #tpu.memory_space<vmem_shared>>)
      tpu.yield
    }) : () -> ()
    %mul3A_21 = arith.constant 632 : i32
    %mul3A_22 = arith.muli %arg1, %mul3A_21 : i32
    %add3A_23 = arith.constant 512 : i32
    %add3A_24 = arith.addi %mul3A_22, %add3A_23 : i32
    "tpu.region"() ({
      %run_scoped3A = tpu.sem_alloc : memref<!tpu.dma_semaphore, #tpu.memory_space<semaphore_mem>>
      %dma_start3A = arith.constant 0 : i32
      %dma_start3A_48 = arith.constant 0 : i32
      %dma_start3A_49 = tpu.memref_slice %arg5[%dma_start3A, %dma_start3A_48] : memref<128x128xf32, #tpu.memory_space<vmem>> -> memref<120x128xf32, #tpu.memory_space<vmem>>
      %dma_start3A_50 = arith.constant 0 : i32
      %dma_start3A_51 = tpu.memref_slice %arg6[%add3A_24, %dma_start3A_50] : memref<10112x128xf32, #tpu.memory_space<vmem_shared>> -> memref<120x128xf32, #tpu.memory_space<vmem_shared>>
      %dma_start3A_52 = arith.constant 0 : i32
      %dma_start3A_53 = tpu.memref_slice %arg6[%add3A_24, %dma_start3A_52] : memref<10112x128xf32, #tpu.memory_space<vmem_shared>> -> memref<120x128xf32, #tpu.memory_space<vmem_shared>>
      %dma_start3A_54 = arith.constant 0 : i32
      %dma_start3A_55 = arith.constant 0 : i32
      %dma_start3A_56 = tpu.memref_slice %arg5[%dma_start3A_54, %dma_start3A_55] : memref<128x128xf32, #tpu.memory_space<vmem>> -> memref<120x128xf32, #tpu.memory_space<vmem>>
      tpu.enqueue_dma source(%dma_start3A_56 : memref<120x128xf32, #tpu.memory_space<vmem>>) target(%dma_start3A_53 : memref<120x128xf32, #tpu.memory_space<vmem_shared>>) target_semaphore(%run_scoped3A : memref<!tpu.dma_semaphore, #tpu.memory_space<semaphore_mem>>)
      %dma_wait3A = arith.constant 0 : i32
      %dma_wait3A_57 = arith.constant 0 : i32
      %dma_wait3A_58 = tpu.memref_slice %arg5[%dma_wait3A, %dma_wait3A_57] : memref<128x128xf32, #tpu.memory_space<vmem>> -> memref<120x128xf32, #tpu.memory_space<vmem>>
      %dma_wait3A_59 = arith.constant 0 : i32
      %dma_wait3A_60 = tpu.memref_slice %arg6[%add3A_24, %dma_wait3A_59] : memref<10112x128xf32, #tpu.memory_space<vmem_shared>> -> memref<120x128xf32, #tpu.memory_space<vmem_shared>>
      %dma_wait3A_61 = arith.constant 0 : i32
      %dma_wait3A_62 = tpu.memref_slice %arg6[%add3A_24, %dma_wait3A_61] : memref<10112x128xf32, #tpu.memory_space<vmem_shared>> -> memref<120x128xf32, #tpu.memory_space<vmem_shared>>
      %dma_wait3A_63 = arith.constant 0 : i32
      %dma_wait3A_64 = arith.constant 0 : i32
      %dma_wait3A_65 = tpu.memref_slice %arg5[%dma_wait3A_63, %dma_wait3A_64] : memref<128x128xf32, #tpu.memory_space<vmem>> -> memref<120x128xf32, #tpu.memory_space<vmem>>
      tpu.wait_dma2 semaphore(%run_scoped3A : memref<!tpu.dma_semaphore, #tpu.memory_space<semaphore_mem>>) src(%dma_wait3A_65 : memref<120x128xf32, #tpu.memory_space<vmem>>) dst(%dma_wait3A_62 : memref<120x128xf32, #tpu.memory_space<vmem_shared>>)
      tpu.yield
    }) : () -> ()
    %broadcast_in_dim3A_25 = arith.constant 1.000000e+00 : f32
    %broadcast_in_dim3A_26 = vector.broadcast %broadcast_in_dim3A_25 : f32 to vector<16xf32>
    %scan3A_27 = arith.constant 0 : i32
    %scan3A_28 = arith.constant 0 : i32
    %scan3A_29 = arith.constant 128 : i32
    %scan3A_30 = arith.addi %scan3A_28, %scan3A_29 : i32
    %scan3A_31 = arith.constant 1 : i32
    %scan3A_32 = scf.for %scan3A_48 = %scan3A_28 to %scan3A_30 step %scan3A_31 iter_args(%scan3A_49 = %scan3A_27) -> (i32)  : i32 {
      %swap3A = arith.index_cast %scan3A_48 : i32 to index
      %swap3A_50 = arith.constant 0 : index
      %swap3A_51 = tpu.vector_load %arg5[%swap3A, %swap3A_50] {strides = array<i32>} : memref<128x128xf32, #tpu.memory_space<vmem>>, vector<1x16xf32>,
      %swap3A_52 = vector.shape_cast %swap3A_51 : vector<1x16xf32> to vector<16xf32>
      %swap3A_53 = vector.shape_cast %broadcast_in_dim3A_26 : vector<16xf32> to vector<1x16xf32>
      tpu.vector_store %arg5[%swap3A, %swap3A_50], %swap3A_53 {strides = array<i32>} : memref<128x128xf32, #tpu.memory_space<vmem>>, vector<1x16xf32>,
      %swap3A_54 = arith.index_cast %scan3A_48 : i32 to index
      %swap3A_55 = arith.constant 16 : index
      %swap3A_56 = tpu.vector_load %arg5[%swap3A_54, %swap3A_55] {strides = array<i32>} : memref<128x128xf32, #tpu.memory_space<vmem>>, vector<1x16xf32>,
      %swap3A_57 = vector.shape_cast %swap3A_56 : vector<1x16xf32> to vector<16xf32>
      %swap3A_58 = vector.shape_cast %broadcast_in_dim3A_26 : vector<16xf32> to vector<1x16xf32>
      tpu.vector_store %arg5[%swap3A_54, %swap3A_55], %swap3A_58 {strides = array<i32>} : memref<128x128xf32, #tpu.memory_space<vmem>>, vector<1x16xf32>,
      %swap3A_59 = arith.index_cast %scan3A_48 : i32 to index
      %swap3A_60 = arith.constant 32 : index
      %swap3A_61 = tpu.vector_load %arg5[%swap3A_59, %swap3A_60] {strides = array<i32>} : memref<128x128xf32, #tpu.memory_space<vmem>>, vector<1x16xf32>,
      %swap3A_62 = vector.shape_cast %swap3A_61 : vector<1x16xf32> to vector<16xf32>
      %swap3A_63 = vector.shape_cast %broadcast_in_dim3A_26 : vector<16xf32> to vector<1x16xf32>
      tpu.vector_store %arg5[%swap3A_59, %swap3A_60], %swap3A_63 {strides = array<i32>} : memref<128x128xf32, #tpu.memory_space<vmem>>, vector<1x16xf32>,
      %swap3A_64 = arith.index_cast %scan3A_48 : i32 to index
      %swap3A_65 = arith.constant 48 : index
      %swap3A_66 = tpu.vector_load %arg5[%swap3A_64, %swap3A_65] {strides = array<i32>} : memref<128x128xf32, #tpu.memory_space<vmem>>, vector<1x16xf32>,
      %swap3A_67 = vector.shape_cast %swap3A_66 : vector<1x16xf32> to vector<16xf32>
      %swap3A_68 = vector.shape_cast %broadcast_in_dim3A_26 : vector<16xf32> to vector<1x16xf32>
      tpu.vector_store %arg5[%swap3A_64, %swap3A_65], %swap3A_68 {strides = array<i32>} : memref<128x128xf32, #tpu.memory_space<vmem>>, vector<1x16xf32>,
      %swap3A_69 = arith.index_cast %scan3A_48 : i32 to index
      %swap3A_70 = arith.constant 64 : index
      %swap3A_71 = tpu.vector_load %arg5[%swap3A_69, %swap3A_70] {strides = array<i32>} : memref<128x128xf32, #tpu.memory_space<vmem>>, vector<1x16xf32>,
      %swap3A_72 = vector.shape_cast %swap3A_71 : vector<1x16xf32> to vector<16xf32>
      %swap3A_73 = vector.shape_cast %broadcast_in_dim3A_26 : vector<16xf32> to vector<1x16xf32>
      tpu.vector_store %arg5[%swap3A_69, %swap3A_70], %swap3A_73 {strides = array<i32>} : memref<128x128xf32, #tpu.memory_space<vmem>>, vector<1x16xf32>,
      %swap3A_74 = arith.index_cast %scan3A_48 : i32 to index
      %swap3A_75 = arith.constant 80 : index
      %swap3A_76 = tpu.vector_load %arg5[%swap3A_74, %swap3A_75] {strides = array<i32>} : memref<128x128xf32, #tpu.memory_space<vmem>>, vector<1x16xf32>,
      %swap3A_77 = vector.shape_cast %swap3A_76 : vector<1x16xf32> to vector<16xf32>
      %swap3A_78 = vector.shape_cast %broadcast_in_dim3A_26 : vector<16xf32> to vector<1x16xf32>
      tpu.vector_store %arg5[%swap3A_74, %swap3A_75], %swap3A_78 {strides = array<i32>} : memref<128x128xf32, #tpu.memory_space<vmem>>, vector<1x16xf32>,
      %swap3A_79 = arith.index_cast %scan3A_48 : i32 to index
      %swap3A_80 = arith.constant 96 : index
      %swap3A_81 = tpu.vector_load %arg5[%swap3A_79, %swap3A_80] {strides = array<i32>} : memref<128x128xf32, #tpu.memory_space<vmem>>, vector<1x16xf32>,
      %swap3A_82 = vector.shape_cast %swap3A_81 : vector<1x16xf32> to vector<16xf32>
      %swap3A_83 = vector.shape_cast %broadcast_in_dim3A_26 : vector<16xf32> to vector<1x16xf32>
      tpu.vector_store %arg5[%swap3A_79, %swap3A_80], %swap3A_83 {strides = array<i32>} : memref<128x128xf32, #tpu.memory_space<vmem>>, vector<1x16xf32>,
      %swap3A_84 = arith.index_cast %scan3A_48 : i32 to index
      %swap3A_85 = arith.constant 112 : index
      %swap3A_86 = tpu.vector_load %arg5[%swap3A_84, %swap3A_85] {strides = array<i32>} : memref<128x128xf32, #tpu.memory_space<vmem>>, vector<1x16xf32>,
      %swap3A_87 = vector.shape_cast %swap3A_86 : vector<1x16xf32> to vector<16xf32>
      %swap3A_88 = vector.shape_cast %broadcast_in_dim3A_26 : vector<16xf32> to vector<1x16xf32>
      tpu.vector_store %arg5[%swap3A_84, %swap3A_85], %swap3A_88 {strides = array<i32>} : memref<128x128xf32, #tpu.memory_space<vmem>>, vector<1x16xf32>,
      %scan3A_89 = arith.constant 0 : i32
      scf.yield %scan3A_89 : i32
    }
    %scan3A_33 = arith.constant 128 : i32
    %barrier3A = arith.constant 0 : index
    tpu.barrier barrier_id(%barrier3A)
    %mul3A_34 = arith.constant 80 : i32
    %mul3A_35 = arith.muli %arg0, %mul3A_34 : i32
    "tpu.region"() ({
      %run_scoped3A = tpu.sem_alloc : memref<!tpu.dma_semaphore, #tpu.memory_space<semaphore_mem>>
      %dma_start3A = arith.constant 0 : i32
      %dma_start3A_48 = arith.constant 0 : i32
      %dma_start3A_49 = tpu.memref_slice %arg2[%arg1, %mul3A_35, %dma_start3A, %dma_start3A_48] : memref<16x160x2x128xi32, #tpu.memory_space<hbm>> -> memref<1x80x2x128xi32, #tpu.memory_space<hbm>>
      %dma_start3A_50 = tpu.memref_squeeze %dma_start3A_49 : memref<1x80x2x128xi32, #tpu.memory_space<hbm>> -> memref<80x2x128xi32, #tpu.memory_space<hbm>>
      %dma_start3A_51 = arith.constant 0 : i32
      %dma_start3A_52 = arith.constant 0 : i32
      %dma_start3A_53 = tpu.memref_slice %arg2[%arg1, %mul3A_35, %dma_start3A_51, %dma_start3A_52] : memref<16x160x2x128xi32, #tpu.memory_space<hbm>> -> memref<1x80x2x128xi32, #tpu.memory_space<hbm>>
      %dma_start3A_54 = tpu.memref_squeeze %dma_start3A_53 : memref<1x80x2x128xi32, #tpu.memory_space<hbm>> -> memref<80x2x128xi32, #tpu.memory_space<hbm>>
      tpu.enqueue_dma source(%dma_start3A_54 : memref<80x2x128xi32, #tpu.memory_space<hbm>>) target(%arg4 : memref<80x2x128xi32, #tpu.memory_space<vmem>>) target_semaphore(%run_scoped3A : memref<!tpu.dma_semaphore, #tpu.memory_space<semaphore_mem>>)
      %dma_wait3A = arith.constant 0 : i32
      %dma_wait3A_55 = arith.constant 0 : i32
      %dma_wait3A_56 = tpu.memref_slice %arg2[%arg1, %mul3A_35, %dma_wait3A, %dma_wait3A_55] : memref<16x160x2x128xi32, #tpu.memory_space<hbm>> -> memref<1x80x2x128xi32, #tpu.memory_space<hbm>>
      %dma_wait3A_57 = tpu.memref_squeeze %dma_wait3A_56 : memref<1x80x2x128xi32, #tpu.memory_space<hbm>> -> memref<80x2x128xi32, #tpu.memory_space<hbm>>
      %dma_wait3A_58 = arith.constant 0 : i32
      %dma_wait3A_59 = arith.constant 0 : i32
      %dma_wait3A_60 = tpu.memref_slice %arg2[%arg1, %mul3A_35, %dma_wait3A_58, %dma_wait3A_59] : memref<16x160x2x128xi32, #tpu.memory_space<hbm>> -> memref<1x80x2x128xi32, #tpu.memory_space<hbm>>
      %dma_wait3A_61 = tpu.memref_squeeze %dma_wait3A_60 : memref<1x80x2x128xi32, #tpu.memory_space<hbm>> -> memref<80x2x128xi32, #tpu.memory_space<hbm>>
      tpu.wait_dma2 semaphore(%run_scoped3A : memref<!tpu.dma_semaphore, #tpu.memory_space<semaphore_mem>>) src(%dma_wait3A_61 : memref<80x2x128xi32, #tpu.memory_space<hbm>>) dst(%arg4 : memref<80x2x128xi32, #tpu.memory_space<vmem>>)
      tpu.yield
    }) : () -> ()
    %scan3A_36 = arith.constant 0 : i32
    %scan3A_37 = arith.constant 0 : i32
    %scan3A_38 = arith.constant 80 : i32
    %scan3A_39 = arith.addi %scan3A_37, %scan3A_38 : i32
    %scan3A_40 = arith.constant 1 : i32
    %scan3A_41 = scf.for %scan3A_48 = %scan3A_37 to %scan3A_39 step %scan3A_40 iter_args(%scan3A_49 = %scan3A_36) -> (i32)  : i32 {
      %run_scoped3A = arith.constant 0 : i32
      "tpu.region"() ({
        %run_scoped3A_51 = tpu.sem_alloc : memref<!tpu.dma_semaphore, #tpu.memory_space<semaphore_mem>>
        %dma_start3A = arith.constant 0 : i32
        %dma_start3A_52 = tpu.memref_slice %arg4[%scan3A_48, %run_scoped3A, %dma_start3A] : memref<80x2x128xi32, #tpu.memory_space<vmem>> -> memref<1x1x128xi32, #tpu.memory_space<vmem>>
        %dma_start3A_53 = tpu.memref_squeeze %dma_start3A_52 : memref<1x1x128xi32, #tpu.memory_space<vmem>> -> memref<128xi32, #tpu.memory_space<vmem>>
        %dma_start3A_54 = arith.constant 0 : i32
        %dma_start3A_55 = arith.constant 0 : i32
        %dma_start3A_56 = tpu.memref_slice %arg6[%dma_start3A_54, %dma_start3A_55] : memref<10112x128xf32, #tpu.memory_space<vmem_shared>> -> memref<10112x128xf32, #tpu.memory_space<vmem_shared>>
        tpu.enqueue_indirect_dma source(%arg5 : memref<128x128xf32, #tpu.memory_space<vmem>>) target(%dma_start3A_56 : memref<10112x128xf32, #tpu.memory_space<vmem_shared>>) offsets(%dma_start3A_53 : memref<128xi32, #tpu.memory_space<vmem>>) semaphore(%run_scoped3A_51 : memref<!tpu.dma_semaphore, #tpu.memory_space<semaphore_mem>>) {add = true}
        %dma_wait3A = arith.constant 0 : i32
        %dma_wait3A_57 = tpu.memref_slice %arg4[%scan3A_48, %run_scoped3A, %dma_wait3A] : memref<80x2x128xi32, #tpu.memory_space<vmem>> -> memref<1x1x128xi32, #tpu.memory_space<vmem>>
        %dma_wait3A_58 = tpu.memref_squeeze %dma_wait3A_57 : memref<1x1x128xi32, #tpu.memory_space<vmem>> -> memref<128xi32, #tpu.memory_space<vmem>>
        %dma_wait3A_59 = arith.constant 0 : i32
        %dma_wait3A_60 = arith.constant 0 : i32
        %dma_wait3A_61 = tpu.memref_slice %arg6[%dma_wait3A_59, %dma_wait3A_60] : memref<10112x128xf32, #tpu.memory_space<vmem_shared>> -> memref<10112x128xf32, #tpu.memory_space<vmem_shared>>
        tpu.wait_indirect_dma semaphore(%run_scoped3A_51 : memref<!tpu.dma_semaphore, #tpu.memory_space<semaphore_mem>>) src(%arg5 : memref<128x128xf32, #tpu.memory_space<vmem>>) dst(%dma_wait3A_61 : memref<10112x128xf32, #tpu.memory_space<vmem_shared>>)
        tpu.yield
      }) : () -> ()
      %scan3A_50 = arith.constant 0 : i32
      scf.yield %scan3A_50 : i32
    }
    %scan3A_42 = arith.constant 80 : i32
    %barrier3A_43 = arith.constant 0 : index
    tpu.barrier barrier_id(%barrier3A_43)
    %mul3A_44 = arith.constant 632 : i32
    %mul3A_45 = arith.muli %arg1, %mul3A_44 : i32
    %mul3A_46 = arith.constant 632 : i32
    %mul3A_47 = arith.muli %arg1, %mul3A_46 : i32
    "tpu.region"() ({
      %run_scoped3A = tpu.sem_alloc : memref<!tpu.dma_semaphore, #tpu.memory_space<semaphore_mem>>
      %dma_start3A = arith.constant 0 : i32
      %dma_start3A_48 = tpu.memref_slice %arg3[%arg0, %mul3A_47, %dma_start3A] : memref<2x10112x128xf32, #tpu.memory_space<hbm>> -> memref<1x632x128xf32, #tpu.memory_space<hbm>>
      %dma_start3A_49 = tpu.memref_squeeze %dma_start3A_48 : memref<1x632x128xf32, #tpu.memory_space<hbm>> -> memref<632x128xf32, #tpu.memory_space<hbm>>
      %dma_start3A_50 = arith.constant 0 : i32
      %dma_start3A_51 = tpu.memref_slice %arg6[%mul3A_45, %dma_start3A_50] : memref<10112x128xf32, #tpu.memory_space<vmem_shared>> -> memref<632x128xf32, #tpu.memory_space<vmem_shared>>
      tpu.enqueue_dma source(%dma_start3A_51 : memref<632x128xf32, #tpu.memory_space<vmem_shared>>) target(%dma_start3A_49 : memref<632x128xf32, #tpu.memory_space<hbm>>) target_semaphore(%run_scoped3A : memref<!tpu.dma_semaphore, #tpu.memory_space<semaphore_mem>>)
      %dma_wait3A = arith.constant 0 : i32
      %dma_wait3A_52 = tpu.memref_slice %arg3[%arg0, %mul3A_47, %dma_wait3A] : memref<2x10112x128xf32, #tpu.memory_space<hbm>> -> memref<1x632x128xf32, #tpu.memory_space<hbm>>
      %dma_wait3A_53 = tpu.memref_squeeze %dma_wait3A_52 : memref<1x632x128xf32, #tpu.memory_space<hbm>> -> memref<632x128xf32, #tpu.memory_space<hbm>>
      %dma_wait3A_54 = arith.constant 0 : i32
      %dma_wait3A_55 = tpu.memref_slice %arg6[%mul3A_45, %dma_wait3A_54] : memref<10112x128xf32, #tpu.memory_space<vmem_shared>> -> memref<632x128xf32, #tpu.memory_space<vmem_shared>>
      tpu.wait_dma2 semaphore(%run_scoped3A : memref<!tpu.dma_semaphore, #tpu.memory_space<semaphore_mem>>) src(%dma_wait3A_55 : memref<632x128xf32, #tpu.memory_space<vmem_shared>>) dst(%dma_wait3A_53 : memref<632x128xf32, #tpu.memory_space<hbm>>)
      tpu.yield
    }) : () -> ()
    return
  }
}

#map = affine_map<(d0, d1) -> (0, 0)>
#map1 = affine_map<(d0, d1) -> (0, 0, 0, 0)>
#map2 = affine_map<(d0, d1) -> (0, 0, 0)>
module attributes {stable_mosaic.version = 14 : i64} {
  func.func @agg_kernel(%arg0: i32, %arg1: i32, %arg2: memref<10112x128xf32, #tpu.memory_space<hbm>>, %arg3: memref<16x160x2x128xi32, #tpu.memory_space<hbm>>, %arg4: memref<2x10112x128xf32, #tpu.memory_space<hbm>>, %arg5: memref<10x2x128xi32, #tpu.memory_space<vmem>>, %arg6: memref<128x128xf32, #tpu.memory_space<vmem>>, %arg7: memref<128x128xf32, #tpu.memory_space<vmem>>, %arg8: memref<!tpu.dma_semaphore, #tpu.memory_space<semaphore_mem>>, %arg9: memref<!tpu.dma_semaphore, #tpu.memory_space<semaphore_mem>>, %arg10: memref<10112x128xf32, #tpu.memory_space<vmem_shared>>) attributes {dimension_semantics = [#tpu.dimension_semantics<core_parallel>, #tpu.dimension_semantics<subcore_parallel>], iteration_bounds = array<i64: 2, 16>, scalar_prefetch = 0 : i64, scratch_operands = 6 : i64, tpu.core_type = #tpu.core_type<sc_vector_subcore>, window_params = [{transform_indices = #map}, {transform_indices = #map1}, {transform_indices = #map2}]} {
    %mul3A = arith.constant 110 : i32
    %mul3A_0 = arith.muli %arg0, %mul3A : i32
    %eq3A = arith.constant 0 : i32
    %eq3A_1 = arith.cmpi eq, %arg0, %eq3A : i32
    %select_n3A = arith.constant 5 : i32
    %select_n3A_2 = arith.constant 11 : i32
    %select_n3A_3 = arith.select %eq3A_1, %select_n3A_2, %select_n3A : i32
    %broadcast_in_dim3A = arith.constant 0.000000e+00 : f32
    %broadcast_in_dim3A_4 = vector.broadcast %broadcast_in_dim3A : f32 to vector<16xf32>
    %scan3A = arith.constant 0 : i32
    %scan3A_5 = arith.constant 0 : i32
    %scan3A_6 = arith.constant 128 : i32
    %scan3A_7 = arith.addi %scan3A_5, %scan3A_6 : i32
    %scan3A_8 = arith.constant 1 : i32
    %scan3A_9 = scf.for %scan3A_46 = %scan3A_5 to %scan3A_7 step %scan3A_8 iter_args(%scan3A_47 = %scan3A) -> (i32)  : i32 {
      %swap3A = arith.index_cast %scan3A_46 : i32 to index
      %swap3A_48 = arith.constant 0 : index
      %swap3A_49 = tpu.vector_load %arg6[%swap3A, %swap3A_48] {strides = array<i32>} : memref<128x128xf32, #tpu.memory_space<vmem>>, vector<1x16xf32>,
      %swap3A_50 = vector.shape_cast %swap3A_49 : vector<1x16xf32> to vector<16xf32>
      %swap3A_51 = vector.shape_cast %broadcast_in_dim3A_4 : vector<16xf32> to vector<1x16xf32>
      tpu.vector_store %arg6[%swap3A, %swap3A_48], %swap3A_51 {strides = array<i32>} : memref<128x128xf32, #tpu.memory_space<vmem>>, vector<1x16xf32>,
      %swap3A_52 = arith.index_cast %scan3A_46 : i32 to index
      %swap3A_53 = arith.constant 16 : index
      %swap3A_54 = tpu.vector_load %arg6[%swap3A_52, %swap3A_53] {strides = array<i32>} : memref<128x128xf32, #tpu.memory_space<vmem>>, vector<1x16xf32>,
      %swap3A_55 = vector.shape_cast %swap3A_54 : vector<1x16xf32> to vector<16xf32>
      %swap3A_56 = vector.shape_cast %broadcast_in_dim3A_4 : vector<16xf32> to vector<1x16xf32>
      tpu.vector_store %arg6[%swap3A_52, %swap3A_53], %swap3A_56 {strides = array<i32>} : memref<128x128xf32, #tpu.memory_space<vmem>>, vector<1x16xf32>,
      %swap3A_57 = arith.index_cast %scan3A_46 : i32 to index
      %swap3A_58 = arith.constant 32 : index
      %swap3A_59 = tpu.vector_load %arg6[%swap3A_57, %swap3A_58] {strides = array<i32>} : memref<128x128xf32, #tpu.memory_space<vmem>>, vector<1x16xf32>,
      %swap3A_60 = vector.shape_cast %swap3A_59 : vector<1x16xf32> to vector<16xf32>
      %swap3A_61 = vector.shape_cast %broadcast_in_dim3A_4 : vector<16xf32> to vector<1x16xf32>
      tpu.vector_store %arg6[%swap3A_57, %swap3A_58], %swap3A_61 {strides = array<i32>} : memref<128x128xf32, #tpu.memory_space<vmem>>, vector<1x16xf32>,
      %swap3A_62 = arith.index_cast %scan3A_46 : i32 to index
      %swap3A_63 = arith.constant 48 : index
      %swap3A_64 = tpu.vector_load %arg6[%swap3A_62, %swap3A_63] {strides = array<i32>} : memref<128x128xf32, #tpu.memory_space<vmem>>, vector<1x16xf32>,
      %swap3A_65 = vector.shape_cast %swap3A_64 : vector<1x16xf32> to vector<16xf32>
      %swap3A_66 = vector.shape_cast %broadcast_in_dim3A_4 : vector<16xf32> to vector<1x16xf32>
      tpu.vector_store %arg6[%swap3A_62, %swap3A_63], %swap3A_66 {strides = array<i32>} : memref<128x128xf32, #tpu.memory_space<vmem>>, vector<1x16xf32>,
      %swap3A_67 = arith.index_cast %scan3A_46 : i32 to index
      %swap3A_68 = arith.constant 64 : index
      %swap3A_69 = tpu.vector_load %arg6[%swap3A_67, %swap3A_68] {strides = array<i32>} : memref<128x128xf32, #tpu.memory_space<vmem>>, vector<1x16xf32>,
      %swap3A_70 = vector.shape_cast %swap3A_69 : vector<1x16xf32> to vector<16xf32>
      %swap3A_71 = vector.shape_cast %broadcast_in_dim3A_4 : vector<16xf32> to vector<1x16xf32>
      tpu.vector_store %arg6[%swap3A_67, %swap3A_68], %swap3A_71 {strides = array<i32>} : memref<128x128xf32, #tpu.memory_space<vmem>>, vector<1x16xf32>,
      %swap3A_72 = arith.index_cast %scan3A_46 : i32 to index
      %swap3A_73 = arith.constant 80 : index
      %swap3A_74 = tpu.vector_load %arg6[%swap3A_72, %swap3A_73] {strides = array<i32>} : memref<128x128xf32, #tpu.memory_space<vmem>>, vector<1x16xf32>,
      %swap3A_75 = vector.shape_cast %swap3A_74 : vector<1x16xf32> to vector<16xf32>
      %swap3A_76 = vector.shape_cast %broadcast_in_dim3A_4 : vector<16xf32> to vector<1x16xf32>
      tpu.vector_store %arg6[%swap3A_72, %swap3A_73], %swap3A_76 {strides = array<i32>} : memref<128x128xf32, #tpu.memory_space<vmem>>, vector<1x16xf32>,
      %swap3A_77 = arith.index_cast %scan3A_46 : i32 to index
      %swap3A_78 = arith.constant 96 : index
      %swap3A_79 = tpu.vector_load %arg6[%swap3A_77, %swap3A_78] {strides = array<i32>} : memref<128x128xf32, #tpu.memory_space<vmem>>, vector<1x16xf32>,
      %swap3A_80 = vector.shape_cast %swap3A_79 : vector<1x16xf32> to vector<16xf32>
      %swap3A_81 = vector.shape_cast %broadcast_in_dim3A_4 : vector<16xf32> to vector<1x16xf32>
      tpu.vector_store %arg6[%swap3A_77, %swap3A_78], %swap3A_81 {strides = array<i32>} : memref<128x128xf32, #tpu.memory_space<vmem>>, vector<1x16xf32>,
      %swap3A_82 = arith.index_cast %scan3A_46 : i32 to index
      %swap3A_83 = arith.constant 112 : index
      %swap3A_84 = tpu.vector_load %arg6[%swap3A_82, %swap3A_83] {strides = array<i32>} : memref<128x128xf32, #tpu.memory_space<vmem>>, vector<1x16xf32>,
      %swap3A_85 = vector.shape_cast %swap3A_84 : vector<1x16xf32> to vector<16xf32>
      %swap3A_86 = vector.shape_cast %broadcast_in_dim3A_4 : vector<16xf32> to vector<1x16xf32>
      tpu.vector_store %arg6[%swap3A_82, %swap3A_83], %swap3A_86 {strides = array<i32>} : memref<128x128xf32, #tpu.memory_space<vmem>>, vector<1x16xf32>,
      %scan3A_87 = arith.constant 0 : i32
      scf.yield %scan3A_87 : i32
    }
    %scan3A_10 = arith.constant 128 : i32
    %mul3A_11 = arith.constant 632 : i32
    %mul3A_12 = arith.muli %arg1, %mul3A_11 : i32
    %add3A = arith.constant 0 : i32
    %add3A_13 = arith.addi %mul3A_12, %add3A : i32
    "tpu.region"() ({
      %run_scoped3A = tpu.sem_alloc : memref<!tpu.dma_semaphore, #tpu.memory_space<semaphore_mem>>
      %dma_start3A = arith.constant 0 : i32
      %dma_start3A_46 = tpu.memref_slice %arg10[%add3A_13, %dma_start3A] : memref<10112x128xf32, #tpu.memory_space<vmem_shared>> -> memref<128x128xf32, #tpu.memory_space<vmem_shared>>
      %dma_start3A_47 = arith.constant 0 : i32
      %dma_start3A_48 = tpu.memref_slice %arg10[%add3A_13, %dma_start3A_47] : memref<10112x128xf32, #tpu.memory_space<vmem_shared>> -> memref<128x128xf32, #tpu.memory_space<vmem_shared>>
      tpu.enqueue_dma source(%arg6 : memref<128x128xf32, #tpu.memory_space<vmem>>) target(%dma_start3A_48 : memref<128x128xf32, #tpu.memory_space<vmem_shared>>) target_semaphore(%run_scoped3A : memref<!tpu.dma_semaphore, #tpu.memory_space<semaphore_mem>>)
      %dma_wait3A = arith.constant 0 : i32
      %dma_wait3A_49 = tpu.memref_slice %arg10[%add3A_13, %dma_wait3A] : memref<10112x128xf32, #tpu.memory_space<vmem_shared>> -> memref<128x128xf32, #tpu.memory_space<vmem_shared>>
      %dma_wait3A_50 = arith.constant 0 : i32
      %dma_wait3A_51 = tpu.memref_slice %arg10[%add3A_13, %dma_wait3A_50] : memref<10112x128xf32, #tpu.memory_space<vmem_shared>> -> memref<128x128xf32, #tpu.memory_space<vmem_shared>>
      tpu.wait_dma2 semaphore(%run_scoped3A : memref<!tpu.dma_semaphore, #tpu.memory_space<semaphore_mem>>) src(%arg6 : memref<128x128xf32, #tpu.memory_space<vmem>>) dst(%dma_wait3A_51 : memref<128x128xf32, #tpu.memory_space<vmem_shared>>)
      tpu.yield
    }) : () -> ()
    %mul3A_14 = arith.constant 632 : i32
    %mul3A_15 = arith.muli %arg1, %mul3A_14 : i32
    %add3A_16 = arith.constant 128 : i32
    %add3A_17 = arith.addi %mul3A_15, %add3A_16 : i32
    "tpu.region"() ({
      %run_scoped3A = tpu.sem_alloc : memref<!tpu.dma_semaphore, #tpu.memory_space<semaphore_mem>>
      %dma_start3A = arith.constant 0 : i32
      %dma_start3A_46 = tpu.memref_slice %arg10[%add3A_17, %dma_start3A] : memref<10112x128xf32, #tpu.memory_space<vmem_shared>> -> memref<128x128xf32, #tpu.memory_space<vmem_shared>>
      %dma_start3A_47 = arith.constant 0 : i32
      %dma_start3A_48 = tpu.memref_slice %arg10[%add3A_17, %dma_start3A_47] : memref<10112x128xf32, #tpu.memory_space<vmem_shared>> -> memref<128x128xf32, #tpu.memory_space<vmem_shared>>
      tpu.enqueue_dma source(%arg6 : memref<128x128xf32, #tpu.memory_space<vmem>>) target(%dma_start3A_48 : memref<128x128xf32, #tpu.memory_space<vmem_shared>>) target_semaphore(%run_scoped3A : memref<!tpu.dma_semaphore, #tpu.memory_space<semaphore_mem>>)
      %dma_wait3A = arith.constant 0 : i32
      %dma_wait3A_49 = tpu.memref_slice %arg10[%add3A_17, %dma_wait3A] : memref<10112x128xf32, #tpu.memory_space<vmem_shared>> -> memref<128x128xf32, #tpu.memory_space<vmem_shared>>
      %dma_wait3A_50 = arith.constant 0 : i32
      %dma_wait3A_51 = tpu.memref_slice %arg10[%add3A_17, %dma_wait3A_50] : memref<10112x128xf32, #tpu.memory_space<vmem_shared>> -> memref<128x128xf32, #tpu.memory_space<vmem_shared>>
      tpu.wait_dma2 semaphore(%run_scoped3A : memref<!tpu.dma_semaphore, #tpu.memory_space<semaphore_mem>>) src(%arg6 : memref<128x128xf32, #tpu.memory_space<vmem>>) dst(%dma_wait3A_51 : memref<128x128xf32, #tpu.memory_space<vmem_shared>>)
      tpu.yield
    }) : () -> ()
    %mul3A_18 = arith.constant 632 : i32
    %mul3A_19 = arith.muli %arg1, %mul3A_18 : i32
    %add3A_20 = arith.constant 256 : i32
    %add3A_21 = arith.addi %mul3A_19, %add3A_20 : i32
    "tpu.region"() ({
      %run_scoped3A = tpu.sem_alloc : memref<!tpu.dma_semaphore, #tpu.memory_space<semaphore_mem>>
      %dma_start3A = arith.constant 0 : i32
      %dma_start3A_46 = tpu.memref_slice %arg10[%add3A_21, %dma_start3A] : memref<10112x128xf32, #tpu.memory_space<vmem_shared>> -> memref<128x128xf32, #tpu.memory_space<vmem_shared>>
      %dma_start3A_47 = arith.constant 0 : i32
      %dma_start3A_48 = tpu.memref_slice %arg10[%add3A_21, %dma_start3A_47] : memref<10112x128xf32, #tpu.memory_space<vmem_shared>> -> memref<128x128xf32, #tpu.memory_space<vmem_shared>>
      tpu.enqueue_dma source(%arg6 : memref<128x128xf32, #tpu.memory_space<vmem>>) target(%dma_start3A_48 : memref<128x128xf32, #tpu.memory_space<vmem_shared>>) target_semaphore(%run_scoped3A : memref<!tpu.dma_semaphore, #tpu.memory_space<semaphore_mem>>)
      %dma_wait3A = arith.constant 0 : i32
      %dma_wait3A_49 = tpu.memref_slice %arg10[%add3A_21, %dma_wait3A] : memref<10112x128xf32, #tpu.memory_space<vmem_shared>> -> memref<128x128xf32, #tpu.memory_space<vmem_shared>>
      %dma_wait3A_50 = arith.constant 0 : i32
      %dma_wait3A_51 = tpu.memref_slice %arg10[%add3A_21, %dma_wait3A_50] : memref<10112x128xf32, #tpu.memory_space<vmem_shared>> -> memref<128x128xf32, #tpu.memory_space<vmem_shared>>
      tpu.wait_dma2 semaphore(%run_scoped3A : memref<!tpu.dma_semaphore, #tpu.memory_space<semaphore_mem>>) src(%arg6 : memref<128x128xf32, #tpu.memory_space<vmem>>) dst(%dma_wait3A_51 : memref<128x128xf32, #tpu.memory_space<vmem_shared>>)
      tpu.yield
    }) : () -> ()
    %mul3A_22 = arith.constant 632 : i32
    %mul3A_23 = arith.muli %arg1, %mul3A_22 : i32
    %add3A_24 = arith.constant 384 : i32
    %add3A_25 = arith.addi %mul3A_23, %add3A_24 : i32
    "tpu.region"() ({
      %run_scoped3A = tpu.sem_alloc : memref<!tpu.dma_semaphore, #tpu.memory_space<semaphore_mem>>
      %dma_start3A = arith.constant 0 : i32
      %dma_start3A_46 = tpu.memref_slice %arg10[%add3A_25, %dma_start3A] : memref<10112x128xf32, #tpu.memory_space<vmem_shared>> -> memref<128x128xf32, #tpu.memory_space<vmem_shared>>
      %dma_start3A_47 = arith.constant 0 : i32
      %dma_start3A_48 = tpu.memref_slice %arg10[%add3A_25, %dma_start3A_47] : memref<10112x128xf32, #tpu.memory_space<vmem_shared>> -> memref<128x128xf32, #tpu.memory_space<vmem_shared>>
      tpu.enqueue_dma source(%arg6 : memref<128x128xf32, #tpu.memory_space<vmem>>) target(%dma_start3A_48 : memref<128x128xf32, #tpu.memory_space<vmem_shared>>) target_semaphore(%run_scoped3A : memref<!tpu.dma_semaphore, #tpu.memory_space<semaphore_mem>>)
      %dma_wait3A = arith.constant 0 : i32
      %dma_wait3A_49 = tpu.memref_slice %arg10[%add3A_25, %dma_wait3A] : memref<10112x128xf32, #tpu.memory_space<vmem_shared>> -> memref<128x128xf32, #tpu.memory_space<vmem_shared>>
      %dma_wait3A_50 = arith.constant 0 : i32
      %dma_wait3A_51 = tpu.memref_slice %arg10[%add3A_25, %dma_wait3A_50] : memref<10112x128xf32, #tpu.memory_space<vmem_shared>> -> memref<128x128xf32, #tpu.memory_space<vmem_shared>>
      tpu.wait_dma2 semaphore(%run_scoped3A : memref<!tpu.dma_semaphore, #tpu.memory_space<semaphore_mem>>) src(%arg6 : memref<128x128xf32, #tpu.memory_space<vmem>>) dst(%dma_wait3A_51 : memref<128x128xf32, #tpu.memory_space<vmem_shared>>)
      tpu.yield
    }) : () -> ()
    %mul3A_26 = arith.constant 632 : i32
    %mul3A_27 = arith.muli %arg1, %mul3A_26 : i32
    %add3A_28 = arith.constant 512 : i32
    %add3A_29 = arith.addi %mul3A_27, %add3A_28 : i32
    "tpu.region"() ({
      %run_scoped3A = tpu.sem_alloc : memref<!tpu.dma_semaphore, #tpu.memory_space<semaphore_mem>>
      %dma_start3A = arith.constant 0 : i32
      %dma_start3A_46 = arith.constant 0 : i32
      %dma_start3A_47 = tpu.memref_slice %arg6[%dma_start3A, %dma_start3A_46] : memref<128x128xf32, #tpu.memory_space<vmem>> -> memref<120x128xf32, #tpu.memory_space<vmem>>
      %dma_start3A_48 = arith.constant 0 : i32
      %dma_start3A_49 = tpu.memref_slice %arg10[%add3A_29, %dma_start3A_48] : memref<10112x128xf32, #tpu.memory_space<vmem_shared>> -> memref<120x128xf32, #tpu.memory_space<vmem_shared>>
      %dma_start3A_50 = arith.constant 0 : i32
      %dma_start3A_51 = tpu.memref_slice %arg10[%add3A_29, %dma_start3A_50] : memref<10112x128xf32, #tpu.memory_space<vmem_shared>> -> memref<120x128xf32, #tpu.memory_space<vmem_shared>>
      %dma_start3A_52 = arith.constant 0 : i32
      %dma_start3A_53 = arith.constant 0 : i32
      %dma_start3A_54 = tpu.memref_slice %arg6[%dma_start3A_52, %dma_start3A_53] : memref<128x128xf32, #tpu.memory_space<vmem>> -> memref<120x128xf32, #tpu.memory_space<vmem>>
      tpu.enqueue_dma source(%dma_start3A_54 : memref<120x128xf32, #tpu.memory_space<vmem>>) target(%dma_start3A_51 : memref<120x128xf32, #tpu.memory_space<vmem_shared>>) target_semaphore(%run_scoped3A : memref<!tpu.dma_semaphore, #tpu.memory_space<semaphore_mem>>)
      %dma_wait3A = arith.constant 0 : i32
      %dma_wait3A_55 = arith.constant 0 : i32
      %dma_wait3A_56 = tpu.memref_slice %arg6[%dma_wait3A, %dma_wait3A_55] : memref<128x128xf32, #tpu.memory_space<vmem>> -> memref<120x128xf32, #tpu.memory_space<vmem>>
      %dma_wait3A_57 = arith.constant 0 : i32
      %dma_wait3A_58 = tpu.memref_slice %arg10[%add3A_29, %dma_wait3A_57] : memref<10112x128xf32, #tpu.memory_space<vmem_shared>> -> memref<120x128xf32, #tpu.memory_space<vmem_shared>>
      %dma_wait3A_59 = arith.constant 0 : i32
      %dma_wait3A_60 = tpu.memref_slice %arg10[%add3A_29, %dma_wait3A_59] : memref<10112x128xf32, #tpu.memory_space<vmem_shared>> -> memref<120x128xf32, #tpu.memory_space<vmem_shared>>
      %dma_wait3A_61 = arith.constant 0 : i32
      %dma_wait3A_62 = arith.constant 0 : i32
      %dma_wait3A_63 = tpu.memref_slice %arg6[%dma_wait3A_61, %dma_wait3A_62] : memref<128x128xf32, #tpu.memory_space<vmem>> -> memref<120x128xf32, #tpu.memory_space<vmem>>
      tpu.wait_dma2 semaphore(%run_scoped3A : memref<!tpu.dma_semaphore, #tpu.memory_space<semaphore_mem>>) src(%dma_wait3A_63 : memref<120x128xf32, #tpu.memory_space<vmem>>) dst(%dma_wait3A_60 : memref<120x128xf32, #tpu.memory_space<vmem_shared>>)
      tpu.yield
    }) : () -> ()
    %barrier3A = arith.constant 0 : index
    tpu.barrier barrier_id(%barrier3A)
    %while3A = arith.constant 0 : i32
    %while3A_30 = arith.constant 0 : i32
    %while3A_31 = arith.subi %select_n3A_3, %while3A : i32
    %while3A_32 = arith.addi %while3A, %while3A_31 : i32
    %while3A_33 = arith.constant 1 : i32
    %while3A_34 = arith.divsi %while3A_31, %while3A_33 : i32
    %while3A_35 = arith.muli %while3A_34, %while3A_33 : i32
    %while3A_36 = arith.addi %while3A, %while3A_35 : i32
    %while3A_37 = arith.constant 1 : i32
    %while3A_38 = scf.for %while3A_46 = %while3A to %while3A_36 step %while3A_37 iter_args(%while3A_47 = %while3A_30) -> (i32)  : i32 {
      %mul3A_48 = arith.constant 10 : i32
      %mul3A_49 = arith.muli %while3A_46, %mul3A_48 : i32
      %add3A_50 = arith.addi %mul3A_0, %mul3A_49 : i32
      "tpu.region"() ({
        %run_scoped3A_229 = tpu.sem_alloc : memref<!tpu.dma_semaphore, #tpu.memory_space<semaphore_mem>>
        %dma_start3A_230 = arith.constant 0 : i32
        %dma_start3A_231 = arith.constant 0 : i32
        %dma_start3A_232 = tpu.memref_slice %arg3[%arg1, %add3A_50, %dma_start3A_230, %dma_start3A_231] : memref<16x160x2x128xi32, #tpu.memory_space<hbm>> -> memref<1x10x2x128xi32, #tpu.memory_space<hbm>>
        %dma_start3A_233 = tpu.memref_squeeze %dma_start3A_232 : memref<1x10x2x128xi32, #tpu.memory_space<hbm>> -> memref<10x2x128xi32, #tpu.memory_space<hbm>>
        %dma_start3A_234 = arith.constant 0 : i32
        %dma_start3A_235 = arith.constant 0 : i32
        %dma_start3A_236 = tpu.memref_slice %arg3[%arg1, %add3A_50, %dma_start3A_234, %dma_start3A_235] : memref<16x160x2x128xi32, #tpu.memory_space<hbm>> -> memref<1x10x2x128xi32, #tpu.memory_space<hbm>>
        %dma_start3A_237 = tpu.memref_squeeze %dma_start3A_236 : memref<1x10x2x128xi32, #tpu.memory_space<hbm>> -> memref<10x2x128xi32, #tpu.memory_space<hbm>>
        tpu.enqueue_dma source(%dma_start3A_237 : memref<10x2x128xi32, #tpu.memory_space<hbm>>) target(%arg5 : memref<10x2x128xi32, #tpu.memory_space<vmem>>) target_semaphore(%run_scoped3A_229 : memref<!tpu.dma_semaphore, #tpu.memory_space<semaphore_mem>>)
        %dma_wait3A_238 = arith.constant 0 : i32
        %dma_wait3A_239 = arith.constant 0 : i32
        %dma_wait3A_240 = tpu.memref_slice %arg3[%arg1, %add3A_50, %dma_wait3A_238, %dma_wait3A_239] : memref<16x160x2x128xi32, #tpu.memory_space<hbm>> -> memref<1x10x2x128xi32, #tpu.memory_space<hbm>>
        %dma_wait3A_241 = tpu.memref_squeeze %dma_wait3A_240 : memref<1x10x2x128xi32, #tpu.memory_space<hbm>> -> memref<10x2x128xi32, #tpu.memory_space<hbm>>
        %dma_wait3A_242 = arith.constant 0 : i32
        %dma_wait3A_243 = arith.constant 0 : i32
        %dma_wait3A_244 = tpu.memref_slice %arg3[%arg1, %add3A_50, %dma_wait3A_242, %dma_wait3A_243] : memref<16x160x2x128xi32, #tpu.memory_space<hbm>> -> memref<1x10x2x128xi32, #tpu.memory_space<hbm>>
        %dma_wait3A_245 = tpu.memref_squeeze %dma_wait3A_244 : memref<1x10x2x128xi32, #tpu.memory_space<hbm>> -> memref<10x2x128xi32, #tpu.memory_space<hbm>>
        tpu.wait_dma2 semaphore(%run_scoped3A_229 : memref<!tpu.dma_semaphore, #tpu.memory_space<semaphore_mem>>) src(%dma_wait3A_245 : memref<10x2x128xi32, #tpu.memory_space<hbm>>) dst(%arg5 : memref<10x2x128xi32, #tpu.memory_space<vmem>>)
        tpu.yield
      }) : () -> ()
      %dma_start3A = arith.constant 0 : i32
      %dma_start3A_51 = arith.constant 0 : i32
      %dma_start3A_52 = arith.constant 0 : i32
      %dma_start3A_53 = tpu.memref_slice %arg5[%dma_start3A, %dma_start3A_51, %dma_start3A_52] : memref<10x2x128xi32, #tpu.memory_space<vmem>> -> memref<1x1x128xi32, #tpu.memory_space<vmem>>
      %dma_start3A_54 = tpu.memref_squeeze %dma_start3A_53 : memref<1x1x128xi32, #tpu.memory_space<vmem>> -> memref<128xi32, #tpu.memory_space<vmem>>
      %dma_start3A_55 = arith.constant 0 : i32
      %dma_start3A_56 = arith.constant 0 : i32
      %dma_start3A_57 = tpu.memref_slice %arg2[%dma_start3A_55, %dma_start3A_56] : memref<10112x128xf32, #tpu.memory_space<hbm>> -> memref<10112x128xf32, #tpu.memory_space<hbm>>
      tpu.enqueue_indirect_dma source(%dma_start3A_57 : memref<10112x128xf32, #tpu.memory_space<hbm>>) target(%arg6 : memref<128x128xf32, #tpu.memory_space<vmem>>) offsets(%dma_start3A_54 : memref<128xi32, #tpu.memory_space<vmem>>) semaphore(%arg8 : memref<!tpu.dma_semaphore, #tpu.memory_space<semaphore_mem>>)
      %dma_start3A_58 = arith.constant 1 : i32
      %dma_start3A_59 = arith.constant 0 : i32
      %dma_start3A_60 = arith.constant 0 : i32
      %dma_start3A_61 = tpu.memref_slice %arg5[%dma_start3A_58, %dma_start3A_59, %dma_start3A_60] : memref<10x2x128xi32, #tpu.memory_space<vmem>> -> memref<1x1x128xi32, #tpu.memory_space<vmem>>
      %dma_start3A_62 = tpu.memref_squeeze %dma_start3A_61 : memref<1x1x128xi32, #tpu.memory_space<vmem>> -> memref<128xi32, #tpu.memory_space<vmem>>
      %dma_start3A_63 = arith.constant 0 : i32
      %dma_start3A_64 = arith.constant 0 : i32
      %dma_start3A_65 = tpu.memref_slice %arg2[%dma_start3A_63, %dma_start3A_64] : memref<10112x128xf32, #tpu.memory_space<hbm>> -> memref<10112x128xf32, #tpu.memory_space<hbm>>
      tpu.enqueue_indirect_dma source(%dma_start3A_65 : memref<10112x128xf32, #tpu.memory_space<hbm>>) target(%arg7 : memref<128x128xf32, #tpu.memory_space<vmem>>) offsets(%dma_start3A_62 : memref<128xi32, #tpu.memory_space<vmem>>) semaphore(%arg9 : memref<!tpu.dma_semaphore, #tpu.memory_space<semaphore_mem>>)
      %dma_wait3A = arith.constant 0 : i32
      %dma_wait3A_66 = arith.constant 0 : i32
      %dma_wait3A_67 = arith.constant 0 : i32
      %dma_wait3A_68 = tpu.memref_slice %arg5[%dma_wait3A, %dma_wait3A_66, %dma_wait3A_67] : memref<10x2x128xi32, #tpu.memory_space<vmem>> -> memref<1x1x128xi32, #tpu.memory_space<vmem>>
      %dma_wait3A_69 = tpu.memref_squeeze %dma_wait3A_68 : memref<1x1x128xi32, #tpu.memory_space<vmem>> -> memref<128xi32, #tpu.memory_space<vmem>>
      %dma_wait3A_70 = arith.constant 0 : i32
      %dma_wait3A_71 = arith.constant 0 : i32
      %dma_wait3A_72 = tpu.memref_slice %arg2[%dma_wait3A_70, %dma_wait3A_71] : memref<10112x128xf32, #tpu.memory_space<hbm>> -> memref<10112x128xf32, #tpu.memory_space<hbm>>
      tpu.wait_indirect_dma semaphore(%arg8 : memref<!tpu.dma_semaphore, #tpu.memory_space<semaphore_mem>>) src(%dma_wait3A_72 : memref<10112x128xf32, #tpu.memory_space<hbm>>) dst(%arg6 : memref<128x128xf32, #tpu.memory_space<vmem>>)
      %run_scoped3A = arith.constant 0 : i32
      %run_scoped3A_73 = arith.constant 1 : i32
      "tpu.region"() ({
        %run_scoped3A_229 = tpu.sem_alloc : memref<!tpu.dma_semaphore, #tpu.memory_space<semaphore_mem>>
        %dma_start3A_230 = arith.constant 0 : i32
        %dma_start3A_231 = tpu.memref_slice %arg5[%run_scoped3A, %run_scoped3A_73, %dma_start3A_230] : memref<10x2x128xi32, #tpu.memory_space<vmem>> -> memref<1x1x128xi32, #tpu.memory_space<vmem>>
        %dma_start3A_232 = tpu.memref_squeeze %dma_start3A_231 : memref<1x1x128xi32, #tpu.memory_space<vmem>> -> memref<128xi32, #tpu.memory_space<vmem>>
        %dma_start3A_233 = arith.constant 0 : i32
        %dma_start3A_234 = arith.constant 0 : i32
        %dma_start3A_235 = tpu.memref_slice %arg10[%dma_start3A_233, %dma_start3A_234] : memref<10112x128xf32, #tpu.memory_space<vmem_shared>> -> memref<10112x128xf32, #tpu.memory_space<vmem_shared>>
        tpu.enqueue_indirect_dma source(%arg6 : memref<128x128xf32, #tpu.memory_space<vmem>>) target(%dma_start3A_235 : memref<10112x128xf32, #tpu.memory_space<vmem_shared>>) offsets(%dma_start3A_232 : memref<128xi32, #tpu.memory_space<vmem>>) semaphore(%run_scoped3A_229 : memref<!tpu.dma_semaphore, #tpu.memory_space<semaphore_mem>>) {add = true}
        %dma_wait3A_236 = arith.constant 0 : i32
        %dma_wait3A_237 = tpu.memref_slice %arg5[%run_scoped3A, %run_scoped3A_73, %dma_wait3A_236] : memref<10x2x128xi32, #tpu.memory_space<vmem>> -> memref<1x1x128xi32, #tpu.memory_space<vmem>>
        %dma_wait3A_238 = tpu.memref_squeeze %dma_wait3A_237 : memref<1x1x128xi32, #tpu.memory_space<vmem>> -> memref<128xi32, #tpu.memory_space<vmem>>
        %dma_wait3A_239 = arith.constant 0 : i32
        %dma_wait3A_240 = arith.constant 0 : i32
        %dma_wait3A_241 = tpu.memref_slice %arg10[%dma_wait3A_239, %dma_wait3A_240] : memref<10112x128xf32, #tpu.memory_space<vmem_shared>> -> memref<10112x128xf32, #tpu.memory_space<vmem_shared>>
        tpu.wait_indirect_dma semaphore(%run_scoped3A_229 : memref<!tpu.dma_semaphore, #tpu.memory_space<semaphore_mem>>) src(%arg6 : memref<128x128xf32, #tpu.memory_space<vmem>>) dst(%dma_wait3A_241 : memref<10112x128xf32, #tpu.memory_space<vmem_shared>>)
        tpu.yield
      }) : () -> ()
      %dma_start3A_74 = arith.constant 2 : i32
      %dma_start3A_75 = arith.constant 0 : i32
      %dma_start3A_76 = arith.constant 0 : i32
      %dma_start3A_77 = tpu.memref_slice %arg5[%dma_start3A_74, %dma_start3A_75, %dma_start3A_76] : memref<10x2x128xi32, #tpu.memory_space<vmem>> -> memref<1x1x128xi32, #tpu.memory_space<vmem>>
      %dma_start3A_78 = tpu.memref_squeeze %dma_start3A_77 : memref<1x1x128xi32, #tpu.memory_space<vmem>> -> memref<128xi32, #tpu.memory_space<vmem>>
      %dma_start3A_79 = arith.constant 0 : i32
      %dma_start3A_80 = arith.constant 0 : i32
      %dma_start3A_81 = tpu.memref_slice %arg2[%dma_start3A_79, %dma_start3A_80] : memref<10112x128xf32, #tpu.memory_space<hbm>> -> memref<10112x128xf32, #tpu.memory_space<hbm>>
      tpu.enqueue_indirect_dma source(%dma_start3A_81 : memref<10112x128xf32, #tpu.memory_space<hbm>>) target(%arg6 : memref<128x128xf32, #tpu.memory_space<vmem>>) offsets(%dma_start3A_78 : memref<128xi32, #tpu.memory_space<vmem>>) semaphore(%arg8 : memref<!tpu.dma_semaphore, #tpu.memory_space<semaphore_mem>>)
      %dma_wait3A_82 = arith.constant 1 : i32
      %dma_wait3A_83 = arith.constant 0 : i32
      %dma_wait3A_84 = arith.constant 0 : i32
      %dma_wait3A_85 = tpu.memref_slice %arg5[%dma_wait3A_82, %dma_wait3A_83, %dma_wait3A_84] : memref<10x2x128xi32, #tpu.memory_space<vmem>> -> memref<1x1x128xi32, #tpu.memory_space<vmem>>
      %dma_wait3A_86 = tpu.memref_squeeze %dma_wait3A_85 : memref<1x1x128xi32, #tpu.memory_space<vmem>> -> memref<128xi32, #tpu.memory_space<vmem>>
      %dma_wait3A_87 = arith.constant 0 : i32
      %dma_wait3A_88 = arith.constant 0 : i32
      %dma_wait3A_89 = tpu.memref_slice %arg2[%dma_wait3A_87, %dma_wait3A_88] : memref<10112x128xf32, #tpu.memory_space<hbm>> -> memref<10112x128xf32, #tpu.memory_space<hbm>>
      tpu.wait_indirect_dma semaphore(%arg9 : memref<!tpu.dma_semaphore, #tpu.memory_space<semaphore_mem>>) src(%dma_wait3A_89 : memref<10112x128xf32, #tpu.memory_space<hbm>>) dst(%arg7 : memref<128x128xf32, #tpu.memory_space<vmem>>)
      %run_scoped3A_90 = arith.constant 1 : i32
      %run_scoped3A_91 = arith.constant 1 : i32
      "tpu.region"() ({
        %run_scoped3A_229 = tpu.sem_alloc : memref<!tpu.dma_semaphore, #tpu.memory_space<semaphore_mem>>
        %dma_start3A_230 = arith.constant 0 : i32
        %dma_start3A_231 = tpu.memref_slice %arg5[%run_scoped3A_90, %run_scoped3A_91, %dma_start3A_230] : memref<10x2x128xi32, #tpu.memory_space<vmem>> -> memref<1x1x128xi32, #tpu.memory_space<vmem>>
        %dma_start3A_232 = tpu.memref_squeeze %dma_start3A_231 : memref<1x1x128xi32, #tpu.memory_space<vmem>> -> memref<128xi32, #tpu.memory_space<vmem>>
        %dma_start3A_233 = arith.constant 0 : i32
        %dma_start3A_234 = arith.constant 0 : i32
        %dma_start3A_235 = tpu.memref_slice %arg10[%dma_start3A_233, %dma_start3A_234] : memref<10112x128xf32, #tpu.memory_space<vmem_shared>> -> memref<10112x128xf32, #tpu.memory_space<vmem_shared>>
        tpu.enqueue_indirect_dma source(%arg7 : memref<128x128xf32, #tpu.memory_space<vmem>>) target(%dma_start3A_235 : memref<10112x128xf32, #tpu.memory_space<vmem_shared>>) offsets(%dma_start3A_232 : memref<128xi32, #tpu.memory_space<vmem>>) semaphore(%run_scoped3A_229 : memref<!tpu.dma_semaphore, #tpu.memory_space<semaphore_mem>>) {add = true}
        %dma_wait3A_236 = arith.constant 0 : i32
        %dma_wait3A_237 = tpu.memref_slice %arg5[%run_scoped3A_90, %run_scoped3A_91, %dma_wait3A_236] : memref<10x2x128xi32, #tpu.memory_space<vmem>> -> memref<1x1x128xi32, #tpu.memory_space<vmem>>
        %dma_wait3A_238 = tpu.memref_squeeze %dma_wait3A_237 : memref<1x1x128xi32, #tpu.memory_space<vmem>> -> memref<128xi32, #tpu.memory_space<vmem>>
        %dma_wait3A_239 = arith.constant 0 : i32
        %dma_wait3A_240 = arith.constant 0 : i32
        %dma_wait3A_241 = tpu.memref_slice %arg10[%dma_wait3A_239, %dma_wait3A_240] : memref<10112x128xf32, #tpu.memory_space<vmem_shared>> -> memref<10112x128xf32, #tpu.memory_space<vmem_shared>>
        tpu.wait_indirect_dma semaphore(%run_scoped3A_229 : memref<!tpu.dma_semaphore, #tpu.memory_space<semaphore_mem>>) src(%arg7 : memref<128x128xf32, #tpu.memory_space<vmem>>) dst(%dma_wait3A_241 : memref<10112x128xf32, #tpu.memory_space<vmem_shared>>)
        tpu.yield
      }) : () -> ()
      %dma_start3A_92 = arith.constant 3 : i32
      %dma_start3A_93 = arith.constant 0 : i32
      %dma_start3A_94 = arith.constant 0 : i32
      %dma_start3A_95 = tpu.memref_slice %arg5[%dma_start3A_92, %dma_start3A_93, %dma_start3A_94] : memref<10x2x128xi32, #tpu.memory_space<vmem>> -> memref<1x1x128xi32, #tpu.memory_space<vmem>>
      %dma_start3A_96 = tpu.memref_squeeze %dma_start3A_95 : memref<1x1x128xi32, #tpu.memory_space<vmem>> -> memref<128xi32, #tpu.memory_space<vmem>>
      %dma_start3A_97 = arith.constant 0 : i32
      %dma_start3A_98 = arith.constant 0 : i32
      %dma_start3A_99 = tpu.memref_slice %arg2[%dma_start3A_97, %dma_start3A_98] : memref<10112x128xf32, #tpu.memory_space<hbm>> -> memref<10112x128xf32, #tpu.memory_space<hbm>>
      tpu.enqueue_indirect_dma source(%dma_start3A_99 : memref<10112x128xf32, #tpu.memory_space<hbm>>) target(%arg7 : memref<128x128xf32, #tpu.memory_space<vmem>>) offsets(%dma_start3A_96 : memref<128xi32, #tpu.memory_space<vmem>>) semaphore(%arg9 : memref<!tpu.dma_semaphore, #tpu.memory_space<semaphore_mem>>)
      %dma_wait3A_100 = arith.constant 2 : i32
      %dma_wait3A_101 = arith.constant 0 : i32
      %dma_wait3A_102 = arith.constant 0 : i32
      %dma_wait3A_103 = tpu.memref_slice %arg5[%dma_wait3A_100, %dma_wait3A_101, %dma_wait3A_102] : memref<10x2x128xi32, #tpu.memory_space<vmem>> -> memref<1x1x128xi32, #tpu.memory_space<vmem>>
      %dma_wait3A_104 = tpu.memref_squeeze %dma_wait3A_103 : memref<1x1x128xi32, #tpu.memory_space<vmem>> -> memref<128xi32, #tpu.memory_space<vmem>>
      %dma_wait3A_105 = arith.constant 0 : i32
      %dma_wait3A_106 = arith.constant 0 : i32
      %dma_wait3A_107 = tpu.memref_slice %arg2[%dma_wait3A_105, %dma_wait3A_106] : memref<10112x128xf32, #tpu.memory_space<hbm>> -> memref<10112x128xf32, #tpu.memory_space<hbm>>
      tpu.wait_indirect_dma semaphore(%arg8 : memref<!tpu.dma_semaphore, #tpu.memory_space<semaphore_mem>>) src(%dma_wait3A_107 : memref<10112x128xf32, #tpu.memory_space<hbm>>) dst(%arg6 : memref<128x128xf32, #tpu.memory_space<vmem>>)
      %run_scoped3A_108 = arith.constant 2 : i32
      %run_scoped3A_109 = arith.constant 1 : i32
      "tpu.region"() ({
        %run_scoped3A_229 = tpu.sem_alloc : memref<!tpu.dma_semaphore, #tpu.memory_space<semaphore_mem>>
        %dma_start3A_230 = arith.constant 0 : i32
        %dma_start3A_231 = tpu.memref_slice %arg5[%run_scoped3A_108, %run_scoped3A_109, %dma_start3A_230] : memref<10x2x128xi32, #tpu.memory_space<vmem>> -> memref<1x1x128xi32, #tpu.memory_space<vmem>>
        %dma_start3A_232 = tpu.memref_squeeze %dma_start3A_231 : memref<1x1x128xi32, #tpu.memory_space<vmem>> -> memref<128xi32, #tpu.memory_space<vmem>>
        %dma_start3A_233 = arith.constant 0 : i32
        %dma_start3A_234 = arith.constant 0 : i32
        %dma_start3A_235 = tpu.memref_slice %arg10[%dma_start3A_233, %dma_start3A_234] : memref<10112x128xf32, #tpu.memory_space<vmem_shared>> -> memref<10112x128xf32, #tpu.memory_space<vmem_shared>>
        tpu.enqueue_indirect_dma source(%arg6 : memref<128x128xf32, #tpu.memory_space<vmem>>) target(%dma_start3A_235 : memref<10112x128xf32, #tpu.memory_space<vmem_shared>>) offsets(%dma_start3A_232 : memref<128xi32, #tpu.memory_space<vmem>>) semaphore(%run_scoped3A_229 : memref<!tpu.dma_semaphore, #tpu.memory_space<semaphore_mem>>) {add = true}
        %dma_wait3A_236 = arith.constant 0 : i32
        %dma_wait3A_237 = tpu.memref_slice %arg5[%run_scoped3A_108, %run_scoped3A_109, %dma_wait3A_236] : memref<10x2x128xi32, #tpu.memory_space<vmem>> -> memref<1x1x128xi32, #tpu.memory_space<vmem>>
        %dma_wait3A_238 = tpu.memref_squeeze %dma_wait3A_237 : memref<1x1x128xi32, #tpu.memory_space<vmem>> -> memref<128xi32, #tpu.memory_space<vmem>>
        %dma_wait3A_239 = arith.constant 0 : i32
        %dma_wait3A_240 = arith.constant 0 : i32
        %dma_wait3A_241 = tpu.memref_slice %arg10[%dma_wait3A_239, %dma_wait3A_240] : memref<10112x128xf32, #tpu.memory_space<vmem_shared>> -> memref<10112x128xf32, #tpu.memory_space<vmem_shared>>
        tpu.wait_indirect_dma semaphore(%run_scoped3A_229 : memref<!tpu.dma_semaphore, #tpu.memory_space<semaphore_mem>>) src(%arg6 : memref<128x128xf32, #tpu.memory_space<vmem>>) dst(%dma_wait3A_241 : memref<10112x128xf32, #tpu.memory_space<vmem_shared>>)
        tpu.yield
      }) : () -> ()
      %dma_start3A_110 = arith.constant 4 : i32
      %dma_start3A_111 = arith.constant 0 : i32
      %dma_start3A_112 = arith.constant 0 : i32
      %dma_start3A_113 = tpu.memref_slice %arg5[%dma_start3A_110, %dma_start3A_111, %dma_start3A_112] : memref<10x2x128xi32, #tpu.memory_space<vmem>> -> memref<1x1x128xi32, #tpu.memory_space<vmem>>
      %dma_start3A_114 = tpu.memref_squeeze %dma_start3A_113 : memref<1x1x128xi32, #tpu.memory_space<vmem>> -> memref<128xi32, #tpu.memory_space<vmem>>
      %dma_start3A_115 = arith.constant 0 : i32
      %dma_start3A_116 = arith.constant 0 : i32
      %dma_start3A_117 = tpu.memref_slice %arg2[%dma_start3A_115, %dma_start3A_116] : memref<10112x128xf32, #tpu.memory_space<hbm>> -> memref<10112x128xf32, #tpu.memory_space<hbm>>
      tpu.enqueue_indirect_dma source(%dma_start3A_117 : memref<10112x128xf32, #tpu.memory_space<hbm>>) target(%arg6 : memref<128x128xf32, #tpu.memory_space<vmem>>) offsets(%dma_start3A_114 : memref<128xi32, #tpu.memory_space<vmem>>) semaphore(%arg8 : memref<!tpu.dma_semaphore, #tpu.memory_space<semaphore_mem>>)
      %dma_wait3A_118 = arith.constant 3 : i32
      %dma_wait3A_119 = arith.constant 0 : i32
      %dma_wait3A_120 = arith.constant 0 : i32
      %dma_wait3A_121 = tpu.memref_slice %arg5[%dma_wait3A_118, %dma_wait3A_119, %dma_wait3A_120] : memref<10x2x128xi32, #tpu.memory_space<vmem>> -> memref<1x1x128xi32, #tpu.memory_space<vmem>>
      %dma_wait3A_122 = tpu.memref_squeeze %dma_wait3A_121 : memref<1x1x128xi32, #tpu.memory_space<vmem>> -> memref<128xi32, #tpu.memory_space<vmem>>
      %dma_wait3A_123 = arith.constant 0 : i32
      %dma_wait3A_124 = arith.constant 0 : i32
      %dma_wait3A_125 = tpu.memref_slice %arg2[%dma_wait3A_123, %dma_wait3A_124] : memref<10112x128xf32, #tpu.memory_space<hbm>> -> memref<10112x128xf32, #tpu.memory_space<hbm>>
      tpu.wait_indirect_dma semaphore(%arg9 : memref<!tpu.dma_semaphore, #tpu.memory_space<semaphore_mem>>) src(%dma_wait3A_125 : memref<10112x128xf32, #tpu.memory_space<hbm>>) dst(%arg7 : memref<128x128xf32, #tpu.memory_space<vmem>>)
      %run_scoped3A_126 = arith.constant 3 : i32
      %run_scoped3A_127 = arith.constant 1 : i32
      "tpu.region"() ({
        %run_scoped3A_229 = tpu.sem_alloc : memref<!tpu.dma_semaphore, #tpu.memory_space<semaphore_mem>>
        %dma_start3A_230 = arith.constant 0 : i32
        %dma_start3A_231 = tpu.memref_slice %arg5[%run_scoped3A_126, %run_scoped3A_127, %dma_start3A_230] : memref<10x2x128xi32, #tpu.memory_space<vmem>> -> memref<1x1x128xi32, #tpu.memory_space<vmem>>
        %dma_start3A_232 = tpu.memref_squeeze %dma_start3A_231 : memref<1x1x128xi32, #tpu.memory_space<vmem>> -> memref<128xi32, #tpu.memory_space<vmem>>
        %dma_start3A_233 = arith.constant 0 : i32
        %dma_start3A_234 = arith.constant 0 : i32
        %dma_start3A_235 = tpu.memref_slice %arg10[%dma_start3A_233, %dma_start3A_234] : memref<10112x128xf32, #tpu.memory_space<vmem_shared>> -> memref<10112x128xf32, #tpu.memory_space<vmem_shared>>
        tpu.enqueue_indirect_dma source(%arg7 : memref<128x128xf32, #tpu.memory_space<vmem>>) target(%dma_start3A_235 : memref<10112x128xf32, #tpu.memory_space<vmem_shared>>) offsets(%dma_start3A_232 : memref<128xi32, #tpu.memory_space<vmem>>) semaphore(%run_scoped3A_229 : memref<!tpu.dma_semaphore, #tpu.memory_space<semaphore_mem>>) {add = true}
        %dma_wait3A_236 = arith.constant 0 : i32
        %dma_wait3A_237 = tpu.memref_slice %arg5[%run_scoped3A_126, %run_scoped3A_127, %dma_wait3A_236] : memref<10x2x128xi32, #tpu.memory_space<vmem>> -> memref<1x1x128xi32, #tpu.memory_space<vmem>>
        %dma_wait3A_238 = tpu.memref_squeeze %dma_wait3A_237 : memref<1x1x128xi32, #tpu.memory_space<vmem>> -> memref<128xi32, #tpu.memory_space<vmem>>
        %dma_wait3A_239 = arith.constant 0 : i32
        %dma_wait3A_240 = arith.constant 0 : i32
        %dma_wait3A_241 = tpu.memref_slice %arg10[%dma_wait3A_239, %dma_wait3A_240] : memref<10112x128xf32, #tpu.memory_space<vmem_shared>> -> memref<10112x128xf32, #tpu.memory_space<vmem_shared>>
        tpu.wait_indirect_dma semaphore(%run_scoped3A_229 : memref<!tpu.dma_semaphore, #tpu.memory_space<semaphore_mem>>) src(%arg7 : memref<128x128xf32, #tpu.memory_space<vmem>>) dst(%dma_wait3A_241 : memref<10112x128xf32, #tpu.memory_space<vmem_shared>>)
        tpu.yield
      }) : () -> ()
      %dma_start3A_128 = arith.constant 5 : i32
      %dma_start3A_129 = arith.constant 0 : i32
      %dma_start3A_130 = arith.constant 0 : i32
      %dma_start3A_131 = tpu.memref_slice %arg5[%dma_start3A_128, %dma_start3A_129, %dma_start3A_130] : memref<10x2x128xi32, #tpu.memory_space<vmem>> -> memref<1x1x128xi32, #tpu.memory_space<vmem>>
      %dma_start3A_132 = tpu.memref_squeeze %dma_start3A_131 : memref<1x1x128xi32, #tpu.memory_space<vmem>> -> memref<128xi32, #tpu.memory_space<vmem>>
      %dma_start3A_133 = arith.constant 0 : i32
      %dma_start3A_134 = arith.constant 0 : i32
      %dma_start3A_135 = tpu.memref_slice %arg2[%dma_start3A_133, %dma_start3A_134] : memref<10112x128xf32, #tpu.memory_space<hbm>> -> memref<10112x128xf32, #tpu.memory_space<hbm>>
      tpu.enqueue_indirect_dma source(%dma_start3A_135 : memref<10112x128xf32, #tpu.memory_space<hbm>>) target(%arg7 : memref<128x128xf32, #tpu.memory_space<vmem>>) offsets(%dma_start3A_132 : memref<128xi32, #tpu.memory_space<vmem>>) semaphore(%arg9 : memref<!tpu.dma_semaphore, #tpu.memory_space<semaphore_mem>>)
      %dma_wait3A_136 = arith.constant 4 : i32
      %dma_wait3A_137 = arith.constant 0 : i32
      %dma_wait3A_138 = arith.constant 0 : i32
      %dma_wait3A_139 = tpu.memref_slice %arg5[%dma_wait3A_136, %dma_wait3A_137, %dma_wait3A_138] : memref<10x2x128xi32, #tpu.memory_space<vmem>> -> memref<1x1x128xi32, #tpu.memory_space<vmem>>
      %dma_wait3A_140 = tpu.memref_squeeze %dma_wait3A_139 : memref<1x1x128xi32, #tpu.memory_space<vmem>> -> memref<128xi32, #tpu.memory_space<vmem>>
      %dma_wait3A_141 = arith.constant 0 : i32
      %dma_wait3A_142 = arith.constant 0 : i32
      %dma_wait3A_143 = tpu.memref_slice %arg2[%dma_wait3A_141, %dma_wait3A_142] : memref<10112x128xf32, #tpu.memory_space<hbm>> -> memref<10112x128xf32, #tpu.memory_space<hbm>>
      tpu.wait_indirect_dma semaphore(%arg8 : memref<!tpu.dma_semaphore, #tpu.memory_space<semaphore_mem>>) src(%dma_wait3A_143 : memref<10112x128xf32, #tpu.memory_space<hbm>>) dst(%arg6 : memref<128x128xf32, #tpu.memory_space<vmem>>)
      %run_scoped3A_144 = arith.constant 4 : i32
      %run_scoped3A_145 = arith.constant 1 : i32
      "tpu.region"() ({
        %run_scoped3A_229 = tpu.sem_alloc : memref<!tpu.dma_semaphore, #tpu.memory_space<semaphore_mem>>
        %dma_start3A_230 = arith.constant 0 : i32
        %dma_start3A_231 = tpu.memref_slice %arg5[%run_scoped3A_144, %run_scoped3A_145, %dma_start3A_230] : memref<10x2x128xi32, #tpu.memory_space<vmem>> -> memref<1x1x128xi32, #tpu.memory_space<vmem>>
        %dma_start3A_232 = tpu.memref_squeeze %dma_start3A_231 : memref<1x1x128xi32, #tpu.memory_space<vmem>> -> memref<128xi32, #tpu.memory_space<vmem>>
        %dma_start3A_233 = arith.constant 0 : i32
        %dma_start3A_234 = arith.constant 0 : i32
        %dma_start3A_235 = tpu.memref_slice %arg10[%dma_start3A_233, %dma_start3A_234] : memref<10112x128xf32, #tpu.memory_space<vmem_shared>> -> memref<10112x128xf32, #tpu.memory_space<vmem_shared>>
        tpu.enqueue_indirect_dma source(%arg6 : memref<128x128xf32, #tpu.memory_space<vmem>>) target(%dma_start3A_235 : memref<10112x128xf32, #tpu.memory_space<vmem_shared>>) offsets(%dma_start3A_232 : memref<128xi32, #tpu.memory_space<vmem>>) semaphore(%run_scoped3A_229 : memref<!tpu.dma_semaphore, #tpu.memory_space<semaphore_mem>>) {add = true}
        %dma_wait3A_236 = arith.constant 0 : i32
        %dma_wait3A_237 = tpu.memref_slice %arg5[%run_scoped3A_144, %run_scoped3A_145, %dma_wait3A_236] : memref<10x2x128xi32, #tpu.memory_space<vmem>> -> memref<1x1x128xi32, #tpu.memory_space<vmem>>
        %dma_wait3A_238 = tpu.memref_squeeze %dma_wait3A_237 : memref<1x1x128xi32, #tpu.memory_space<vmem>> -> memref<128xi32, #tpu.memory_space<vmem>>
        %dma_wait3A_239 = arith.constant 0 : i32
        %dma_wait3A_240 = arith.constant 0 : i32
        %dma_wait3A_241 = tpu.memref_slice %arg10[%dma_wait3A_239, %dma_wait3A_240] : memref<10112x128xf32, #tpu.memory_space<vmem_shared>> -> memref<10112x128xf32, #tpu.memory_space<vmem_shared>>
        tpu.wait_indirect_dma semaphore(%run_scoped3A_229 : memref<!tpu.dma_semaphore, #tpu.memory_space<semaphore_mem>>) src(%arg6 : memref<128x128xf32, #tpu.memory_space<vmem>>) dst(%dma_wait3A_241 : memref<10112x128xf32, #tpu.memory_space<vmem_shared>>)
        tpu.yield
      }) : () -> ()
      %dma_start3A_146 = arith.constant 6 : i32
      %dma_start3A_147 = arith.constant 0 : i32
      %dma_start3A_148 = arith.constant 0 : i32
      %dma_start3A_149 = tpu.memref_slice %arg5[%dma_start3A_146, %dma_start3A_147, %dma_start3A_148] : memref<10x2x128xi32, #tpu.memory_space<vmem>> -> memref<1x1x128xi32, #tpu.memory_space<vmem>>
      %dma_start3A_150 = tpu.memref_squeeze %dma_start3A_149 : memref<1x1x128xi32, #tpu.memory_space<vmem>> -> memref<128xi32, #tpu.memory_space<vmem>>
      %dma_start3A_151 = arith.constant 0 : i32
      %dma_start3A_152 = arith.constant 0 : i32
      %dma_start3A_153 = tpu.memref_slice %arg2[%dma_start3A_151, %dma_start3A_152] : memref<10112x128xf32, #tpu.memory_space<hbm>> -> memref<10112x128xf32, #tpu.memory_space<hbm>>
      tpu.enqueue_indirect_dma source(%dma_start3A_153 : memref<10112x128xf32, #tpu.memory_space<hbm>>) target(%arg6 : memref<128x128xf32, #tpu.memory_space<vmem>>) offsets(%dma_start3A_150 : memref<128xi32, #tpu.memory_space<vmem>>) semaphore(%arg8 : memref<!tpu.dma_semaphore, #tpu.memory_space<semaphore_mem>>)
      %dma_wait3A_154 = arith.constant 5 : i32
      %dma_wait3A_155 = arith.constant 0 : i32
      %dma_wait3A_156 = arith.constant 0 : i32
      %dma_wait3A_157 = tpu.memref_slice %arg5[%dma_wait3A_154, %dma_wait3A_155, %dma_wait3A_156] : memref<10x2x128xi32, #tpu.memory_space<vmem>> -> memref<1x1x128xi32, #tpu.memory_space<vmem>>
      %dma_wait3A_158 = tpu.memref_squeeze %dma_wait3A_157 : memref<1x1x128xi32, #tpu.memory_space<vmem>> -> memref<128xi32, #tpu.memory_space<vmem>>
      %dma_wait3A_159 = arith.constant 0 : i32
      %dma_wait3A_160 = arith.constant 0 : i32
      %dma_wait3A_161 = tpu.memref_slice %arg2[%dma_wait3A_159, %dma_wait3A_160] : memref<10112x128xf32, #tpu.memory_space<hbm>> -> memref<10112x128xf32, #tpu.memory_space<hbm>>
      tpu.wait_indirect_dma semaphore(%arg9 : memref<!tpu.dma_semaphore, #tpu.memory_space<semaphore_mem>>) src(%dma_wait3A_161 : memref<10112x128xf32, #tpu.memory_space<hbm>>) dst(%arg7 : memref<128x128xf32, #tpu.memory_space<vmem>>)
      %run_scoped3A_162 = arith.constant 5 : i32
      %run_scoped3A_163 = arith.constant 1 : i32
      "tpu.region"() ({
        %run_scoped3A_229 = tpu.sem_alloc : memref<!tpu.dma_semaphore, #tpu.memory_space<semaphore_mem>>
        %dma_start3A_230 = arith.constant 0 : i32
        %dma_start3A_231 = tpu.memref_slice %arg5[%run_scoped3A_162, %run_scoped3A_163, %dma_start3A_230] : memref<10x2x128xi32, #tpu.memory_space<vmem>> -> memref<1x1x128xi32, #tpu.memory_space<vmem>>
        %dma_start3A_232 = tpu.memref_squeeze %dma_start3A_231 : memref<1x1x128xi32, #tpu.memory_space<vmem>> -> memref<128xi32, #tpu.memory_space<vmem>>
        %dma_start3A_233 = arith.constant 0 : i32
        %dma_start3A_234 = arith.constant 0 : i32
        %dma_start3A_235 = tpu.memref_slice %arg10[%dma_start3A_233, %dma_start3A_234] : memref<10112x128xf32, #tpu.memory_space<vmem_shared>> -> memref<10112x128xf32, #tpu.memory_space<vmem_shared>>
        tpu.enqueue_indirect_dma source(%arg7 : memref<128x128xf32, #tpu.memory_space<vmem>>) target(%dma_start3A_235 : memref<10112x128xf32, #tpu.memory_space<vmem_shared>>) offsets(%dma_start3A_232 : memref<128xi32, #tpu.memory_space<vmem>>) semaphore(%run_scoped3A_229 : memref<!tpu.dma_semaphore, #tpu.memory_space<semaphore_mem>>) {add = true}
        %dma_wait3A_236 = arith.constant 0 : i32
        %dma_wait3A_237 = tpu.memref_slice %arg5[%run_scoped3A_162, %run_scoped3A_163, %dma_wait3A_236] : memref<10x2x128xi32, #tpu.memory_space<vmem>> -> memref<1x1x128xi32, #tpu.memory_space<vmem>>
        %dma_wait3A_238 = tpu.memref_squeeze %dma_wait3A_237 : memref<1x1x128xi32, #tpu.memory_space<vmem>> -> memref<128xi32, #tpu.memory_space<vmem>>
        %dma_wait3A_239 = arith.constant 0 : i32
        %dma_wait3A_240 = arith.constant 0 : i32
        %dma_wait3A_241 = tpu.memref_slice %arg10[%dma_wait3A_239, %dma_wait3A_240] : memref<10112x128xf32, #tpu.memory_space<vmem_shared>> -> memref<10112x128xf32, #tpu.memory_space<vmem_shared>>
        tpu.wait_indirect_dma semaphore(%run_scoped3A_229 : memref<!tpu.dma_semaphore, #tpu.memory_space<semaphore_mem>>) src(%arg7 : memref<128x128xf32, #tpu.memory_space<vmem>>) dst(%dma_wait3A_241 : memref<10112x128xf32, #tpu.memory_space<vmem_shared>>)
        tpu.yield
      }) : () -> ()
      %dma_start3A_164 = arith.constant 7 : i32
      %dma_start3A_165 = arith.constant 0 : i32
      %dma_start3A_166 = arith.constant 0 : i32
      %dma_start3A_167 = tpu.memref_slice %arg5[%dma_start3A_164, %dma_start3A_165, %dma_start3A_166] : memref<10x2x128xi32, #tpu.memory_space<vmem>> -> memref<1x1x128xi32, #tpu.memory_space<vmem>>
      %dma_start3A_168 = tpu.memref_squeeze %dma_start3A_167 : memref<1x1x128xi32, #tpu.memory_space<vmem>> -> memref<128xi32, #tpu.memory_space<vmem>>
      %dma_start3A_169 = arith.constant 0 : i32
      %dma_start3A_170 = arith.constant 0 : i32
      %dma_start3A_171 = tpu.memref_slice %arg2[%dma_start3A_169, %dma_start3A_170] : memref<10112x128xf32, #tpu.memory_space<hbm>> -> memref<10112x128xf32, #tpu.memory_space<hbm>>
      tpu.enqueue_indirect_dma source(%dma_start3A_171 : memref<10112x128xf32, #tpu.memory_space<hbm>>) target(%arg7 : memref<128x128xf32, #tpu.memory_space<vmem>>) offsets(%dma_start3A_168 : memref<128xi32, #tpu.memory_space<vmem>>) semaphore(%arg9 : memref<!tpu.dma_semaphore, #tpu.memory_space<semaphore_mem>>)
      %dma_wait3A_172 = arith.constant 6 : i32
      %dma_wait3A_173 = arith.constant 0 : i32
      %dma_wait3A_174 = arith.constant 0 : i32
      %dma_wait3A_175 = tpu.memref_slice %arg5[%dma_wait3A_172, %dma_wait3A_173, %dma_wait3A_174] : memref<10x2x128xi32, #tpu.memory_space<vmem>> -> memref<1x1x128xi32, #tpu.memory_space<vmem>>
      %dma_wait3A_176 = tpu.memref_squeeze %dma_wait3A_175 : memref<1x1x128xi32, #tpu.memory_space<vmem>> -> memref<128xi32, #tpu.memory_space<vmem>>
      %dma_wait3A_177 = arith.constant 0 : i32
      %dma_wait3A_178 = arith.constant 0 : i32
      %dma_wait3A_179 = tpu.memref_slice %arg2[%dma_wait3A_177, %dma_wait3A_178] : memref<10112x128xf32, #tpu.memory_space<hbm>> -> memref<10112x128xf32, #tpu.memory_space<hbm>>
      tpu.wait_indirect_dma semaphore(%arg8 : memref<!tpu.dma_semaphore, #tpu.memory_space<semaphore_mem>>) src(%dma_wait3A_179 : memref<10112x128xf32, #tpu.memory_space<hbm>>) dst(%arg6 : memref<128x128xf32, #tpu.memory_space<vmem>>)
      %run_scoped3A_180 = arith.constant 6 : i32
      %run_scoped3A_181 = arith.constant 1 : i32
      "tpu.region"() ({
        %run_scoped3A_229 = tpu.sem_alloc : memref<!tpu.dma_semaphore, #tpu.memory_space<semaphore_mem>>
        %dma_start3A_230 = arith.constant 0 : i32
        %dma_start3A_231 = tpu.memref_slice %arg5[%run_scoped3A_180, %run_scoped3A_181, %dma_start3A_230] : memref<10x2x128xi32, #tpu.memory_space<vmem>> -> memref<1x1x128xi32, #tpu.memory_space<vmem>>
        %dma_start3A_232 = tpu.memref_squeeze %dma_start3A_231 : memref<1x1x128xi32, #tpu.memory_space<vmem>> -> memref<128xi32, #tpu.memory_space<vmem>>
        %dma_start3A_233 = arith.constant 0 : i32
        %dma_start3A_234 = arith.constant 0 : i32
        %dma_start3A_235 = tpu.memref_slice %arg10[%dma_start3A_233, %dma_start3A_234] : memref<10112x128xf32, #tpu.memory_space<vmem_shared>> -> memref<10112x128xf32, #tpu.memory_space<vmem_shared>>
        tpu.enqueue_indirect_dma source(%arg6 : memref<128x128xf32, #tpu.memory_space<vmem>>) target(%dma_start3A_235 : memref<10112x128xf32, #tpu.memory_space<vmem_shared>>) offsets(%dma_start3A_232 : memref<128xi32, #tpu.memory_space<vmem>>) semaphore(%run_scoped3A_229 : memref<!tpu.dma_semaphore, #tpu.memory_space<semaphore_mem>>) {add = true}
        %dma_wait3A_236 = arith.constant 0 : i32
        %dma_wait3A_237 = tpu.memref_slice %arg5[%run_scoped3A_180, %run_scoped3A_181, %dma_wait3A_236] : memref<10x2x128xi32, #tpu.memory_space<vmem>> -> memref<1x1x128xi32, #tpu.memory_space<vmem>>
        %dma_wait3A_238 = tpu.memref_squeeze %dma_wait3A_237 : memref<1x1x128xi32, #tpu.memory_space<vmem>> -> memref<128xi32, #tpu.memory_space<vmem>>
        %dma_wait3A_239 = arith.constant 0 : i32
        %dma_wait3A_240 = arith.constant 0 : i32
        %dma_wait3A_241 = tpu.memref_slice %arg10[%dma_wait3A_239, %dma_wait3A_240] : memref<10112x128xf32, #tpu.memory_space<vmem_shared>> -> memref<10112x128xf32, #tpu.memory_space<vmem_shared>>
        tpu.wait_indirect_dma semaphore(%run_scoped3A_229 : memref<!tpu.dma_semaphore, #tpu.memory_space<semaphore_mem>>) src(%arg6 : memref<128x128xf32, #tpu.memory_space<vmem>>) dst(%dma_wait3A_241 : memref<10112x128xf32, #tpu.memory_space<vmem_shared>>)
        tpu.yield
      }) : () -> ()
      %dma_start3A_182 = arith.constant 8 : i32
      %dma_start3A_183 = arith.constant 0 : i32
      %dma_start3A_184 = arith.constant 0 : i32
      %dma_start3A_185 = tpu.memref_slice %arg5[%dma_start3A_182, %dma_start3A_183, %dma_start3A_184] : memref<10x2x128xi32, #tpu.memory_space<vmem>> -> memref<1x1x128xi32, #tpu.memory_space<vmem>>
      %dma_start3A_186 = tpu.memref_squeeze %dma_start3A_185 : memref<1x1x128xi32, #tpu.memory_space<vmem>> -> memref<128xi32, #tpu.memory_space<vmem>>
      %dma_start3A_187 = arith.constant 0 : i32
      %dma_start3A_188 = arith.constant 0 : i32
      %dma_start3A_189 = tpu.memref_slice %arg2[%dma_start3A_187, %dma_start3A_188] : memref<10112x128xf32, #tpu.memory_space<hbm>> -> memref<10112x128xf32, #tpu.memory_space<hbm>>
      tpu.enqueue_indirect_dma source(%dma_start3A_189 : memref<10112x128xf32, #tpu.memory_space<hbm>>) target(%arg6 : memref<128x128xf32, #tpu.memory_space<vmem>>) offsets(%dma_start3A_186 : memref<128xi32, #tpu.memory_space<vmem>>) semaphore(%arg8 : memref<!tpu.dma_semaphore, #tpu.memory_space<semaphore_mem>>)
      %dma_wait3A_190 = arith.constant 7 : i32
      %dma_wait3A_191 = arith.constant 0 : i32
      %dma_wait3A_192 = arith.constant 0 : i32
      %dma_wait3A_193 = tpu.memref_slice %arg5[%dma_wait3A_190, %dma_wait3A_191, %dma_wait3A_192] : memref<10x2x128xi32, #tpu.memory_space<vmem>> -> memref<1x1x128xi32, #tpu.memory_space<vmem>>
      %dma_wait3A_194 = tpu.memref_squeeze %dma_wait3A_193 : memref<1x1x128xi32, #tpu.memory_space<vmem>> -> memref<128xi32, #tpu.memory_space<vmem>>
      %dma_wait3A_195 = arith.constant 0 : i32
      %dma_wait3A_196 = arith.constant 0 : i32
      %dma_wait3A_197 = tpu.memref_slice %arg2[%dma_wait3A_195, %dma_wait3A_196] : memref<10112x128xf32, #tpu.memory_space<hbm>> -> memref<10112x128xf32, #tpu.memory_space<hbm>>
      tpu.wait_indirect_dma semaphore(%arg9 : memref<!tpu.dma_semaphore, #tpu.memory_space<semaphore_mem>>) src(%dma_wait3A_197 : memref<10112x128xf32, #tpu.memory_space<hbm>>) dst(%arg7 : memref<128x128xf32, #tpu.memory_space<vmem>>)
      %run_scoped3A_198 = arith.constant 7 : i32
      %run_scoped3A_199 = arith.constant 1 : i32
      "tpu.region"() ({
        %run_scoped3A_229 = tpu.sem_alloc : memref<!tpu.dma_semaphore, #tpu.memory_space<semaphore_mem>>
        %dma_start3A_230 = arith.constant 0 : i32
        %dma_start3A_231 = tpu.memref_slice %arg5[%run_scoped3A_198, %run_scoped3A_199, %dma_start3A_230] : memref<10x2x128xi32, #tpu.memory_space<vmem>> -> memref<1x1x128xi32, #tpu.memory_space<vmem>>
        %dma_start3A_232 = tpu.memref_squeeze %dma_start3A_231 : memref<1x1x128xi32, #tpu.memory_space<vmem>> -> memref<128xi32, #tpu.memory_space<vmem>>
        %dma_start3A_233 = arith.constant 0 : i32
        %dma_start3A_234 = arith.constant 0 : i32
        %dma_start3A_235 = tpu.memref_slice %arg10[%dma_start3A_233, %dma_start3A_234] : memref<10112x128xf32, #tpu.memory_space<vmem_shared>> -> memref<10112x128xf32, #tpu.memory_space<vmem_shared>>
        tpu.enqueue_indirect_dma source(%arg7 : memref<128x128xf32, #tpu.memory_space<vmem>>) target(%dma_start3A_235 : memref<10112x128xf32, #tpu.memory_space<vmem_shared>>) offsets(%dma_start3A_232 : memref<128xi32, #tpu.memory_space<vmem>>) semaphore(%run_scoped3A_229 : memref<!tpu.dma_semaphore, #tpu.memory_space<semaphore_mem>>) {add = true}
        %dma_wait3A_236 = arith.constant 0 : i32
        %dma_wait3A_237 = tpu.memref_slice %arg5[%run_scoped3A_198, %run_scoped3A_199, %dma_wait3A_236] : memref<10x2x128xi32, #tpu.memory_space<vmem>> -> memref<1x1x128xi32, #tpu.memory_space<vmem>>
        %dma_wait3A_238 = tpu.memref_squeeze %dma_wait3A_237 : memref<1x1x128xi32, #tpu.memory_space<vmem>> -> memref<128xi32, #tpu.memory_space<vmem>>
        %dma_wait3A_239 = arith.constant 0 : i32
        %dma_wait3A_240 = arith.constant 0 : i32
        %dma_wait3A_241 = tpu.memref_slice %arg10[%dma_wait3A_239, %dma_wait3A_240] : memref<10112x128xf32, #tpu.memory_space<vmem_shared>> -> memref<10112x128xf32, #tpu.memory_space<vmem_shared>>
        tpu.wait_indirect_dma semaphore(%run_scoped3A_229 : memref<!tpu.dma_semaphore, #tpu.memory_space<semaphore_mem>>) src(%arg7 : memref<128x128xf32, #tpu.memory_space<vmem>>) dst(%dma_wait3A_241 : memref<10112x128xf32, #tpu.memory_space<vmem_shared>>)
        tpu.yield
      }) : () -> ()
      %dma_start3A_200 = arith.constant 9 : i32
      %dma_start3A_201 = arith.constant 0 : i32
      %dma_start3A_202 = arith.constant 0 : i32
      %dma_start3A_203 = tpu.memref_slice %arg5[%dma_start3A_200, %dma_start3A_201, %dma_start3A_202] : memref<10x2x128xi32, #tpu.memory_space<vmem>> -> memref<1x1x128xi32, #tpu.memory_space<vmem>>
      %dma_start3A_204 = tpu.memref_squeeze %dma_start3A_203 : memref<1x1x128xi32, #tpu.memory_space<vmem>> -> memref<128xi32, #tpu.memory_space<vmem>>
      %dma_start3A_205 = arith.constant 0 : i32
      %dma_start3A_206 = arith.constant 0 : i32
      %dma_start3A_207 = tpu.memref_slice %arg2[%dma_start3A_205, %dma_start3A_206] : memref<10112x128xf32, #tpu.memory_space<hbm>> -> memref<10112x128xf32, #tpu.memory_space<hbm>>
      tpu.enqueue_indirect_dma source(%dma_start3A_207 : memref<10112x128xf32, #tpu.memory_space<hbm>>) target(%arg7 : memref<128x128xf32, #tpu.memory_space<vmem>>) offsets(%dma_start3A_204 : memref<128xi32, #tpu.memory_space<vmem>>) semaphore(%arg9 : memref<!tpu.dma_semaphore, #tpu.memory_space<semaphore_mem>>)
      %dma_wait3A_208 = arith.constant 8 : i32
      %dma_wait3A_209 = arith.constant 0 : i32
      %dma_wait3A_210 = arith.constant 0 : i32
      %dma_wait3A_211 = tpu.memref_slice %arg5[%dma_wait3A_208, %dma_wait3A_209, %dma_wait3A_210] : memref<10x2x128xi32, #tpu.memory_space<vmem>> -> memref<1x1x128xi32, #tpu.memory_space<vmem>>
      %dma_wait3A_212 = tpu.memref_squeeze %dma_wait3A_211 : memref<1x1x128xi32, #tpu.memory_space<vmem>> -> memref<128xi32, #tpu.memory_space<vmem>>
      %dma_wait3A_213 = arith.constant 0 : i32
      %dma_wait3A_214 = arith.constant 0 : i32
      %dma_wait3A_215 = tpu.memref_slice %arg2[%dma_wait3A_213, %dma_wait3A_214] : memref<10112x128xf32, #tpu.memory_space<hbm>> -> memref<10112x128xf32, #tpu.memory_space<hbm>>
      tpu.wait_indirect_dma semaphore(%arg8 : memref<!tpu.dma_semaphore, #tpu.memory_space<semaphore_mem>>) src(%dma_wait3A_215 : memref<10112x128xf32, #tpu.memory_space<hbm>>) dst(%arg6 : memref<128x128xf32, #tpu.memory_space<vmem>>)
      %run_scoped3A_216 = arith.constant 8 : i32
      %run_scoped3A_217 = arith.constant 1 : i32
      "tpu.region"() ({
        %run_scoped3A_229 = tpu.sem_alloc : memref<!tpu.dma_semaphore, #tpu.memory_space<semaphore_mem>>
        %dma_start3A_230 = arith.constant 0 : i32
        %dma_start3A_231 = tpu.memref_slice %arg5[%run_scoped3A_216, %run_scoped3A_217, %dma_start3A_230] : memref<10x2x128xi32, #tpu.memory_space<vmem>> -> memref<1x1x128xi32, #tpu.memory_space<vmem>>
        %dma_start3A_232 = tpu.memref_squeeze %dma_start3A_231 : memref<1x1x128xi32, #tpu.memory_space<vmem>> -> memref<128xi32, #tpu.memory_space<vmem>>
        %dma_start3A_233 = arith.constant 0 : i32
        %dma_start3A_234 = arith.constant 0 : i32
        %dma_start3A_235 = tpu.memref_slice %arg10[%dma_start3A_233, %dma_start3A_234] : memref<10112x128xf32, #tpu.memory_space<vmem_shared>> -> memref<10112x128xf32, #tpu.memory_space<vmem_shared>>
        tpu.enqueue_indirect_dma source(%arg6 : memref<128x128xf32, #tpu.memory_space<vmem>>) target(%dma_start3A_235 : memref<10112x128xf32, #tpu.memory_space<vmem_shared>>) offsets(%dma_start3A_232 : memref<128xi32, #tpu.memory_space<vmem>>) semaphore(%run_scoped3A_229 : memref<!tpu.dma_semaphore, #tpu.memory_space<semaphore_mem>>) {add = true}
        %dma_wait3A_236 = arith.constant 0 : i32
        %dma_wait3A_237 = tpu.memref_slice %arg5[%run_scoped3A_216, %run_scoped3A_217, %dma_wait3A_236] : memref<10x2x128xi32, #tpu.memory_space<vmem>> -> memref<1x1x128xi32, #tpu.memory_space<vmem>>
        %dma_wait3A_238 = tpu.memref_squeeze %dma_wait3A_237 : memref<1x1x128xi32, #tpu.memory_space<vmem>> -> memref<128xi32, #tpu.memory_space<vmem>>
        %dma_wait3A_239 = arith.constant 0 : i32
        %dma_wait3A_240 = arith.constant 0 : i32
        %dma_wait3A_241 = tpu.memref_slice %arg10[%dma_wait3A_239, %dma_wait3A_240] : memref<10112x128xf32, #tpu.memory_space<vmem_shared>> -> memref<10112x128xf32, #tpu.memory_space<vmem_shared>>
        tpu.wait_indirect_dma semaphore(%run_scoped3A_229 : memref<!tpu.dma_semaphore, #tpu.memory_space<semaphore_mem>>) src(%arg6 : memref<128x128xf32, #tpu.memory_space<vmem>>) dst(%dma_wait3A_241 : memref<10112x128xf32, #tpu.memory_space<vmem_shared>>)
        tpu.yield
      }) : () -> ()
      %dma_wait3A_218 = arith.constant 9 : i32
      %dma_wait3A_219 = arith.constant 0 : i32
      %dma_wait3A_220 = arith.constant 0 : i32
      %dma_wait3A_221 = tpu.memref_slice %arg5[%dma_wait3A_218, %dma_wait3A_219, %dma_wait3A_220] : memref<10x2x128xi32, #tpu.memory_space<vmem>> -> memref<1x1x128xi32, #tpu.memory_space<vmem>>
      %dma_wait3A_222 = tpu.memref_squeeze %dma_wait3A_221 : memref<1x1x128xi32, #tpu.memory_space<vmem>> -> memref<128xi32, #tpu.memory_space<vmem>>
      %dma_wait3A_223 = arith.constant 0 : i32
      %dma_wait3A_224 = arith.constant 0 : i32
      %dma_wait3A_225 = tpu.memref_slice %arg2[%dma_wait3A_223, %dma_wait3A_224] : memref<10112x128xf32, #tpu.memory_space<hbm>> -> memref<10112x128xf32, #tpu.memory_space<hbm>>
      tpu.wait_indirect_dma semaphore(%arg9 : memref<!tpu.dma_semaphore, #tpu.memory_space<semaphore_mem>>) src(%dma_wait3A_225 : memref<10112x128xf32, #tpu.memory_space<hbm>>) dst(%arg7 : memref<128x128xf32, #tpu.memory_space<vmem>>)
      %run_scoped3A_226 = arith.constant 9 : i32
      %run_scoped3A_227 = arith.constant 1 : i32
      "tpu.region"() ({
        %run_scoped3A_229 = tpu.sem_alloc : memref<!tpu.dma_semaphore, #tpu.memory_space<semaphore_mem>>
        %dma_start3A_230 = arith.constant 0 : i32
        %dma_start3A_231 = tpu.memref_slice %arg5[%run_scoped3A_226, %run_scoped3A_227, %dma_start3A_230] : memref<10x2x128xi32, #tpu.memory_space<vmem>> -> memref<1x1x128xi32, #tpu.memory_space<vmem>>
        %dma_start3A_232 = tpu.memref_squeeze %dma_start3A_231 : memref<1x1x128xi32, #tpu.memory_space<vmem>> -> memref<128xi32, #tpu.memory_space<vmem>>
        %dma_start3A_233 = arith.constant 0 : i32
        %dma_start3A_234 = arith.constant 0 : i32
        %dma_start3A_235 = tpu.memref_slice %arg10[%dma_start3A_233, %dma_start3A_234] : memref<10112x128xf32, #tpu.memory_space<vmem_shared>> -> memref<10112x128xf32, #tpu.memory_space<vmem_shared>>
        tpu.enqueue_indirect_dma source(%arg7 : memref<128x128xf32, #tpu.memory_space<vmem>>) target(%dma_start3A_235 : memref<10112x128xf32, #tpu.memory_space<vmem_shared>>) offsets(%dma_start3A_232 : memref<128xi32, #tpu.memory_space<vmem>>) semaphore(%run_scoped3A_229 : memref<!tpu.dma_semaphore, #tpu.memory_space<semaphore_mem>>) {add = true}
        %dma_wait3A_236 = arith.constant 0 : i32
        %dma_wait3A_237 = tpu.memref_slice %arg5[%run_scoped3A_226, %run_scoped3A_227, %dma_wait3A_236] : memref<10x2x128xi32, #tpu.memory_space<vmem>> -> memref<1x1x128xi32, #tpu.memory_space<vmem>>
        %dma_wait3A_238 = tpu.memref_squeeze %dma_wait3A_237 : memref<1x1x128xi32, #tpu.memory_space<vmem>> -> memref<128xi32, #tpu.memory_space<vmem>>
        %dma_wait3A_239 = arith.constant 0 : i32
        %dma_wait3A_240 = arith.constant 0 : i32
        %dma_wait3A_241 = tpu.memref_slice %arg10[%dma_wait3A_239, %dma_wait3A_240] : memref<10112x128xf32, #tpu.memory_space<vmem_shared>> -> memref<10112x128xf32, #tpu.memory_space<vmem_shared>>
        tpu.wait_indirect_dma semaphore(%run_scoped3A_229 : memref<!tpu.dma_semaphore, #tpu.memory_space<semaphore_mem>>) src(%arg7 : memref<128x128xf32, #tpu.memory_space<vmem>>) dst(%dma_wait3A_241 : memref<10112x128xf32, #tpu.memory_space<vmem_shared>>)
        tpu.yield
      }) : () -> ()
      %while3A_228 = arith.constant 0 : i32
      scf.yield %while3A_228 : i32
    }
    %while3A_39 = arith.constant 1 : i32
    %while3A_40 = scf.for %while3A_46 = %while3A_36 to %while3A_32 step %while3A_39 iter_args(%while3A_47 = %while3A_38) -> (i32)  : i32 {
      %mul3A_48 = arith.constant 10 : i32
      %mul3A_49 = arith.muli %while3A_46, %mul3A_48 : i32
      %add3A_50 = arith.addi %mul3A_0, %mul3A_49 : i32
      "tpu.region"() ({
        %run_scoped3A_229 = tpu.sem_alloc : memref<!tpu.dma_semaphore, #tpu.memory_space<semaphore_mem>>
        %dma_start3A_230 = arith.constant 0 : i32
        %dma_start3A_231 = arith.constant 0 : i32
        %dma_start3A_232 = tpu.memref_slice %arg3[%arg1, %add3A_50, %dma_start3A_230, %dma_start3A_231] : memref<16x160x2x128xi32, #tpu.memory_space<hbm>> -> memref<1x10x2x128xi32, #tpu.memory_space<hbm>>
        %dma_start3A_233 = tpu.memref_squeeze %dma_start3A_232 : memref<1x10x2x128xi32, #tpu.memory_space<hbm>> -> memref<10x2x128xi32, #tpu.memory_space<hbm>>
        %dma_start3A_234 = arith.constant 0 : i32
        %dma_start3A_235 = arith.constant 0 : i32
        %dma_start3A_236 = tpu.memref_slice %arg3[%arg1, %add3A_50, %dma_start3A_234, %dma_start3A_235] : memref<16x160x2x128xi32, #tpu.memory_space<hbm>> -> memref<1x10x2x128xi32, #tpu.memory_space<hbm>>
        %dma_start3A_237 = tpu.memref_squeeze %dma_start3A_236 : memref<1x10x2x128xi32, #tpu.memory_space<hbm>> -> memref<10x2x128xi32, #tpu.memory_space<hbm>>
        tpu.enqueue_dma source(%dma_start3A_237 : memref<10x2x128xi32, #tpu.memory_space<hbm>>) target(%arg5 : memref<10x2x128xi32, #tpu.memory_space<vmem>>) target_semaphore(%run_scoped3A_229 : memref<!tpu.dma_semaphore, #tpu.memory_space<semaphore_mem>>)
        %dma_wait3A_238 = arith.constant 0 : i32
        %dma_wait3A_239 = arith.constant 0 : i32
        %dma_wait3A_240 = tpu.memref_slice %arg3[%arg1, %add3A_50, %dma_wait3A_238, %dma_wait3A_239] : memref<16x160x2x128xi32, #tpu.memory_space<hbm>> -> memref<1x10x2x128xi32, #tpu.memory_space<hbm>>
        %dma_wait3A_241 = tpu.memref_squeeze %dma_wait3A_240 : memref<1x10x2x128xi32, #tpu.memory_space<hbm>> -> memref<10x2x128xi32, #tpu.memory_space<hbm>>
        %dma_wait3A_242 = arith.constant 0 : i32
        %dma_wait3A_243 = arith.constant 0 : i32
        %dma_wait3A_244 = tpu.memref_slice %arg3[%arg1, %add3A_50, %dma_wait3A_242, %dma_wait3A_243] : memref<16x160x2x128xi32, #tpu.memory_space<hbm>> -> memref<1x10x2x128xi32, #tpu.memory_space<hbm>>
        %dma_wait3A_245 = tpu.memref_squeeze %dma_wait3A_244 : memref<1x10x2x128xi32, #tpu.memory_space<hbm>> -> memref<10x2x128xi32, #tpu.memory_space<hbm>>
        tpu.wait_dma2 semaphore(%run_scoped3A_229 : memref<!tpu.dma_semaphore, #tpu.memory_space<semaphore_mem>>) src(%dma_wait3A_245 : memref<10x2x128xi32, #tpu.memory_space<hbm>>) dst(%arg5 : memref<10x2x128xi32, #tpu.memory_space<vmem>>)
        tpu.yield
      }) : () -> ()
      %dma_start3A = arith.constant 0 : i32
      %dma_start3A_51 = arith.constant 0 : i32
      %dma_start3A_52 = arith.constant 0 : i32
      %dma_start3A_53 = tpu.memref_slice %arg5[%dma_start3A, %dma_start3A_51, %dma_start3A_52] : memref<10x2x128xi32, #tpu.memory_space<vmem>> -> memref<1x1x128xi32, #tpu.memory_space<vmem>>
      %dma_start3A_54 = tpu.memref_squeeze %dma_start3A_53 : memref<1x1x128xi32, #tpu.memory_space<vmem>> -> memref<128xi32, #tpu.memory_space<vmem>>
      %dma_start3A_55 = arith.constant 0 : i32
      %dma_start3A_56 = arith.constant 0 : i32
      %dma_start3A_57 = tpu.memref_slice %arg2[%dma_start3A_55, %dma_start3A_56] : memref<10112x128xf32, #tpu.memory_space<hbm>> -> memref<10112x128xf32, #tpu.memory_space<hbm>>
      tpu.enqueue_indirect_dma source(%dma_start3A_57 : memref<10112x128xf32, #tpu.memory_space<hbm>>) target(%arg6 : memref<128x128xf32, #tpu.memory_space<vmem>>) offsets(%dma_start3A_54 : memref<128xi32, #tpu.memory_space<vmem>>) semaphore(%arg8 : memref<!tpu.dma_semaphore, #tpu.memory_space<semaphore_mem>>)
      %dma_start3A_58 = arith.constant 1 : i32
      %dma_start3A_59 = arith.constant 0 : i32
      %dma_start3A_60 = arith.constant 0 : i32
      %dma_start3A_61 = tpu.memref_slice %arg5[%dma_start3A_58, %dma_start3A_59, %dma_start3A_60] : memref<10x2x128xi32, #tpu.memory_space<vmem>> -> memref<1x1x128xi32, #tpu.memory_space<vmem>>
      %dma_start3A_62 = tpu.memref_squeeze %dma_start3A_61 : memref<1x1x128xi32, #tpu.memory_space<vmem>> -> memref<128xi32, #tpu.memory_space<vmem>>
      %dma_start3A_63 = arith.constant 0 : i32
      %dma_start3A_64 = arith.constant 0 : i32
      %dma_start3A_65 = tpu.memref_slice %arg2[%dma_start3A_63, %dma_start3A_64] : memref<10112x128xf32, #tpu.memory_space<hbm>> -> memref<10112x128xf32, #tpu.memory_space<hbm>>
      tpu.enqueue_indirect_dma source(%dma_start3A_65 : memref<10112x128xf32, #tpu.memory_space<hbm>>) target(%arg7 : memref<128x128xf32, #tpu.memory_space<vmem>>) offsets(%dma_start3A_62 : memref<128xi32, #tpu.memory_space<vmem>>) semaphore(%arg9 : memref<!tpu.dma_semaphore, #tpu.memory_space<semaphore_mem>>)
      %dma_wait3A = arith.constant 0 : i32
      %dma_wait3A_66 = arith.constant 0 : i32
      %dma_wait3A_67 = arith.constant 0 : i32
      %dma_wait3A_68 = tpu.memref_slice %arg5[%dma_wait3A, %dma_wait3A_66, %dma_wait3A_67] : memref<10x2x128xi32, #tpu.memory_space<vmem>> -> memref<1x1x128xi32, #tpu.memory_space<vmem>>
      %dma_wait3A_69 = tpu.memref_squeeze %dma_wait3A_68 : memref<1x1x128xi32, #tpu.memory_space<vmem>> -> memref<128xi32, #tpu.memory_space<vmem>>
      %dma_wait3A_70 = arith.constant 0 : i32
      %dma_wait3A_71 = arith.constant 0 : i32
      %dma_wait3A_72 = tpu.memref_slice %arg2[%dma_wait3A_70, %dma_wait3A_71] : memref<10112x128xf32, #tpu.memory_space<hbm>> -> memref<10112x128xf32, #tpu.memory_space<hbm>>
      tpu.wait_indirect_dma semaphore(%arg8 : memref<!tpu.dma_semaphore, #tpu.memory_space<semaphore_mem>>) src(%dma_wait3A_72 : memref<10112x128xf32, #tpu.memory_space<hbm>>) dst(%arg6 : memref<128x128xf32, #tpu.memory_space<vmem>>)
      %run_scoped3A = arith.constant 0 : i32
      %run_scoped3A_73 = arith.constant 1 : i32
      "tpu.region"() ({
        %run_scoped3A_229 = tpu.sem_alloc : memref<!tpu.dma_semaphore, #tpu.memory_space<semaphore_mem>>
        %dma_start3A_230 = arith.constant 0 : i32
        %dma_start3A_231 = tpu.memref_slice %arg5[%run_scoped3A, %run_scoped3A_73, %dma_start3A_230] : memref<10x2x128xi32, #tpu.memory_space<vmem>> -> memref<1x1x128xi32, #tpu.memory_space<vmem>>
        %dma_start3A_232 = tpu.memref_squeeze %dma_start3A_231 : memref<1x1x128xi32, #tpu.memory_space<vmem>> -> memref<128xi32, #tpu.memory_space<vmem>>
        %dma_start3A_233 = arith.constant 0 : i32
        %dma_start3A_234 = arith.constant 0 : i32
        %dma_start3A_235 = tpu.memref_slice %arg10[%dma_start3A_233, %dma_start3A_234] : memref<10112x128xf32, #tpu.memory_space<vmem_shared>> -> memref<10112x128xf32, #tpu.memory_space<vmem_shared>>
        tpu.enqueue_indirect_dma source(%arg6 : memref<128x128xf32, #tpu.memory_space<vmem>>) target(%dma_start3A_235 : memref<10112x128xf32, #tpu.memory_space<vmem_shared>>) offsets(%dma_start3A_232 : memref<128xi32, #tpu.memory_space<vmem>>) semaphore(%run_scoped3A_229 : memref<!tpu.dma_semaphore, #tpu.memory_space<semaphore_mem>>) {add = true}
        %dma_wait3A_236 = arith.constant 0 : i32
        %dma_wait3A_237 = tpu.memref_slice %arg5[%run_scoped3A, %run_scoped3A_73, %dma_wait3A_236] : memref<10x2x128xi32, #tpu.memory_space<vmem>> -> memref<1x1x128xi32, #tpu.memory_space<vmem>>
        %dma_wait3A_238 = tpu.memref_squeeze %dma_wait3A_237 : memref<1x1x128xi32, #tpu.memory_space<vmem>> -> memref<128xi32, #tpu.memory_space<vmem>>
        %dma_wait3A_239 = arith.constant 0 : i32
        %dma_wait3A_240 = arith.constant 0 : i32
        %dma_wait3A_241 = tpu.memref_slice %arg10[%dma_wait3A_239, %dma_wait3A_240] : memref<10112x128xf32, #tpu.memory_space<vmem_shared>> -> memref<10112x128xf32, #tpu.memory_space<vmem_shared>>
        tpu.wait_indirect_dma semaphore(%run_scoped3A_229 : memref<!tpu.dma_semaphore, #tpu.memory_space<semaphore_mem>>) src(%arg6 : memref<128x128xf32, #tpu.memory_space<vmem>>) dst(%dma_wait3A_241 : memref<10112x128xf32, #tpu.memory_space<vmem_shared>>)
        tpu.yield
      }) : () -> ()
      %dma_start3A_74 = arith.constant 2 : i32
      %dma_start3A_75 = arith.constant 0 : i32
      %dma_start3A_76 = arith.constant 0 : i32
      %dma_start3A_77 = tpu.memref_slice %arg5[%dma_start3A_74, %dma_start3A_75, %dma_start3A_76] : memref<10x2x128xi32, #tpu.memory_space<vmem>> -> memref<1x1x128xi32, #tpu.memory_space<vmem>>
      %dma_start3A_78 = tpu.memref_squeeze %dma_start3A_77 : memref<1x1x128xi32, #tpu.memory_space<vmem>> -> memref<128xi32, #tpu.memory_space<vmem>>
      %dma_start3A_79 = arith.constant 0 : i32
      %dma_start3A_80 = arith.constant 0 : i32
      %dma_start3A_81 = tpu.memref_slice %arg2[%dma_start3A_79, %dma_start3A_80] : memref<10112x128xf32, #tpu.memory_space<hbm>> -> memref<10112x128xf32, #tpu.memory_space<hbm>>
      tpu.enqueue_indirect_dma source(%dma_start3A_81 : memref<10112x128xf32, #tpu.memory_space<hbm>>) target(%arg6 : memref<128x128xf32, #tpu.memory_space<vmem>>) offsets(%dma_start3A_78 : memref<128xi32, #tpu.memory_space<vmem>>) semaphore(%arg8 : memref<!tpu.dma_semaphore, #tpu.memory_space<semaphore_mem>>)
      %dma_wait3A_82 = arith.constant 1 : i32
      %dma_wait3A_83 = arith.constant 0 : i32
      %dma_wait3A_84 = arith.constant 0 : i32
      %dma_wait3A_85 = tpu.memref_slice %arg5[%dma_wait3A_82, %dma_wait3A_83, %dma_wait3A_84] : memref<10x2x128xi32, #tpu.memory_space<vmem>> -> memref<1x1x128xi32, #tpu.memory_space<vmem>>
      %dma_wait3A_86 = tpu.memref_squeeze %dma_wait3A_85 : memref<1x1x128xi32, #tpu.memory_space<vmem>> -> memref<128xi32, #tpu.memory_space<vmem>>
      %dma_wait3A_87 = arith.constant 0 : i32
      %dma_wait3A_88 = arith.constant 0 : i32
      %dma_wait3A_89 = tpu.memref_slice %arg2[%dma_wait3A_87, %dma_wait3A_88] : memref<10112x128xf32, #tpu.memory_space<hbm>> -> memref<10112x128xf32, #tpu.memory_space<hbm>>
      tpu.wait_indirect_dma semaphore(%arg9 : memref<!tpu.dma_semaphore, #tpu.memory_space<semaphore_mem>>) src(%dma_wait3A_89 : memref<10112x128xf32, #tpu.memory_space<hbm>>) dst(%arg7 : memref<128x128xf32, #tpu.memory_space<vmem>>)
      %run_scoped3A_90 = arith.constant 1 : i32
      %run_scoped3A_91 = arith.constant 1 : i32
      "tpu.region"() ({
        %run_scoped3A_229 = tpu.sem_alloc : memref<!tpu.dma_semaphore, #tpu.memory_space<semaphore_mem>>
        %dma_start3A_230 = arith.constant 0 : i32
        %dma_start3A_231 = tpu.memref_slice %arg5[%run_scoped3A_90, %run_scoped3A_91, %dma_start3A_230] : memref<10x2x128xi32, #tpu.memory_space<vmem>> -> memref<1x1x128xi32, #tpu.memory_space<vmem>>
        %dma_start3A_232 = tpu.memref_squeeze %dma_start3A_231 : memref<1x1x128xi32, #tpu.memory_space<vmem>> -> memref<128xi32, #tpu.memory_space<vmem>>
        %dma_start3A_233 = arith.constant 0 : i32
        %dma_start3A_234 = arith.constant 0 : i32
        %dma_start3A_235 = tpu.memref_slice %arg10[%dma_start3A_233, %dma_start3A_234] : memref<10112x128xf32, #tpu.memory_space<vmem_shared>> -> memref<10112x128xf32, #tpu.memory_space<vmem_shared>>
        tpu.enqueue_indirect_dma source(%arg7 : memref<128x128xf32, #tpu.memory_space<vmem>>) target(%dma_start3A_235 : memref<10112x128xf32, #tpu.memory_space<vmem_shared>>) offsets(%dma_start3A_232 : memref<128xi32, #tpu.memory_space<vmem>>) semaphore(%run_scoped3A_229 : memref<!tpu.dma_semaphore, #tpu.memory_space<semaphore_mem>>) {add = true}
        %dma_wait3A_236 = arith.constant 0 : i32
        %dma_wait3A_237 = tpu.memref_slice %arg5[%run_scoped3A_90, %run_scoped3A_91, %dma_wait3A_236] : memref<10x2x128xi32, #tpu.memory_space<vmem>> -> memref<1x1x128xi32, #tpu.memory_space<vmem>>
        %dma_wait3A_238 = tpu.memref_squeeze %dma_wait3A_237 : memref<1x1x128xi32, #tpu.memory_space<vmem>> -> memref<128xi32, #tpu.memory_space<vmem>>
        %dma_wait3A_239 = arith.constant 0 : i32
        %dma_wait3A_240 = arith.constant 0 : i32
        %dma_wait3A_241 = tpu.memref_slice %arg10[%dma_wait3A_239, %dma_wait3A_240] : memref<10112x128xf32, #tpu.memory_space<vmem_shared>> -> memref<10112x128xf32, #tpu.memory_space<vmem_shared>>
        tpu.wait_indirect_dma semaphore(%run_scoped3A_229 : memref<!tpu.dma_semaphore, #tpu.memory_space<semaphore_mem>>) src(%arg7 : memref<128x128xf32, #tpu.memory_space<vmem>>) dst(%dma_wait3A_241 : memref<10112x128xf32, #tpu.memory_space<vmem_shared>>)
        tpu.yield
      }) : () -> ()
      %dma_start3A_92 = arith.constant 3 : i32
      %dma_start3A_93 = arith.constant 0 : i32
      %dma_start3A_94 = arith.constant 0 : i32
      %dma_start3A_95 = tpu.memref_slice %arg5[%dma_start3A_92, %dma_start3A_93, %dma_start3A_94] : memref<10x2x128xi32, #tpu.memory_space<vmem>> -> memref<1x1x128xi32, #tpu.memory_space<vmem>>
      %dma_start3A_96 = tpu.memref_squeeze %dma_start3A_95 : memref<1x1x128xi32, #tpu.memory_space<vmem>> -> memref<128xi32, #tpu.memory_space<vmem>>
      %dma_start3A_97 = arith.constant 0 : i32
      %dma_start3A_98 = arith.constant 0 : i32
      %dma_start3A_99 = tpu.memref_slice %arg2[%dma_start3A_97, %dma_start3A_98] : memref<10112x128xf32, #tpu.memory_space<hbm>> -> memref<10112x128xf32, #tpu.memory_space<hbm>>
      tpu.enqueue_indirect_dma source(%dma_start3A_99 : memref<10112x128xf32, #tpu.memory_space<hbm>>) target(%arg7 : memref<128x128xf32, #tpu.memory_space<vmem>>) offsets(%dma_start3A_96 : memref<128xi32, #tpu.memory_space<vmem>>) semaphore(%arg9 : memref<!tpu.dma_semaphore, #tpu.memory_space<semaphore_mem>>)
      %dma_wait3A_100 = arith.constant 2 : i32
      %dma_wait3A_101 = arith.constant 0 : i32
      %dma_wait3A_102 = arith.constant 0 : i32
      %dma_wait3A_103 = tpu.memref_slice %arg5[%dma_wait3A_100, %dma_wait3A_101, %dma_wait3A_102] : memref<10x2x128xi32, #tpu.memory_space<vmem>> -> memref<1x1x128xi32, #tpu.memory_space<vmem>>
      %dma_wait3A_104 = tpu.memref_squeeze %dma_wait3A_103 : memref<1x1x128xi32, #tpu.memory_space<vmem>> -> memref<128xi32, #tpu.memory_space<vmem>>
      %dma_wait3A_105 = arith.constant 0 : i32
      %dma_wait3A_106 = arith.constant 0 : i32
      %dma_wait3A_107 = tpu.memref_slice %arg2[%dma_wait3A_105, %dma_wait3A_106] : memref<10112x128xf32, #tpu.memory_space<hbm>> -> memref<10112x128xf32, #tpu.memory_space<hbm>>
      tpu.wait_indirect_dma semaphore(%arg8 : memref<!tpu.dma_semaphore, #tpu.memory_space<semaphore_mem>>) src(%dma_wait3A_107 : memref<10112x128xf32, #tpu.memory_space<hbm>>) dst(%arg6 : memref<128x128xf32, #tpu.memory_space<vmem>>)
      %run_scoped3A_108 = arith.constant 2 : i32
      %run_scoped3A_109 = arith.constant 1 : i32
      "tpu.region"() ({
        %run_scoped3A_229 = tpu.sem_alloc : memref<!tpu.dma_semaphore, #tpu.memory_space<semaphore_mem>>
        %dma_start3A_230 = arith.constant 0 : i32
        %dma_start3A_231 = tpu.memref_slice %arg5[%run_scoped3A_108, %run_scoped3A_109, %dma_start3A_230] : memref<10x2x128xi32, #tpu.memory_space<vmem>> -> memref<1x1x128xi32, #tpu.memory_space<vmem>>
        %dma_start3A_232 = tpu.memref_squeeze %dma_start3A_231 : memref<1x1x128xi32, #tpu.memory_space<vmem>> -> memref<128xi32, #tpu.memory_space<vmem>>
        %dma_start3A_233 = arith.constant 0 : i32
        %dma_start3A_234 = arith.constant 0 : i32
        %dma_start3A_235 = tpu.memref_slice %arg10[%dma_start3A_233, %dma_start3A_234] : memref<10112x128xf32, #tpu.memory_space<vmem_shared>> -> memref<10112x128xf32, #tpu.memory_space<vmem_shared>>
        tpu.enqueue_indirect_dma source(%arg6 : memref<128x128xf32, #tpu.memory_space<vmem>>) target(%dma_start3A_235 : memref<10112x128xf32, #tpu.memory_space<vmem_shared>>) offsets(%dma_start3A_232 : memref<128xi32, #tpu.memory_space<vmem>>) semaphore(%run_scoped3A_229 : memref<!tpu.dma_semaphore, #tpu.memory_space<semaphore_mem>>) {add = true}
        %dma_wait3A_236 = arith.constant 0 : i32
        %dma_wait3A_237 = tpu.memref_slice %arg5[%run_scoped3A_108, %run_scoped3A_109, %dma_wait3A_236] : memref<10x2x128xi32, #tpu.memory_space<vmem>> -> memref<1x1x128xi32, #tpu.memory_space<vmem>>
        %dma_wait3A_238 = tpu.memref_squeeze %dma_wait3A_237 : memref<1x1x128xi32, #tpu.memory_space<vmem>> -> memref<128xi32, #tpu.memory_space<vmem>>
        %dma_wait3A_239 = arith.constant 0 : i32
        %dma_wait3A_240 = arith.constant 0 : i32
        %dma_wait3A_241 = tpu.memref_slice %arg10[%dma_wait3A_239, %dma_wait3A_240] : memref<10112x128xf32, #tpu.memory_space<vmem_shared>> -> memref<10112x128xf32, #tpu.memory_space<vmem_shared>>
        tpu.wait_indirect_dma semaphore(%run_scoped3A_229 : memref<!tpu.dma_semaphore, #tpu.memory_space<semaphore_mem>>) src(%arg6 : memref<128x128xf32, #tpu.memory_space<vmem>>) dst(%dma_wait3A_241 : memref<10112x128xf32, #tpu.memory_space<vmem_shared>>)
        tpu.yield
      }) : () -> ()
      %dma_start3A_110 = arith.constant 4 : i32
      %dma_start3A_111 = arith.constant 0 : i32
      %dma_start3A_112 = arith.constant 0 : i32
      %dma_start3A_113 = tpu.memref_slice %arg5[%dma_start3A_110, %dma_start3A_111, %dma_start3A_112] : memref<10x2x128xi32, #tpu.memory_space<vmem>> -> memref<1x1x128xi32, #tpu.memory_space<vmem>>
      %dma_start3A_114 = tpu.memref_squeeze %dma_start3A_113 : memref<1x1x128xi32, #tpu.memory_space<vmem>> -> memref<128xi32, #tpu.memory_space<vmem>>
      %dma_start3A_115 = arith.constant 0 : i32
      %dma_start3A_116 = arith.constant 0 : i32
      %dma_start3A_117 = tpu.memref_slice %arg2[%dma_start3A_115, %dma_start3A_116] : memref<10112x128xf32, #tpu.memory_space<hbm>> -> memref<10112x128xf32, #tpu.memory_space<hbm>>
      tpu.enqueue_indirect_dma source(%dma_start3A_117 : memref<10112x128xf32, #tpu.memory_space<hbm>>) target(%arg6 : memref<128x128xf32, #tpu.memory_space<vmem>>) offsets(%dma_start3A_114 : memref<128xi32, #tpu.memory_space<vmem>>) semaphore(%arg8 : memref<!tpu.dma_semaphore, #tpu.memory_space<semaphore_mem>>)
      %dma_wait3A_118 = arith.constant 3 : i32
      %dma_wait3A_119 = arith.constant 0 : i32
      %dma_wait3A_120 = arith.constant 0 : i32
      %dma_wait3A_121 = tpu.memref_slice %arg5[%dma_wait3A_118, %dma_wait3A_119, %dma_wait3A_120] : memref<10x2x128xi32, #tpu.memory_space<vmem>> -> memref<1x1x128xi32, #tpu.memory_space<vmem>>
      %dma_wait3A_122 = tpu.memref_squeeze %dma_wait3A_121 : memref<1x1x128xi32, #tpu.memory_space<vmem>> -> memref<128xi32, #tpu.memory_space<vmem>>
      %dma_wait3A_123 = arith.constant 0 : i32
      %dma_wait3A_124 = arith.constant 0 : i32
      %dma_wait3A_125 = tpu.memref_slice %arg2[%dma_wait3A_123, %dma_wait3A_124] : memref<10112x128xf32, #tpu.memory_space<hbm>> -> memref<10112x128xf32, #tpu.memory_space<hbm>>
      tpu.wait_indirect_dma semaphore(%arg9 : memref<!tpu.dma_semaphore, #tpu.memory_space<semaphore_mem>>) src(%dma_wait3A_125 : memref<10112x128xf32, #tpu.memory_space<hbm>>) dst(%arg7 : memref<128x128xf32, #tpu.memory_space<vmem>>)
      %run_scoped3A_126 = arith.constant 3 : i32
      %run_scoped3A_127 = arith.constant 1 : i32
      "tpu.region"() ({
        %run_scoped3A_229 = tpu.sem_alloc : memref<!tpu.dma_semaphore, #tpu.memory_space<semaphore_mem>>
        %dma_start3A_230 = arith.constant 0 : i32
        %dma_start3A_231 = tpu.memref_slice %arg5[%run_scoped3A_126, %run_scoped3A_127, %dma_start3A_230] : memref<10x2x128xi32, #tpu.memory_space<vmem>> -> memref<1x1x128xi32, #tpu.memory_space<vmem>>
        %dma_start3A_232 = tpu.memref_squeeze %dma_start3A_231 : memref<1x1x128xi32, #tpu.memory_space<vmem>> -> memref<128xi32, #tpu.memory_space<vmem>>
        %dma_start3A_233 = arith.constant 0 : i32
        %dma_start3A_234 = arith.constant 0 : i32
        %dma_start3A_235 = tpu.memref_slice %arg10[%dma_start3A_233, %dma_start3A_234] : memref<10112x128xf32, #tpu.memory_space<vmem_shared>> -> memref<10112x128xf32, #tpu.memory_space<vmem_shared>>
        tpu.enqueue_indirect_dma source(%arg7 : memref<128x128xf32, #tpu.memory_space<vmem>>) target(%dma_start3A_235 : memref<10112x128xf32, #tpu.memory_space<vmem_shared>>) offsets(%dma_start3A_232 : memref<128xi32, #tpu.memory_space<vmem>>) semaphore(%run_scoped3A_229 : memref<!tpu.dma_semaphore, #tpu.memory_space<semaphore_mem>>) {add = true}
        %dma_wait3A_236 = arith.constant 0 : i32
        %dma_wait3A_237 = tpu.memref_slice %arg5[%run_scoped3A_126, %run_scoped3A_127, %dma_wait3A_236] : memref<10x2x128xi32, #tpu.memory_space<vmem>> -> memref<1x1x128xi32, #tpu.memory_space<vmem>>
        %dma_wait3A_238 = tpu.memref_squeeze %dma_wait3A_237 : memref<1x1x128xi32, #tpu.memory_space<vmem>> -> memref<128xi32, #tpu.memory_space<vmem>>
        %dma_wait3A_239 = arith.constant 0 : i32
        %dma_wait3A_240 = arith.constant 0 : i32
        %dma_wait3A_241 = tpu.memref_slice %arg10[%dma_wait3A_239, %dma_wait3A_240] : memref<10112x128xf32, #tpu.memory_space<vmem_shared>> -> memref<10112x128xf32, #tpu.memory_space<vmem_shared>>
        tpu.wait_indirect_dma semaphore(%run_scoped3A_229 : memref<!tpu.dma_semaphore, #tpu.memory_space<semaphore_mem>>) src(%arg7 : memref<128x128xf32, #tpu.memory_space<vmem>>) dst(%dma_wait3A_241 : memref<10112x128xf32, #tpu.memory_space<vmem_shared>>)
        tpu.yield
      }) : () -> ()
      %dma_start3A_128 = arith.constant 5 : i32
      %dma_start3A_129 = arith.constant 0 : i32
      %dma_start3A_130 = arith.constant 0 : i32
      %dma_start3A_131 = tpu.memref_slice %arg5[%dma_start3A_128, %dma_start3A_129, %dma_start3A_130] : memref<10x2x128xi32, #tpu.memory_space<vmem>> -> memref<1x1x128xi32, #tpu.memory_space<vmem>>
      %dma_start3A_132 = tpu.memref_squeeze %dma_start3A_131 : memref<1x1x128xi32, #tpu.memory_space<vmem>> -> memref<128xi32, #tpu.memory_space<vmem>>
      %dma_start3A_133 = arith.constant 0 : i32
      %dma_start3A_134 = arith.constant 0 : i32
      %dma_start3A_135 = tpu.memref_slice %arg2[%dma_start3A_133, %dma_start3A_134] : memref<10112x128xf32, #tpu.memory_space<hbm>> -> memref<10112x128xf32, #tpu.memory_space<hbm>>
      tpu.enqueue_indirect_dma source(%dma_start3A_135 : memref<10112x128xf32, #tpu.memory_space<hbm>>) target(%arg7 : memref<128x128xf32, #tpu.memory_space<vmem>>) offsets(%dma_start3A_132 : memref<128xi32, #tpu.memory_space<vmem>>) semaphore(%arg9 : memref<!tpu.dma_semaphore, #tpu.memory_space<semaphore_mem>>)
      %dma_wait3A_136 = arith.constant 4 : i32
      %dma_wait3A_137 = arith.constant 0 : i32
      %dma_wait3A_138 = arith.constant 0 : i32
      %dma_wait3A_139 = tpu.memref_slice %arg5[%dma_wait3A_136, %dma_wait3A_137, %dma_wait3A_138] : memref<10x2x128xi32, #tpu.memory_space<vmem>> -> memref<1x1x128xi32, #tpu.memory_space<vmem>>
      %dma_wait3A_140 = tpu.memref_squeeze %dma_wait3A_139 : memref<1x1x128xi32, #tpu.memory_space<vmem>> -> memref<128xi32, #tpu.memory_space<vmem>>
      %dma_wait3A_141 = arith.constant 0 : i32
      %dma_wait3A_142 = arith.constant 0 : i32
      %dma_wait3A_143 = tpu.memref_slice %arg2[%dma_wait3A_141, %dma_wait3A_142] : memref<10112x128xf32, #tpu.memory_space<hbm>> -> memref<10112x128xf32, #tpu.memory_space<hbm>>
      tpu.wait_indirect_dma semaphore(%arg8 : memref<!tpu.dma_semaphore, #tpu.memory_space<semaphore_mem>>) src(%dma_wait3A_143 : memref<10112x128xf32, #tpu.memory_space<hbm>>) dst(%arg6 : memref<128x128xf32, #tpu.memory_space<vmem>>)
      %run_scoped3A_144 = arith.constant 4 : i32
      %run_scoped3A_145 = arith.constant 1 : i32
      "tpu.region"() ({
        %run_scoped3A_229 = tpu.sem_alloc : memref<!tpu.dma_semaphore, #tpu.memory_space<semaphore_mem>>
        %dma_start3A_230 = arith.constant 0 : i32
        %dma_start3A_231 = tpu.memref_slice %arg5[%run_scoped3A_144, %run_scoped3A_145, %dma_start3A_230] : memref<10x2x128xi32, #tpu.memory_space<vmem>> -> memref<1x1x128xi32, #tpu.memory_space<vmem>>
        %dma_start3A_232 = tpu.memref_squeeze %dma_start3A_231 : memref<1x1x128xi32, #tpu.memory_space<vmem>> -> memref<128xi32, #tpu.memory_space<vmem>>
        %dma_start3A_233 = arith.constant 0 : i32
        %dma_start3A_234 = arith.constant 0 : i32
        %dma_start3A_235 = tpu.memref_slice %arg10[%dma_start3A_233, %dma_start3A_234] : memref<10112x128xf32, #tpu.memory_space<vmem_shared>> -> memref<10112x128xf32, #tpu.memory_space<vmem_shared>>
        tpu.enqueue_indirect_dma source(%arg6 : memref<128x128xf32, #tpu.memory_space<vmem>>) target(%dma_start3A_235 : memref<10112x128xf32, #tpu.memory_space<vmem_shared>>) offsets(%dma_start3A_232 : memref<128xi32, #tpu.memory_space<vmem>>) semaphore(%run_scoped3A_229 : memref<!tpu.dma_semaphore, #tpu.memory_space<semaphore_mem>>) {add = true}
        %dma_wait3A_236 = arith.constant 0 : i32
        %dma_wait3A_237 = tpu.memref_slice %arg5[%run_scoped3A_144, %run_scoped3A_145, %dma_wait3A_236] : memref<10x2x128xi32, #tpu.memory_space<vmem>> -> memref<1x1x128xi32, #tpu.memory_space<vmem>>
        %dma_wait3A_238 = tpu.memref_squeeze %dma_wait3A_237 : memref<1x1x128xi32, #tpu.memory_space<vmem>> -> memref<128xi32, #tpu.memory_space<vmem>>
        %dma_wait3A_239 = arith.constant 0 : i32
        %dma_wait3A_240 = arith.constant 0 : i32
        %dma_wait3A_241 = tpu.memref_slice %arg10[%dma_wait3A_239, %dma_wait3A_240] : memref<10112x128xf32, #tpu.memory_space<vmem_shared>> -> memref<10112x128xf32, #tpu.memory_space<vmem_shared>>
        tpu.wait_indirect_dma semaphore(%run_scoped3A_229 : memref<!tpu.dma_semaphore, #tpu.memory_space<semaphore_mem>>) src(%arg6 : memref<128x128xf32, #tpu.memory_space<vmem>>) dst(%dma_wait3A_241 : memref<10112x128xf32, #tpu.memory_space<vmem_shared>>)
        tpu.yield
      }) : () -> ()
      %dma_start3A_146 = arith.constant 6 : i32
      %dma_start3A_147 = arith.constant 0 : i32
      %dma_start3A_148 = arith.constant 0 : i32
      %dma_start3A_149 = tpu.memref_slice %arg5[%dma_start3A_146, %dma_start3A_147, %dma_start3A_148] : memref<10x2x128xi32, #tpu.memory_space<vmem>> -> memref<1x1x128xi32, #tpu.memory_space<vmem>>
      %dma_start3A_150 = tpu.memref_squeeze %dma_start3A_149 : memref<1x1x128xi32, #tpu.memory_space<vmem>> -> memref<128xi32, #tpu.memory_space<vmem>>
      %dma_start3A_151 = arith.constant 0 : i32
      %dma_start3A_152 = arith.constant 0 : i32
      %dma_start3A_153 = tpu.memref_slice %arg2[%dma_start3A_151, %dma_start3A_152] : memref<10112x128xf32, #tpu.memory_space<hbm>> -> memref<10112x128xf32, #tpu.memory_space<hbm>>
      tpu.enqueue_indirect_dma source(%dma_start3A_153 : memref<10112x128xf32, #tpu.memory_space<hbm>>) target(%arg6 : memref<128x128xf32, #tpu.memory_space<vmem>>) offsets(%dma_start3A_150 : memref<128xi32, #tpu.memory_space<vmem>>) semaphore(%arg8 : memref<!tpu.dma_semaphore, #tpu.memory_space<semaphore_mem>>)
      %dma_wait3A_154 = arith.constant 5 : i32
      %dma_wait3A_155 = arith.constant 0 : i32
      %dma_wait3A_156 = arith.constant 0 : i32
      %dma_wait3A_157 = tpu.memref_slice %arg5[%dma_wait3A_154, %dma_wait3A_155, %dma_wait3A_156] : memref<10x2x128xi32, #tpu.memory_space<vmem>> -> memref<1x1x128xi32, #tpu.memory_space<vmem>>
      %dma_wait3A_158 = tpu.memref_squeeze %dma_wait3A_157 : memref<1x1x128xi32, #tpu.memory_space<vmem>> -> memref<128xi32, #tpu.memory_space<vmem>>
      %dma_wait3A_159 = arith.constant 0 : i32
      %dma_wait3A_160 = arith.constant 0 : i32
      %dma_wait3A_161 = tpu.memref_slice %arg2[%dma_wait3A_159, %dma_wait3A_160] : memref<10112x128xf32, #tpu.memory_space<hbm>> -> memref<10112x128xf32, #tpu.memory_space<hbm>>
      tpu.wait_indirect_dma semaphore(%arg9 : memref<!tpu.dma_semaphore, #tpu.memory_space<semaphore_mem>>) src(%dma_wait3A_161 : memref<10112x128xf32, #tpu.memory_space<hbm>>) dst(%arg7 : memref<128x128xf32, #tpu.memory_space<vmem>>)
      %run_scoped3A_162 = arith.constant 5 : i32
      %run_scoped3A_163 = arith.constant 1 : i32
      "tpu.region"() ({
        %run_scoped3A_229 = tpu.sem_alloc : memref<!tpu.dma_semaphore, #tpu.memory_space<semaphore_mem>>
        %dma_start3A_230 = arith.constant 0 : i32
        %dma_start3A_231 = tpu.memref_slice %arg5[%run_scoped3A_162, %run_scoped3A_163, %dma_start3A_230] : memref<10x2x128xi32, #tpu.memory_space<vmem>> -> memref<1x1x128xi32, #tpu.memory_space<vmem>>
        %dma_start3A_232 = tpu.memref_squeeze %dma_start3A_231 : memref<1x1x128xi32, #tpu.memory_space<vmem>> -> memref<128xi32, #tpu.memory_space<vmem>>
        %dma_start3A_233 = arith.constant 0 : i32
        %dma_start3A_234 = arith.constant 0 : i32
        %dma_start3A_235 = tpu.memref_slice %arg10[%dma_start3A_233, %dma_start3A_234] : memref<10112x128xf32, #tpu.memory_space<vmem_shared>> -> memref<10112x128xf32, #tpu.memory_space<vmem_shared>>
        tpu.enqueue_indirect_dma source(%arg7 : memref<128x128xf32, #tpu.memory_space<vmem>>) target(%dma_start3A_235 : memref<10112x128xf32, #tpu.memory_space<vmem_shared>>) offsets(%dma_start3A_232 : memref<128xi32, #tpu.memory_space<vmem>>) semaphore(%run_scoped3A_229 : memref<!tpu.dma_semaphore, #tpu.memory_space<semaphore_mem>>) {add = true}
        %dma_wait3A_236 = arith.constant 0 : i32
        %dma_wait3A_237 = tpu.memref_slice %arg5[%run_scoped3A_162, %run_scoped3A_163, %dma_wait3A_236] : memref<10x2x128xi32, #tpu.memory_space<vmem>> -> memref<1x1x128xi32, #tpu.memory_space<vmem>>
        %dma_wait3A_238 = tpu.memref_squeeze %dma_wait3A_237 : memref<1x1x128xi32, #tpu.memory_space<vmem>> -> memref<128xi32, #tpu.memory_space<vmem>>
        %dma_wait3A_239 = arith.constant 0 : i32
        %dma_wait3A_240 = arith.constant 0 : i32
        %dma_wait3A_241 = tpu.memref_slice %arg10[%dma_wait3A_239, %dma_wait3A_240] : memref<10112x128xf32, #tpu.memory_space<vmem_shared>> -> memref<10112x128xf32, #tpu.memory_space<vmem_shared>>
        tpu.wait_indirect_dma semaphore(%run_scoped3A_229 : memref<!tpu.dma_semaphore, #tpu.memory_space<semaphore_mem>>) src(%arg7 : memref<128x128xf32, #tpu.memory_space<vmem>>) dst(%dma_wait3A_241 : memref<10112x128xf32, #tpu.memory_space<vmem_shared>>)
        tpu.yield
      }) : () -> ()
      %dma_start3A_164 = arith.constant 7 : i32
      %dma_start3A_165 = arith.constant 0 : i32
      %dma_start3A_166 = arith.constant 0 : i32
      %dma_start3A_167 = tpu.memref_slice %arg5[%dma_start3A_164, %dma_start3A_165, %dma_start3A_166] : memref<10x2x128xi32, #tpu.memory_space<vmem>> -> memref<1x1x128xi32, #tpu.memory_space<vmem>>
      %dma_start3A_168 = tpu.memref_squeeze %dma_start3A_167 : memref<1x1x128xi32, #tpu.memory_space<vmem>> -> memref<128xi32, #tpu.memory_space<vmem>>
      %dma_start3A_169 = arith.constant 0 : i32
      %dma_start3A_170 = arith.constant 0 : i32
      %dma_start3A_171 = tpu.memref_slice %arg2[%dma_start3A_169, %dma_start3A_170] : memref<10112x128xf32, #tpu.memory_space<hbm>> -> memref<10112x128xf32, #tpu.memory_space<hbm>>
      tpu.enqueue_indirect_dma source(%dma_start3A_171 : memref<10112x128xf32, #tpu.memory_space<hbm>>) target(%arg7 : memref<128x128xf32, #tpu.memory_space<vmem>>) offsets(%dma_start3A_168 : memref<128xi32, #tpu.memory_space<vmem>>) semaphore(%arg9 : memref<!tpu.dma_semaphore, #tpu.memory_space<semaphore_mem>>)
      %dma_wait3A_172 = arith.constant 6 : i32
      %dma_wait3A_173 = arith.constant 0 : i32
      %dma_wait3A_174 = arith.constant 0 : i32
      %dma_wait3A_175 = tpu.memref_slice %arg5[%dma_wait3A_172, %dma_wait3A_173, %dma_wait3A_174] : memref<10x2x128xi32, #tpu.memory_space<vmem>> -> memref<1x1x128xi32, #tpu.memory_space<vmem>>
      %dma_wait3A_176 = tpu.memref_squeeze %dma_wait3A_175 : memref<1x1x128xi32, #tpu.memory_space<vmem>> -> memref<128xi32, #tpu.memory_space<vmem>>
      %dma_wait3A_177 = arith.constant 0 : i32
      %dma_wait3A_178 = arith.constant 0 : i32
      %dma_wait3A_179 = tpu.memref_slice %arg2[%dma_wait3A_177, %dma_wait3A_178] : memref<10112x128xf32, #tpu.memory_space<hbm>> -> memref<10112x128xf32, #tpu.memory_space<hbm>>
      tpu.wait_indirect_dma semaphore(%arg8 : memref<!tpu.dma_semaphore, #tpu.memory_space<semaphore_mem>>) src(%dma_wait3A_179 : memref<10112x128xf32, #tpu.memory_space<hbm>>) dst(%arg6 : memref<128x128xf32, #tpu.memory_space<vmem>>)
      %run_scoped3A_180 = arith.constant 6 : i32
      %run_scoped3A_181 = arith.constant 1 : i32
      "tpu.region"() ({
        %run_scoped3A_229 = tpu.sem_alloc : memref<!tpu.dma_semaphore, #tpu.memory_space<semaphore_mem>>
        %dma_start3A_230 = arith.constant 0 : i32
        %dma_start3A_231 = tpu.memref_slice %arg5[%run_scoped3A_180, %run_scoped3A_181, %dma_start3A_230] : memref<10x2x128xi32, #tpu.memory_space<vmem>> -> memref<1x1x128xi32, #tpu.memory_space<vmem>>
        %dma_start3A_232 = tpu.memref_squeeze %dma_start3A_231 : memref<1x1x128xi32, #tpu.memory_space<vmem>> -> memref<128xi32, #tpu.memory_space<vmem>>
        %dma_start3A_233 = arith.constant 0 : i32
        %dma_start3A_234 = arith.constant 0 : i32
        %dma_start3A_235 = tpu.memref_slice %arg10[%dma_start3A_233, %dma_start3A_234] : memref<10112x128xf32, #tpu.memory_space<vmem_shared>> -> memref<10112x128xf32, #tpu.memory_space<vmem_shared>>
        tpu.enqueue_indirect_dma source(%arg6 : memref<128x128xf32, #tpu.memory_space<vmem>>) target(%dma_start3A_235 : memref<10112x128xf32, #tpu.memory_space<vmem_shared>>) offsets(%dma_start3A_232 : memref<128xi32, #tpu.memory_space<vmem>>) semaphore(%run_scoped3A_229 : memref<!tpu.dma_semaphore, #tpu.memory_space<semaphore_mem>>) {add = true}
        %dma_wait3A_236 = arith.constant 0 : i32
        %dma_wait3A_237 = tpu.memref_slice %arg5[%run_scoped3A_180, %run_scoped3A_181, %dma_wait3A_236] : memref<10x2x128xi32, #tpu.memory_space<vmem>> -> memref<1x1x128xi32, #tpu.memory_space<vmem>>
        %dma_wait3A_238 = tpu.memref_squeeze %dma_wait3A_237 : memref<1x1x128xi32, #tpu.memory_space<vmem>> -> memref<128xi32, #tpu.memory_space<vmem>>
        %dma_wait3A_239 = arith.constant 0 : i32
        %dma_wait3A_240 = arith.constant 0 : i32
        %dma_wait3A_241 = tpu.memref_slice %arg10[%dma_wait3A_239, %dma_wait3A_240] : memref<10112x128xf32, #tpu.memory_space<vmem_shared>> -> memref<10112x128xf32, #tpu.memory_space<vmem_shared>>
        tpu.wait_indirect_dma semaphore(%run_scoped3A_229 : memref<!tpu.dma_semaphore, #tpu.memory_space<semaphore_mem>>) src(%arg6 : memref<128x128xf32, #tpu.memory_space<vmem>>) dst(%dma_wait3A_241 : memref<10112x128xf32, #tpu.memory_space<vmem_shared>>)
        tpu.yield
      }) : () -> ()
      %dma_start3A_182 = arith.constant 8 : i32
      %dma_start3A_183 = arith.constant 0 : i32
      %dma_start3A_184 = arith.constant 0 : i32
      %dma_start3A_185 = tpu.memref_slice %arg5[%dma_start3A_182, %dma_start3A_183, %dma_start3A_184] : memref<10x2x128xi32, #tpu.memory_space<vmem>> -> memref<1x1x128xi32, #tpu.memory_space<vmem>>
      %dma_start3A_186 = tpu.memref_squeeze %dma_start3A_185 : memref<1x1x128xi32, #tpu.memory_space<vmem>> -> memref<128xi32, #tpu.memory_space<vmem>>
      %dma_start3A_187 = arith.constant 0 : i32
      %dma_start3A_188 = arith.constant 0 : i32
      %dma_start3A_189 = tpu.memref_slice %arg2[%dma_start3A_187, %dma_start3A_188] : memref<10112x128xf32, #tpu.memory_space<hbm>> -> memref<10112x128xf32, #tpu.memory_space<hbm>>
      tpu.enqueue_indirect_dma source(%dma_start3A_189 : memref<10112x128xf32, #tpu.memory_space<hbm>>) target(%arg6 : memref<128x128xf32, #tpu.memory_space<vmem>>) offsets(%dma_start3A_186 : memref<128xi32, #tpu.memory_space<vmem>>) semaphore(%arg8 : memref<!tpu.dma_semaphore, #tpu.memory_space<semaphore_mem>>)
      %dma_wait3A_190 = arith.constant 7 : i32
      %dma_wait3A_191 = arith.constant 0 : i32
      %dma_wait3A_192 = arith.constant 0 : i32
      %dma_wait3A_193 = tpu.memref_slice %arg5[%dma_wait3A_190, %dma_wait3A_191, %dma_wait3A_192] : memref<10x2x128xi32, #tpu.memory_space<vmem>> -> memref<1x1x128xi32, #tpu.memory_space<vmem>>
      %dma_wait3A_194 = tpu.memref_squeeze %dma_wait3A_193 : memref<1x1x128xi32, #tpu.memory_space<vmem>> -> memref<128xi32, #tpu.memory_space<vmem>>
      %dma_wait3A_195 = arith.constant 0 : i32
      %dma_wait3A_196 = arith.constant 0 : i32
      %dma_wait3A_197 = tpu.memref_slice %arg2[%dma_wait3A_195, %dma_wait3A_196] : memref<10112x128xf32, #tpu.memory_space<hbm>> -> memref<10112x128xf32, #tpu.memory_space<hbm>>
      tpu.wait_indirect_dma semaphore(%arg9 : memref<!tpu.dma_semaphore, #tpu.memory_space<semaphore_mem>>) src(%dma_wait3A_197 : memref<10112x128xf32, #tpu.memory_space<hbm>>) dst(%arg7 : memref<128x128xf32, #tpu.memory_space<vmem>>)
      %run_scoped3A_198 = arith.constant 7 : i32
      %run_scoped3A_199 = arith.constant 1 : i32
      "tpu.region"() ({
        %run_scoped3A_229 = tpu.sem_alloc : memref<!tpu.dma_semaphore, #tpu.memory_space<semaphore_mem>>
        %dma_start3A_230 = arith.constant 0 : i32
        %dma_start3A_231 = tpu.memref_slice %arg5[%run_scoped3A_198, %run_scoped3A_199, %dma_start3A_230] : memref<10x2x128xi32, #tpu.memory_space<vmem>> -> memref<1x1x128xi32, #tpu.memory_space<vmem>>
        %dma_start3A_232 = tpu.memref_squeeze %dma_start3A_231 : memref<1x1x128xi32, #tpu.memory_space<vmem>> -> memref<128xi32, #tpu.memory_space<vmem>>
        %dma_start3A_233 = arith.constant 0 : i32
        %dma_start3A_234 = arith.constant 0 : i32
        %dma_start3A_235 = tpu.memref_slice %arg10[%dma_start3A_233, %dma_start3A_234] : memref<10112x128xf32, #tpu.memory_space<vmem_shared>> -> memref<10112x128xf32, #tpu.memory_space<vmem_shared>>
        tpu.enqueue_indirect_dma source(%arg7 : memref<128x128xf32, #tpu.memory_space<vmem>>) target(%dma_start3A_235 : memref<10112x128xf32, #tpu.memory_space<vmem_shared>>) offsets(%dma_start3A_232 : memref<128xi32, #tpu.memory_space<vmem>>) semaphore(%run_scoped3A_229 : memref<!tpu.dma_semaphore, #tpu.memory_space<semaphore_mem>>) {add = true}
        %dma_wait3A_236 = arith.constant 0 : i32
        %dma_wait3A_237 = tpu.memref_slice %arg5[%run_scoped3A_198, %run_scoped3A_199, %dma_wait3A_236] : memref<10x2x128xi32, #tpu.memory_space<vmem>> -> memref<1x1x128xi32, #tpu.memory_space<vmem>>
        %dma_wait3A_238 = tpu.memref_squeeze %dma_wait3A_237 : memref<1x1x128xi32, #tpu.memory_space<vmem>> -> memref<128xi32, #tpu.memory_space<vmem>>
        %dma_wait3A_239 = arith.constant 0 : i32
        %dma_wait3A_240 = arith.constant 0 : i32
        %dma_wait3A_241 = tpu.memref_slice %arg10[%dma_wait3A_239, %dma_wait3A_240] : memref<10112x128xf32, #tpu.memory_space<vmem_shared>> -> memref<10112x128xf32, #tpu.memory_space<vmem_shared>>
        tpu.wait_indirect_dma semaphore(%run_scoped3A_229 : memref<!tpu.dma_semaphore, #tpu.memory_space<semaphore_mem>>) src(%arg7 : memref<128x128xf32, #tpu.memory_space<vmem>>) dst(%dma_wait3A_241 : memref<10112x128xf32, #tpu.memory_space<vmem_shared>>)
        tpu.yield
      }) : () -> ()
      %dma_start3A_200 = arith.constant 9 : i32
      %dma_start3A_201 = arith.constant 0 : i32
      %dma_start3A_202 = arith.constant 0 : i32
      %dma_start3A_203 = tpu.memref_slice %arg5[%dma_start3A_200, %dma_start3A_201, %dma_start3A_202] : memref<10x2x128xi32, #tpu.memory_space<vmem>> -> memref<1x1x128xi32, #tpu.memory_space<vmem>>
      %dma_start3A_204 = tpu.memref_squeeze %dma_start3A_203 : memref<1x1x128xi32, #tpu.memory_space<vmem>> -> memref<128xi32, #tpu.memory_space<vmem>>
      %dma_start3A_205 = arith.constant 0 : i32
      %dma_start3A_206 = arith.constant 0 : i32
      %dma_start3A_207 = tpu.memref_slice %arg2[%dma_start3A_205, %dma_start3A_206] : memref<10112x128xf32, #tpu.memory_space<hbm>> -> memref<10112x128xf32, #tpu.memory_space<hbm>>
      tpu.enqueue_indirect_dma source(%dma_start3A_207 : memref<10112x128xf32, #tpu.memory_space<hbm>>) target(%arg7 : memref<128x128xf32, #tpu.memory_space<vmem>>) offsets(%dma_start3A_204 : memref<128xi32, #tpu.memory_space<vmem>>) semaphore(%arg9 : memref<!tpu.dma_semaphore, #tpu.memory_space<semaphore_mem>>)
      %dma_wait3A_208 = arith.constant 8 : i32
      %dma_wait3A_209 = arith.constant 0 : i32
      %dma_wait3A_210 = arith.constant 0 : i32
      %dma_wait3A_211 = tpu.memref_slice %arg5[%dma_wait3A_208, %dma_wait3A_209, %dma_wait3A_210] : memref<10x2x128xi32, #tpu.memory_space<vmem>> -> memref<1x1x128xi32, #tpu.memory_space<vmem>>
      %dma_wait3A_212 = tpu.memref_squeeze %dma_wait3A_211 : memref<1x1x128xi32, #tpu.memory_space<vmem>> -> memref<128xi32, #tpu.memory_space<vmem>>
      %dma_wait3A_213 = arith.constant 0 : i32
      %dma_wait3A_214 = arith.constant 0 : i32
      %dma_wait3A_215 = tpu.memref_slice %arg2[%dma_wait3A_213, %dma_wait3A_214] : memref<10112x128xf32, #tpu.memory_space<hbm>> -> memref<10112x128xf32, #tpu.memory_space<hbm>>
      tpu.wait_indirect_dma semaphore(%arg8 : memref<!tpu.dma_semaphore, #tpu.memory_space<semaphore_mem>>) src(%dma_wait3A_215 : memref<10112x128xf32, #tpu.memory_space<hbm>>) dst(%arg6 : memref<128x128xf32, #tpu.memory_space<vmem>>)
      %run_scoped3A_216 = arith.constant 8 : i32
      %run_scoped3A_217 = arith.constant 1 : i32
      "tpu.region"() ({
        %run_scoped3A_229 = tpu.sem_alloc : memref<!tpu.dma_semaphore, #tpu.memory_space<semaphore_mem>>
        %dma_start3A_230 = arith.constant 0 : i32
        %dma_start3A_231 = tpu.memref_slice %arg5[%run_scoped3A_216, %run_scoped3A_217, %dma_start3A_230] : memref<10x2x128xi32, #tpu.memory_space<vmem>> -> memref<1x1x128xi32, #tpu.memory_space<vmem>>
        %dma_start3A_232 = tpu.memref_squeeze %dma_start3A_231 : memref<1x1x128xi32, #tpu.memory_space<vmem>> -> memref<128xi32, #tpu.memory_space<vmem>>
        %dma_start3A_233 = arith.constant 0 : i32
        %dma_start3A_234 = arith.constant 0 : i32
        %dma_start3A_235 = tpu.memref_slice %arg10[%dma_start3A_233, %dma_start3A_234] : memref<10112x128xf32, #tpu.memory_space<vmem_shared>> -> memref<10112x128xf32, #tpu.memory_space<vmem_shared>>
        tpu.enqueue_indirect_dma source(%arg6 : memref<128x128xf32, #tpu.memory_space<vmem>>) target(%dma_start3A_235 : memref<10112x128xf32, #tpu.memory_space<vmem_shared>>) offsets(%dma_start3A_232 : memref<128xi32, #tpu.memory_space<vmem>>) semaphore(%run_scoped3A_229 : memref<!tpu.dma_semaphore, #tpu.memory_space<semaphore_mem>>) {add = true}
        %dma_wait3A_236 = arith.constant 0 : i32
        %dma_wait3A_237 = tpu.memref_slice %arg5[%run_scoped3A_216, %run_scoped3A_217, %dma_wait3A_236] : memref<10x2x128xi32, #tpu.memory_space<vmem>> -> memref<1x1x128xi32, #tpu.memory_space<vmem>>
        %dma_wait3A_238 = tpu.memref_squeeze %dma_wait3A_237 : memref<1x1x128xi32, #tpu.memory_space<vmem>> -> memref<128xi32, #tpu.memory_space<vmem>>
        %dma_wait3A_239 = arith.constant 0 : i32
        %dma_wait3A_240 = arith.constant 0 : i32
        %dma_wait3A_241 = tpu.memref_slice %arg10[%dma_wait3A_239, %dma_wait3A_240] : memref<10112x128xf32, #tpu.memory_space<vmem_shared>> -> memref<10112x128xf32, #tpu.memory_space<vmem_shared>>
        tpu.wait_indirect_dma semaphore(%run_scoped3A_229 : memref<!tpu.dma_semaphore, #tpu.memory_space<semaphore_mem>>) src(%arg6 : memref<128x128xf32, #tpu.memory_space<vmem>>) dst(%dma_wait3A_241 : memref<10112x128xf32, #tpu.memory_space<vmem_shared>>)
        tpu.yield
      }) : () -> ()
      %dma_wait3A_218 = arith.constant 9 : i32
      %dma_wait3A_219 = arith.constant 0 : i32
      %dma_wait3A_220 = arith.constant 0 : i32
      %dma_wait3A_221 = tpu.memref_slice %arg5[%dma_wait3A_218, %dma_wait3A_219, %dma_wait3A_220] : memref<10x2x128xi32, #tpu.memory_space<vmem>> -> memref<1x1x128xi32, #tpu.memory_space<vmem>>
      %dma_wait3A_222 = tpu.memref_squeeze %dma_wait3A_221 : memref<1x1x128xi32, #tpu.memory_space<vmem>> -> memref<128xi32, #tpu.memory_space<vmem>>
      %dma_wait3A_223 = arith.constant 0 : i32
      %dma_wait3A_224 = arith.constant 0 : i32
      %dma_wait3A_225 = tpu.memref_slice %arg2[%dma_wait3A_223, %dma_wait3A_224] : memref<10112x128xf32, #tpu.memory_space<hbm>> -> memref<10112x128xf32, #tpu.memory_space<hbm>>
      tpu.wait_indirect_dma semaphore(%arg9 : memref<!tpu.dma_semaphore, #tpu.memory_space<semaphore_mem>>) src(%dma_wait3A_225 : memref<10112x128xf32, #tpu.memory_space<hbm>>) dst(%arg7 : memref<128x128xf32, #tpu.memory_space<vmem>>)
      %run_scoped3A_226 = arith.constant 9 : i32
      %run_scoped3A_227 = arith.constant 1 : i32
      "tpu.region"() ({
        %run_scoped3A_229 = tpu.sem_alloc : memref<!tpu.dma_semaphore, #tpu.memory_space<semaphore_mem>>
        %dma_start3A_230 = arith.constant 0 : i32
        %dma_start3A_231 = tpu.memref_slice %arg5[%run_scoped3A_226, %run_scoped3A_227, %dma_start3A_230] : memref<10x2x128xi32, #tpu.memory_space<vmem>> -> memref<1x1x128xi32, #tpu.memory_space<vmem>>
        %dma_start3A_232 = tpu.memref_squeeze %dma_start3A_231 : memref<1x1x128xi32, #tpu.memory_space<vmem>> -> memref<128xi32, #tpu.memory_space<vmem>>
        %dma_start3A_233 = arith.constant 0 : i32
        %dma_start3A_234 = arith.constant 0 : i32
        %dma_start3A_235 = tpu.memref_slice %arg10[%dma_start3A_233, %dma_start3A_234] : memref<10112x128xf32, #tpu.memory_space<vmem_shared>> -> memref<10112x128xf32, #tpu.memory_space<vmem_shared>>
        tpu.enqueue_indirect_dma source(%arg7 : memref<128x128xf32, #tpu.memory_space<vmem>>) target(%dma_start3A_235 : memref<10112x128xf32, #tpu.memory_space<vmem_shared>>) offsets(%dma_start3A_232 : memref<128xi32, #tpu.memory_space<vmem>>) semaphore(%run_scoped3A_229 : memref<!tpu.dma_semaphore, #tpu.memory_space<semaphore_mem>>) {add = true}
        %dma_wait3A_236 = arith.constant 0 : i32
        %dma_wait3A_237 = tpu.memref_slice %arg5[%run_scoped3A_226, %run_scoped3A_227, %dma_wait3A_236] : memref<10x2x128xi32, #tpu.memory_space<vmem>> -> memref<1x1x128xi32, #tpu.memory_space<vmem>>
        %dma_wait3A_238 = tpu.memref_squeeze %dma_wait3A_237 : memref<1x1x128xi32, #tpu.memory_space<vmem>> -> memref<128xi32, #tpu.memory_space<vmem>>
        %dma_wait3A_239 = arith.constant 0 : i32
        %dma_wait3A_240 = arith.constant 0 : i32
        %dma_wait3A_241 = tpu.memref_slice %arg10[%dma_wait3A_239, %dma_wait3A_240] : memref<10112x128xf32, #tpu.memory_space<vmem_shared>> -> memref<10112x128xf32, #tpu.memory_space<vmem_shared>>
        tpu.wait_indirect_dma semaphore(%run_scoped3A_229 : memref<!tpu.dma_semaphore, #tpu.memory_space<semaphore_mem>>) src(%arg7 : memref<128x128xf32, #tpu.memory_space<vmem>>) dst(%dma_wait3A_241 : memref<10112x128xf32, #tpu.memory_space<vmem_shared>>)
        tpu.yield
      }) : () -> ()
      %while3A_228 = arith.constant 0 : i32
      scf.yield %while3A_228 : i32
    }
    %barrier3A_41 = arith.constant 0 : index
    tpu.barrier barrier_id(%barrier3A_41)
    %mul3A_42 = arith.constant 632 : i32
    %mul3A_43 = arith.muli %arg1, %mul3A_42 : i32
    %mul3A_44 = arith.constant 632 : i32
    %mul3A_45 = arith.muli %arg1, %mul3A_44 : i32
    "tpu.region"() ({
      %run_scoped3A = tpu.sem_alloc : memref<!tpu.dma_semaphore, #tpu.memory_space<semaphore_mem>>
      %dma_start3A = arith.constant 0 : i32
      %dma_start3A_46 = tpu.memref_slice %arg4[%arg0, %mul3A_45, %dma_start3A] : memref<2x10112x128xf32, #tpu.memory_space<hbm>> -> memref<1x632x128xf32, #tpu.memory_space<hbm>>
      %dma_start3A_47 = tpu.memref_squeeze %dma_start3A_46 : memref<1x632x128xf32, #tpu.memory_space<hbm>> -> memref<632x128xf32, #tpu.memory_space<hbm>>
      %dma_start3A_48 = arith.constant 0 : i32
      %dma_start3A_49 = tpu.memref_slice %arg10[%mul3A_43, %dma_start3A_48] : memref<10112x128xf32, #tpu.memory_space<vmem_shared>> -> memref<632x128xf32, #tpu.memory_space<vmem_shared>>
      tpu.enqueue_dma source(%dma_start3A_49 : memref<632x128xf32, #tpu.memory_space<vmem_shared>>) target(%dma_start3A_47 : memref<632x128xf32, #tpu.memory_space<hbm>>) target_semaphore(%run_scoped3A : memref<!tpu.dma_semaphore, #tpu.memory_space<semaphore_mem>>)
      %dma_wait3A = arith.constant 0 : i32
      %dma_wait3A_50 = tpu.memref_slice %arg4[%arg0, %mul3A_45, %dma_wait3A] : memref<2x10112x128xf32, #tpu.memory_space<hbm>> -> memref<1x632x128xf32, #tpu.memory_space<hbm>>
      %dma_wait3A_51 = tpu.memref_squeeze %dma_wait3A_50 : memref<1x632x128xf32, #tpu.memory_space<hbm>> -> memref<632x128xf32, #tpu.memory_space<hbm>>
      %dma_wait3A_52 = arith.constant 0 : i32
      %dma_wait3A_53 = tpu.memref_slice %arg10[%mul3A_43, %dma_wait3A_52] : memref<10112x128xf32, #tpu.memory_space<vmem_shared>> -> memref<632x128xf32, #tpu.memory_space<vmem_shared>>
      tpu.wait_dma2 semaphore(%run_scoped3A : memref<!tpu.dma_semaphore, #tpu.memory_space<semaphore_mem>>) src(%dma_wait3A_53 : memref<632x128xf32, #tpu.memory_space<vmem_shared>>) dst(%dma_wait3A_51 : memref<632x128xf32, #tpu.memory_space<hbm>>)
      tpu.yield
    }) : () -> ()
    return
  }
}

module attributes {stable_mosaic.version = 14 : i64} {
  func.func @_tc2_body(%arg0: i32, %arg1: memref<1264x128xf32, #tpu.memory_space<vmem>>, %arg2: memref<2x1264x128xf32, #tpu.memory_space<vmem>>, %arg3: memref<1264x128xf32, #tpu.memory_space<vmem>>) attributes {dimension_semantics = [#tpu.dimension_semantics<arbitrary>], iteration_bounds = array<i64: 8>, scalar_prefetch = 0 : i64, scratch_operands = 0 : i64, tpu.core_type = #tpu.core_type<tc>, window_params = [{transform_indices = @transform_0, window_bounds = array<i64: 1264, 128>}, {transform_indices = @transform_1, window_bounds = array<i64: 2, 1264, 128>}, {transform_indices = @transform_2, window_bounds = array<i64: 1264, 128>}]} {
    %get3A = arith.constant 0 : index
    %get3A_0 = arith.constant 0 : index
    %get3A_1 = arith.constant 0 : index
    %get3A_2 = vector.load %arg2[%get3A, %get3A_0, %get3A_1] : memref<2x1264x128xf32, #tpu.memory_space<vmem>>, vector<2x1264x128xf32>
    %slice3A = vector.extract_strided_slice %get3A_2 {offsets = [0, 0, 0], sizes = [1, 1264, 1], strides = [1, 1, 1]} : vector<2x1264x128xf32> to vector<1x1264x1xf32>
    %squeeze3A = vector.shape_cast %slice3A : vector<1x1264x1xf32> to vector<1264x1xf32>
    %slice3A_3 = vector.extract_strided_slice %get3A_2 {offsets = [1, 0, 0], sizes = [1, 1264, 1], strides = [1, 1, 1]} : vector<2x1264x128xf32> to vector<1x1264x1xf32>
    %squeeze3A_4 = vector.shape_cast %slice3A_3 : vector<1x1264x1xf32> to vector<1264x1xf32>
    %add3A = arith.addf %squeeze3A, %squeeze3A_4 : vector<1264x1xf32>
    %add3A_5 = arith.constant 1.000000e+00 : f32
    %add3A_6 = vector.broadcast %add3A_5 : f32 to vector<1264x1xf32>
    %add3A_7 = arith.addf %add3A, %add3A_6 : vector<1264x1xf32>
    %rsqrt3A = math.rsqrt %add3A_7 : vector<1264x1xf32>
    %iota3A = tpu.iota {dimensions = array<i32: 0>} : vector<1264x1xi32>
    %mul3A = arith.constant 1264 : i32
    %mul3A_8 = arith.muli %arg0, %mul3A : i32
    %add3A_9 = vector.broadcast %mul3A_8 : i32 to vector<1264x1xi32>
    %add3A_10 = arith.addi %iota3A, %add3A_9 : vector<1264x1xi32>
    %lt3A = arith.constant 10000 : i32
    %lt3A_11 = vector.broadcast %lt3A : i32 to vector<1264x1xi32>
    %lt3A_12 = arith.cmpi slt, %add3A_10, %lt3A_11 : vector<1264x1xi32>
    %get3A_13 = arith.constant 0 : index
    %get3A_14 = arith.constant 0 : index
    %get3A_15 = vector.load %arg1[%get3A_13, %get3A_14] : memref<1264x128xf32, #tpu.memory_space<vmem>>, vector<1264x128xf32>
    %mul3A_16 = vector.broadcast %rsqrt3A : vector<1264x1xf32> to vector<1264x128xf32>
    %mul3A_17 = arith.mulf %mul3A_16, %get3A_15 : vector<1264x128xf32>
    %jit3A = arith.constant 0.000000e+00 : f32
    %broadcast_in_dim3A = vector.shape_cast %lt3A_12 : vector<1264x1xi1> to vector<1264x1xi1>
    %broadcast_in_dim3A_18 = vector.broadcast %broadcast_in_dim3A : vector<1264x1xi1> to vector<1264x128xi1>
    %broadcast_in_dim3A_19 = vector.broadcast %jit3A : f32 to vector<1264x128xf32>
    %select_n3A = arith.select %broadcast_in_dim3A_18, %mul3A_17, %broadcast_in_dim3A_19 : vector<1264x128xi1>, vector<1264x128xf32>
    %swap3A = arith.constant 0 : index
    %swap3A_20 = arith.constant 0 : index
    %swap3A_21 = vector.load %arg3[%swap3A, %swap3A_20] : memref<1264x128xf32, #tpu.memory_space<vmem>>, vector<1264x128xf32>
    tpu.vector_store %arg3[%swap3A, %swap3A_20], %select_n3A {strides = array<i32>} : memref<1264x128xf32, #tpu.memory_space<vmem>>, vector<1264x128xf32>,
    return
  }
  func.func @transform_0(%arg0: i32) -> (i32, i32) {
    %c0_i32 = arith.constant 0 : i32
    %c0_i32_0 = arith.constant 0 : i32
    return %arg0, %c0_i32 : i32, i32
  }
  func.func @transform_1(%arg0: i32) -> (i32, i32, i32) {
    %c0_i32 = arith.constant 0 : i32
    %c0_i32_0 = arith.constant 0 : i32
    %c0_i32_1 = arith.constant 0 : i32
    return %c0_i32, %arg0, %c0_i32_0 : i32, i32, i32
  }
  func.func @transform_2(%arg0: i32) -> (i32, i32) {
    %c0_i32 = arith.constant 0 : i32
    %c0_i32_0 = arith.constant 0 : i32
    return %arg0, %c0_i32 : i32, i32
  }
}

module attributes {stable_mosaic.version = 14 : i64} {
  func.func @_tc1_body(%arg0: i32, %arg1: memref<1264x128xf32, #tpu.memory_space<vmem>>, %arg2: memref<128x128xf32, #tpu.memory_space<vmem>>, %arg3: memref<1x128xf32, #tpu.memory_space<vmem>>, %arg4: memref<1264x128xf32, #tpu.memory_space<vmem>>) attributes {dimension_semantics = [#tpu.dimension_semantics<arbitrary>], iteration_bounds = array<i64: 8>, scalar_prefetch = 0 : i64, scratch_operands = 0 : i64, tpu.core_type = #tpu.core_type<tc>, window_params = [{transform_indices = @transform_0, window_bounds = array<i64: 1264, 128>}, {pipeline_mode = #tpu.pipeline_mode<synchronous>, transform_indices = @transform_1, window_bounds = array<i64: 128, 128>}, {pipeline_mode = #tpu.pipeline_mode<synchronous>, transform_indices = @transform_2, window_bounds = array<i64: 1, 128>}, {transform_indices = @transform_3, window_bounds = array<i64: 1264, 128>}]} {
    %get3A = arith.constant 0 : index
    %get3A_0 = arith.constant 0 : index
    %get3A_1 = vector.load %arg1[%get3A, %get3A_0] : memref<1264x128xf32, #tpu.memory_space<vmem>>, vector<1264x128xf32>
    %get3A_2 = arith.constant 0 : index
    %get3A_3 = arith.constant 0 : index
    %get3A_4 = vector.load %arg2[%get3A_2, %get3A_3] : memref<128x128xf32, #tpu.memory_space<vmem>>, vector<128x128xf32>
    %dot_general3A = arith.constant dense<0.000000e+00> : vector<1264x128xf32>
    %dot_general3A_5 = tpu.matmul %get3A_1, %get3A_4, %dot_general3A {dimension_numbers = #tpu.dot_dimension_numbers<[1], [1], [0], [0], [0, 0, 1, 0], [], []>, transpose_lhs_hint = false} : vector<1264x128xf32>, vector<128x128xf32>, vector<1264x128xf32> -> vector<1264x128xf32>
    %get3A_6 = arith.constant 0 : index
    %get3A_7 = arith.constant 0 : index
    %get3A_8 = vector.load %arg3[%get3A_6, %get3A_7] : memref<1x128xf32, #tpu.memory_space<vmem>>, vector<1x128xf32>
    %add3A = vector.broadcast %get3A_8 : vector<1x128xf32> to vector<1264x128xf32>
    %add3A_9 = arith.addf %dot_general3A_5, %add3A : vector<1264x128xf32>
    %swap3A = arith.constant 0 : index
    %swap3A_10 = arith.constant 0 : index
    %swap3A_11 = vector.load %arg4[%swap3A, %swap3A_10] : memref<1264x128xf32, #tpu.memory_space<vmem>>, vector<1264x128xf32>
    tpu.vector_store %arg4[%swap3A, %swap3A_10], %add3A_9 {strides = array<i32>} : memref<1264x128xf32, #tpu.memory_space<vmem>>, vector<1264x128xf32>,
    return
  }
  func.func @transform_0(%arg0: i32) -> (i32, i32) {
    %c0_i32 = arith.constant 0 : i32
    %c0_i32_0 = arith.constant 0 : i32
    return %arg0, %c0_i32 : i32, i32
  }
  func.func @transform_1(%arg0: i32) -> (i32, i32) {
    %c0_i32 = arith.constant 0 : i32
    %c0_i32_0 = arith.constant 0 : i32
    %c0_i32_1 = arith.constant 0 : i32
    return %c0_i32, %c0_i32_0 : i32, i32
  }
  func.func @transform_2(%arg0: i32) -> (i32, i32) {
    %c0_i32 = arith.constant 0 : i32
    %c0_i32_0 = arith.constant 0 : i32
    %c0_i32_1 = arith.constant 0 : i32
    return %c0_i32, %c0_i32_0 : i32, i32
  }
  func.func @transform_3(%arg0: i32) -> (i32, i32) {
    %c0_i32 = arith.constant 0 : i32
    %c0_i32_0 = arith.constant 0 : i32
    return %arg0, %c0_i32 : i32, i32
  }
}

module attributes {stable_mosaic.version = 14 : i64} {
  func.func @_tc3_body(%arg0: i32, %arg1: memref<2x1264x128xf32, #tpu.memory_space<vmem>>, %arg2: memref<1264x128xf32, #tpu.memory_space<vmem>>, %arg3: memref<2x1264x128xf32, #tpu.memory_space<vmem>>, %arg4: memref<16x128xf32, #tpu.memory_space<vmem>>, %arg5: memref<1x16xf32, #tpu.memory_space<vmem>>, %arg6: memref<1264x128xf32, #tpu.memory_space<vmem>>) attributes {dimension_semantics = [#tpu.dimension_semantics<arbitrary>], iteration_bounds = array<i64: 8>, scalar_prefetch = 0 : i64, scratch_operands = 0 : i64, tpu.core_type = #tpu.core_type<tc>, window_params = [{transform_indices = @transform_0, window_bounds = array<i64: 2, 1264, 128>}, {transform_indices = @transform_1, window_bounds = array<i64: 1264, 128>}, {transform_indices = @transform_2, window_bounds = array<i64: 2, 1264, 128>}, {pipeline_mode = #tpu.pipeline_mode<synchronous>, transform_indices = @transform_3, window_bounds = array<i64: 16, 128>}, {pipeline_mode = #tpu.pipeline_mode<synchronous>, transform_indices = @transform_4, window_bounds = array<i64: 1, 16>}, {transform_indices = @transform_5, window_bounds = array<i64: 1264, 128>}]} {
    %get3A = arith.constant 0 : index
    %get3A_0 = arith.constant 0 : index
    %get3A_1 = arith.constant 0 : index
    %get3A_2 = vector.load %arg3[%get3A, %get3A_0, %get3A_1] : memref<2x1264x128xf32, #tpu.memory_space<vmem>>, vector<2x1264x128xf32>
    %slice3A = vector.extract_strided_slice %get3A_2 {offsets = [0, 0, 0], sizes = [1, 1264, 1], strides = [1, 1, 1]} : vector<2x1264x128xf32> to vector<1x1264x1xf32>
    %squeeze3A = vector.shape_cast %slice3A : vector<1x1264x1xf32> to vector<1264x1xf32>
    %slice3A_3 = vector.extract_strided_slice %get3A_2 {offsets = [1, 0, 0], sizes = [1, 1264, 1], strides = [1, 1, 1]} : vector<2x1264x128xf32> to vector<1x1264x1xf32>
    %squeeze3A_4 = vector.shape_cast %slice3A_3 : vector<1x1264x1xf32> to vector<1264x1xf32>
    %add3A = arith.addf %squeeze3A, %squeeze3A_4 : vector<1264x1xf32>
    %add3A_5 = arith.constant 1.000000e+00 : f32
    %add3A_6 = vector.broadcast %add3A_5 : f32 to vector<1264x1xf32>
    %add3A_7 = arith.addf %add3A, %add3A_6 : vector<1264x1xf32>
    %rsqrt3A = math.rsqrt %add3A_7 : vector<1264x1xf32>
    %get3A_8 = arith.constant 0 : index
    %get3A_9 = arith.constant 0 : index
    %get3A_10 = arith.constant 0 : index
    %get3A_11 = vector.load %arg1[%get3A_8, %get3A_9, %get3A_10] : memref<2x1264x128xf32, #tpu.memory_space<vmem>>, vector<2x1264x128xf32>
    %slice3A_12 = vector.extract_strided_slice %get3A_11 {offsets = [0, 0, 0], sizes = [1, 1264, 128], strides = [1, 1, 1]} : vector<2x1264x128xf32> to vector<1x1264x128xf32>
    %squeeze3A_13 = vector.shape_cast %slice3A_12 : vector<1x1264x128xf32> to vector<1264x128xf32>
    %slice3A_14 = vector.extract_strided_slice %get3A_11 {offsets = [1, 0, 0], sizes = [1, 1264, 128], strides = [1, 1, 1]} : vector<2x1264x128xf32> to vector<1x1264x128xf32>
    %squeeze3A_15 = vector.shape_cast %slice3A_14 : vector<1x1264x128xf32> to vector<1264x128xf32>
    %add3A_16 = arith.addf %squeeze3A_13, %squeeze3A_15 : vector<1264x128xf32>
    %get3A_17 = arith.constant 0 : index
    %get3A_18 = arith.constant 0 : index
    %get3A_19 = vector.load %arg2[%get3A_17, %get3A_18] : memref<1264x128xf32, #tpu.memory_space<vmem>>, vector<1264x128xf32>
    %add3A_20 = arith.addf %add3A_16, %get3A_19 : vector<1264x128xf32>
    %mul3A = vector.broadcast %rsqrt3A : vector<1264x1xf32> to vector<1264x128xf32>
    %mul3A_21 = arith.mulf %mul3A, %add3A_20 : vector<1264x128xf32>
    %max3A = arith.constant 0.000000e+00 : f32
    %max3A_22 = vector.broadcast %max3A : f32 to vector<1264x128xf32>
    %max3A_23 = arith.maximumf %mul3A_21, %max3A_22 : vector<1264x128xf32>
    %get3A_24 = arith.constant 0 : index
    %get3A_25 = arith.constant 0 : index
    %get3A_26 = vector.load %arg4[%get3A_24, %get3A_25] : memref<16x128xf32, #tpu.memory_space<vmem>>, vector<16x128xf32>
    %dot_general3A = arith.constant dense<0.000000e+00> : vector<1264x16xf32>
    %dot_general3A_27 = tpu.matmul %max3A_23, %get3A_26, %dot_general3A {dimension_numbers = #tpu.dot_dimension_numbers<[1], [1], [0], [0], [0, 0, 1, 0], [], []>, transpose_lhs_hint = false} : vector<1264x128xf32>, vector<16x128xf32>, vector<1264x16xf32> -> vector<1264x16xf32>
    %get3A_28 = arith.constant 0 : index
    %get3A_29 = arith.constant 0 : index
    %get3A_30 = vector.load %arg5[%get3A_28, %get3A_29] : memref<1x16xf32, #tpu.memory_space<vmem>>, vector<1x16xf32>
    %add3A_31 = vector.broadcast %get3A_30 : vector<1x16xf32> to vector<1264x16xf32>
    %add3A_32 = arith.addf %dot_general3A_27, %add3A_31 : vector<1264x16xf32>
    %iota3A = tpu.iota {dimensions = array<i32: 0>} : vector<1264x1xi32>
    %mul3A_33 = arith.constant 1264 : i32
    %mul3A_34 = arith.muli %arg0, %mul3A_33 : i32
    %add3A_35 = vector.broadcast %mul3A_34 : i32 to vector<1264x1xi32>
    %add3A_36 = arith.addi %iota3A, %add3A_35 : vector<1264x1xi32>
    %lt3A = arith.constant 10000 : i32
    %lt3A_37 = vector.broadcast %lt3A : i32 to vector<1264x1xi32>
    %lt3A_38 = arith.cmpi slt, %add3A_36, %lt3A_37 : vector<1264x1xi32>
    %mul3A_39 = vector.broadcast %rsqrt3A : vector<1264x1xf32> to vector<1264x16xf32>
    %mul3A_40 = arith.mulf %mul3A_39, %add3A_32 : vector<1264x16xf32>
    %jit3A = arith.constant 0.000000e+00 : f32
    %broadcast_in_dim3A = vector.shape_cast %lt3A_38 : vector<1264x1xi1> to vector<1264x1xi1>
    %broadcast_in_dim3A_41 = vector.broadcast %broadcast_in_dim3A : vector<1264x1xi1> to vector<1264x16xi1>
    %broadcast_in_dim3A_42 = vector.broadcast %jit3A : f32 to vector<1264x16xf32>
    %select_n3A = arith.select %broadcast_in_dim3A_41, %mul3A_40, %broadcast_in_dim3A_42 : vector<1264x16xi1>, vector<1264x16xf32>
    %broadcast_in_dim3A_43 = arith.constant 0.000000e+00 : f32
    %broadcast_in_dim3A_44 = vector.broadcast %broadcast_in_dim3A_43 : f32 to vector<1264x112xf32>
    %concatenate3A = tpu.concatenate %select_n3A, %broadcast_in_dim3A_44 in 1 : vector<1264x16xf32>, vector<1264x112xf32> -> vector<1264x128xf32>
    %swap3A = arith.constant 0 : index
    %swap3A_45 = arith.constant 0 : index
    %swap3A_46 = vector.load %arg6[%swap3A, %swap3A_45] : memref<1264x128xf32, #tpu.memory_space<vmem>>, vector<1264x128xf32>
    tpu.vector_store %arg6[%swap3A, %swap3A_45], %concatenate3A {strides = array<i32>} : memref<1264x128xf32, #tpu.memory_space<vmem>>, vector<1264x128xf32>,
    return
  }
  func.func @transform_0(%arg0: i32) -> (i32, i32, i32) {
    %c0_i32 = arith.constant 0 : i32
    %c0_i32_0 = arith.constant 0 : i32
    %c0_i32_1 = arith.constant 0 : i32
    return %c0_i32, %arg0, %c0_i32_0 : i32, i32, i32
  }
  func.func @transform_1(%arg0: i32) -> (i32, i32) {
    %c0_i32 = arith.constant 0 : i32
    %c0_i32_0 = arith.constant 0 : i32
    return %arg0, %c0_i32 : i32, i32
  }
  func.func @transform_2(%arg0: i32) -> (i32, i32, i32) {
    %c0_i32 = arith.constant 0 : i32
    %c0_i32_0 = arith.constant 0 : i32
    %c0_i32_1 = arith.constant 0 : i32
    return %c0_i32, %arg0, %c0_i32_0 : i32, i32, i32
  }
  func.func @transform_3(%arg0: i32) -> (i32, i32) {
    %c0_i32 = arith.constant 0 : i32
    %c0_i32_0 = arith.constant 0 : i32
    %c0_i32_1 = arith.constant 0 : i32
    return %c0_i32, %c0_i32_0 : i32, i32
  }
  func.func @transform_4(%arg0: i32) -> (i32, i32) {
    %c0_i32 = arith.constant 0 : i32
    %c0_i32_0 = arith.constant 0 : i32
    %c0_i32_1 = arith.constant 0 : i32
    return %c0_i32, %c0_i32_0 : i32, i32
  }
  func.func @transform_5(%arg0: i32) -> (i32, i32) {
    %c0_i32 = arith.constant 0 : i32
    %c0_i32_0 = arith.constant 0 : i32
    return %arg0, %c0_i32 : i32, i32
  }
}

module attributes {stable_mosaic.version = 14 : i64} {
  func.func @_tc4_body(%arg0: i32, %arg1: memref<2x1264x128xf32, #tpu.memory_space<vmem>>, %arg2: memref<1264x128xf32, #tpu.memory_space<vmem>>, %arg3: memref<2x1264x128xf32, #tpu.memory_space<vmem>>, %arg4: memref<1264x16xf32, #tpu.memory_space<vmem>>) attributes {dimension_semantics = [#tpu.dimension_semantics<arbitrary>], iteration_bounds = array<i64: 8>, scalar_prefetch = 0 : i64, scratch_operands = 0 : i64, tpu.core_type = #tpu.core_type<tc>, window_params = [{transform_indices = @transform_0, window_bounds = array<i64: 2, 1264, 128>}, {transform_indices = @transform_1, window_bounds = array<i64: 1264, 128>}, {transform_indices = @transform_2, window_bounds = array<i64: 2, 1264, 128>}, {transform_indices = @transform_3, window_bounds = array<i64: 1264, 16>}]} {
    %get3A = arith.constant 0 : index
    %get3A_0 = arith.constant 0 : index
    %get3A_1 = arith.constant 0 : index
    %get3A_2 = vector.load %arg3[%get3A, %get3A_0, %get3A_1] : memref<2x1264x128xf32, #tpu.memory_space<vmem>>, vector<2x1264x128xf32>
    %slice3A = vector.extract_strided_slice %get3A_2 {offsets = [0, 0, 0], sizes = [1, 1264, 1], strides = [1, 1, 1]} : vector<2x1264x128xf32> to vector<1x1264x1xf32>
    %squeeze3A = vector.shape_cast %slice3A : vector<1x1264x1xf32> to vector<1264x1xf32>
    %slice3A_3 = vector.extract_strided_slice %get3A_2 {offsets = [1, 0, 0], sizes = [1, 1264, 1], strides = [1, 1, 1]} : vector<2x1264x128xf32> to vector<1x1264x1xf32>
    %squeeze3A_4 = vector.shape_cast %slice3A_3 : vector<1x1264x1xf32> to vector<1264x1xf32>
    %add3A = arith.addf %squeeze3A, %squeeze3A_4 : vector<1264x1xf32>
    %add3A_5 = arith.constant 1.000000e+00 : f32
    %add3A_6 = vector.broadcast %add3A_5 : f32 to vector<1264x1xf32>
    %add3A_7 = arith.addf %add3A, %add3A_6 : vector<1264x1xf32>
    %rsqrt3A = math.rsqrt %add3A_7 : vector<1264x1xf32>
    %get3A_8 = arith.constant 0 : index
    %get3A_9 = arith.constant 0 : index
    %get3A_10 = arith.constant 0 : index
    %get3A_11 = vector.load %arg1[%get3A_8, %get3A_9, %get3A_10] : memref<2x1264x128xf32, #tpu.memory_space<vmem>>, vector<2x1264x128xf32>
    %slice3A_12 = vector.extract_strided_slice %get3A_11 {offsets = [0, 0, 0], sizes = [1, 1264, 16], strides = [1, 1, 1]} : vector<2x1264x128xf32> to vector<1x1264x16xf32>
    %squeeze3A_13 = vector.shape_cast %slice3A_12 : vector<1x1264x16xf32> to vector<1264x16xf32>
    %slice3A_14 = vector.extract_strided_slice %get3A_11 {offsets = [1, 0, 0], sizes = [1, 1264, 16], strides = [1, 1, 1]} : vector<2x1264x128xf32> to vector<1x1264x16xf32>
    %squeeze3A_15 = vector.shape_cast %slice3A_14 : vector<1x1264x16xf32> to vector<1264x16xf32>
    %add3A_16 = arith.addf %squeeze3A_13, %squeeze3A_15 : vector<1264x16xf32>
    %get3A_17 = arith.constant 0 : index
    %get3A_18 = arith.constant 0 : index
    %get3A_19 = vector.load %arg2[%get3A_17, %get3A_18] : memref<1264x128xf32, #tpu.memory_space<vmem>>, vector<1264x16xf32>
    %add3A_20 = arith.addf %add3A_16, %get3A_19 : vector<1264x16xf32>
    %mul3A = vector.broadcast %rsqrt3A : vector<1264x1xf32> to vector<1264x16xf32>
    %mul3A_21 = arith.mulf %mul3A, %add3A_20 : vector<1264x16xf32>
    %iota3A = tpu.iota {dimensions = array<i32: 1>} : vector<1264x16xi32>
    %lt3A = arith.constant 7 : i32
    %lt3A_22 = vector.broadcast %lt3A : i32 to vector<1264x16xi32>
    %lt3A_23 = arith.cmpi slt, %iota3A, %lt3A_22 : vector<1264x16xi32>
    %jit3A = arith.constant -1.000000e+30 : f32
    %broadcast_in_dim3A = vector.broadcast %jit3A : f32 to vector<1264x16xf32>
    %select_n3A = arith.select %lt3A_23, %mul3A_21, %broadcast_in_dim3A : vector<1264x16xi1>, vector<1264x16xf32>
    %reduce_max3A = arith.constant dense<0xFF800000> : vector<1264xf32>
    %reduce_max3A_24 = vector.multi_reduction <maximumf>, %select_n3A, %reduce_max3A [1] : vector<1264x16xf32> to vector<1264xf32>
    %broadcast_in_dim3A_25 = vector.shape_cast %reduce_max3A_24 : vector<1264xf32> to vector<1264x1xf32>
    %sub3A = vector.broadcast %broadcast_in_dim3A_25 : vector<1264x1xf32> to vector<1264x16xf32>
    %sub3A_26 = arith.subf %mul3A_21, %sub3A : vector<1264x16xf32>
    %exp3A = math.exp %sub3A_26 : vector<1264x16xf32>
    %jit3A_27 = arith.constant 0.000000e+00 : f32
    %broadcast_in_dim3A_28 = vector.broadcast %jit3A_27 : f32 to vector<1264x16xf32>
    %select_n3A_29 = arith.select %lt3A_23, %exp3A, %broadcast_in_dim3A_28 : vector<1264x16xi1>, vector<1264x16xf32>
    %reduce_sum3A = arith.constant dense<0.000000e+00> : vector<1264xf32>
    %reduce_sum3A_30 = vector.multi_reduction <add>, %select_n3A_29, %reduce_sum3A [1] : vector<1264x16xf32> to vector<1264xf32>
    %broadcast_in_dim3A_31 = vector.shape_cast %reduce_sum3A_30 : vector<1264xf32> to vector<1264x1xf32>
    %sub3A_32 = vector.broadcast %broadcast_in_dim3A_25 : vector<1264x1xf32> to vector<1264x16xf32>
    %sub3A_33 = arith.subf %mul3A_21, %sub3A_32 : vector<1264x16xf32>
    %log3A = math.log %broadcast_in_dim3A_31 : vector<1264x1xf32>
    %sub3A_34 = vector.broadcast %log3A : vector<1264x1xf32> to vector<1264x16xf32>
    %sub3A_35 = arith.subf %sub3A_33, %sub3A_34 : vector<1264x16xf32>
    %swap3A = arith.constant 0 : index
    %swap3A_36 = arith.constant 0 : index
    %swap3A_37 = vector.load %arg4[%swap3A, %swap3A_36] : memref<1264x16xf32, #tpu.memory_space<vmem>>, vector<1264x16xf32>
    tpu.vector_store %arg4[%swap3A, %swap3A_36], %sub3A_35 {strides = array<i32>} : memref<1264x16xf32, #tpu.memory_space<vmem>>, vector<1264x16xf32>,
    return
  }
  func.func @transform_0(%arg0: i32) -> (i32, i32, i32) {
    %c0_i32 = arith.constant 0 : i32
    %c0_i32_0 = arith.constant 0 : i32
    %c0_i32_1 = arith.constant 0 : i32
    return %c0_i32, %arg0, %c0_i32_0 : i32, i32, i32
  }
  func.func @transform_1(%arg0: i32) -> (i32, i32) {
    %c0_i32 = arith.constant 0 : i32
    %c0_i32_0 = arith.constant 0 : i32
    return %arg0, %c0_i32 : i32, i32
  }
  func.func @transform_2(%arg0: i32) -> (i32, i32, i32) {
    %c0_i32 = arith.constant 0 : i32
    %c0_i32_0 = arith.constant 0 : i32
    %c0_i32_1 = arith.constant 0 : i32
    return %c0_i32, %arg0, %c0_i32_0 : i32, i32, i32
  }
  func.func @transform_3(%arg0: i32) -> (i32, i32) {
    %c0_i32 = arith.constant 0 : i32
    %c0_i32_0 = arith.constant 0 : i32
    return %arg0, %c0_i32 : i32, i32
  }
}

</mosaic_0001>

<sc_bundles>
// kernel: kernel.12.cloned.1.call-start
scs
__scs_entry_jumppad:
0x0: {  	(pc) =	sbr.rel $0x88, $3  }
0x1: {  	(tag) =	ssettag $0x0;
	lr =	simm.s32 $0x1  }
0x2: {  	[smem:$0x3F9B] =	sst lr;
	_ =	strace $0xD0000000  }
0x3: {  	_ = 	snop  }
0x4: {  	_ = 	snop  }
0x5: {  	_ = 	snop  }
0x6: {  	_ = 	snop  }
0x7: {  	_ = 	snop  }
__scs_overlays_trampoline_lowered:
0x8: {  	[smem:$0x3FAA] =	sst s0  }
0x9: {  	[smem:$0x3FAB] =	sst s1  }
0xa: {  	[smem:$0x3FAC] =	sst s2  }
0xb: {  	[smem:$0x3FAD] =	sst s3  }
0xc: {  	[smem:$0x3FAE] =	sst s4  }
0xd: {  	[smem:$0x3FAF] =	sst s5  }
0xe: {  	[smem:$0x3FB0] =	sst s6  }
0xf: {  	[smem:$0x3FB1] =	sst s7  }
0x10: {  	[smem:$0x3FB2] =	sst s8  }
0x11: {  	[smem:$0x3FB3] =	sst s9;
	s0 =	simm.s32 @!p0 $0x0  }
0x12: {  	s1 =	sld [smem:$0x3F99];
	s0 =	simm.s32 @p0 $0x1  }
0x13: {  	[smem:$0x3FB4] =	sst s0;
	s0 =	simm.s32 @!p1 $0x0  }
0x14: {  	s2 =	sld [smem:$0x3F98];
	s0 =	simm.s32 @p1 $0x1  }
0x15: {  	[smem:$0x3FB5] =	sst s0;
	s0 =	simm.s32 @!p2 $0x0  }
0x16: {  	s3 =	sld [smem:$0x3FDB];
	s0 =	simm.s32 @p2 $0x1  }
0x17: {  	s4 =	simm.s32 $0x1BF5;
	[smem:$0x3FB7] =	sst s0  }
0x18: {  	s0 =	sld [smem:$0x3F9A];
	_ =	swait.ge [sflag:s4], $0x0  }
0x19: {  	s7 =	sld [smem:$0x3F9B]  }
0x1a: {  	s8 =	sadd.s32 $0xFFFFE003, lr  }
0x1b: {  	s9 =	sadd.s32 $0xFFFFFEF7, lr;
	s5 =	simm.s32 $0xFFFFFFFF;
	p2 =	slt.u32 s8, $0xFFFFF086  }
0x1c: {  	p1 =	slt.u32 s9, $0xF7A;
	s5 =	simm.s32 @!p2 $0x0  }
0x1d: {  	s5 =	simm.s32 @p1 $0x1;
	p0 =	seq.s32 s7, s2  }
0x1e: {  	s7 =	smul.u32 @!p0 $0xF7A, s2;
	p2 =	seq.s32 @!p0 s5, $0x0  }
0x1f: {  	s9 =	smul.u32 $0xF7A, s1;
	s8 =	simm.s32 @!p0 $0x1BF5;
	p2 =	por !p2, p0  }
0x20: {  	[sflag:s8] =	ssyncset.s32 @!p0 $0xFFFFF086;
	s6 =	sadd.s32 @!p0 s3, s7;
	s7 =	simm.s32 @!p0 $0x108  }
0x21: {  	s3 =	sadd.s32 s3, s9;
	s6 =	sadd.s32 @!p0 $0x88, s6;
	s7 =	simm.s32 @p2 $0x1082  }
0x22: {  	[simem:s7], [sflag:s8] =	dma.local @!p0 [hbm:s6], $0xF7A  }
0x23: {  	s9 =	sor.u32 $0xD0000000, s2;
	s6 =	simm.s32 $0x108;
	_ =	swait.ge @!p0 [sflag:s8], $0x0  }
0x24: {  	s3 =	sadd.s32 $0x88, s3;
	s6 =	simm.s32 @!p1 $0x1082;
	[sflag:s4] =	ssyncset.s32 $0xFFFFF086  }
0x25: {  	[simem:s6], [sflag:s4] =	dma.local [hbm:s3], $0xF7A  }
0x26: {  	[smem:$0x3F9B] =	sst s1;
	(tag) =	ssettag s2;
	_ =	strace s9  }
0x27: {  	s1 =	sld [smem:$0x3FAB]  }
0x28: {  	s2 =	sld [smem:$0x3FAC]  }
0x29: {  	s4 =	sld [smem:$0x3FAE]  }
0x2a: {  	p0 =	seq.s32 s5, $0x0;
	s5 =	sld [smem:$0x3FAF]  }
0x2b: {  	s6 =	sld [smem:$0x3FB0]  }
0x2c: {  	s7 =	sld [smem:$0x3FB1]  }
0x2d: {  	s3 =	simm.s32 $0x108;
	s8 =	sld [smem:$0x3FB2]  }
0x2e: {  	s3 =	simm.s32 @!p0 $0x1082;
	s9 =	sld [smem:$0x3FB3]  }
0x2f: {  	lr =	sadd.s32 s0, s3;
	s0 =	sld [smem:$0x3FAA]  }
0x30: {  	s3 =	sld [smem:$0x3FAD]  }
0x31: {  	[smem:$0x3FB6] =	sst s10  }
0x32: {  	s10 =	sld [smem:$0x3FB4];
	_ =	sdelay $0x3  }
0x33: {  	p0 =	seq.s32 s10, $0x1;
	s10 =	sld [smem:$0x3FB6];
	_ =	sdelay $0x3  }
0x34: {  	[smem:$0x3FB6] =	sst s10  }
0x35: {  	s10 =	sld [smem:$0x3FB5];
	_ =	sdelay $0x3  }
0x36: {  	p1 =	seq.s32 s10, $0x1;
	s10 =	sld [smem:$0x3FB6];
	_ =	sdelay $0x3  }
0x37: {  	[smem:$0x3FB6] =	sst s10  }
0x38: {  	s10 =	sld [smem:$0x3FB7]  }
0x39: {  	_ = 	snop;
	(pc) =	sbr.ind lr, $3  }
0x3a: {  	_ = 	snop  }
0x3b: {  	_ = 	snop  }
0x3c: {  	p2 =	seq.s32 s10, $0x1;
	s10 =	sld [smem:$0x3FB6]  }
0x3d: {  	_ =	shalt  }
0x3e: {  	_ =	shalt  }
0x3f: {  	_ =	shalt  }
0x40: {  	_ =	shalt  }
0x41: {  	_ =	shalt  }
0x42: {  	_ =	shalt  }
0x43: {  	_ =	shalt  }
0x44: {  	_ =	shalt  }
0x45: {  	_ =	shalt  }
0x46: {  	_ =	shalt  }
0x47: {  	_ =	shalt  }
0x48: {  	_ =	shalt  }
0x49: {  	_ =	shalt  }
0x4a: {  	_ =	shalt  }
0x4b: {  	_ =	shalt  }
0x4c: {  	_ =	shalt  }
0x4d: {  	_ =	shalt  }
0x4e: {  	_ =	shalt  }
0x4f: {  	_ =	shalt  }
0x50: {  	_ =	shalt  }
0x51: {  	_ =	shalt  }
0x52: {  	_ =	shalt  }
0x53: {  	_ =	shalt  }
0x54: {  	_ =	shalt  }
0x55: {  	_ =	shalt  }
0x56: {  	_ =	shalt  }
0x57: {  	_ =	shalt  }
0x58: {  	_ =	shalt  }
0x59: {  	_ =	shalt  }
0x5a: {  	_ =	shalt  }
0x5b: {  	_ =	shalt  }
0x5c: {  	_ =	shalt  }
0x5d: {  	_ =	shalt  }
0x5e: {  	_ =	shalt  }
0x5f: {  	_ =	shalt  }
0x60: {  	_ =	shalt  }
0x61: {  	_ =	shalt  }
0x62: {  	_ =	shalt  }
0x63: {  	_ =	shalt  }
0x64: {  	_ =	shalt  }
0x65: {  	_ =	shalt  }
0x66: {  	_ =	shalt  }
0x67: {  	_ =	shalt  }
0x68: {  	_ =	shalt  }
0x69: {  	_ =	shalt  }
0x6a: {  	_ =	shalt  }
0x6b: {  	_ =	shalt  }
0x6c: {  	_ =	shalt  }
0x6d: {  	_ =	shalt  }
0x6e: {  	_ =	shalt  }
0x6f: {  	_ =	shalt  }
0x70: {  	_ =	shalt  }
0x71: {  	_ =	shalt  }
0x72: {  	_ =	shalt  }
0x73: {  	_ =	shalt  }
0x74: {  	_ =	shalt  }
0x75: {  	_ =	shalt  }
0x76: {  	_ =	shalt  }
0x77: {  	_ =	shalt  }
0x78: {  	_ =	shalt  }
0x79: {  	_ =	shalt  }
0x7a: {  	_ =	shalt  }
0x7b: {  	_ =	shalt  }
0x7c: {  	_ =	shalt  }
0x7d: {  	_ =	shalt  }
0x7e: {  	_ =	shalt  }
0x7f: {  	_ =	shalt  }
0x80: {  	_ =	shalt  }
0x81: {  	_ =	shalt  }
0x82: {  	_ =	shalt  }
0x83: {  	_ =	shalt  }
0x84: {  	_ =	shalt  }
0x85: {  	_ =	shalt  }
0x86: {  	_ =	shalt  }
0x87: {  	_ =	shalt  }
.Lfunc_end0:
.L_simem_size_0:
called_computation.1_lowered:
.L_overlay_start_0:
0x88: {  	s2 =	sld [smem:$0x3FD9]  }
0x89: {  	s3 =	sld [smem:$0x3FFE];
	_ =	sdelay $0x1  }
0x8a: {  	s1 =	srdreg.scid  }
0x8b: {  	s0 =	sand.u32 $0x1, s1  }
0x8c: {  	s16 =	sshll.u32 s0, $0xA;
	s2 =	sadd.s32 s3, s2  }
0x8d: {  	s2 =	sadd.s32 s2, s16  }
0x8e: {  	[smem:$0x3FC2] =	sst s2  }
0x8f: {  	_ = 	snop  }
0x90: {  	(tm) =	ssettm $0x1  }
0x91: {  	s17 =	sld [smem:$0x3FFB];
	_ =	sdelay $0x3  }
0x92: {  	_ =	strace s17  }
0x93: {  	s2 =	sld [smem:$0x3FFC];
	_ =	sdelay $0x3  }
0x94: {  	_ =	strace s2  }
0x95: {  	s2 =	sld [smem:$0x3FFD];
	_ =	sdelay $0x3  }
0x96: {  	_ =	strace s2  }
0x97: {  	_ =	strace $0x8FFFFFFF  }
0x98: {  	s18 =	sld [smem:$0x3FDB];
	_ =	sdelay $0x1  }
0x99: {  	s19 =	simm.s32 $_scs_section_size  }
0x9a: {  	s4 =	simm.s32 $_size__tile_overlayer_lowered;
	s5 =	simm.s32 $_tile_overlayer_lowered  }
0x9b: {  	s22 =	simm.s32 $0x1BFF;
	s21 =	sshll.u32 s5, $0x1;
	s2 =	sadd.s32 s19, s18  }
0x9c: {  	s6 =	simm.s32 $0x0;
	s20 =	sshll.u32 s4, $0x1;
	s4 =	sadd.s32 s21, s2  }
0x9d: {  	[timem:s6], [sflag:s22] =	dma.local [hbm:s4], s20  }
0x9e: {  	_ =	swait.ge [sflag:s22], s20  }
0x9f: {  	s3 =	ssub.s32 $0x0, s20;
	[sflag:s22] =	ssyncset.done $0x0  }
0xa0: {  	[sflag:s22] =	ssyncadd.s32 s3;
	_ =	sdelay $0x1  }
0xa1: {  	s23 =	simm.s32 $0x1B8B  }
0xa2: {  	_ =	swait.ge [sflag:s23], $0x1  }
0xa3: {  	[sflag:s23] =	ssyncset.done $0x0  }
0xa4: {  	s25 =	simm.s32 $0x1B8E;
	s24 =	sld [smem:$0x3FFE];
	[sflag:s23] =	ssyncadd.s32 $0xFFFFFFFF  }
0xa5: {  	s26 =	simm.s32 $execute0_lowered;
	[smem:$0x3FD2] =	sst s25  }
0xa6: {  	s4 =	sshll.u32 s26, $0x1;
	_ =	strace $0x80000049;
	[dreg:$0x1] =	wrdreg $0xFFFFFFFF  }
0xa7: {  	s28 =	simm.s32 $_size_execute0_lowered;
	s2 =	sadd.s32 s2, s4;
	[dreg:$0x0] =	wrdreg $0x0  }
0xa8: {  	s4 =	sshll.u32 s28, $0x1;
	[dreg:$0x2] =	wrdreg s2  }
0xa9: {  	[dreg:$0x3] =	wrdreg s4  }
0xaa: {  	[dreg:$0x4] =	wrdreg $0xC0  }
0xab: {  	_ =	task [dreg:s6], $0x5FFFF  }
0xac: {  	[dreg:$0x1] =	wrdreg $0xFFFFFFFF  }
0xad: {  	[dreg:$0x0] =	wrdreg $0x60  }
0xae: {  	[dreg:$0x2] =	wrdreg s24  }
0xaf: {  	[dreg:$0x3] =	wrdreg $0x8A000  }
0xb0: {  	[dreg:$0x4] =	wrdreg $0x9  }
0xb1: {  	_ =	task.clear_ibuf [dreg:s6], $0x5FFFF;
	_ =	strace $0x90000049  }
0xb2: {  	s29 =	simm.s32 $0x9;
	_ =	strace $0x8000004B  }
0xb3: {  	_ =	swait.ge [sflag:s29], $0x1  }
0xb4: {  	[sflag:s29] =	ssyncadd.s32 $0xFFFFFFFF  }
0xb5: {  	_ =	strace $0x9000004B  }
0xb6: {  	_ =	sfence  }
0xb7: {  	s30 =	sld [smem:$0x0];
	_ =	sdelay $0x2  }
0xb8: {  	s31 =	sshll.u32 s1, $0xD;
	s1 =	sshrl.u32 s1, $0x2  }
0xb9: {  	s3 =	sand.u32 $0x4000, s31;
	s1 =	sadd.s32 s1, s30  }
0xba: {  	s0 =	sor.u32 s3, s0;
	s1 =	sshll.u32 s1, $0x11  }
0xbb: {  	s0 =	sor.u32 s1, s0  }
0xbc: {  	s0 =	sadd.s32 $0x8F2B, s0  }
0xbd: {  	[sflag:s0] =	ssyncadd.remote.s32 $0x1  }
0xbe: {  	_ =	sfence.sel $0xFFFF  }
0xbf: {  	[dreg:$0x0] =	wrdreg $0xFFFFFFFF;
	(pc) =	sbr.abs _section_cstart, $3  }
0xc0: {  	[dreg:$0x1] =	wrdreg $0xFFFFFFFF  }
0xc1: {  	_ =	task.clear_ibuf [dreg:s6], $0x2FFFF;
	_ =	strace $0x9FFFFFFF  }
0xc2: {  	(tm) =	ssettm $0x7FFFFFFF  }
0xc3: {  	_ =	shalt  }
tec
execute0_lowered:
.L_overlay_start_1:
0x0: {  	(tag) =	ssettag $0x1  }
0x1: {  	s0 =	srdreg.scid  }
0x2: {  	s8 =	stileid.u32;
	s1 =	rddreg [dreg:$0x0]  }
0x3: {  	s2 =	rddreg [dreg:$0x1];
	s3 =	simm.s32 $0x0;
	s9 =	simm.s32 $0xB  }
0x4: {  	s14 =	simm.s32 $0xA00;
	s26 =	simm.s32 $0x100;
	s15 =	simm.s32 $0x3  }
0x5: {  	s16 =	simm.s32 $0x80;
	s28 =	simm.s32 $0x480;
	s4 =	smul.u32 $0xA000, s8  }
0x6: {  	s29 =	simm.s32 $0x600;
	s30 =	simm.s32 $0x580;
	s7 =	smul.u32 $0x13C00, s8  }
0x7: {  	s31 =	simm.s32 $0x700;
	s0 =	sand.u32 $0x1, s0;
	s8 =	smul.u32 $0x4F000, s8  }
0x8: {  	s10 =	simm.s32 $0x980;
	[smem:$0x7FF] =	sst s3;
	s5 =	smul.u32 $0x6E00, s0  }
0x9: {  	s11 =	simm.s32 $0x0;
	s6 =	smul.u32 $0x13C000, s0;
	_ =	strace $0x8000004A  }
0xa: {  	s17 =	ssub.s32 $0x2, s0;
	p0 =	seq.s32 s0, $0x0;
	[dreg:$0x3] =	wrdreg s26  }
0xb: {  	s26 =	simm.s32 $0x500;
	s18 =	sshrl.u32 s17, $0x1;
	s19 =	sshrl.u32 s8, $0x2  }
0xc: {  	s9 =	simm.s32 @!p0 $0x5;
	s5 =	sadd.s32 s5, s4;
	s4 =	sadd.s32 $0x64C00, s1  }
0xd: {  	s6 =	sadd.s32 s7, s6;
	s7 =	ssub.s32 s17, s18;
	[dreg:$0x4] =	wrdreg s9  }
0xe: {  	s5 =	sshrl.u32 s5, $0x3;
	s6 =	sshrl.u32 s6, $0x3;
	s24 =	smax.u32 s7, $0x1  }
0xf: {  	s5 =	sadd.s32 s5, s1;
	s1 =	sadd.s32 s6, s1;
	s6 =	sadd.s32 s19, s2  }
0x10: {  	s8 =	simm.s32 $0x900;
	[dreg:$0xa] =	wrdreg s24;
	s0 =	sadd.s32 $0x4000, s6  }
0x11: {  	s17 =	simm.s32 $0x4A00;
	s20 =	sadd.s32 $0x8000, s6;
	[dreg:$0x5] =	wrdreg s0  }
0x12: {  	s18 =	simm.s32 $0x1;
	s21 =	sadd.s32 $0xC000, s6;
	[dreg:$0x6] =	wrdreg s20  }
0x13: {  	s9 =	simm.s32 $0x880;
	s22 =	sadd.s32 $0x10000, s6;
	[dreg:$0x7] =	wrdreg s21  }
0x14: {  	s7 =	simm.s32 $0x780;
	s23 =	sadd.s32 $0x8C400, s1;
	[dreg:$0x8] =	wrdreg s22  }
0x15: {  	s19 =	simm.s32 $0x200;
	s25 =	sadd.s32 $0x1C00, s5;
	[dreg:$0x9] =	wrdreg s23  }
0x16: {  	s24 =	simm.s32 $0x400;
	s1 =	simm.s32 $0x680;
	[dreg:$0xb] =	wrdreg s25  }
0x17: {  	s20 =	simm.s32 $0x2;
	s21 =	simm.s32 $0x180;
	s22 =	simm.s32 $0x300  }
0x18: {  	v0 =	vimm.f32 $0.0e+00;
	s23 =	simm.s32 $0x280;
	s25 =	simm.s32 $0x380;
	s0 =	simm.s32 $0x800  }
.LBB2_1:
0x19: {  	s12 =	simm.s32 $0x0;
	s13 =	simm.s32 $0x200  }
.LBB2_2:
0x1a: {  	p0 =	sne.s32 s13, $0xFE00;
	[tilespmem:s12+$0xA70] =	vst v0  }
0x1b: {  	[tilespmem:s12+$0xA00] =	vst v0  }
0x1c: {  	[tilespmem:s12+$0xA10] =	vst v0  }
.Ltmp0:
0x1d: {  	[tilespmem:s12+$0xA20] =	vst v0;
	(pc) =	sbr.rel @p0 .LBB2_2-.Ltmp0, $4  }
0x1e: {  	[tilespmem:s12+$0xA30] =	vst v0  }
0x1f: {  	[tilespmem:s12+$0xA40] =	vst v0  }
0x20: {  	[tilespmem:s12+$0xA50] =	vst v0  }
0x21: {  	[tilespmem:s12+$0xA60] =	vst v0;
	s12 =	sshra.s32 s13, $0x2;
	s13 =	sadd.s32 $0x200, s13  }
0x22: {  	[tilespmem:s12+$0xA70] =	vst v0  }
0x23: {  	[tilespmem:s12+$0xA00] =	vst v0  }
0x24: {  	[tilespmem:s12+$0xA10] =	vst v0  }
0x25: {  	[tilespmem:s12+$0xA20] =	vst v0  }
0x26: {  	[tilespmem:s12+$0xA30] =	vst v0  }
0x27: {  	[tilespmem:s12+$0xA40] =	vst v0  }
0x28: {  	[tilespmem:s12+$0xA50] =	vst v0  }
0x29: {  	[tilespmem:s12+$0xA60] =	vst v0  }
0x2a: {  	[spmem:s6] =	stream.linear.scatter [tilespmem:s14], [sflag:$0x3], $0x4000, $0x38;
	[tilespmem:$0x1C600] =	vst v63  }
0x2b: {  	_ =	swait.ge [sflag:s15], $0x4000  }
0x2c: {  	[sflag:s15] =	ssyncset.done $0x0  }
0x2d: {  	s5 =	rddreg [dreg:$0x5];
	[sflag:s15] =	ssyncadd.s32 $0xFFFFC000  }
0x2e: {  	[spmem:s5] =	stream.linear.scatter [tilespmem:s14], [sflag:$0x3], $0x4000, $0x38;
	[tilespmem:$0x1C600] =	vst v63  }
0x2f: {  	_ =	swait.ge [sflag:s15], $0x4000  }
0x30: {  	[sflag:s15] =	ssyncset.done $0x0  }
0x31: {  	s13 =	rddreg [dreg:$0x6];
	[sflag:s15] =	ssyncadd.s32 $0xFFFFC000  }
0x32: {  	[spmem:s13] =	stream.linear.scatter [tilespmem:s14], [sflag:$0x3], $0x4000, $0x38;
	[tilespmem:$0x1C600] =	vst v63  }
0x33: {  	_ =	swait.ge [sflag:s15], $0x4000  }
0x34: {  	[sflag:s15] =	ssyncset.done $0x0  }
0x35: {  	s12 =	rddreg [dreg:$0x7];
	[sflag:s15] =	ssyncadd.s32 $0xFFFFC000  }
0x36: {  	[spmem:s12] =	stream.linear.scatter [tilespmem:s14], [sflag:$0x3], $0x4000, $0x38;
	[tilespmem:$0x1C600] =	vst v63  }
0x37: {  	_ =	swait.ge [sflag:s15], $0x4000  }
0x38: {  	[sflag:s15] =	ssyncset.done $0x0  }
0x39: {  	s13 =	rddreg [dreg:$0x8];
	[sflag:s15] =	ssyncadd.s32 $0xFFFFC000  }
0x3a: {  	[spmem:s13] =	stream.linear.scatter [tilespmem:s14], [sflag:$0x3], $0x3C00, $0x38;
	[tilespmem:$0x1C600] =	vst v63  }
0x3b: {  	_ =	swait.ge [sflag:s15], $0x3C00  }
0x3c: {  	[sflag:s15] =	ssyncset.done $0x0  }
0x3d: {  	[sflag:s15] =	ssyncadd.s32 $0xFFFFC400  }
0x3e: {  	[bflag:$0x0] =	sbarrier.arrive $0xFFFF  }
0x3f: {  	s13 =	rddreg [dreg:$0xb]  }
0x40: {  	[tilespmem:s3], [sflag:$0x3] =	stream.linear.gather [hbm4b:s13+s3], $0xA00, $0x38;
	[tilespmem:$0x1C600] =	vst v63  }
0x41: {  	_ =	swait.ge [sflag:s15], $0xA00  }
0x42: {  	[sflag:s15] =	ssyncset.done $0x0  }
0x43: {  	[sflag:s15] =	ssyncadd.s32 $0xFFFFF600  }
0x44: {  	[tilespmem:s14], [sflag:$0x1] =	stream.indirect.gather [hbm4b:s4+s16], $0x80, s3, s16, $0xb8;
	[tilespmem:$0x1C600] =	vst v63  }
0x45: {  	s5 =	rddreg [dreg:$0x3]  }
0x46: {  	[tilespmem:s17], [sflag:$0x2] =	stream.indirect.gather [hbm4b:s4+s16], $0x80, s5, s16, $0xb8;
	[tilespmem:$0x1C600] =	vst v63  }
0x47: {  	_ =	swait.ge [sflag:s18], $0x4000  }
0x48: {  	[sflag:s18] =	ssyncset.done $0x0  }
0x49: {  	[sflag:s18] =	ssyncadd.s32 $0xFFFFC000  }
0x4a: {  	[spmem:s2] =	stream.indirect.scatter.add.f32 [tilespmem:s14], [sflag:$0x3], $0x80, s16, s16, $0xb8;
	[tilespmem:$0x1C600] =	vst v63  }
0x4b: {  	_ =	swait.ge [sflag:s15], $0x4000  }
0x4c: {  	[sflag:s15] =	ssyncset.done $0x0  }
0x4d: {  	[sflag:s15] =	ssyncadd.s32 $0xFFFFC000  }
0x4e: {  	[tilespmem:s14], [sflag:$0x1] =	stream.indirect.gather [hbm4b:s4+s16], $0x80, s19, s16, $0xb8;
	[tilespmem:$0x1C600] =	vst v63  }
0x4f: {  	_ =	swait.ge [sflag:s20], $0x4000  }
0x50: {  	[sflag:s20] =	ssyncset.done $0x0  }
0x51: {  	[sflag:s20] =	ssyncadd.s32 $0xFFFFC000  }
0x52: {  	[spmem:s2] =	stream.indirect.scatter.add.f32 [tilespmem:s17], [sflag:$0x3], $0x80, s21, s16, $0xb8;
	[tilespmem:$0x1C600] =	vst v63  }
0x53: {  	_ =	swait.ge [sflag:s15], $0x4000  }
0x54: {  	[sflag:s15] =	ssyncset.done $0x0  }
0x55: {  	[sflag:s15] =	ssyncadd.s32 $0xFFFFC000  }
0x56: {  	[tilespmem:s17], [sflag:$0x2] =	stream.indirect.gather [hbm4b:s4+s16], $0x80, s22, s16, $0xb8;
	[tilespmem:$0x1C600] =	vst v63  }
0x57: {  	_ =	swait.ge [sflag:s18], $0x4000  }
0x58: {  	[sflag:s18] =	ssyncset.done $0x0  }
0x59: {  	[sflag:s18] =	ssyncadd.s32 $0xFFFFC000  }
0x5a: {  	[spmem:s2] =	stream.indirect.scatter.add.f32 [tilespmem:s14], [sflag:$0x3], $0x80, s23, s16, $0xb8;
	[tilespmem:$0x1C600] =	vst v63  }
0x5b: {  	_ =	swait.ge [sflag:s15], $0x4000  }
0x5c: {  	[sflag:s15] =	ssyncset.done $0x0  }
0x5d: {  	[sflag:s15] =	ssyncadd.s32 $0xFFFFC000  }
0x5e: {  	[tilespmem:s14], [sflag:$0x1] =	stream.indirect.gather [hbm4b:s4+s16], $0x80, s24, s16, $0xb8;
	[tilespmem:$0x1C600] =	vst v63  }
0x5f: {  	_ =	swait.ge [sflag:s20], $0x4000  }
0x60: {  	[sflag:s20] =	ssyncset.done $0x0  }
0x61: {  	[sflag:s20] =	ssyncadd.s32 $0xFFFFC000  }
0x62: {  	[spmem:s2] =	stream.indirect.scatter.add.f32 [tilespmem:s17], [sflag:$0x3], $0x80, s25, s16, $0xb8;
	[tilespmem:$0x1C600] =	vst v63  }
0x63: {  	_ =	swait.ge [sflag:s15], $0x4000  }
0x64: {  	[sflag:s15] =	ssyncset.done $0x0  }
0x65: {  	[sflag:s15] =	ssyncadd.s32 $0xFFFFC000  }
0x66: {  	[tilespmem:s17], [sflag:$0x2] =	stream.indirect.gather [hbm4b:s4+s16], $0x80, s26, s16, $0xb8;
	[tilespmem:$0x1C600] =	vst v63  }
0x67: {  	_ =	swait.ge [sflag:s18], $0x4000  }
0x68: {  	[sflag:s18] =	ssyncset.done $0x0  }
0x69: {  	[sflag:s18] =	ssyncadd.s32 $0xFFFFC000  }
0x6a: {  	[spmem:s2] =	stream.indirect.scatter.add.f32 [tilespmem:s14], [sflag:$0x3], $0x80, s28, s16, $0xb8;
	[tilespmem:$0x1C600] =	vst v63  }
0x6b: {  	_ =	swait.ge [sflag:s15], $0x4000  }
0x6c: {  	[sflag:s15] =	ssyncset.done $0x0  }
0x6d: {  	[sflag:s15] =	ssyncadd.s32 $0xFFFFC000  }
0x6e: {  	[tilespmem:s14], [sflag:$0x1] =	stream.indirect.gather [hbm4b:s4+s16], $0x80, s29, s16, $0xb8;
	[tilespmem:$0x1C600] =	vst v63  }
0x6f: {  	_ =	swait.ge [sflag:s20], $0x4000  }
0x70: {  	[sflag:s20] =	ssyncset.done $0x0  }
0x71: {  	[sflag:s20] =	ssyncadd.s32 $0xFFFFC000  }
0x72: {  	[spmem:s2] =	stream.indirect.scatter.add.f32 [tilespmem:s17], [sflag:$0x3], $0x80, s30, s16, $0xb8;
	[tilespmem:$0x1C600] =	vst v63  }
0x73: {  	_ =	swait.ge [sflag:s15], $0x4000  }
0x74: {  	[sflag:s15] =	ssyncset.done $0x0  }
0x75: {  	[sflag:s15] =	ssyncadd.s32 $0xFFFFC000  }
0x76: {  	[tilespmem:s17], [sflag:$0x2] =	stream.indirect.gather [hbm4b:s4+s16], $0x80, s31, s16, $0xb8;
	[tilespmem:$0x1C600] =	vst v63  }
0x77: {  	_ =	swait.ge [sflag:s18], $0x4000  }
0x78: {  	[sflag:s18] =	ssyncset.done $0x0  }
0x79: {  	[sflag:s18] =	ssyncadd.s32 $0xFFFFC000  }
0x7a: {  	[spmem:s2] =	stream.indirect.scatter.add.f32 [tilespmem:s14], [sflag:$0x3], $0x80, s1, s16, $0xb8;
	[tilespmem:$0x1C600] =	vst v63  }
0x7b: {  	_ =	swait.ge [sflag:s15], $0x4000  }
0x7c: {  	[sflag:s15] =	ssyncset.done $0x0  }
0x7d: {  	[sflag:s15] =	ssyncadd.s32 $0xFFFFC000  }
0x7e: {  	[tilespmem:s14], [sflag:$0x1] =	stream.indirect.gather [hbm4b:s4+s16], $0x80, s0, s16, $0xb8;
	[tilespmem:$0x1C600] =	vst v63  }
0x7f: {  	_ =	swait.ge [sflag:s20], $0x4000  }
0x80: {  	[sflag:s20] =	ssyncset.done $0x0  }
0x81: {  	[sflag:s20] =	ssyncadd.s32 $0xFFFFC000  }
0x82: {  	[spmem:s2] =	stream.indirect.scatter.add.f32 [tilespmem:s17], [sflag:$0x3], $0x80, s7, s16, $0xb8;
	[tilespmem:$0x1C600] =	vst v63  }
0x83: {  	_ =	swait.ge [sflag:s15], $0x4000  }
0x84: {  	[sflag:s15] =	ssyncset.done $0x0  }
0x85: {  	[sflag:s15] =	ssyncadd.s32 $0xFFFFC000  }
0x86: {  	[tilespmem:s17], [sflag:$0x2] =	stream.indirect.gather [hbm4b:s4+s16], $0x80, s8, s16, $0xb8;
	[tilespmem:$0x1C600] =	vst v63  }
0x87: {  	_ =	swait.ge [sflag:s18], $0x4000  }
0x88: {  	[sflag:s18] =	ssyncset.done $0x0  }
0x89: {  	[sflag:s18] =	ssyncadd.s32 $0xFFFFC000  }
0x8a: {  	[spmem:s2] =	stream.indirect.scatter.add.f32 [tilespmem:s14], [sflag:$0x3], $0x80, s9, s16, $0xb8;
	[tilespmem:$0x1C600] =	vst v63  }
0x8b: {  	_ =	swait.ge [sflag:s15], $0x4000  }
0x8c: {  	[sflag:s15] =	ssyncset.done $0x0  }
0x8d: {  	[sflag:s15] =	ssyncadd.s32 $0xFFFFC000  }
0x8e: {  	_ =	swait.ge [sflag:s20], $0x4000  }
0x8f: {  	s12 =	rddreg [dreg:$0x4]  }
0x90: {  	p0 =	sne.s32 s12, $0x1  }
.Ltmp1:
0x91: {  	[sflag:s20] =	ssyncset.done $0x0;
	(pc) =	sbr.rel @!p0 .LBB2_5-.Ltmp1, $4  }
0x92: {  	[sflag:s20] =	ssyncadd.s32 $0xFFFFC000  }
0x93: {  	[spmem:s2] =	stream.indirect.scatter.add.f32 [tilespmem:s17], [sflag:$0x3], $0x80, s10, s16, $0xb8;
	[tilespmem:$0x1C600] =	vst v63  }
0x94: {  	_ =	swait.ge [sflag:s15], $0x4000  }
0x95: {  	s12 =	sadd.s32 $0xFFFFFFFF, s12;
	[sflag:s15] =	ssyncset.done $0x0  }
.LBB2_4:
0x96: {  	[sflag:s15] =	ssyncadd.s32 $0xFFFFC000;
	s13 =	sadd.s32 $0x140, s13  }
0x97: {  	[tilespmem:s3], [sflag:$0x3] =	stream.linear.gather [hbm4b:s13+s3], $0xA00, $0x38;
	[tilespmem:$0x1C600] =	vst v63  }
0x98: {  	_ =	swait.ge [sflag:s15], $0xA00  }
0x99: {  	[sflag:s15] =	ssyncset.done $0x0  }
0x9a: {  	[sflag:s15] =	ssyncadd.s32 $0xFFFFF600  }
0x9b: {  	[tilespmem:s14], [sflag:$0x1] =	stream.indirect.gather [hbm4b:s4+s16], $0x80, s3, s16, $0xb8;
	[tilespmem:$0x1C600] =	vst v63  }
0x9c: {  	s5 =	rddreg [dreg:$0x3]  }
0x9d: {  	[tilespmem:s17], [sflag:$0x2] =	stream.indirect.gather [hbm4b:s4+s16], $0x80, s5, s16, $0xb8;
	[tilespmem:$0x1C600] =	vst v63  }
0x9e: {  	_ =	swait.ge [sflag:s18], $0x4000  }
0x9f: {  	[sflag:s18] =	ssyncset.done $0x0  }
0xa0: {  	[sflag:s18] =	ssyncadd.s32 $0xFFFFC000  }
0xa1: {  	[spmem:s2] =	stream.indirect.scatter.add.f32 [tilespmem:s14], [sflag:$0x3], $0x80, s16, s16, $0xb8;
	[tilespmem:$0x1C600] =	vst v63  }
0xa2: {  	_ =	swait.ge [sflag:s15], $0x4000  }
0xa3: {  	[sflag:s15] =	ssyncset.done $0x0  }
0xa4: {  	[sflag:s15] =	ssyncadd.s32 $0xFFFFC000  }
0xa5: {  	[tilespmem:s14], [sflag:$0x1] =	stream.indirect.gather [hbm4b:s4+s16], $0x80, s19, s16, $0xb8;
	[tilespmem:$0x1C600] =	vst v63  }
0xa6: {  	_ =	swait.ge [sflag:s20], $0x4000  }
0xa7: {  	[sflag:s20] =	ssyncset.done $0x0  }
0xa8: {  	[sflag:s20] =	ssyncadd.s32 $0xFFFFC000  }
0xa9: {  	[spmem:s2] =	stream.indirect.scatter.add.f32 [tilespmem:s17], [sflag:$0x3], $0x80, s21, s16, $0xb8;
	[tilespmem:$0x1C600] =	vst v63  }
0xaa: {  	_ =	swait.ge [sflag:s15], $0x4000  }
0xab: {  	[sflag:s15] =	ssyncset.done $0x0  }
0xac: {  	[sflag:s15] =	ssyncadd.s32 $0xFFFFC000  }
0xad: {  	[tilespmem:s17], [sflag:$0x2] =	stream.indirect.gather [hbm4b:s4+s16], $0x80, s22, s16, $0xb8;
	[tilespmem:$0x1C600] =	vst v63  }
0xae: {  	_ =	swait.ge [sflag:s18], $0x4000  }
0xaf: {  	[sflag:s18] =	ssyncset.done $0x0  }
0xb0: {  	[sflag:s18] =	ssyncadd.s32 $0xFFFFC000  }
0xb1: {  	[spmem:s2] =	stream.indirect.scatter.add.f32 [tilespmem:s14], [sflag:$0x3], $0x80, s23, s16, $0xb8;
	[tilespmem:$0x1C600] =	vst v63  }
0xb2: {  	_ =	swait.ge [sflag:s15], $0x4000  }
0xb3: {  	[sflag:s15] =	ssyncset.done $0x0  }
0xb4: {  	[sflag:s15] =	ssyncadd.s32 $0xFFFFC000  }
0xb5: {  	[tilespmem:s14], [sflag:$0x1] =	stream.indirect.gather [hbm4b:s4+s16], $0x80, s24, s16, $0xb8;
	[tilespmem:$0x1C600] =	vst v63  }
0xb6: {  	_ =	swait.ge [sflag:s20], $0x4000  }
0xb7: {  	[sflag:s20] =	ssyncset.done $0x0  }
0xb8: {  	[sflag:s20] =	ssyncadd.s32 $0xFFFFC000  }
0xb9: {  	[spmem:s2] =	stream.indirect.scatter.add.f32 [tilespmem:s17], [sflag:$0x3], $0x80, s25, s16, $0xb8;
	[tilespmem:$0x1C600] =	vst v63  }
0xba: {  	_ =	swait.ge [sflag:s15], $0x4000  }
0xbb: {  	[sflag:s15] =	ssyncset.done $0x0  }
0xbc: {  	[sflag:s15] =	ssyncadd.s32 $0xFFFFC000  }
0xbd: {  	[tilespmem:s17], [sflag:$0x2] =	stream.indirect.gather [hbm4b:s4+s16], $0x80, s26, s16, $0xb8;
	[tilespmem:$0x1C600] =	vst v63  }
0xbe: {  	_ =	swait.ge [sflag:s18], $0x4000  }
0xbf: {  	[sflag:s18] =	ssyncset.done $0x0  }
0xc0: {  	[sflag:s18] =	ssyncadd.s32 $0xFFFFC000  }
0xc1: {  	[spmem:s2] =	stream.indirect.scatter.add.f32 [tilespmem:s14], [sflag:$0x3], $0x80, s28, s16, $0xb8;
	[tilespmem:$0x1C600] =	vst v63  }
0xc2: {  	_ =	swait.ge [sflag:s15], $0x4000  }
0xc3: {  	[sflag:s15] =	ssyncset.done $0x0  }
0xc4: {  	[sflag:s15] =	ssyncadd.s32 $0xFFFFC000  }
0xc5: {  	[tilespmem:s14], [sflag:$0x1] =	stream.indirect.gather [hbm4b:s4+s16], $0x80, s29, s16, $0xb8;
	[tilespmem:$0x1C600] =	vst v63  }
0xc6: {  	_ =	swait.ge [sflag:s20], $0x4000  }
0xc7: {  	[sflag:s20] =	ssyncset.done $0x0  }
0xc8: {  	[sflag:s20] =	ssyncadd.s32 $0xFFFFC000  }
0xc9: {  	[spmem:s2] =	stream.indirect.scatter.add.f32 [tilespmem:s17], [sflag:$0x3], $0x80, s30, s16, $0xb8;
	[tilespmem:$0x1C600] =	vst v63  }
0xca: {  	_ =	swait.ge [sflag:s15], $0x4000  }
0xcb: {  	[sflag:s15] =	ssyncset.done $0x0  }
0xcc: {  	[sflag:s15] =	ssyncadd.s32 $0xFFFFC000  }
0xcd: {  	[tilespmem:s17], [sflag:$0x2] =	stream.indirect.gather [hbm4b:s4+s16], $0x80, s31, s16, $0xb8;
	[tilespmem:$0x1C600] =	vst v63  }
0xce: {  	_ =	swait.ge [sflag:s18], $0x4000  }
0xcf: {  	[sflag:s18] =	ssyncset.done $0x0  }
0xd0: {  	[sflag:s18] =	ssyncadd.s32 $0xFFFFC000  }
0xd1: {  	[spmem:s2] =	stream.indirect.scatter.add.f32 [tilespmem:s14], [sflag:$0x3], $0x80, s1, s16, $0xb8;
	[tilespmem:$0x1C600] =	vst v63  }
0xd2: {  	_ =	swait.ge [sflag:s15], $0x4000  }
0xd3: {  	[sflag:s15] =	ssyncset.done $0x0  }
0xd4: {  	[sflag:s15] =	ssyncadd.s32 $0xFFFFC000  }
0xd5: {  	[tilespmem:s14], [sflag:$0x1] =	stream.indirect.gather [hbm4b:s4+s16], $0x80, s0, s16, $0xb8;
	[tilespmem:$0x1C600] =	vst v63  }
0xd6: {  	_ =	swait.ge [sflag:s20], $0x4000  }
0xd7: {  	[sflag:s20] =	ssyncset.done $0x0  }
0xd8: {  	[sflag:s20] =	ssyncadd.s32 $0xFFFFC000  }
0xd9: {  	[spmem:s2] =	stream.indirect.scatter.add.f32 [tilespmem:s17], [sflag:$0x3], $0x80, s7, s16, $0xb8;
	[tilespmem:$0x1C600] =	vst v63  }
0xda: {  	_ =	swait.ge [sflag:s15], $0x4000  }
0xdb: {  	[sflag:s15] =	ssyncset.done $0x0  }
0xdc: {  	[sflag:s15] =	ssyncadd.s32 $0xFFFFC000  }
0xdd: {  	[tilespmem:s17], [sflag:$0x2] =	stream.indirect.gather [hbm4b:s4+s16], $0x80, s8, s16, $0xb8;
	[tilespmem:$0x1C600] =	vst v63  }
0xde: {  	_ =	swait.ge [sflag:s18], $0x4000  }
0xdf: {  	[sflag:s18] =	ssyncset.done $0x0  }
0xe0: {  	[sflag:s18] =	ssyncadd.s32 $0xFFFFC000  }
0xe1: {  	[spmem:s2] =	stream.indirect.scatter.add.f32 [tilespmem:s14], [sflag:$0x3], $0x80, s9, s16, $0xb8;
	[tilespmem:$0x1C600] =	vst v63  }
0xe2: {  	_ =	swait.ge [sflag:s15], $0x4000  }
0xe3: {  	[sflag:s15] =	ssyncset.done $0x0  }
0xe4: {  	[sflag:s15] =	ssyncadd.s32 $0xFFFFC000  }
0xe5: {  	p0 =	sne.s32 s12, $0x1;
	_ =	swait.ge [sflag:s20], $0x4000  }
.Ltmp2:
0xe6: {  	[sflag:s20] =	ssyncset.done $0x0;
	(pc) =	sbr.rel @p0 .LBB2_4-.Ltmp2, $4  }
0xe7: {  	[sflag:s20] =	ssyncadd.s32 $0xFFFFC000  }
0xe8: {  	[spmem:s2] =	stream.indirect.scatter.add.f32 [tilespmem:s17], [sflag:$0x3], $0x80, s10, s16, $0xb8;
	[tilespmem:$0x1C600] =	vst v63  }
0xe9: {  	_ =	swait.ge [sflag:s15], $0x4000  }
0xea: {  	s12 =	sadd.s32 $0xFFFFFFFF, s12;
	[sflag:s15] =	ssyncset.done $0x0  }
.LBB2_5:
0xeb: {  	[sflag:s15] =	ssyncadd.s32 $0xFFFFC000;
	s5 =	stileid.u32  }
0xec: {  	s5 =	sshll.u32 s5, $0x6;
	[bflag:$0x0] =	sbarrier.arrive $0xFFFF  }
0xed: {  	s12 =	sshrl.u32 s6, $0x3;
	s5 =	sor.u32 $0x1C03, s5;
	s13 =	rddreg [dreg:$0x9]  }
0xee: {  	[hbm:s13], [sflag:s5] =	dma.local [spmem:s12], $0x2780  }
0xef: {  	_ =	swait.ge [sflag:s15], $0x2780  }
0xf0: {  	s11 =	sadd.s32 $0x1, s11;
	s13 =	rddreg [dreg:$0xa]  }
0xf1: {  	p0 =	sne.s32 s11, s13  }
.Ltmp3:
0xf2: {  	_ = 	snop;
	(pc) =	sbr.rel @p0 .LBB2_1-.Ltmp3, $3  }
0xf3: {  	_ =	sdelay $0x1  }
0xf4: {  	[sflag:s15] =	ssyncset.done $0x0  }
0xf5: {  	[sflag:s15] =	ssyncadd.s32 $0xFFFFD880  }
0xf6: {  	_ =	sfence.sel $0x180000  }
0xf7: {  	[bflag:$0x0] =	sbarrier.arrive $0xFFFF  }
0xf8: {  	_ =	strace $0x9000004A  }
0xf9: {  	s0 =	stileid.u32;
	[bflag:$0x2] =	sbarrier.arrive $0xFFFF  }
0xfa: {  	p0 =	sne.s32 s0, $0x0;
	s0 =	rddreg [dreg:$0x2]  }
0xfb: {  	s0 =	sadd.s32 @!p0 $0x100000, s0  }
0xfc: {  	[sflag:s0] =	ssyncadd.tile.s32 @!p0 $0x1;
	_ =	shalt  }
.Lfunc_end2:
_tile_overlayer_lowered:
.L_overlay_start_2:
0xfd: {  	(tag) =	ssettag $0x2  }
0xfe: {  	s0 =	rddreg [dreg:$0x0];
	s2 =	stileid.u32  }
0xff: {  	s1 =	rddreg [dreg:$0x1];
	p0 =	sne.s32 s2, $0x0  }
0x100: {  	s3 =	rddreg [dreg:$0x2];
	[bflag:$0x3] =	sbarrier.arrive $0xFFFF;
	s2 =	simm.s32 @!p0 $0x1C03  }
0x101: {  	[timem:s3], [sflag:s2] =	dma.local @!p0 [hbm:s0], s1  }
0x102: {  	s0 =	simm.s32 @!p0 $0x3  }
0x103: {  	_ =	swait.ge @!p0 [sflag:s0], s1  }
0x104: {  	s1 =	ssub.s32 @!p0 $0x0, s1;
	[sflag:s0] =	ssyncset.done @!p0 $0x0  }
0x105: {  	[sflag:s0] =	ssyncadd.s32 @!p0 s1  }
0x106: {  	[bflag:$0x3] =	sbarrier.arrive $0xFFFF  }
0x107: {  	_ =	shalt  }

// kernel: kernel.15.cloned.1.call-start
scs
__scs_entry_jumppad:
0x0: {  	(pc) =	sbr.rel $0x88, $3  }
0x1: {  	(tag) =	ssettag $0x0;
	lr =	simm.s32 $0x1  }
0x2: {  	[smem:$0x3F9B] =	sst lr;
	_ =	strace $0xD0000000  }
0x3: {  	_ = 	snop  }
0x4: {  	_ = 	snop  }
0x5: {  	_ = 	snop  }
0x6: {  	_ = 	snop  }
0x7: {  	_ = 	snop  }
__scs_overlays_trampoline_lowered:
0x8: {  	[smem:$0x3FAA] =	sst s0  }
0x9: {  	[smem:$0x3FAB] =	sst s1  }
0xa: {  	[smem:$0x3FAC] =	sst s2  }
0xb: {  	[smem:$0x3FAD] =	sst s3  }
0xc: {  	[smem:$0x3FAE] =	sst s4  }
0xd: {  	[smem:$0x3FAF] =	sst s5  }
0xe: {  	[smem:$0x3FB0] =	sst s6  }
0xf: {  	[smem:$0x3FB1] =	sst s7  }
0x10: {  	[smem:$0x3FB2] =	sst s8  }
0x11: {  	[smem:$0x3FB3] =	sst s9;
	s0 =	simm.s32 @!p0 $0x0  }
0x12: {  	s1 =	sld [smem:$0x3F99];
	s0 =	simm.s32 @p0 $0x1  }
0x13: {  	[smem:$0x3FB4] =	sst s0;
	s0 =	simm.s32 @!p1 $0x0  }
0x14: {  	s2 =	sld [smem:$0x3F98];
	s0 =	simm.s32 @p1 $0x1  }
0x15: {  	[smem:$0x3FB5] =	sst s0;
	s0 =	simm.s32 @!p2 $0x0  }
0x16: {  	s3 =	sld [smem:$0x3FDB];
	s0 =	simm.s32 @p2 $0x1  }
0x17: {  	s4 =	simm.s32 $0x1BF5;
	[smem:$0x3FB7] =	sst s0  }
0x18: {  	s0 =	sld [smem:$0x3F9A];
	_ =	swait.ge [sflag:s4], $0x0  }
0x19: {  	s7 =	sld [smem:$0x3F9B]  }
0x1a: {  	s8 =	sadd.s32 $0xFFFFE003, lr  }
0x1b: {  	s9 =	sadd.s32 $0xFFFFFEF7, lr;
	s5 =	simm.s32 $0xFFFFFFFF;
	p2 =	slt.u32 s8, $0xFFFFF086  }
0x1c: {  	p1 =	slt.u32 s9, $0xF7A;
	s5 =	simm.s32 @!p2 $0x0  }
0x1d: {  	s5 =	simm.s32 @p1 $0x1;
	p0 =	seq.s32 s7, s2  }
0x1e: {  	s7 =	smul.u32 @!p0 $0xF7A, s2;
	p2 =	seq.s32 @!p0 s5, $0x0  }
0x1f: {  	s9 =	smul.u32 $0xF7A, s1;
	s8 =	simm.s32 @!p0 $0x1BF5;
	p2 =	por !p2, p0  }
0x20: {  	[sflag:s8] =	ssyncset.s32 @!p0 $0xFFFFF086;
	s6 =	sadd.s32 @!p0 s3, s7;
	s7 =	simm.s32 @!p0 $0x108  }
0x21: {  	s3 =	sadd.s32 s3, s9;
	s6 =	sadd.s32 @!p0 $0x88, s6;
	s7 =	simm.s32 @p2 $0x1082  }
0x22: {  	[simem:s7], [sflag:s8] =	dma.local @!p0 [hbm:s6], $0xF7A  }
0x23: {  	s9 =	sor.u32 $0xD0000000, s2;
	s6 =	simm.s32 $0x108;
	_ =	swait.ge @!p0 [sflag:s8], $0x0  }
0x24: {  	s3 =	sadd.s32 $0x88, s3;
	s6 =	simm.s32 @!p1 $0x1082;
	[sflag:s4] =	ssyncset.s32 $0xFFFFF086  }
0x25: {  	[simem:s6], [sflag:s4] =	dma.local [hbm:s3], $0xF7A  }
0x26: {  	[smem:$0x3F9B] =	sst s1;
	(tag) =	ssettag s2;
	_ =	strace s9  }
0x27: {  	s1 =	sld [smem:$0x3FAB]  }
0x28: {  	s2 =	sld [smem:$0x3FAC]  }
0x29: {  	s4 =	sld [smem:$0x3FAE]  }
0x2a: {  	p0 =	seq.s32 s5, $0x0;
	s5 =	sld [smem:$0x3FAF]  }
0x2b: {  	s6 =	sld [smem:$0x3FB0]  }
0x2c: {  	s7 =	sld [smem:$0x3FB1]  }
0x2d: {  	s3 =	simm.s32 $0x108;
	s8 =	sld [smem:$0x3FB2]  }
0x2e: {  	s3 =	simm.s32 @!p0 $0x1082;
	s9 =	sld [smem:$0x3FB3]  }
0x2f: {  	lr =	sadd.s32 s0, s3;
	s0 =	sld [smem:$0x3FAA]  }
0x30: {  	s3 =	sld [smem:$0x3FAD]  }
0x31: {  	[smem:$0x3FB6] =	sst s10  }
0x32: {  	s10 =	sld [smem:$0x3FB4];
	_ =	sdelay $0x3  }
0x33: {  	p0 =	seq.s32 s10, $0x1;
	s10 =	sld [smem:$0x3FB6];
	_ =	sdelay $0x3  }
0x34: {  	[smem:$0x3FB6] =	sst s10  }
0x35: {  	s10 =	sld [smem:$0x3FB5];
	_ =	sdelay $0x3  }
0x36: {  	p1 =	seq.s32 s10, $0x1;
	s10 =	sld [smem:$0x3FB6];
	_ =	sdelay $0x3  }
0x37: {  	[smem:$0x3FB6] =	sst s10  }
0x38: {  	s10 =	sld [smem:$0x3FB7]  }
0x39: {  	_ = 	snop;
	(pc) =	sbr.ind lr, $3  }
0x3a: {  	_ = 	snop  }
0x3b: {  	_ = 	snop  }
0x3c: {  	p2 =	seq.s32 s10, $0x1;
	s10 =	sld [smem:$0x3FB6]  }
0x3d: {  	_ =	shalt  }
0x3e: {  	_ =	shalt  }
0x3f: {  	_ =	shalt  }
0x40: {  	_ =	shalt  }
0x41: {  	_ =	shalt  }
0x42: {  	_ =	shalt  }
0x43: {  	_ =	shalt  }
0x44: {  	_ =	shalt  }
0x45: {  	_ =	shalt  }
0x46: {  	_ =	shalt  }
0x47: {  	_ =	shalt  }
0x48: {  	_ =	shalt  }
0x49: {  	_ =	shalt  }
0x4a: {  	_ =	shalt  }
0x4b: {  	_ =	shalt  }
0x4c: {  	_ =	shalt  }
0x4d: {  	_ =	shalt  }
0x4e: {  	_ =	shalt  }
0x4f: {  	_ =	shalt  }
0x50: {  	_ =	shalt  }
0x51: {  	_ =	shalt  }
0x52: {  	_ =	shalt  }
0x53: {  	_ =	shalt  }
0x54: {  	_ =	shalt  }
0x55: {  	_ =	shalt  }
0x56: {  	_ =	shalt  }
0x57: {  	_ =	shalt  }
0x58: {  	_ =	shalt  }
0x59: {  	_ =	shalt  }
0x5a: {  	_ =	shalt  }
0x5b: {  	_ =	shalt  }
0x5c: {  	_ =	shalt  }
0x5d: {  	_ =	shalt  }
0x5e: {  	_ =	shalt  }
0x5f: {  	_ =	shalt  }
0x60: {  	_ =	shalt  }
0x61: {  	_ =	shalt  }
0x62: {  	_ =	shalt  }
0x63: {  	_ =	shalt  }
0x64: {  	_ =	shalt  }
0x65: {  	_ =	shalt  }
0x66: {  	_ =	shalt  }
0x67: {  	_ =	shalt  }
0x68: {  	_ =	shalt  }
0x69: {  	_ =	shalt  }
0x6a: {  	_ =	shalt  }
0x6b: {  	_ =	shalt  }
0x6c: {  	_ =	shalt  }
0x6d: {  	_ =	shalt  }
0x6e: {  	_ =	shalt  }
0x6f: {  	_ =	shalt  }
0x70: {  	_ =	shalt  }
0x71: {  	_ =	shalt  }
0x72: {  	_ =	shalt  }
0x73: {  	_ =	shalt  }
0x74: {  	_ =	shalt  }
0x75: {  	_ =	shalt  }
0x76: {  	_ =	shalt  }
0x77: {  	_ =	shalt  }
0x78: {  	_ =	shalt  }
0x79: {  	_ =	shalt  }
0x7a: {  	_ =	shalt  }
0x7b: {  	_ =	shalt  }
0x7c: {  	_ =	shalt  }
0x7d: {  	_ =	shalt  }
0x7e: {  	_ =	shalt  }
0x7f: {  	_ =	shalt  }
0x80: {  	_ =	shalt  }
0x81: {  	_ =	shalt  }
0x82: {  	_ =	shalt  }
0x83: {  	_ =	shalt  }
0x84: {  	_ =	shalt  }
0x85: {  	_ =	shalt  }
0x86: {  	_ =	shalt  }
0x87: {  	_ =	shalt  }
.Lfunc_end0:
.L_simem_size_0:
called_computation.2_lowered:
.L_overlay_start_0:
0x88: {  	s2 =	sld [smem:$0x3FD9]  }
0x89: {  	s3 =	sld [smem:$0x3FFE];
	_ =	sdelay $0x1  }
0x8a: {  	s1 =	srdreg.scid  }
0x8b: {  	s0 =	sand.u32 $0x1, s1  }
0x8c: {  	s16 =	sshll.u32 s0, $0xA;
	s2 =	sadd.s32 s3, s2  }
0x8d: {  	s2 =	sadd.s32 s2, s16  }
0x8e: {  	[smem:$0x3FC2] =	sst s2  }
0x8f: {  	_ = 	snop  }
0x90: {  	(tm) =	ssettm $0x1  }
0x91: {  	s17 =	sld [smem:$0x3FFB];
	_ =	sdelay $0x3  }
0x92: {  	_ =	strace s17  }
0x93: {  	s2 =	sld [smem:$0x3FFC];
	_ =	sdelay $0x3  }
0x94: {  	_ =	strace s2  }
0x95: {  	s2 =	sld [smem:$0x3FFD];
	_ =	sdelay $0x3  }
0x96: {  	_ =	strace s2  }
0x97: {  	_ =	strace $0x8FFFFFFF  }
0x98: {  	s18 =	sld [smem:$0x3FDB];
	_ =	sdelay $0x1  }
0x99: {  	s19 =	simm.s32 $_scs_section_size  }
0x9a: {  	s4 =	simm.s32 $_size__tile_overlayer_lowered;
	s5 =	simm.s32 $_tile_overlayer_lowered  }
0x9b: {  	s22 =	simm.s32 $0x1BFF;
	s21 =	sshll.u32 s5, $0x1;
	s2 =	sadd.s32 s19, s18  }
0x9c: {  	s6 =	simm.s32 $0x0;
	s20 =	sshll.u32 s4, $0x1;
	s4 =	sadd.s32 s21, s2  }
0x9d: {  	[timem:s6], [sflag:s22] =	dma.local [hbm:s4], s20  }
0x9e: {  	_ =	swait.ge [sflag:s22], s20  }
0x9f: {  	s3 =	ssub.s32 $0x0, s20;
	[sflag:s22] =	ssyncset.done $0x0  }
0xa0: {  	[sflag:s22] =	ssyncadd.s32 s3;
	_ =	sdelay $0x1  }
0xa1: {  	s23 =	simm.s32 $0x1B8B  }
0xa2: {  	_ =	swait.ge [sflag:s23], $0x1  }
0xa3: {  	[sflag:s23] =	ssyncset.done $0x0  }
0xa4: {  	s25 =	simm.s32 $0x1B8E;
	s24 =	sld [smem:$0x3FFE];
	[sflag:s23] =	ssyncadd.s32 $0xFFFFFFFF  }
0xa5: {  	s26 =	simm.s32 $execute0_lowered;
	[smem:$0x3FD2] =	sst s25  }
0xa6: {  	s4 =	sshll.u32 s26, $0x1;
	_ =	strace $0x8000004C;
	[dreg:$0x1] =	wrdreg $0xFFFFFFFF  }
0xa7: {  	s28 =	simm.s32 $_size_execute0_lowered;
	s2 =	sadd.s32 s2, s4;
	[dreg:$0x0] =	wrdreg $0x0  }
0xa8: {  	s4 =	sshll.u32 s28, $0x1;
	[dreg:$0x2] =	wrdreg s2  }
0xa9: {  	[dreg:$0x3] =	wrdreg s4  }
0xaa: {  	[dreg:$0x4] =	wrdreg $0xC0  }
0xab: {  	_ =	task [dreg:s6], $0x5FFFF  }
0xac: {  	[dreg:$0x1] =	wrdreg $0xFFFFFFFF  }
0xad: {  	[dreg:$0x0] =	wrdreg $0x60  }
0xae: {  	[dreg:$0x2] =	wrdreg s24  }
0xaf: {  	[dreg:$0x3] =	wrdreg $0x8A000  }
0xb0: {  	[dreg:$0x4] =	wrdreg $0x9  }
0xb1: {  	_ =	task.clear_ibuf [dreg:s6], $0x5FFFF;
	_ =	strace $0x9000004C  }
0xb2: {  	s29 =	simm.s32 $0x9;
	_ =	strace $0x8000004E  }
0xb3: {  	_ =	swait.ge [sflag:s29], $0x1  }
0xb4: {  	[sflag:s29] =	ssyncadd.s32 $0xFFFFFFFF  }
0xb5: {  	_ =	strace $0x9000004E  }
0xb6: {  	_ =	sfence  }
0xb7: {  	s30 =	sld [smem:$0x0];
	_ =	sdelay $0x2  }
0xb8: {  	s31 =	sshll.u32 s1, $0xD;
	s1 =	sshrl.u32 s1, $0x2  }
0xb9: {  	s3 =	sand.u32 $0x4000, s31;
	s1 =	sadd.s32 s1, s30  }
0xba: {  	s0 =	sor.u32 s3, s0;
	s1 =	sshll.u32 s1, $0x11  }
0xbb: {  	s0 =	sor.u32 s1, s0  }
0xbc: {  	s0 =	sadd.s32 $0x8F2B, s0  }
0xbd: {  	[sflag:s0] =	ssyncadd.remote.s32 $0x1  }
0xbe: {  	_ =	sfence.sel $0xFFFF  }
0xbf: {  	[dreg:$0x0] =	wrdreg $0xFFFFFFFF;
	(pc) =	sbr.abs _section_cstart, $3  }
0xc0: {  	[dreg:$0x1] =	wrdreg $0xFFFFFFFF  }
0xc1: {  	_ =	task.clear_ibuf [dreg:s6], $0x2FFFF;
	_ =	strace $0x9FFFFFFF  }
0xc2: {  	(tm) =	ssettm $0x7FFFFFFF  }
0xc3: {  	_ =	shalt  }
tec
execute0_lowered:
.L_overlay_start_1:
0x0: {  	(tag) =	ssettag $0x1  }
0x1: {  	s0 =	srdreg.scid  }
0x2: {  	s8 =	stileid.u32;
	s1 =	rddreg [dreg:$0x0]  }
0x3: {  	s2 =	rddreg [dreg:$0x1];
	s3 =	simm.s32 $0x0;
	s9 =	simm.s32 $0xB  }
0x4: {  	s14 =	simm.s32 $0xA00;
	s26 =	simm.s32 $0x100;
	s15 =	simm.s32 $0x3  }
0x5: {  	s16 =	simm.s32 $0x80;
	s28 =	simm.s32 $0x480;
	s4 =	smul.u32 $0xA000, s8  }
0x6: {  	s29 =	simm.s32 $0x600;
	s30 =	simm.s32 $0x580;
	s7 =	smul.u32 $0x13C00, s8  }
0x7: {  	s31 =	simm.s32 $0x700;
	s0 =	sand.u32 $0x1, s0;
	s8 =	smul.u32 $0x4F000, s8  }
0x8: {  	s10 =	simm.s32 $0x980;
	[smem:$0x7FF] =	sst s3;
	s5 =	smul.u32 $0x6E00, s0  }
0x9: {  	s11 =	simm.s32 $0x0;
	s6 =	smul.u32 $0x13C000, s0;
	_ =	strace $0x8000004D  }
0xa: {  	s17 =	ssub.s32 $0x2, s0;
	p0 =	seq.s32 s0, $0x0;
	[dreg:$0x3] =	wrdreg s26  }
0xb: {  	s26 =	simm.s32 $0x500;
	s18 =	sshrl.u32 s17, $0x1;
	s19 =	sshrl.u32 s8, $0x2  }
0xc: {  	s9 =	simm.s32 @!p0 $0x5;
	s5 =	sadd.s32 s5, s4;
	s4 =	sadd.s32 $0x64C00, s1  }
0xd: {  	s6 =	sadd.s32 s7, s6;
	s7 =	ssub.s32 s17, s18;
	[dreg:$0x4] =	wrdreg s9  }
0xe: {  	s5 =	sshrl.u32 s5, $0x3;
	s6 =	sshrl.u32 s6, $0x3;
	s24 =	smax.u32 s7, $0x1  }
0xf: {  	s5 =	sadd.s32 s5, s1;
	s1 =	sadd.s32 s6, s1;
	s6 =	sadd.s32 s19, s2  }
0x10: {  	s8 =	simm.s32 $0x900;
	[dreg:$0xa] =	wrdreg s24;
	s0 =	sadd.s32 $0x4000, s6  }
0x11: {  	s17 =	simm.s32 $0x4A00;
	s20 =	sadd.s32 $0x8000, s6;
	[dreg:$0x5] =	wrdreg s0  }
0x12: {  	s18 =	simm.s32 $0x1;
	s21 =	sadd.s32 $0xC000, s6;
	[dreg:$0x6] =	wrdreg s20  }
0x13: {  	s9 =	simm.s32 $0x880;
	s22 =	sadd.s32 $0x10000, s6;
	[dreg:$0x7] =	wrdreg s21  }
0x14: {  	s7 =	simm.s32 $0x780;
	s23 =	sadd.s32 $0x8C400, s1;
	[dreg:$0x8] =	wrdreg s22  }
0x15: {  	s19 =	simm.s32 $0x200;
	s25 =	sadd.s32 $0x1C00, s5;
	[dreg:$0x9] =	wrdreg s23  }
0x16: {  	s24 =	simm.s32 $0x400;
	s1 =	simm.s32 $0x680;
	[dreg:$0xb] =	wrdreg s25  }
0x17: {  	s20 =	simm.s32 $0x2;
	s21 =	simm.s32 $0x180;
	s22 =	simm.s32 $0x300  }
0x18: {  	v0 =	vimm.f32 $0.0e+00;
	s23 =	simm.s32 $0x280;
	s25 =	simm.s32 $0x380;
	s0 =	simm.s32 $0x800  }
.LBB2_1:
0x19: {  	s12 =	simm.s32 $0x0;
	s13 =	simm.s32 $0x200  }
.LBB2_2:
0x1a: {  	p0 =	sne.s32 s13, $0xFE00;
	[tilespmem:s12+$0xA70] =	vst v0  }
0x1b: {  	[tilespmem:s12+$0xA00] =	vst v0  }
0x1c: {  	[tilespmem:s12+$0xA10] =	vst v0  }
.Ltmp0:
0x1d: {  	[tilespmem:s12+$0xA20] =	vst v0;
	(pc) =	sbr.rel @p0 .LBB2_2-.Ltmp0, $4  }
0x1e: {  	[tilespmem:s12+$0xA30] =	vst v0  }
0x1f: {  	[tilespmem:s12+$0xA40] =	vst v0  }
0x20: {  	[tilespmem:s12+$0xA50] =	vst v0  }
0x21: {  	[tilespmem:s12+$0xA60] =	vst v0;
	s12 =	sshra.s32 s13, $0x2;
	s13 =	sadd.s32 $0x200, s13  }
0x22: {  	[tilespmem:s12+$0xA70] =	vst v0  }
0x23: {  	[tilespmem:s12+$0xA00] =	vst v0  }
0x24: {  	[tilespmem:s12+$0xA10] =	vst v0  }
0x25: {  	[tilespmem:s12+$0xA20] =	vst v0  }
0x26: {  	[tilespmem:s12+$0xA30] =	vst v0  }
0x27: {  	[tilespmem:s12+$0xA40] =	vst v0  }
0x28: {  	[tilespmem:s12+$0xA50] =	vst v0  }
0x29: {  	[tilespmem:s12+$0xA60] =	vst v0  }
0x2a: {  	[spmem:s6] =	stream.linear.scatter [tilespmem:s14], [sflag:$0x3], $0x4000, $0x38;
	[tilespmem:$0x1C600] =	vst v63  }
0x2b: {  	_ =	swait.ge [sflag:s15], $0x4000  }
0x2c: {  	[sflag:s15] =	ssyncset.done $0x0  }
0x2d: {  	s5 =	rddreg [dreg:$0x5];
	[sflag:s15] =	ssyncadd.s32 $0xFFFFC000  }
0x2e: {  	[spmem:s5] =	stream.linear.scatter [tilespmem:s14], [sflag:$0x3], $0x4000, $0x38;
	[tilespmem:$0x1C600] =	vst v63  }
0x2f: {  	_ =	swait.ge [sflag:s15], $0x4000  }
0x30: {  	[sflag:s15] =	ssyncset.done $0x0  }
0x31: {  	s13 =	rddreg [dreg:$0x6];
	[sflag:s15] =	ssyncadd.s32 $0xFFFFC000  }
0x32: {  	[spmem:s13] =	stream.linear.scatter [tilespmem:s14], [sflag:$0x3], $0x4000, $0x38;
	[tilespmem:$0x1C600] =	vst v63  }
0x33: {  	_ =	swait.ge [sflag:s15], $0x4000  }
0x34: {  	[sflag:s15] =	ssyncset.done $0x0  }
0x35: {  	s12 =	rddreg [dreg:$0x7];
	[sflag:s15] =	ssyncadd.s32 $0xFFFFC000  }
0x36: {  	[spmem:s12] =	stream.linear.scatter [tilespmem:s14], [sflag:$0x3], $0x4000, $0x38;
	[tilespmem:$0x1C600] =	vst v63  }
0x37: {  	_ =	swait.ge [sflag:s15], $0x4000  }
0x38: {  	[sflag:s15] =	ssyncset.done $0x0  }
0x39: {  	s13 =	rddreg [dreg:$0x8];
	[sflag:s15] =	ssyncadd.s32 $0xFFFFC000  }
0x3a: {  	[spmem:s13] =	stream.linear.scatter [tilespmem:s14], [sflag:$0x3], $0x3C00, $0x38;
	[tilespmem:$0x1C600] =	vst v63  }
0x3b: {  	_ =	swait.ge [sflag:s15], $0x3C00  }
0x3c: {  	[sflag:s15] =	ssyncset.done $0x0  }
0x3d: {  	[sflag:s15] =	ssyncadd.s32 $0xFFFFC400  }
0x3e: {  	[bflag:$0x0] =	sbarrier.arrive $0xFFFF  }
0x3f: {  	s13 =	rddreg [dreg:$0xb]  }
0x40: {  	[tilespmem:s3], [sflag:$0x3] =	stream.linear.gather [hbm4b:s13+s3], $0xA00, $0x38;
	[tilespmem:$0x1C600] =	vst v63  }
0x41: {  	_ =	swait.ge [sflag:s15], $0xA00  }
0x42: {  	[sflag:s15] =	ssyncset.done $0x0  }
0x43: {  	[sflag:s15] =	ssyncadd.s32 $0xFFFFF600  }
0x44: {  	[tilespmem:s14], [sflag:$0x1] =	stream.indirect.gather [hbm4b:s4+s16], $0x80, s3, s16, $0xb8;
	[tilespmem:$0x1C600] =	vst v63  }
0x45: {  	s5 =	rddreg [dreg:$0x3]  }
0x46: {  	[tilespmem:s17], [sflag:$0x2] =	stream.indirect.gather [hbm4b:s4+s16], $0x80, s5, s16, $0xb8;
	[tilespmem:$0x1C600] =	vst v63  }
0x47: {  	_ =	swait.ge [sflag:s18], $0x4000  }
0x48: {  	[sflag:s18] =	ssyncset.done $0x0  }
0x49: {  	[sflag:s18] =	ssyncadd.s32 $0xFFFFC000  }
0x4a: {  	[spmem:s2] =	stream.indirect.scatter.add.f32 [tilespmem:s14], [sflag:$0x3], $0x80, s16, s16, $0xb8;
	[tilespmem:$0x1C600] =	vst v63  }
0x4b: {  	_ =	swait.ge [sflag:s15], $0x4000  }
0x4c: {  	[sflag:s15] =	ssyncset.done $0x0  }
0x4d: {  	[sflag:s15] =	ssyncadd.s32 $0xFFFFC000  }
0x4e: {  	[tilespmem:s14], [sflag:$0x1] =	stream.indirect.gather [hbm4b:s4+s16], $0x80, s19, s16, $0xb8;
	[tilespmem:$0x1C600] =	vst v63  }
0x4f: {  	_ =	swait.ge [sflag:s20], $0x4000  }
0x50: {  	[sflag:s20] =	ssyncset.done $0x0  }
0x51: {  	[sflag:s20] =	ssyncadd.s32 $0xFFFFC000  }
0x52: {  	[spmem:s2] =	stream.indirect.scatter.add.f32 [tilespmem:s17], [sflag:$0x3], $0x80, s21, s16, $0xb8;
	[tilespmem:$0x1C600] =	vst v63  }
0x53: {  	_ =	swait.ge [sflag:s15], $0x4000  }
0x54: {  	[sflag:s15] =	ssyncset.done $0x0  }
0x55: {  	[sflag:s15] =	ssyncadd.s32 $0xFFFFC000  }
0x56: {  	[tilespmem:s17], [sflag:$0x2] =	stream.indirect.gather [hbm4b:s4+s16], $0x80, s22, s16, $0xb8;
	[tilespmem:$0x1C600] =	vst v63  }
0x57: {  	_ =	swait.ge [sflag:s18], $0x4000  }
0x58: {  	[sflag:s18] =	ssyncset.done $0x0  }
0x59: {  	[sflag:s18] =	ssyncadd.s32 $0xFFFFC000  }
0x5a: {  	[spmem:s2] =	stream.indirect.scatter.add.f32 [tilespmem:s14], [sflag:$0x3], $0x80, s23, s16, $0xb8;
	[tilespmem:$0x1C600] =	vst v63  }
0x5b: {  	_ =	swait.ge [sflag:s15], $0x4000  }
0x5c: {  	[sflag:s15] =	ssyncset.done $0x0  }
0x5d: {  	[sflag:s15] =	ssyncadd.s32 $0xFFFFC000  }
0x5e: {  	[tilespmem:s14], [sflag:$0x1] =	stream.indirect.gather [hbm4b:s4+s16], $0x80, s24, s16, $0xb8;
	[tilespmem:$0x1C600] =	vst v63  }
0x5f: {  	_ =	swait.ge [sflag:s20], $0x4000  }
0x60: {  	[sflag:s20] =	ssyncset.done $0x0  }
0x61: {  	[sflag:s20] =	ssyncadd.s32 $0xFFFFC000  }
0x62: {  	[spmem:s2] =	stream.indirect.scatter.add.f32 [tilespmem:s17], [sflag:$0x3], $0x80, s25, s16, $0xb8;
	[tilespmem:$0x1C600] =	vst v63  }
0x63: {  	_ =	swait.ge [sflag:s15], $0x4000  }
0x64: {  	[sflag:s15] =	ssyncset.done $0x0  }
0x65: {  	[sflag:s15] =	ssyncadd.s32 $0xFFFFC000  }
0x66: {  	[tilespmem:s17], [sflag:$0x2] =	stream.indirect.gather [hbm4b:s4+s16], $0x80, s26, s16, $0xb8;
	[tilespmem:$0x1C600] =	vst v63  }
0x67: {  	_ =	swait.ge [sflag:s18], $0x4000  }
0x68: {  	[sflag:s18] =	ssyncset.done $0x0  }
0x69: {  	[sflag:s18] =	ssyncadd.s32 $0xFFFFC000  }
0x6a: {  	[spmem:s2] =	stream.indirect.scatter.add.f32 [tilespmem:s14], [sflag:$0x3], $0x80, s28, s16, $0xb8;
	[tilespmem:$0x1C600] =	vst v63  }
0x6b: {  	_ =	swait.ge [sflag:s15], $0x4000  }
0x6c: {  	[sflag:s15] =	ssyncset.done $0x0  }
0x6d: {  	[sflag:s15] =	ssyncadd.s32 $0xFFFFC000  }
0x6e: {  	[tilespmem:s14], [sflag:$0x1] =	stream.indirect.gather [hbm4b:s4+s16], $0x80, s29, s16, $0xb8;
	[tilespmem:$0x1C600] =	vst v63  }
0x6f: {  	_ =	swait.ge [sflag:s20], $0x4000  }
0x70: {  	[sflag:s20] =	ssyncset.done $0x0  }
0x71: {  	[sflag:s20] =	ssyncadd.s32 $0xFFFFC000  }
0x72: {  	[spmem:s2] =	stream.indirect.scatter.add.f32 [tilespmem:s17], [sflag:$0x3], $0x80, s30, s16, $0xb8;
	[tilespmem:$0x1C600] =	vst v63  }
0x73: {  	_ =	swait.ge [sflag:s15], $0x4000  }
0x74: {  	[sflag:s15] =	ssyncset.done $0x0  }
0x75: {  	[sflag:s15] =	ssyncadd.s32 $0xFFFFC000  }
0x76: {  	[tilespmem:s17], [sflag:$0x2] =	stream.indirect.gather [hbm4b:s4+s16], $0x80, s31, s16, $0xb8;
	[tilespmem:$0x1C600] =	vst v63  }
0x77: {  	_ =	swait.ge [sflag:s18], $0x4000  }
0x78: {  	[sflag:s18] =	ssyncset.done $0x0  }
0x79: {  	[sflag:s18] =	ssyncadd.s32 $0xFFFFC000  }
0x7a: {  	[spmem:s2] =	stream.indirect.scatter.add.f32 [tilespmem:s14], [sflag:$0x3], $0x80, s1, s16, $0xb8;
	[tilespmem:$0x1C600] =	vst v63  }
0x7b: {  	_ =	swait.ge [sflag:s15], $0x4000  }
0x7c: {  	[sflag:s15] =	ssyncset.done $0x0  }
0x7d: {  	[sflag:s15] =	ssyncadd.s32 $0xFFFFC000  }
0x7e: {  	[tilespmem:s14], [sflag:$0x1] =	stream.indirect.gather [hbm4b:s4+s16], $0x80, s0, s16, $0xb8;
	[tilespmem:$0x1C600] =	vst v63  }
0x7f: {  	_ =	swait.ge [sflag:s20], $0x4000  }
0x80: {  	[sflag:s20] =	ssyncset.done $0x0  }
0x81: {  	[sflag:s20] =	ssyncadd.s32 $0xFFFFC000  }
0x82: {  	[spmem:s2] =	stream.indirect.scatter.add.f32 [tilespmem:s17], [sflag:$0x3], $0x80, s7, s16, $0xb8;
	[tilespmem:$0x1C600] =	vst v63  }
0x83: {  	_ =	swait.ge [sflag:s15], $0x4000  }
0x84: {  	[sflag:s15] =	ssyncset.done $0x0  }
0x85: {  	[sflag:s15] =	ssyncadd.s32 $0xFFFFC000  }
0x86: {  	[tilespmem:s17], [sflag:$0x2] =	stream.indirect.gather [hbm4b:s4+s16], $0x80, s8, s16, $0xb8;
	[tilespmem:$0x1C600] =	vst v63  }
0x87: {  	_ =	swait.ge [sflag:s18], $0x4000  }
0x88: {  	[sflag:s18] =	ssyncset.done $0x0  }
0x89: {  	[sflag:s18] =	ssyncadd.s32 $0xFFFFC000  }
0x8a: {  	[spmem:s2] =	stream.indirect.scatter.add.f32 [tilespmem:s14], [sflag:$0x3], $0x80, s9, s16, $0xb8;
	[tilespmem:$0x1C600] =	vst v63  }
0x8b: {  	_ =	swait.ge [sflag:s15], $0x4000  }
0x8c: {  	[sflag:s15] =	ssyncset.done $0x0  }
0x8d: {  	[sflag:s15] =	ssyncadd.s32 $0xFFFFC000  }
0x8e: {  	_ =	swait.ge [sflag:s20], $0x4000  }
0x8f: {  	s12 =	rddreg [dreg:$0x4]  }
0x90: {  	p0 =	sne.s32 s12, $0x1  }
.Ltmp1:
0x91: {  	[sflag:s20] =	ssyncset.done $0x0;
	(pc) =	sbr.rel @!p0 .LBB2_5-.Ltmp1, $4  }
0x92: {  	[sflag:s20] =	ssyncadd.s32 $0xFFFFC000  }
0x93: {  	[spmem:s2] =	stream.indirect.scatter.add.f32 [tilespmem:s17], [sflag:$0x3], $0x80, s10, s16, $0xb8;
	[tilespmem:$0x1C600] =	vst v63  }
0x94: {  	_ =	swait.ge [sflag:s15], $0x4000  }
0x95: {  	s12 =	sadd.s32 $0xFFFFFFFF, s12;
	[sflag:s15] =	ssyncset.done $0x0  }
.LBB2_4:
0x96: {  	[sflag:s15] =	ssyncadd.s32 $0xFFFFC000;
	s13 =	sadd.s32 $0x140, s13  }
0x97: {  	[tilespmem:s3], [sflag:$0x3] =	stream.linear.gather [hbm4b:s13+s3], $0xA00, $0x38;
	[tilespmem:$0x1C600] =	vst v63  }
0x98: {  	_ =	swait.ge [sflag:s15], $0xA00  }
0x99: {  	[sflag:s15] =	ssyncset.done $0x0  }
0x9a: {  	[sflag:s15] =	ssyncadd.s32 $0xFFFFF600  }
0x9b: {  	[tilespmem:s14], [sflag:$0x1] =	stream.indirect.gather [hbm4b:s4+s16], $0x80, s3, s16, $0xb8;
	[tilespmem:$0x1C600] =	vst v63  }
0x9c: {  	s5 =	rddreg [dreg:$0x3]  }
0x9d: {  	[tilespmem:s17], [sflag:$0x2] =	stream.indirect.gather [hbm4b:s4+s16], $0x80, s5, s16, $0xb8;
	[tilespmem:$0x1C600] =	vst v63  }
0x9e: {  	_ =	swait.ge [sflag:s18], $0x4000  }
0x9f: {  	[sflag:s18] =	ssyncset.done $0x0  }
0xa0: {  	[sflag:s18] =	ssyncadd.s32 $0xFFFFC000  }
0xa1: {  	[spmem:s2] =	stream.indirect.scatter.add.f32 [tilespmem:s14], [sflag:$0x3], $0x80, s16, s16, $0xb8;
	[tilespmem:$0x1C600] =	vst v63  }
0xa2: {  	_ =	swait.ge [sflag:s15], $0x4000  }
0xa3: {  	[sflag:s15] =	ssyncset.done $0x0  }
0xa4: {  	[sflag:s15] =	ssyncadd.s32 $0xFFFFC000  }
0xa5: {  	[tilespmem:s14], [sflag:$0x1] =	stream.indirect.gather [hbm4b:s4+s16], $0x80, s19, s16, $0xb8;
	[tilespmem:$0x1C600] =	vst v63  }
0xa6: {  	_ =	swait.ge [sflag:s20], $0x4000  }
0xa7: {  	[sflag:s20] =	ssyncset.done $0x0  }
0xa8: {  	[sflag:s20] =	ssyncadd.s32 $0xFFFFC000  }
0xa9: {  	[spmem:s2] =	stream.indirect.scatter.add.f32 [tilespmem:s17], [sflag:$0x3], $0x80, s21, s16, $0xb8;
	[tilespmem:$0x1C600] =	vst v63  }
0xaa: {  	_ =	swait.ge [sflag:s15], $0x4000  }
0xab: {  	[sflag:s15] =	ssyncset.done $0x0  }
0xac: {  	[sflag:s15] =	ssyncadd.s32 $0xFFFFC000  }
0xad: {  	[tilespmem:s17], [sflag:$0x2] =	stream.indirect.gather [hbm4b:s4+s16], $0x80, s22, s16, $0xb8;
	[tilespmem:$0x1C600] =	vst v63  }
0xae: {  	_ =	swait.ge [sflag:s18], $0x4000  }
0xaf: {  	[sflag:s18] =	ssyncset.done $0x0  }
0xb0: {  	[sflag:s18] =	ssyncadd.s32 $0xFFFFC000  }
0xb1: {  	[spmem:s2] =	stream.indirect.scatter.add.f32 [tilespmem:s14], [sflag:$0x3], $0x80, s23, s16, $0xb8;
	[tilespmem:$0x1C600] =	vst v63  }
0xb2: {  	_ =	swait.ge [sflag:s15], $0x4000  }
0xb3: {  	[sflag:s15] =	ssyncset.done $0x0  }
0xb4: {  	[sflag:s15] =	ssyncadd.s32 $0xFFFFC000  }
0xb5: {  	[tilespmem:s14], [sflag:$0x1] =	stream.indirect.gather [hbm4b:s4+s16], $0x80, s24, s16, $0xb8;
	[tilespmem:$0x1C600] =	vst v63  }
0xb6: {  	_ =	swait.ge [sflag:s20], $0x4000  }
0xb7: {  	[sflag:s20] =	ssyncset.done $0x0  }
0xb8: {  	[sflag:s20] =	ssyncadd.s32 $0xFFFFC000  }
0xb9: {  	[spmem:s2] =	stream.indirect.scatter.add.f32 [tilespmem:s17], [sflag:$0x3], $0x80, s25, s16, $0xb8;
	[tilespmem:$0x1C600] =	vst v63  }
0xba: {  	_ =	swait.ge [sflag:s15], $0x4000  }
0xbb: {  	[sflag:s15] =	ssyncset.done $0x0  }
0xbc: {  	[sflag:s15] =	ssyncadd.s32 $0xFFFFC000  }
0xbd: {  	[tilespmem:s17], [sflag:$0x2] =	stream.indirect.gather [hbm4b:s4+s16], $0x80, s26, s16, $0xb8;
	[tilespmem:$0x1C600] =	vst v63  }
0xbe: {  	_ =	swait.ge [sflag:s18], $0x4000  }
0xbf: {  	[sflag:s18] =	ssyncset.done $0x0  }
0xc0: {  	[sflag:s18] =	ssyncadd.s32 $0xFFFFC000  }
0xc1: {  	[spmem:s2] =	stream.indirect.scatter.add.f32 [tilespmem:s14], [sflag:$0x3], $0x80, s28, s16, $0xb8;
	[tilespmem:$0x1C600] =	vst v63  }
0xc2: {  	_ =	swait.ge [sflag:s15], $0x4000  }
0xc3: {  	[sflag:s15] =	ssyncset.done $0x0  }
0xc4: {  	[sflag:s15] =	ssyncadd.s32 $0xFFFFC000  }
0xc5: {  	[tilespmem:s14], [sflag:$0x1] =	stream.indirect.gather [hbm4b:s4+s16], $0x80, s29, s16, $0xb8;
	[tilespmem:$0x1C600] =	vst v63  }
0xc6: {  	_ =	swait.ge [sflag:s20], $0x4000  }
0xc7: {  	[sflag:s20] =	ssyncset.done $0x0  }
0xc8: {  	[sflag:s20] =	ssyncadd.s32 $0xFFFFC000  }
0xc9: {  	[spmem:s2] =	stream.indirect.scatter.add.f32 [tilespmem:s17], [sflag:$0x3], $0x80, s30, s16, $0xb8;
	[tilespmem:$0x1C600] =	vst v63  }
0xca: {  	_ =	swait.ge [sflag:s15], $0x4000  }
0xcb: {  	[sflag:s15] =	ssyncset.done $0x0  }
0xcc: {  	[sflag:s15] =	ssyncadd.s32 $0xFFFFC000  }
0xcd: {  	[tilespmem:s17], [sflag:$0x2] =	stream.indirect.gather [hbm4b:s4+s16], $0x80, s31, s16, $0xb8;
	[tilespmem:$0x1C600] =	vst v63  }
0xce: {  	_ =	swait.ge [sflag:s18], $0x4000  }
0xcf: {  	[sflag:s18] =	ssyncset.done $0x0  }
0xd0: {  	[sflag:s18] =	ssyncadd.s32 $0xFFFFC000  }
0xd1: {  	[spmem:s2] =	stream.indirect.scatter.add.f32 [tilespmem:s14], [sflag:$0x3], $0x80, s1, s16, $0xb8;
	[tilespmem:$0x1C600] =	vst v63  }
0xd2: {  	_ =	swait.ge [sflag:s15], $0x4000  }
0xd3: {  	[sflag:s15] =	ssyncset.done $0x0  }
0xd4: {  	[sflag:s15] =	ssyncadd.s32 $0xFFFFC000  }
0xd5: {  	[tilespmem:s14], [sflag:$0x1] =	stream.indirect.gather [hbm4b:s4+s16], $0x80, s0, s16, $0xb8;
	[tilespmem:$0x1C600] =	vst v63  }
0xd6: {  	_ =	swait.ge [sflag:s20], $0x4000  }
0xd7: {  	[sflag:s20] =	ssyncset.done $0x0  }
0xd8: {  	[sflag:s20] =	ssyncadd.s32 $0xFFFFC000  }
0xd9: {  	[spmem:s2] =	stream.indirect.scatter.add.f32 [tilespmem:s17], [sflag:$0x3], $0x80, s7, s16, $0xb8;
	[tilespmem:$0x1C600] =	vst v63  }
0xda: {  	_ =	swait.ge [sflag:s15], $0x4000  }
0xdb: {  	[sflag:s15] =	ssyncset.done $0x0  }
0xdc: {  	[sflag:s15] =	ssyncadd.s32 $0xFFFFC000  }
0xdd: {  	[tilespmem:s17], [sflag:$0x2] =	stream.indirect.gather [hbm4b:s4+s16], $0x80, s8, s16, $0xb8;
	[tilespmem:$0x1C600] =	vst v63  }
0xde: {  	_ =	swait.ge [sflag:s18], $0x4000  }
0xdf: {  	[sflag:s18] =	ssyncset.done $0x0  }
0xe0: {  	[sflag:s18] =	ssyncadd.s32 $0xFFFFC000  }
0xe1: {  	[spmem:s2] =	stream.indirect.scatter.add.f32 [tilespmem:s14], [sflag:$0x3], $0x80, s9, s16, $0xb8;
	[tilespmem:$0x1C600] =	vst v63  }
0xe2: {  	_ =	swait.ge [sflag:s15], $0x4000  }
0xe3: {  	[sflag:s15] =	ssyncset.done $0x0  }
0xe4: {  	[sflag:s15] =	ssyncadd.s32 $0xFFFFC000  }
0xe5: {  	p0 =	sne.s32 s12, $0x1;
	_ =	swait.ge [sflag:s20], $0x4000  }
.Ltmp2:
0xe6: {  	[sflag:s20] =	ssyncset.done $0x0;
	(pc) =	sbr.rel @p0 .LBB2_4-.Ltmp2, $4  }
0xe7: {  	[sflag:s20] =	ssyncadd.s32 $0xFFFFC000  }
0xe8: {  	[spmem:s2] =	stream.indirect.scatter.add.f32 [tilespmem:s17], [sflag:$0x3], $0x80, s10, s16, $0xb8;
	[tilespmem:$0x1C600] =	vst v63  }
0xe9: {  	_ =	swait.ge [sflag:s15], $0x4000  }
0xea: {  	s12 =	sadd.s32 $0xFFFFFFFF, s12;
	[sflag:s15] =	ssyncset.done $0x0  }
.LBB2_5:
0xeb: {  	[sflag:s15] =	ssyncadd.s32 $0xFFFFC000;
	s5 =	stileid.u32  }
0xec: {  	s5 =	sshll.u32 s5, $0x6;
	[bflag:$0x0] =	sbarrier.arrive $0xFFFF  }
0xed: {  	s12 =	sshrl.u32 s6, $0x3;
	s5 =	sor.u32 $0x1C03, s5;
	s13 =	rddreg [dreg:$0x9]  }
0xee: {  	[hbm:s13], [sflag:s5] =	dma.local [spmem:s12], $0x2780  }
0xef: {  	_ =	swait.ge [sflag:s15], $0x2780  }
0xf0: {  	s11 =	sadd.s32 $0x1, s11;
	s13 =	rddreg [dreg:$0xa]  }
0xf1: {  	p0 =	sne.s32 s11, s13  }
.Ltmp3:
0xf2: {  	_ = 	snop;
	(pc) =	sbr.rel @p0 .LBB2_1-.Ltmp3, $3  }
0xf3: {  	_ =	sdelay $0x1  }
0xf4: {  	[sflag:s15] =	ssyncset.done $0x0  }
0xf5: {  	[sflag:s15] =	ssyncadd.s32 $0xFFFFD880  }
0xf6: {  	_ =	sfence.sel $0x180000  }
0xf7: {  	[bflag:$0x0] =	sbarrier.arrive $0xFFFF  }
0xf8: {  	_ =	strace $0x9000004D  }
0xf9: {  	s0 =	stileid.u32;
	[bflag:$0x2] =	sbarrier.arrive $0xFFFF  }
0xfa: {  	p0 =	sne.s32 s0, $0x0;
	s0 =	rddreg [dreg:$0x2]  }
0xfb: {  	s0 =	sadd.s32 @!p0 $0x100000, s0  }
0xfc: {  	[sflag:s0] =	ssyncadd.tile.s32 @!p0 $0x1;
	_ =	shalt  }
.Lfunc_end2:
_tile_overlayer_lowered:
.L_overlay_start_2:
0xfd: {  	(tag) =	ssettag $0x2  }
0xfe: {  	s0 =	rddreg [dreg:$0x0];
	s2 =	stileid.u32  }
0xff: {  	s1 =	rddreg [dreg:$0x1];
	p0 =	sne.s32 s2, $0x0  }
0x100: {  	s3 =	rddreg [dreg:$0x2];
	[bflag:$0x3] =	sbarrier.arrive $0xFFFF;
	s2 =	simm.s32 @!p0 $0x1C03  }
0x101: {  	[timem:s3], [sflag:s2] =	dma.local @!p0 [hbm:s0], s1  }
0x102: {  	s0 =	simm.s32 @!p0 $0x3  }
0x103: {  	_ =	swait.ge @!p0 [sflag:s0], s1  }
0x104: {  	s1 =	ssub.s32 @!p0 $0x0, s1;
	[sflag:s0] =	ssyncset.done @!p0 $0x0  }
0x105: {  	[sflag:s0] =	ssyncadd.s32 @!p0 s1  }
0x106: {  	[bflag:$0x3] =	sbarrier.arrive $0xFFFF  }
0x107: {  	_ =	shalt  }

// kernel: kernel.9.cloned.1.call-start
scs
__scs_entry_jumppad:
0x0: {  	(pc) =	sbr.rel $0x88, $3  }
0x1: {  	(tag) =	ssettag $0x0;
	lr =	simm.s32 $0x1  }
0x2: {  	[smem:$0x3F9B] =	sst lr;
	_ =	strace $0xD0000000  }
0x3: {  	_ = 	snop  }
0x4: {  	_ = 	snop  }
0x5: {  	_ = 	snop  }
0x6: {  	_ = 	snop  }
0x7: {  	_ = 	snop  }
__scs_overlays_trampoline_lowered:
0x8: {  	[smem:$0x3FAA] =	sst s0  }
0x9: {  	[smem:$0x3FAB] =	sst s1  }
0xa: {  	[smem:$0x3FAC] =	sst s2  }
0xb: {  	[smem:$0x3FAD] =	sst s3  }
0xc: {  	[smem:$0x3FAE] =	sst s4  }
0xd: {  	[smem:$0x3FAF] =	sst s5  }
0xe: {  	[smem:$0x3FB0] =	sst s6  }
0xf: {  	[smem:$0x3FB1] =	sst s7  }
0x10: {  	[smem:$0x3FB2] =	sst s8  }
0x11: {  	[smem:$0x3FB3] =	sst s9;
	s0 =	simm.s32 @!p0 $0x0  }
0x12: {  	s1 =	sld [smem:$0x3F99];
	s0 =	simm.s32 @p0 $0x1  }
0x13: {  	[smem:$0x3FB4] =	sst s0;
	s0 =	simm.s32 @!p1 $0x0  }
0x14: {  	s2 =	sld [smem:$0x3F98];
	s0 =	simm.s32 @p1 $0x1  }
0x15: {  	[smem:$0x3FB5] =	sst s0;
	s0 =	simm.s32 @!p2 $0x0  }
0x16: {  	s3 =	sld [smem:$0x3FDB];
	s0 =	simm.s32 @p2 $0x1  }
0x17: {  	s4 =	simm.s32 $0x1BF5;
	[smem:$0x3FB7] =	sst s0  }
0x18: {  	s0 =	sld [smem:$0x3F9A];
	_ =	swait.ge [sflag:s4], $0x0  }
0x19: {  	s7 =	sld [smem:$0x3F9B]  }
0x1a: {  	s8 =	sadd.s32 $0xFFFFE003, lr  }
0x1b: {  	s9 =	sadd.s32 $0xFFFFFEF7, lr;
	s5 =	simm.s32 $0xFFFFFFFF;
	p2 =	slt.u32 s8, $0xFFFFF086  }
0x1c: {  	p1 =	slt.u32 s9, $0xF7A;
	s5 =	simm.s32 @!p2 $0x0  }
0x1d: {  	s5 =	simm.s32 @p1 $0x1;
	p0 =	seq.s32 s7, s2  }
0x1e: {  	s7 =	smul.u32 @!p0 $0xF7A, s2;
	p2 =	seq.s32 @!p0 s5, $0x0  }
0x1f: {  	s9 =	smul.u32 $0xF7A, s1;
	s8 =	simm.s32 @!p0 $0x1BF5;
	p2 =	por !p2, p0  }
0x20: {  	[sflag:s8] =	ssyncset.s32 @!p0 $0xFFFFF086;
	s6 =	sadd.s32 @!p0 s3, s7;
	s7 =	simm.s32 @!p0 $0x108  }
0x21: {  	s3 =	sadd.s32 s3, s9;
	s6 =	sadd.s32 @!p0 $0x88, s6;
	s7 =	simm.s32 @p2 $0x1082  }
0x22: {  	[simem:s7], [sflag:s8] =	dma.local @!p0 [hbm:s6], $0xF7A  }
0x23: {  	s9 =	sor.u32 $0xD0000000, s2;
	s6 =	simm.s32 $0x108;
	_ =	swait.ge @!p0 [sflag:s8], $0x0  }
0x24: {  	s3 =	sadd.s32 $0x88, s3;
	s6 =	simm.s32 @!p1 $0x1082;
	[sflag:s4] =	ssyncset.s32 $0xFFFFF086  }
0x25: {  	[simem:s6], [sflag:s4] =	dma.local [hbm:s3], $0xF7A  }
0x26: {  	[smem:$0x3F9B] =	sst s1;
	(tag) =	ssettag s2;
	_ =	strace s9  }
0x27: {  	s1 =	sld [smem:$0x3FAB]  }
0x28: {  	s2 =	sld [smem:$0x3FAC]  }
0x29: {  	s4 =	sld [smem:$0x3FAE]  }
0x2a: {  	p0 =	seq.s32 s5, $0x0;
	s5 =	sld [smem:$0x3FAF]  }
0x2b: {  	s6 =	sld [smem:$0x3FB0]  }
0x2c: {  	s7 =	sld [smem:$0x3FB1]  }
0x2d: {  	s3 =	simm.s32 $0x108;
	s8 =	sld [smem:$0x3FB2]  }
0x2e: {  	s3 =	simm.s32 @!p0 $0x1082;
	s9 =	sld [smem:$0x3FB3]  }
0x2f: {  	lr =	sadd.s32 s0, s3;
	s0 =	sld [smem:$0x3FAA]  }
0x30: {  	s3 =	sld [smem:$0x3FAD]  }
0x31: {  	[smem:$0x3FB6] =	sst s10  }
0x32: {  	s10 =	sld [smem:$0x3FB4];
	_ =	sdelay $0x3  }
0x33: {  	p0 =	seq.s32 s10, $0x1;
	s10 =	sld [smem:$0x3FB6];
	_ =	sdelay $0x3  }
0x34: {  	[smem:$0x3FB6] =	sst s10  }
0x35: {  	s10 =	sld [smem:$0x3FB5];
	_ =	sdelay $0x3  }
0x36: {  	p1 =	seq.s32 s10, $0x1;
	s10 =	sld [smem:$0x3FB6];
	_ =	sdelay $0x3  }
0x37: {  	[smem:$0x3FB6] =	sst s10  }
0x38: {  	s10 =	sld [smem:$0x3FB7]  }
0x39: {  	_ = 	snop;
	(pc) =	sbr.ind lr, $3  }
0x3a: {  	_ = 	snop  }
0x3b: {  	_ = 	snop  }
0x3c: {  	p2 =	seq.s32 s10, $0x1;
	s10 =	sld [smem:$0x3FB6]  }
0x3d: {  	_ =	shalt  }
0x3e: {  	_ =	shalt  }
0x3f: {  	_ =	shalt  }
0x40: {  	_ =	shalt  }
0x41: {  	_ =	shalt  }
0x42: {  	_ =	shalt  }
0x43: {  	_ =	shalt  }
0x44: {  	_ =	shalt  }
0x45: {  	_ =	shalt  }
0x46: {  	_ =	shalt  }
0x47: {  	_ =	shalt  }
0x48: {  	_ =	shalt  }
0x49: {  	_ =	shalt  }
0x4a: {  	_ =	shalt  }
0x4b: {  	_ =	shalt  }
0x4c: {  	_ =	shalt  }
0x4d: {  	_ =	shalt  }
0x4e: {  	_ =	shalt  }
0x4f: {  	_ =	shalt  }
0x50: {  	_ =	shalt  }
0x51: {  	_ =	shalt  }
0x52: {  	_ =	shalt  }
0x53: {  	_ =	shalt  }
0x54: {  	_ =	shalt  }
0x55: {  	_ =	shalt  }
0x56: {  	_ =	shalt  }
0x57: {  	_ =	shalt  }
0x58: {  	_ =	shalt  }
0x59: {  	_ =	shalt  }
0x5a: {  	_ =	shalt  }
0x5b: {  	_ =	shalt  }
0x5c: {  	_ =	shalt  }
0x5d: {  	_ =	shalt  }
0x5e: {  	_ =	shalt  }
0x5f: {  	_ =	shalt  }
0x60: {  	_ =	shalt  }
0x61: {  	_ =	shalt  }
0x62: {  	_ =	shalt  }
0x63: {  	_ =	shalt  }
0x64: {  	_ =	shalt  }
0x65: {  	_ =	shalt  }
0x66: {  	_ =	shalt  }
0x67: {  	_ =	shalt  }
0x68: {  	_ =	shalt  }
0x69: {  	_ =	shalt  }
0x6a: {  	_ =	shalt  }
0x6b: {  	_ =	shalt  }
0x6c: {  	_ =	shalt  }
0x6d: {  	_ =	shalt  }
0x6e: {  	_ =	shalt  }
0x6f: {  	_ =	shalt  }
0x70: {  	_ =	shalt  }
0x71: {  	_ =	shalt  }
0x72: {  	_ =	shalt  }
0x73: {  	_ =	shalt  }
0x74: {  	_ =	shalt  }
0x75: {  	_ =	shalt  }
0x76: {  	_ =	shalt  }
0x77: {  	_ =	shalt  }
0x78: {  	_ =	shalt  }
0x79: {  	_ =	shalt  }
0x7a: {  	_ =	shalt  }
0x7b: {  	_ =	shalt  }
0x7c: {  	_ =	shalt  }
0x7d: {  	_ =	shalt  }
0x7e: {  	_ =	shalt  }
0x7f: {  	_ =	shalt  }
0x80: {  	_ =	shalt  }
0x81: {  	_ =	shalt  }
0x82: {  	_ =	shalt  }
0x83: {  	_ =	shalt  }
0x84: {  	_ =	shalt  }
0x85: {  	_ =	shalt  }
0x86: {  	_ =	shalt  }
0x87: {  	_ =	shalt  }
.Lfunc_end0:
.L_simem_size_0:
called_computation_lowered:
.L_overlay_start_0:
0x88: {  	s2 =	sld [smem:$0x3FD9]  }
0x89: {  	s3 =	sld [smem:$0x3FFE];
	_ =	sdelay $0x1  }
0x8a: {  	s1 =	srdreg.scid  }
0x8b: {  	s0 =	sand.u32 $0x1, s1  }
0x8c: {  	s16 =	sshll.u32 s0, $0xA;
	s2 =	sadd.s32 s3, s2  }
0x8d: {  	s2 =	sadd.s32 s2, s16  }
0x8e: {  	[smem:$0x3FC2] =	sst s2  }
0x8f: {  	_ = 	snop  }
0x90: {  	(tm) =	ssettm $0x1  }
0x91: {  	s17 =	sld [smem:$0x3FFB];
	_ =	sdelay $0x3  }
0x92: {  	_ =	strace s17  }
0x93: {  	s2 =	sld [smem:$0x3FFC];
	_ =	sdelay $0x3  }
0x94: {  	_ =	strace s2  }
0x95: {  	s2 =	sld [smem:$0x3FFD];
	_ =	sdelay $0x3  }
0x96: {  	_ =	strace s2  }
0x97: {  	_ =	strace $0x8FFFFFFF  }
0x98: {  	s18 =	sld [smem:$0x3FDB];
	_ =	sdelay $0x1  }
0x99: {  	s19 =	simm.s32 $_scs_section_size  }
0x9a: {  	s4 =	simm.s32 $_size__tile_overlayer_lowered;
	s5 =	simm.s32 $_tile_overlayer_lowered  }
0x9b: {  	s22 =	simm.s32 $0x1BFF;
	s21 =	sshll.u32 s5, $0x1;
	s2 =	sadd.s32 s19, s18  }
0x9c: {  	s6 =	simm.s32 $0x0;
	s20 =	sshll.u32 s4, $0x1;
	s4 =	sadd.s32 s21, s2  }
0x9d: {  	[timem:s6], [sflag:s22] =	dma.local [hbm:s4], s20  }
0x9e: {  	_ =	swait.ge [sflag:s22], s20  }
0x9f: {  	s3 =	ssub.s32 $0x0, s20;
	[sflag:s22] =	ssyncset.done $0x0  }
0xa0: {  	[sflag:s22] =	ssyncadd.s32 s3;
	_ =	sdelay $0x1  }
0xa1: {  	s23 =	simm.s32 $0x1B8B  }
0xa2: {  	_ =	swait.ge [sflag:s23], $0x1  }
0xa3: {  	[sflag:s23] =	ssyncset.done $0x0  }
0xa4: {  	s25 =	simm.s32 $0x1B8E;
	s24 =	sld [smem:$0x3FFE];
	[sflag:s23] =	ssyncadd.s32 $0xFFFFFFFF  }
0xa5: {  	s26 =	simm.s32 $execute0_lowered;
	[smem:$0x3FD2] =	sst s25  }
0xa6: {  	s4 =	sshll.u32 s26, $0x1;
	_ =	strace $0x80000046;
	[dreg:$0x1] =	wrdreg $0xFFFFFFFF  }
0xa7: {  	s28 =	simm.s32 $_size_execute0_lowered;
	s2 =	sadd.s32 s2, s4;
	[dreg:$0x0] =	wrdreg $0x0  }
0xa8: {  	s4 =	sshll.u32 s28, $0x1;
	[dreg:$0x2] =	wrdreg s2  }
0xa9: {  	[dreg:$0x3] =	wrdreg s4  }
0xaa: {  	[dreg:$0x4] =	wrdreg $0xC0  }
0xab: {  	_ =	task [dreg:s6], $0x5FFFF  }
0xac: {  	[dreg:$0x1] =	wrdreg $0xFFFFFFFF  }
0xad: {  	[dreg:$0x0] =	wrdreg $0x60  }
0xae: {  	[dreg:$0x2] =	wrdreg s24  }
0xaf: {  	[dreg:$0x3] =	wrdreg $0x90000  }
0xb0: {  	[dreg:$0x4] =	wrdreg $0x9  }
0xb1: {  	_ =	task.clear_ibuf [dreg:s6], $0x5FFFF;
	_ =	strace $0x90000046  }
0xb2: {  	s29 =	simm.s32 $0x9;
	_ =	strace $0x80000048  }
0xb3: {  	_ =	swait.ge [sflag:s29], $0x1  }
0xb4: {  	[sflag:s29] =	ssyncadd.s32 $0xFFFFFFFF  }
0xb5: {  	_ =	strace $0x90000048  }
0xb6: {  	_ =	sfence  }
0xb7: {  	s30 =	sld [smem:$0x0];
	_ =	sdelay $0x2  }
0xb8: {  	s31 =	sshll.u32 s1, $0xD;
	s1 =	sshrl.u32 s1, $0x2  }
0xb9: {  	s3 =	sand.u32 $0x4000, s31;
	s1 =	sadd.s32 s1, s30  }
0xba: {  	s0 =	sor.u32 s3, s0;
	s1 =	sshll.u32 s1, $0x11  }
0xbb: {  	s0 =	sor.u32 s1, s0  }
0xbc: {  	s0 =	sadd.s32 $0x8F2B, s0  }
0xbd: {  	[sflag:s0] =	ssyncadd.remote.s32 $0x1  }
0xbe: {  	_ =	sfence.sel $0xFFFF  }
0xbf: {  	[dreg:$0x0] =	wrdreg $0xFFFFFFFF;
	(pc) =	sbr.abs _section_cstart, $3  }
0xc0: {  	[dreg:$0x1] =	wrdreg $0xFFFFFFFF  }
0xc1: {  	_ =	task.clear_ibuf [dreg:s6], $0x2FFFF;
	_ =	strace $0x9FFFFFFF  }
0xc2: {  	(tm) =	ssettm $0x7FFFFFFF  }
0xc3: {  	_ =	shalt  }
tec
execute0_lowered:
.L_overlay_start_1:
0x0: {  	(tag) =	ssettag $0x1  }
0x1: {  	s1 =	srdreg.scid  }
0x2: {  	s0 =	stileid.u32;
	s5 =	rddreg [dreg:$0x0]  }
0x3: {  	s2 =	rddreg [dreg:$0x1];
	s6 =	smul.u32 $0xA000, s0  }
0x4: {  	s3 =	simm.s32 $0x0;
	s13 =	simm.s32 $0x1;
	s26 =	smul.u32 $0x13C00, s0  }
0x5: {  	s4 =	sand.u32 $0x1, s1;
	s1 =	rddreg [dreg:$0x2];
	s9 =	smul.u32 $0x4F000, s0  }
0x6: {  	s14 =	simm.s32 $0x80;
	[smem:$0x7FF] =	sst s3;
	s7 =	smul.u32 $0x5000, s4  }
0x7: {  	s15 =	sshll.u32 s0, $0x6;
	s8 =	smul.u32 $0x13C000, s4;
	_ =	strace $0x80000047  }
0x8: {  	s29 =	ssub.s32 $0x2, s4;
	s15 =	sor.u32 $0x1C01, s15;
	s30 =	sshrl.u32 s9, $0x2  }
0x9: {  	s31 =	sshrl.u32 s29, $0x1;
	s6 =	sadd.s32 s7, s6;
	s28 =	sadd.s32 s26, s8  }
0xa: {  	s4 =	sadd.s32 s30, s2;
	s12 =	ssub.s32 s29, s31;
	s6 =	sshrl.u32 s6, $0x3  }
0xb: {  	s7 =	sadd.s32 $0xC000, s4;
	s10 =	sadd.s32 s6, s5;
	s6 =	sshrl.u32 s28, $0x3  }
0xc: {  	s8 =	sadd.s32 $0x10000, s4;
	s16 =	sshrl.u32 s4, $0x3;
	s11 =	sadd.s32 s6, s5  }
0xd: {  	s5 =	sadd.s32 $0x4000, s4;
	s6 =	sadd.s32 $0x8000, s4;
	s9 =	sadd.s32 $0x1C00, s10  }
0xe: {  	v0 =	vimm.f32 $0.0e+00;
	v1 =	vimm.f32 $1.000000000e+00;
	s10 =	sadd.s32 $0x15C00, s11;
	s11 =	smax.u32 s12, $0x1;
	s12 =	simm.s32 $0x5000  }
.LBB2_1:
0xf: {  	s17 =	simm.s32 $0x0;
	s18 =	simm.s32 $0x200  }
.LBB2_2:
0x10: {  	p0 =	sne.s32 s18, $0xFE00;
	[tilespmem:s17+$0x5070] =	vst v0  }
0x11: {  	[tilespmem:s17+$0x5000] =	vst v0  }
0x12: {  	[tilespmem:s17+$0x5010] =	vst v0  }
.Ltmp0:
0x13: {  	[tilespmem:s17+$0x5020] =	vst v0;
	(pc) =	sbr.rel @p0 .LBB2_2-.Ltmp0, $4  }
0x14: {  	[tilespmem:s17+$0x5030] =	vst v0  }
0x15: {  	[tilespmem:s17+$0x5040] =	vst v0  }
0x16: {  	[tilespmem:s17+$0x5050] =	vst v0  }
0x17: {  	[tilespmem:s17+$0x5060] =	vst v0;
	s17 =	sshra.s32 s18, $0x2;
	s18 =	sadd.s32 $0x200, s18  }
0x18: {  	[tilespmem:s17+$0x5070] =	vst v0  }
0x19: {  	[tilespmem:s17+$0x5000] =	vst v0  }
0x1a: {  	[tilespmem:s17+$0x5010] =	vst v0  }
0x1b: {  	[tilespmem:s17+$0x5020] =	vst v0  }
0x1c: {  	[tilespmem:s17+$0x5030] =	vst v0  }
0x1d: {  	[tilespmem:s17+$0x5040] =	vst v0  }
0x1e: {  	[tilespmem:s17+$0x5050] =	vst v0  }
0x1f: {  	[tilespmem:s17+$0x5060] =	vst v0  }
0x20: {  	[spmem:s4] =	stream.linear.scatter [tilespmem:s12], [sflag:$0x1], $0x4000, $0x38;
	[tilespmem:$0x1CC00] =	vst v63  }
0x21: {  	_ =	swait.ge [sflag:s13], $0x4000  }
0x22: {  	[sflag:s13] =	ssyncset.done $0x0  }
0x23: {  	[sflag:s13] =	ssyncadd.s32 $0xFFFFC000  }
0x24: {  	[spmem:s5] =	stream.linear.scatter [tilespmem:s12], [sflag:$0x1], $0x4000, $0x38;
	[tilespmem:$0x1CC00] =	vst v63  }
0x25: {  	_ =	swait.ge [sflag:s13], $0x4000  }
0x26: {  	[sflag:s13] =	ssyncset.done $0x0  }
0x27: {  	[sflag:s13] =	ssyncadd.s32 $0xFFFFC000  }
0x28: {  	[spmem:s6] =	stream.linear.scatter [tilespmem:s12], [sflag:$0x1], $0x4000, $0x38;
	[tilespmem:$0x1CC00] =	vst v63  }
0x29: {  	_ =	swait.ge [sflag:s13], $0x4000  }
0x2a: {  	[sflag:s13] =	ssyncset.done $0x0  }
0x2b: {  	[sflag:s13] =	ssyncadd.s32 $0xFFFFC000  }
0x2c: {  	[spmem:s7] =	stream.linear.scatter [tilespmem:s12], [sflag:$0x1], $0x4000, $0x38;
	[tilespmem:$0x1CC00] =	vst v63  }
0x2d: {  	_ =	swait.ge [sflag:s13], $0x4000  }
0x2e: {  	[sflag:s13] =	ssyncset.done $0x0  }
0x2f: {  	[sflag:s13] =	ssyncadd.s32 $0xFFFFC000  }
0x30: {  	[spmem:s8] =	stream.linear.scatter [tilespmem:s12], [sflag:$0x1], $0x3C00, $0x38;
	[tilespmem:$0x1CC00] =	vst v63  }
0x31: {  	_ =	swait.ge [sflag:s13], $0x3C00  }
0x32: {  	[sflag:s13] =	ssyncset.done $0x0  }
0x33: {  	s17 =	simm.s32 $0x0;
	s18 =	simm.s32 $0x200;
	[sflag:s13] =	ssyncadd.s32 $0xFFFFC400  }
.LBB2_4:
0x34: {  	p0 =	sne.s32 s18, $0xFE00;
	[tilespmem:s17+$0x5070] =	vst v1  }
0x35: {  	[tilespmem:s17+$0x5000] =	vst v1  }
0x36: {  	[tilespmem:s17+$0x5010] =	vst v1  }
.Ltmp1:
0x37: {  	[tilespmem:s17+$0x5020] =	vst v1;
	(pc) =	sbr.rel @p0 .LBB2_4-.Ltmp1, $4  }
0x38: {  	[tilespmem:s17+$0x5030] =	vst v1  }
0x39: {  	[tilespmem:s17+$0x5040] =	vst v1  }
0x3a: {  	[tilespmem:s17+$0x5050] =	vst v1  }
0x3b: {  	[tilespmem:s17+$0x5060] =	vst v1;
	s17 =	sshra.s32 s18, $0x2;
	s18 =	sadd.s32 $0x200, s18  }
0x3c: {  	[tilespmem:s17+$0x5070] =	vst v1  }
0x3d: {  	[tilespmem:s17+$0x5000] =	vst v1  }
0x3e: {  	[tilespmem:s17+$0x5010] =	vst v1  }
0x3f: {  	[tilespmem:s17+$0x5020] =	vst v1  }
0x40: {  	[tilespmem:s17+$0x5030] =	vst v1  }
0x41: {  	[tilespmem:s17+$0x5040] =	vst v1  }
0x42: {  	[tilespmem:s17+$0x5050] =	vst v1  }
0x43: {  	[tilespmem:s17+$0x5060] =	vst v1  }
0x44: {  	s30 =	simm.s32 $0x0;
	[bflag:$0x0] =	sbarrier.arrive $0xFFFF  }
0x45: {  	[tilespmem:s30], [sflag:$0x1] =	stream.linear.gather [hbm4b:s9+s30], $0x5000, $0x38;
	[tilespmem:$0x1CC00] =	vst v63  }
0x46: {  	_ =	swait.ge [sflag:s13], $0x5000  }
0x47: {  	[sflag:s13] =	ssyncset.done $0x0  }
0x48: {  	s31 =	simm.s32 $0x0;
	[sflag:s13] =	ssyncadd.s32 $0xFFFFB000  }
0x49: {  	[spmem:s2] =	stream.indirect.scatter.add.f32 [tilespmem:s12], [sflag:$0x1], $0x80, s31, s14, $0xb8;
	[tilespmem:$0x1CC00] =	vst v63  }
0x4a: {  	_ =	swait.ge [sflag:s13], $0x4000  }
0x4b: {  	s17 =	simm.s32 $0x400;
	[sflag:s13] =	ssyncset.done $0x0  }
.LBB2_6:
0x4c: {  	s18 =	sshra.s32 s17, $0x2;
	[sflag:s13] =	ssyncadd.s32 $0xFFFFC000;
	p0 =	sne.s32 s17, $0x13C00  }
0x4d: {  	[spmem:s2] =	stream.indirect.scatter.add.f32 [tilespmem:s12], [sflag:$0x1], $0x80, s18, s14, $0xb8;
	[tilespmem:$0x1CC00] =	vst v63  }
.Ltmp2:
0x4e: {  	_ = 	snop;
	(pc) =	sbr.rel @p0 .LBB2_6-.Ltmp2, $4  }
0x4f: {  	_ = 	snop  }
0x50: {  	s17 =	sadd.s32 $0x400, s17  }
0x51: {  	_ =	swait.ge [sflag:s13], $0x4000  }
0x52: {  	[sflag:s13] =	ssyncset.done $0x0  }
0x53: {  	s3 =	sadd.s32 $0x1, s3  }
0x54: {  	[sflag:s13] =	ssyncadd.s32 $0xFFFFC000;
	p0 =	sne.s32 s3, s11  }
.Ltmp3:
0x55: {  	[bflag:$0x0] =	sbarrier.arrive $0xFFFF;
	(pc) =	sbr.rel @p0 .LBB2_1-.Ltmp3, $4  }
0x56: {  	[hbm:s10], [sflag:s15] =	dma.local [spmem:s16], $0x2780  }
0x57: {  	_ =	swait.ge [sflag:s13], $0x2780  }
0x58: {  	[sflag:s13] =	ssyncset.done $0x0  }
0x59: {  	[sflag:s13] =	ssyncadd.s32 $0xFFFFD880  }
0x5a: {  	_ =	sfence.sel $0x180000  }
0x5b: {  	[bflag:$0x0] =	sbarrier.arrive $0xFFFF  }
0x5c: {  	p0 =	sne.s32 s0, $0x0;
	_ =	strace $0x90000047  }
0x5d: {  	s0 =	sadd.s32 @!p0 $0x100000, s1;
	[bflag:$0x2] =	sbarrier.arrive $0xFFFF  }
0x5e: {  	[sflag:s0] =	ssyncadd.tile.s32 @!p0 $0x1;
	_ =	shalt  }
.Lfunc_end2:
_tile_overlayer_lowered:
.L_overlay_start_2:
0x5f: {  	(tag) =	ssettag $0x2  }
0x60: {  	s0 =	rddreg [dreg:$0x0];
	s2 =	stileid.u32  }
0x61: {  	s1 =	rddreg [dreg:$0x1];
	p0 =	sne.s32 s2, $0x0  }
0x62: {  	s3 =	rddreg [dreg:$0x2];
	[bflag:$0x3] =	sbarrier.arrive $0xFFFF;
	s2 =	simm.s32 @!p0 $0x1C01  }
0x63: {  	[timem:s3], [sflag:s2] =	dma.local @!p0 [hbm:s0], s1  }
0x64: {  	s0 =	simm.s32 @!p0 $0x1  }
0x65: {  	_ =	swait.ge @!p0 [sflag:s0], s1  }
0x66: {  	s1 =	ssub.s32 @!p0 $0x0, s1;
	[sflag:s0] =	ssyncset.done @!p0 $0x0  }
0x67: {  	[sflag:s0] =	ssyncadd.s32 @!p0 s1  }
0x68: {  	[bflag:$0x3] =	sbarrier.arrive $0xFFFF  }
0x69: {  	_ =	shalt  }

</sc_bundles>
